<compile_context>
chip_gen: v7x
topology: tpu7x:2x2x1
jax: 0.10.2.dev20260603
libtpu: 0.0.44.dev20260713+nightly
codegen_flags: <defaults>
</compile_context>

<pallas_src>
import jax
import jax.numpy as jnp
from jax import lax
from jax.experimental import pallas as pl
from jax.experimental.pallas import tpu as pltpu
from jax.experimental.pallas import tpu_sc as plsc

N = 100000
E = 3200000
NC = 2
NS = 16
NW = NC * NS
LANES = 16
EPW = E // NW
NPAD = 100352
NPT = NPAD // NS
NPT_V = NPT // LANES

K = 2000
SEG = 80
CH = K // SEG
NCHUNK = EPW // K
K3 = 1000
SEG3 = 40
CH3 = K3 // SEG3
NCHUNK3 = EPW // K3

_F32 = jnp.float32
_I32 = jnp.int32


def _vloop(n, body):
    lax.fori_loop(0, n, lambda i, c: (body(i), 0)[1], 0)


def _fire_rows(src_1d, dst_2d, base, seg, ch, sem):
    def fire(j, _):
        pltpu.async_copy(src_1d.at[pl.ds(base + j * seg, seg)], dst_2d.at[j],
                         sem)
        return 0
    lax.fori_loop(0, ch, fire, 0)


def _drain_rows(src_1d, dst_2d, base, seg, ch, sem):
    def drain(j, _):
        pltpu.make_async_copy(src_1d.at[pl.ds(base + j * seg, seg)],
                              dst_2d.at[j], sem).wait()
        return 0
    lax.fori_loop(0, ch, drain, 0)


def _zero_slice(buf, shared, off):
    def z(i):
        buf[pl.ds(i * LANES, LANES)] = jnp.zeros((LANES,), _F32)
    _vloop(NPT_V, z)
    pltpu.sync_copy(buf, shared.at[pl.ds(off, NPT)])


def _log2_1p(u):
    r = 1.0 + u
    ix = lax.bitcast_convert_type(r, _I32)
    ix2 = ix + (0x3F800000 - 0x3F3504F3)
    k = lax.shift_right_arithmetic(ix2, 23) - 127
    mbits = (ix2 & 0x007FFFFF) + 0x3F3504F3
    m = lax.bitcast_convert_type(mbits, _F32)
    f = m - 1.0
    s = f / (2.0 + f)
    z = s * s
    w = z * z
    t1 = w * (0.40000972152 + w * 0.24279078841)
    t2 = z * (0.66666662693 + w * 0.28498786688)
    hfsq = 0.5 * f * f
    lg = f - hfsq + s * (hfsq + t1 + t2)
    return lg * 1.4426950408889634 + k.astype(_F32)


def _pipeline(nchunk, fire, drain, process):
    fire(0, 0)

    def m_loop(m, _):
        a = 2 * m
        fire(a + 1, 1)
        drain(a, 0)
        process(a, 0)

        @pl.when(a + 2 < nchunk)
        def _f():
            fire(a + 2, 0)
        drain(a + 1, 1)
        process(a + 1, 1)
        return 0
    lax.fori_loop(0, nchunk // 2, m_loop, 0)


def _l1_body(ta, pa, ca, uix, parts, acc_t, acc_p, acc_c, zb,
             ib0, vt0, vp0, vc0, ib1, vt1, vp1, vc1, sl0, sl1, sem_s):
    c = lax.axis_index("c")
    s = lax.axis_index("s")
    w = c * NS + s
    off = s * NPT
    _zero_slice(zb, acc_t, off)
    pltpu.sync_copy(zb, acc_p.at[pl.ds(off, NPT)])
    pltpu.sync_copy(zb, acc_c.at[pl.ds(off, NPT)])
    plsc.subcore_barrier()

    e0 = w * EPW
    bufs = ((ib0, vt0, vp0, vc0, sl0), (ib1, vt1, vp1, vc1, sl1))

    def fire(g, b):
        ib, vt, vp, vc, sl = bufs[b]
        base = e0 + g * K
        _fire_rows(uix, ib, base, SEG, CH, sl)
        pltpu.async_copy(ta.at[pl.ds(base, K)], vt, sl)
        pltpu.async_copy(pa.at[pl.ds(base, K)], vp, sl)
        pltpu.async_copy(ca.at[pl.ds(base, K)], vc, sl)

    def drain(g, b):
        ib, vt, vp, vc, sl = bufs[b]
        base = e0 + g * K
        _drain_rows(uix, ib, base, SEG, CH, sl)
        pltpu.make_async_copy(ta.at[pl.ds(base, K)], vt, sl).wait()
        pltpu.make_async_copy(pa.at[pl.ds(base, K)], vp, sl).wait()
        pltpu.make_async_copy(ca.at[pl.ds(base, K)], vc, sl).wait()

    def process(g, b):
        ib, vt, vp, vc, sl = bufs[b]

        def ev(i):
            sl2 = pl.ds(i * LANES, LANES)
            vt[sl2] = jnp.exp(vt[sl2])
            vp[sl2] = jnp.exp(vp[sl2])
            vc[sl2] = jnp.exp(vc[sl2])
        _vloop(K // LANES, ev)

        def sfire(j, _):
            jl = pl.ds(j * SEG, SEG)
            pltpu.async_copy(vt.at[jl], acc_t.at[ib.at[j]], sem_s, add=True)
            pltpu.async_copy(vp.at[jl], acc_p.at[ib.at[j]], sem_s, add=True)
            pltpu.async_copy(vc.at[jl], acc_c.at[ib.at[j]], sem_s, add=True)
            return 0
        lax.fori_loop(0, CH, sfire, 0)

        def sdrain(j, _):
            jl = pl.ds(j * SEG, SEG)
            pltpu.make_async_copy(vt.at[jl], acc_t.at[ib.at[j]], sem_s).wait()
            pltpu.make_async_copy(vp.at[jl], acc_p.at[ib.at[j]], sem_s).wait()
            pltpu.make_async_copy(vc.at[jl], acc_c.at[ib.at[j]], sem_s).wait()
            return 0
        lax.fori_loop(0, CH, sdrain, 0)

    _pipeline(NCHUNK, fire, drain, process)
    plsc.subcore_barrier()
    base = c * 3 * NPAD + off
    pltpu.sync_copy(acc_t.at[pl.ds(off, NPT)], parts.at[pl.ds(base, NPT)])
    pltpu.sync_copy(acc_p.at[pl.ds(off, NPT)], parts.at[pl.ds(base + NPAD, NPT)])
    pltpu.sync_copy(acc_c.at[pl.ds(off, NPT)], parts.at[pl.ds(base + 2 * NPAD, NPT)])


def _l2_body(pa, pls, uix, six, spv_full, pw_out, pws_parts,
             acc_w, spv_loc,
             sb0, ub0, vp0, vl0, sb1, ub1, vp1, vl1,
             sl0, sl1, sem_w):
    c = lax.axis_index("c")
    s = lax.axis_index("s")
    w = c * NS + s
    off = s * NPT
    pltpu.sync_copy(spv_full, spv_loc)

    def zv(i):
        vp0[pl.ds(i * LANES, LANES)] = jnp.zeros((LANES,), _F32)
    _vloop(K // LANES, zv)
    for t in range(3):
        pltpu.sync_copy(vp0, acc_w.at[pl.ds(off + t * K, K)])
    pltpu.sync_copy(vp0.at[pl.ds(0, NPT - 3 * K)],
                    acc_w.at[pl.ds(off + 3 * K, NPT - 3 * K)])
    plsc.subcore_barrier()

    e0 = w * EPW
    bufs = ((sb0, ub0, vp0, vl0, sl0), (sb1, ub1, vp1, vl1, sl1))

    def fire(g, b):
        sb, ub, vp, vl, sl = bufs[b]
        base = e0 + g * K
        _fire_rows(six, sb, base, SEG, CH, sl)
        pltpu.async_copy(uix.at[pl.ds(base, K)], ub, sl)
        pltpu.async_copy(pa.at[pl.ds(base, K)], vp, sl)
        pltpu.async_copy(pls.at[pl.ds(base, K)], vl, sl)

    def drain(g, b):
        sb, ub, vp, vl, sl = bufs[b]
        base = e0 + g * K
        _drain_rows(six, sb, base, SEG, CH, sl)
        pltpu.make_async_copy(uix.at[pl.ds(base, K)], ub, sl).wait()
        pltpu.make_async_copy(pa.at[pl.ds(base, K)], vp, sl).wait()
        pltpu.make_async_copy(pls.at[pl.ds(base, K)], vl, sl).wait()

    def process(g, b):
        sb, ub, vp, vl, sl = bufs[b]

        def cv(i):
            sl2 = pl.ds(i * LANES, LANES)
            gv = plsc.load_gather(spv_loc, [ub[sl2]])
            vp[sl2] = jnp.exp(vp[sl2]) * gv * vl[sl2]
        _vloop(K // LANES, cv)

        def sfire(j, _):
            pltpu.async_copy(vp.at[pl.ds(j * SEG, SEG)], acc_w.at[sb.at[j]],
                             sem_w, add=True)
            return 0
        lax.fori_loop(0, CH, sfire, 0)

        def sdrain(j, _):
            pltpu.make_async_copy(vp.at[pl.ds(j * SEG, SEG)],
                                  acc_w.at[sb.at[j]], sem_w).wait()
            return 0
        lax.fori_loop(0, CH, sdrain, 0)
        pltpu.sync_copy(vp, pw_out.at[pl.ds(e0 + g * K, K)])

    _pipeline(NCHUNK, fire, drain, process)
    plsc.subcore_barrier()
    pltpu.sync_copy(acc_w.at[pl.ds(off, NPT)],
                    pws_parts.at[pl.ds(c * NPAD + off, NPT)])


def _l3_body(ta, ca, uix, six, pw_in, a_full, b_full, cr_full, w_full, tot,
             a_tab, b_tab, cr_tab, w_tab,
             ib0, sb0, vt0, vc0, vw0, ga0, gb0, gc0, gw0,
             ib1, sb1, vt1, vc1, vw1, ga1, gb1, gc1, gw1,
             ob, sl0, sl1, sem_g, acc_ref):
    c = lax.axis_index("c")
    s = lax.axis_index("s")
    w = c * NS + s
    off = s * NPT
    nsl = pl.ds(off, NPT)
    pltpu.sync_copy(a_full.at[nsl], a_tab.at[nsl])
    pltpu.sync_copy(b_full.at[nsl], b_tab.at[nsl])
    pltpu.sync_copy(cr_full.at[nsl], cr_tab.at[nsl])
    pltpu.sync_copy(w_full.at[nsl], w_tab.at[nsl])
    plsc.subcore_barrier()

    e0 = w * EPW
    bufs = ((ib0, sb0, vt0, vc0, vw0, ga0, gb0, gc0, gw0, sl0),
            (ib1, sb1, vt1, vc1, vw1, ga1, gb1, gc1, gw1, sl1))
    acc_ref[...] = jnp.zeros((LANES,), _F32)

    def fire(g, b):
        ib, sb, vt, vc, vw, ga, gb, gc, gw, sl = bufs[b]
        base = e0 + g * K
        _fire_rows(uix, ib, base, SEG, CH, sl)
        _fire_rows(six, sb, base, SEG, CH, sl)
        pltpu.async_copy(ta.at[pl.ds(base, K)], vt, sl)
        pltpu.async_copy(ca.at[pl.ds(base, K)], vc, sl)
        pltpu.async_copy(pw_in.at[pl.ds(base, K)], vw, sl)

    def drain(g, b):
        ib, sb, vt, vc, vw, ga, gb, gc, gw, sl = bufs[b]
        base = e0 + g * K
        _drain_rows(uix, ib, base, SEG, CH, sl)
        _drain_rows(six, sb, base, SEG, CH, sl)
        pltpu.make_async_copy(ta.at[pl.ds(base, K)], vt, sl).wait()
        pltpu.make_async_copy(ca.at[pl.ds(base, K)], vc, sl).wait()
        pltpu.make_async_copy(pw_in.at[pl.ds(base, K)], vw, sl).wait()

    def process(g, b):
        ib, sb, vt, vc, vw, ga, gb, gc, gw, sl = bufs[b]

        def gfire(j, _):
            jl = pl.ds(j * SEG, SEG)
            pltpu.async_copy(a_tab.at[ib.at[j]], ga.at[jl], sem_g)
            pltpu.async_copy(b_tab.at[ib.at[j]], gb.at[jl], sem_g)
            pltpu.async_copy(cr_tab.at[sb.at[j]], gc.at[jl], sem_g)
            pltpu.async_copy(w_tab.at[sb.at[j]], gw.at[jl], sem_g)
            return 0
        lax.fori_loop(0, CH, gfire, 0)

        def gdrain(j, _):
            jl = pl.ds(j * SEG, SEG)
            pltpu.make_async_copy(a_tab.at[ib.at[j]], ga.at[jl], sem_g).wait()
            pltpu.make_async_copy(b_tab.at[ib.at[j]], gb.at[jl], sem_g).wait()
            pltpu.make_async_copy(cr_tab.at[sb.at[j]], gc.at[jl], sem_g).wait()
            pltpu.make_async_copy(w_tab.at[sb.at[j]], gw.at[jl], sem_g).wait()
            return 0
        lax.fori_loop(0, CH, gdrain, 0)

        def cv(i, a):
            sl2 = pl.ds(i * LANES, LANES)
            tasks = ga[sl2] * jnp.exp(vt[sl2])
            comp = gc[sl2] * gb[sl2] * jnp.exp(vc[sl2])
            pw = vw[sl2]
            interf = gw[sl2] - pw
            u = pw / (interf + 1e-9)
            rate = _log2_1p(u)
            return a + tasks / (rate + 1e-20) + tasks / (comp + 1e-20)
        acc_ref[...] = lax.fori_loop(0, K // LANES, cv, acc_ref[...])

    _pipeline(NCHUNK, fire, drain, process)
    ob[...] = acc_ref[...]
    pltpu.sync_copy(ob, tot.at[pl.ds(w * LANES, LANES)])


def _mesh():
    return plsc.VectorSubcoreMesh(core_axis_name="c", subcore_axis_name="s")


@jax.jit
def kernel(compute_resource, path_losses, task_size, edge_index,
           task_allocation, power_allocation, comp_allocation):
    ta = task_allocation.reshape(E).astype(_F32)
    pa = power_allocation.reshape(E).astype(_F32)
    ca = comp_allocation.reshape(E).astype(_F32)
    pls = path_losses.astype(_F32)
    uix = edge_index[0].astype(_I32)
    six = edge_index[1].astype(_I32)
    znode = jnp.zeros((NPAD - N,), _F32)
    ts_pad = jnp.concatenate([task_size.astype(_F32), znode])
    cr_pad = jnp.concatenate([compute_resource.astype(_F32), znode])

    mesh = _mesh()
    l1 = pl.kernel(
        _l1_body,
        out_type=jax.ShapeDtypeStruct((NC * 3 * NPAD,), _F32),
        mesh=mesh,
        compiler_params=pltpu.CompilerParams(needs_layout_passes=False),
        scratch_types=[
            pltpu.VMEM_SHARED((NPAD,), _F32),
            pltpu.VMEM_SHARED((NPAD,), _F32),
            pltpu.VMEM_SHARED((NPAD,), _F32),
            pltpu.VMEM((NPT,), _F32),
            pltpu.VMEM((CH, SEG), _I32),
            pltpu.VMEM((K,), _F32),
            pltpu.VMEM((K,), _F32),
            pltpu.VMEM((K,), _F32),
            pltpu.VMEM((CH, SEG), _I32),
            pltpu.VMEM((K,), _F32),
            pltpu.VMEM((K,), _F32),
            pltpu.VMEM((K,), _F32),
            pltpu.SemaphoreType.DMA,
            pltpu.SemaphoreType.DMA,
            pltpu.SemaphoreType.DMA,
        ],
    )
    parts = l1(ta, pa, ca, uix)

    s_t = parts[:NPAD] + parts[3 * NPAD:4 * NPAD]
    s_p = parts[NPAD:2 * NPAD] + parts[4 * NPAD:5 * NPAD]
    s_c = parts[2 * NPAD:3 * NPAD] + parts[5 * NPAD:]
    spv_full = 1.0 / (s_p + 1e-16)

    l2 = pl.kernel(
        _l2_body,
        out_type=(jax.ShapeDtypeStruct((E,), _F32),
                  jax.ShapeDtypeStruct((NC * NPAD,), _F32)),
        mesh=mesh,
        compiler_params=pltpu.CompilerParams(needs_layout_passes=False),
        scratch_types=[
            pltpu.VMEM_SHARED((NPAD,), _F32),
            pltpu.VMEM((NPAD,), _F32),
            pltpu.VMEM((CH, SEG), _I32),
            pltpu.VMEM((K,), _I32),
            pltpu.VMEM((K,), _F32),
            pltpu.VMEM((K,), _F32),
            pltpu.VMEM((CH, SEG), _I32),
            pltpu.VMEM((K,), _I32),
            pltpu.VMEM((K,), _F32),
            pltpu.VMEM((K,), _F32),
            pltpu.SemaphoreType.DMA,
            pltpu.SemaphoreType.DMA,
            pltpu.SemaphoreType.DMA,
        ],
    )
    pw, pws_parts = l2(pa, pls, uix, six, spv_full)

    a_full = ts_pad / (s_t + 1e-16)
    b_full = 1.0 / (s_c + 1e-16)
    w_full = pws_parts[:NPAD] + pws_parts[NPAD:]

    l3 = pl.kernel(
        _l3_body,
        out_type=jax.ShapeDtypeStruct((NW * LANES,), _F32),
        mesh=mesh,
        compiler_params=pltpu.CompilerParams(needs_layout_passes=False),
        scratch_types=[
            pltpu.VMEM_SHARED((NPAD,), _F32),
            pltpu.VMEM_SHARED((NPAD,), _F32),
            pltpu.VMEM_SHARED((NPAD,), _F32),
            pltpu.VMEM_SHARED((NPAD,), _F32),
            pltpu.VMEM((CH, SEG), _I32),
            pltpu.VMEM((CH, SEG), _I32),
            pltpu.VMEM((K,), _F32),
            pltpu.VMEM((K,), _F32),
            pltpu.VMEM((K,), _F32),
            pltpu.VMEM((K,), _F32),
            pltpu.VMEM((K,), _F32),
            pltpu.VMEM((K,), _F32),
            pltpu.VMEM((K,), _F32),
            pltpu.VMEM((CH, SEG), _I32),
            pltpu.VMEM((CH, SEG), _I32),
            pltpu.VMEM((K,), _F32),
            pltpu.VMEM((K,), _F32),
            pltpu.VMEM((K,), _F32),
            pltpu.VMEM((K,), _F32),
            pltpu.VMEM((K,), _F32),
            pltpu.VMEM((K,), _F32),
            pltpu.VMEM((K,), _F32),
            pltpu.VMEM((LANES,), _F32),
            pltpu.SemaphoreType.DMA,
            pltpu.SemaphoreType.DMA,
            pltpu.SemaphoreType.DMA,
            pltpu.VMEM((LANES,), _F32),
        ],
    )
    tot = l3(ta, ca, uix, six, pw, a_full, b_full, cr_pad, w_full)
    return jnp.sum(tot) / _F32(N)

# --- scband reference (transcript-rebuilt; emitter-appended) ---
"""Pipeline reference for scband-mmse-34978213658818 (READ-ONLY COPY).

The authoritative reference and input builder live on the scoring server;
editing this copy changes nothing except your own understanding.
"""

import jax, jax.numpy as jnp
import numpy as np

N_NODES = 100000
E = 3200000


def _seg_softmax(x, seg, n):
    # torch_geometric-style segment softmax over dim 0 grouped by seg
    m = jax.ops.segment_max(x, seg, num_segments=n)
    m = jnp.where(jnp.isfinite(m), m, 0.0)
    e = jnp.exp(x - m[seg])
    s = jax.ops.segment_sum(e, seg, num_segments=n)
    return e / (s[seg] + 1e-16)


def setup_inputs(seed: int = 0) -> dict:
    key = jax.random.key(seed)
    k1, k2, k3, k4, k5, k6, k7 = jax.random.split(key, 7)
    return {
        "compute_resource": jax.random.uniform(k1, (N_NODES,), dtype=jnp.float32),
        "path_losses": jax.random.uniform(k2, (E,), dtype=jnp.float32),
        "task_size": jax.random.uniform(k3, (N_NODES,), dtype=jnp.float32),
        "edge_index": jax.random.randint(k4, (2, E), 0, N_NODES),
        "task_allocation": jax.random.uniform(k5, (E, 1), dtype=jnp.float32),
        "power_allocation": jax.random.uniform(k6, (E, 1), dtype=jnp.float32),
        "comp_allocation": jax.random.uniform(k7, (E, 1), dtype=jnp.float32),
    }


def reference(compute_resource, path_losses, task_size, edge_index,
              task_allocation, power_allocation, comp_allocation):
    epsilon = 1e-09
    extre = 1e-20
    user_index = edge_index[0]
    server_index = edge_index[1]

    task_sche = _seg_softmax(task_allocation.squeeze(-1), user_index, N_NODES)
    power_sche = _seg_softmax(power_allocation.squeeze(-1), user_index, N_NODES)
    comp_sche = _seg_softmax(comp_allocation.squeeze(-1), user_index, N_NODES)

    tasks = task_size[user_index] * task_sche
    comp = compute_resource[server_index] * comp_sche
    pw = power_sche * path_losses

    pws = jax.ops.segment_sum(pw, server_index, num_segments=N_NODES)
    pws = pws[server_index]
    interference = pws - pw
    rate = jnp.log2(1.0 + pw / (interference + epsilon))
    offloading_time = tasks / (rate + extre)
    compute_time = tasks / (comp + extre)
    time_loss = offloading_time + compute_time

    time_loss_per_user = jax.ops.segment_sum(time_loss, user_index, num_segments=N_NODES)
    return time_loss_per_user.mean()

if __name__ == "__main__":
    import jax
    _d = setup_inputs()
    print(jax.jit(kernel)(*tuple(_d.values())))

</pallas_src>

<mosaic_0001>
#map = affine_map<(d0, d1) -> (0)>
module attributes {stable_mosaic.version = 14 : i64} {
  func.func @_l3_body(%arg0: i32, %arg1: i32, %arg2: memref<3200000xf32, #tpu.memory_space<hbm>>, %arg3: memref<3200000xf32, #tpu.memory_space<hbm>>, %arg4: memref<3200000xi32, #tpu.memory_space<hbm>>, %arg5: memref<3200000xi32, #tpu.memory_space<hbm>>, %arg6: memref<3200000xf32, #tpu.memory_space<hbm>>, %arg7: memref<100352xf32, #tpu.memory_space<hbm>>, %arg8: memref<100352xf32, #tpu.memory_space<hbm>>, %arg9: memref<100352xf32, #tpu.memory_space<hbm>>, %arg10: memref<100352xf32, #tpu.memory_space<hbm>>, %arg11: memref<512xf32, #tpu.memory_space<hbm>>, %arg12: memref<100352xf32, #tpu.memory_space<vmem_shared>>, %arg13: memref<100352xf32, #tpu.memory_space<vmem_shared>>, %arg14: memref<100352xf32, #tpu.memory_space<vmem_shared>>, %arg15: memref<100352xf32, #tpu.memory_space<vmem_shared>>, %arg16: memref<25x80xi32, #tpu.memory_space<vmem>>, %arg17: memref<25x80xi32, #tpu.memory_space<vmem>>, %arg18: memref<2000xf32, #tpu.memory_space<vmem>>, %arg19: memref<2000xf32, #tpu.memory_space<vmem>>, %arg20: memref<2000xf32, #tpu.memory_space<vmem>>, %arg21: memref<2000xf32, #tpu.memory_space<vmem>>, %arg22: memref<2000xf32, #tpu.memory_space<vmem>>, %arg23: memref<2000xf32, #tpu.memory_space<vmem>>, %arg24: memref<2000xf32, #tpu.memory_space<vmem>>, %arg25: memref<25x80xi32, #tpu.memory_space<vmem>>, %arg26: memref<25x80xi32, #tpu.memory_space<vmem>>, %arg27: memref<2000xf32, #tpu.memory_space<vmem>>, %arg28: memref<2000xf32, #tpu.memory_space<vmem>>, %arg29: memref<2000xf32, #tpu.memory_space<vmem>>, %arg30: memref<2000xf32, #tpu.memory_space<vmem>>, %arg31: memref<2000xf32, #tpu.memory_space<vmem>>, %arg32: memref<2000xf32, #tpu.memory_space<vmem>>, %arg33: memref<2000xf32, #tpu.memory_space<vmem>>, %arg34: memref<16xf32, #tpu.memory_space<vmem>>, %arg35: memref<!tpu.dma_semaphore, #tpu.memory_space<semaphore_mem>>, %arg36: memref<!tpu.dma_semaphore, #tpu.memory_space<semaphore_mem>>, %arg37: memref<!tpu.dma_semaphore, #tpu.memory_space<semaphore_mem>>, %arg38: memref<16xf32, #tpu.memory_space<vmem>>) attributes {dimension_semantics = [#tpu.dimension_semantics<core_parallel>, #tpu.dimension_semantics<subcore_parallel>], iteration_bounds = array<i64: 2, 16>, scalar_prefetch = 0 : i64, scratch_operands = 27 : i64, tpu.core_type = #tpu.core_type<sc_vector_subcore>, window_params = [{transform_indices = #map}, {transform_indices = #map}, {transform_indices = #map}, {transform_indices = #map}, {transform_indices = #map}, {transform_indices = #map}, {transform_indices = #map}, {transform_indices = #map}, {transform_indices = #map}, {transform_indices = #map}]} {
    %mul3A = arith.constant 16 : i32
    %mul3A_0 = arith.muli %arg0, %mul3A : i32
    %add3A = arith.addi %mul3A_0, %arg1 : i32
    %mul3A_1 = arith.constant 6272 : i32
    %mul3A_2 = arith.muli %arg1, %mul3A_1 : i32
    "tpu.region"() ({
      %run_scoped3A = tpu.sem_alloc : memref<!tpu.dma_semaphore, #tpu.memory_space<semaphore_mem>>
      %dma_start3A_39 = tpu.memref_slice %arg12[%mul3A_2] : memref<100352xf32, #tpu.memory_space<vmem_shared>> -> memref<6272xf32, #tpu.memory_space<vmem_shared>>
      %dma_start3A_40 = tpu.memref_slice %arg7[%mul3A_2] : memref<100352xf32, #tpu.memory_space<hbm>> -> memref<6272xf32, #tpu.memory_space<hbm>>
      tpu.enqueue_dma source(%dma_start3A_40 : memref<6272xf32, #tpu.memory_space<hbm>>) target(%dma_start3A_39 : memref<6272xf32, #tpu.memory_space<vmem_shared>>) target_semaphore(%run_scoped3A : memref<!tpu.dma_semaphore, #tpu.memory_space<semaphore_mem>>)
      %dma_wait3A = tpu.memref_slice %arg12[%mul3A_2] : memref<100352xf32, #tpu.memory_space<vmem_shared>> -> memref<6272xf32, #tpu.memory_space<vmem_shared>>
      %dma_wait3A_41 = tpu.memref_slice %arg7[%mul3A_2] : memref<100352xf32, #tpu.memory_space<hbm>> -> memref<6272xf32, #tpu.memory_space<hbm>>
      tpu.wait_dma2 semaphore(%run_scoped3A : memref<!tpu.dma_semaphore, #tpu.memory_space<semaphore_mem>>) src(%dma_wait3A_41 : memref<6272xf32, #tpu.memory_space<hbm>>) dst(%dma_wait3A : memref<6272xf32, #tpu.memory_space<vmem_shared>>)
      tpu.yield
    }) : () -> ()
    "tpu.region"() ({
      %run_scoped3A = tpu.sem_alloc : memref<!tpu.dma_semaphore, #tpu.memory_space<semaphore_mem>>
      %dma_start3A_39 = tpu.memref_slice %arg13[%mul3A_2] : memref<100352xf32, #tpu.memory_space<vmem_shared>> -> memref<6272xf32, #tpu.memory_space<vmem_shared>>
      %dma_start3A_40 = tpu.memref_slice %arg8[%mul3A_2] : memref<100352xf32, #tpu.memory_space<hbm>> -> memref<6272xf32, #tpu.memory_space<hbm>>
      tpu.enqueue_dma source(%dma_start3A_40 : memref<6272xf32, #tpu.memory_space<hbm>>) target(%dma_start3A_39 : memref<6272xf32, #tpu.memory_space<vmem_shared>>) target_semaphore(%run_scoped3A : memref<!tpu.dma_semaphore, #tpu.memory_space<semaphore_mem>>)
      %dma_wait3A = tpu.memref_slice %arg13[%mul3A_2] : memref<100352xf32, #tpu.memory_space<vmem_shared>> -> memref<6272xf32, #tpu.memory_space<vmem_shared>>
      %dma_wait3A_41 = tpu.memref_slice %arg8[%mul3A_2] : memref<100352xf32, #tpu.memory_space<hbm>> -> memref<6272xf32, #tpu.memory_space<hbm>>
      tpu.wait_dma2 semaphore(%run_scoped3A : memref<!tpu.dma_semaphore, #tpu.memory_space<semaphore_mem>>) src(%dma_wait3A_41 : memref<6272xf32, #tpu.memory_space<hbm>>) dst(%dma_wait3A : memref<6272xf32, #tpu.memory_space<vmem_shared>>)
      tpu.yield
    }) : () -> ()
    "tpu.region"() ({
      %run_scoped3A = tpu.sem_alloc : memref<!tpu.dma_semaphore, #tpu.memory_space<semaphore_mem>>
      %dma_start3A_39 = tpu.memref_slice %arg14[%mul3A_2] : memref<100352xf32, #tpu.memory_space<vmem_shared>> -> memref<6272xf32, #tpu.memory_space<vmem_shared>>
      %dma_start3A_40 = tpu.memref_slice %arg9[%mul3A_2] : memref<100352xf32, #tpu.memory_space<hbm>> -> memref<6272xf32, #tpu.memory_space<hbm>>
      tpu.enqueue_dma source(%dma_start3A_40 : memref<6272xf32, #tpu.memory_space<hbm>>) target(%dma_start3A_39 : memref<6272xf32, #tpu.memory_space<vmem_shared>>) target_semaphore(%run_scoped3A : memref<!tpu.dma_semaphore, #tpu.memory_space<semaphore_mem>>)
      %dma_wait3A = tpu.memref_slice %arg14[%mul3A_2] : memref<100352xf32, #tpu.memory_space<vmem_shared>> -> memref<6272xf32, #tpu.memory_space<vmem_shared>>
      %dma_wait3A_41 = tpu.memref_slice %arg9[%mul3A_2] : memref<100352xf32, #tpu.memory_space<hbm>> -> memref<6272xf32, #tpu.memory_space<hbm>>
      tpu.wait_dma2 semaphore(%run_scoped3A : memref<!tpu.dma_semaphore, #tpu.memory_space<semaphore_mem>>) src(%dma_wait3A_41 : memref<6272xf32, #tpu.memory_space<hbm>>) dst(%dma_wait3A : memref<6272xf32, #tpu.memory_space<vmem_shared>>)
      tpu.yield
    }) : () -> ()
    "tpu.region"() ({
      %run_scoped3A = tpu.sem_alloc : memref<!tpu.dma_semaphore, #tpu.memory_space<semaphore_mem>>
      %dma_start3A_39 = tpu.memref_slice %arg15[%mul3A_2] : memref<100352xf32, #tpu.memory_space<vmem_shared>> -> memref<6272xf32, #tpu.memory_space<vmem_shared>>
      %dma_start3A_40 = tpu.memref_slice %arg10[%mul3A_2] : memref<100352xf32, #tpu.memory_space<hbm>> -> memref<6272xf32, #tpu.memory_space<hbm>>
      tpu.enqueue_dma source(%dma_start3A_40 : memref<6272xf32, #tpu.memory_space<hbm>>) target(%dma_start3A_39 : memref<6272xf32, #tpu.memory_space<vmem_shared>>) target_semaphore(%run_scoped3A : memref<!tpu.dma_semaphore, #tpu.memory_space<semaphore_mem>>)
      %dma_wait3A = tpu.memref_slice %arg15[%mul3A_2] : memref<100352xf32, #tpu.memory_space<vmem_shared>> -> memref<6272xf32, #tpu.memory_space<vmem_shared>>
      %dma_wait3A_41 = tpu.memref_slice %arg10[%mul3A_2] : memref<100352xf32, #tpu.memory_space<hbm>> -> memref<6272xf32, #tpu.memory_space<hbm>>
      tpu.wait_dma2 semaphore(%run_scoped3A : memref<!tpu.dma_semaphore, #tpu.memory_space<semaphore_mem>>) src(%dma_wait3A_41 : memref<6272xf32, #tpu.memory_space<hbm>>) dst(%dma_wait3A : memref<6272xf32, #tpu.memory_space<vmem_shared>>)
      tpu.yield
    }) : () -> ()
    %barrier3A = arith.constant 0 : index
    tpu.barrier barrier_id(%barrier3A)
    %mul3A_3 = arith.constant 100000 : i32
    %mul3A_4 = arith.muli %add3A, %mul3A_3 : i32
    %broadcast_in_dim3A = arith.constant 0.000000e+00 : f32
    %broadcast_in_dim3A_5 = vector.broadcast %broadcast_in_dim3A : f32 to vector<16xf32>
    %swap3A = arith.constant 0 : index
    %swap3A_6 = tpu.vector_load %arg38[%swap3A] {strides = array<i32>} : memref<16xf32, #tpu.memory_space<vmem>>, vector<16xf32>,
    tpu.vector_store %arg38[%swap3A], %broadcast_in_dim3A_5 {strides = array<i32>} : memref<16xf32, #tpu.memory_space<vmem>>, vector<16xf32>,
    %add3A_7 = arith.constant 0 : i32
    %add3A_8 = arith.addi %mul3A_4, %add3A_7 : i32
    %scan3A = arith.constant 0 : i32
    %scan3A_9 = arith.constant 0 : i32
    %scan3A_10 = arith.constant 25 : i32
    %scan3A_11 = arith.addi %scan3A_9, %scan3A_10 : i32
    %scan3A_12 = arith.constant 1 : i32
    %scan3A_13 = scf.for %scan3A_39 = %scan3A_9 to %scan3A_11 step %scan3A_12 iter_args(%scan3A_40 = %scan3A) -> (i32)  : i32 {
      %mul3A_41 = arith.constant 80 : i32
      %mul3A_42 = arith.muli %scan3A_39, %mul3A_41 : i32
      %add3A_43 = arith.addi %add3A_8, %mul3A_42 : i32
      %dma_start3A_44 = arith.constant 0 : i32
      %dma_start3A_45 = tpu.memref_slice %arg16[%scan3A_39, %dma_start3A_44] : memref<25x80xi32, #tpu.memory_space<vmem>> -> memref<1x80xi32, #tpu.memory_space<vmem>>
      %dma_start3A_46 = tpu.memref_squeeze %dma_start3A_45 : memref<1x80xi32, #tpu.memory_space<vmem>> -> memref<80xi32, #tpu.memory_space<vmem>>
      %dma_start3A_47 = tpu.memref_slice %arg4[%add3A_43] : memref<3200000xi32, #tpu.memory_space<hbm>> -> memref<80xi32, #tpu.memory_space<hbm>>
      %dma_start3A_48 = arith.constant 0 : i32
      %dma_start3A_49 = tpu.memref_slice %arg16[%scan3A_39, %dma_start3A_48] : memref<25x80xi32, #tpu.memory_space<vmem>> -> memref<1x80xi32, #tpu.memory_space<vmem>>
      %dma_start3A_50 = tpu.memref_squeeze %dma_start3A_49 : memref<1x80xi32, #tpu.memory_space<vmem>> -> memref<80xi32, #tpu.memory_space<vmem>>
      %dma_start3A_51 = tpu.memref_slice %arg4[%add3A_43] : memref<3200000xi32, #tpu.memory_space<hbm>> -> memref<80xi32, #tpu.memory_space<hbm>>
      tpu.enqueue_dma source(%dma_start3A_51 : memref<80xi32, #tpu.memory_space<hbm>>) target(%dma_start3A_50 : memref<80xi32, #tpu.memory_space<vmem>>) target_semaphore(%arg35 : memref<!tpu.dma_semaphore, #tpu.memory_space<semaphore_mem>>)
      %scan3A_52 = arith.constant 0 : i32
      scf.yield %scan3A_52 : i32
    }
    %scan3A_14 = arith.constant 25 : i32
    %scan3A_15 = arith.constant 0 : i32
    %scan3A_16 = arith.constant 0 : i32
    %scan3A_17 = arith.constant 25 : i32
    %scan3A_18 = arith.addi %scan3A_16, %scan3A_17 : i32
    %scan3A_19 = arith.constant 1 : i32
    %scan3A_20 = scf.for %scan3A_39 = %scan3A_16 to %scan3A_18 step %scan3A_19 iter_args(%scan3A_40 = %scan3A_15) -> (i32)  : i32 {
      %mul3A_41 = arith.constant 80 : i32
      %mul3A_42 = arith.muli %scan3A_39, %mul3A_41 : i32
      %add3A_43 = arith.addi %add3A_8, %mul3A_42 : i32
      %dma_start3A_44 = arith.constant 0 : i32
      %dma_start3A_45 = tpu.memref_slice %arg17[%scan3A_39, %dma_start3A_44] : memref<25x80xi32, #tpu.memory_space<vmem>> -> memref<1x80xi32, #tpu.memory_space<vmem>>
      %dma_start3A_46 = tpu.memref_squeeze %dma_start3A_45 : memref<1x80xi32, #tpu.memory_space<vmem>> -> memref<80xi32, #tpu.memory_space<vmem>>
      %dma_start3A_47 = tpu.memref_slice %arg5[%add3A_43] : memref<3200000xi32, #tpu.memory_space<hbm>> -> memref<80xi32, #tpu.memory_space<hbm>>
      %dma_start3A_48 = arith.constant 0 : i32
      %dma_start3A_49 = tpu.memref_slice %arg17[%scan3A_39, %dma_start3A_48] : memref<25x80xi32, #tpu.memory_space<vmem>> -> memref<1x80xi32, #tpu.memory_space<vmem>>
      %dma_start3A_50 = tpu.memref_squeeze %dma_start3A_49 : memref<1x80xi32, #tpu.memory_space<vmem>> -> memref<80xi32, #tpu.memory_space<vmem>>
      %dma_start3A_51 = tpu.memref_slice %arg5[%add3A_43] : memref<3200000xi32, #tpu.memory_space<hbm>> -> memref<80xi32, #tpu.memory_space<hbm>>
      tpu.enqueue_dma source(%dma_start3A_51 : memref<80xi32, #tpu.memory_space<hbm>>) target(%dma_start3A_50 : memref<80xi32, #tpu.memory_space<vmem>>) target_semaphore(%arg35 : memref<!tpu.dma_semaphore, #tpu.memory_space<semaphore_mem>>)
      %scan3A_52 = arith.constant 0 : i32
      scf.yield %scan3A_52 : i32
    }
    %scan3A_21 = arith.constant 25 : i32
    %dma_start3A = tpu.memref_slice %arg2[%add3A_8] : memref<3200000xf32, #tpu.memory_space<hbm>> -> memref<2000xf32, #tpu.memory_space<hbm>>
    %dma_start3A_22 = tpu.memref_slice %arg2[%add3A_8] : memref<3200000xf32, #tpu.memory_space<hbm>> -> memref<2000xf32, #tpu.memory_space<hbm>>
    tpu.enqueue_dma source(%dma_start3A_22 : memref<2000xf32, #tpu.memory_space<hbm>>) target(%arg18 : memref<2000xf32, #tpu.memory_space<vmem>>) target_semaphore(%arg35 : memref<!tpu.dma_semaphore, #tpu.memory_space<semaphore_mem>>)
    %dma_start3A_23 = tpu.memref_slice %arg3[%add3A_8] : memref<3200000xf32, #tpu.memory_space<hbm>> -> memref<2000xf32, #tpu.memory_space<hbm>>
    %dma_start3A_24 = tpu.memref_slice %arg3[%add3A_8] : memref<3200000xf32, #tpu.memory_space<hbm>> -> memref<2000xf32, #tpu.memory_space<hbm>>
    tpu.enqueue_dma source(%dma_start3A_24 : memref<2000xf32, #tpu.memory_space<hbm>>) target(%arg19 : memref<2000xf32, #tpu.memory_space<vmem>>) target_semaphore(%arg35 : memref<!tpu.dma_semaphore, #tpu.memory_space<semaphore_mem>>)
    %dma_start3A_25 = tpu.memref_slice %arg6[%add3A_8] : memref<3200000xf32, #tpu.memory_space<hbm>> -> memref<2000xf32, #tpu.memory_space<hbm>>
    %dma_start3A_26 = tpu.memref_slice %arg6[%add3A_8] : memref<3200000xf32, #tpu.memory_space<hbm>> -> memref<2000xf32, #tpu.memory_space<hbm>>
    tpu.enqueue_dma source(%dma_start3A_26 : memref<2000xf32, #tpu.memory_space<hbm>>) target(%arg20 : memref<2000xf32, #tpu.memory_space<vmem>>) target_semaphore(%arg35 : memref<!tpu.dma_semaphore, #tpu.memory_space<semaphore_mem>>)
    %scan3A_27 = arith.constant 0 : i32
    %scan3A_28 = arith.constant 0 : i32
    %scan3A_29 = arith.constant 25 : i32
    %scan3A_30 = arith.addi %scan3A_28, %scan3A_29 : i32
    %scan3A_31 = arith.constant 1 : i32
    %scan3A_32 = scf.for %scan3A_39 = %scan3A_28 to %scan3A_30 step %scan3A_31 iter_args(%scan3A_40 = %scan3A_27) -> (i32)  : i32 {
      %mul3A_41 = arith.constant 2 : i32
      %mul3A_42 = arith.muli %mul3A_41, %scan3A_39 : i32
      %add3A_43 = arith.constant 1 : i32
      %add3A_44 = arith.addi %mul3A_42, %add3A_43 : i32
      %mul3A_45 = arith.constant 2000 : i32
      %mul3A_46 = arith.muli %add3A_44, %mul3A_45 : i32
      %add3A_47 = arith.addi %mul3A_4, %mul3A_46 : i32
      %scan3A_48 = arith.constant 0 : i32
      %scan3A_49 = arith.constant 0 : i32
      %scan3A_50 = arith.constant 25 : i32
      %scan3A_51 = arith.addi %scan3A_49, %scan3A_50 : i32
      %scan3A_52 = arith.constant 1 : i32
      %scan3A_53 = scf.for %scan3A_170 = %scan3A_49 to %scan3A_51 step %scan3A_52 iter_args(%scan3A_171 = %scan3A_48) -> (i32)  : i32 {
        %mul3A_172 = arith.constant 80 : i32
        %mul3A_173 = arith.muli %scan3A_170, %mul3A_172 : i32
        %add3A_174 = arith.addi %add3A_47, %mul3A_173 : i32
        %dma_start3A_175 = arith.constant 0 : i32
        %dma_start3A_176 = tpu.memref_slice %arg25[%scan3A_170, %dma_start3A_175] : memref<25x80xi32, #tpu.memory_space<vmem>> -> memref<1x80xi32, #tpu.memory_space<vmem>>
        %dma_start3A_177 = tpu.memref_squeeze %dma_start3A_176 : memref<1x80xi32, #tpu.memory_space<vmem>> -> memref<80xi32, #tpu.memory_space<vmem>>
        %dma_start3A_178 = tpu.memref_slice %arg4[%add3A_174] : memref<3200000xi32, #tpu.memory_space<hbm>> -> memref<80xi32, #tpu.memory_space<hbm>>
        %dma_start3A_179 = arith.constant 0 : i32
        %dma_start3A_180 = tpu.memref_slice %arg25[%scan3A_170, %dma_start3A_179] : memref<25x80xi32, #tpu.memory_space<vmem>> -> memref<1x80xi32, #tpu.memory_space<vmem>>
        %dma_start3A_181 = tpu.memref_squeeze %dma_start3A_180 : memref<1x80xi32, #tpu.memory_space<vmem>> -> memref<80xi32, #tpu.memory_space<vmem>>
        %dma_start3A_182 = tpu.memref_slice %arg4[%add3A_174] : memref<3200000xi32, #tpu.memory_space<hbm>> -> memref<80xi32, #tpu.memory_space<hbm>>
        tpu.enqueue_dma source(%dma_start3A_182 : memref<80xi32, #tpu.memory_space<hbm>>) target(%dma_start3A_181 : memref<80xi32, #tpu.memory_space<vmem>>) target_semaphore(%arg36 : memref<!tpu.dma_semaphore, #tpu.memory_space<semaphore_mem>>)
        %scan3A_183 = arith.constant 0 : i32
        scf.yield %scan3A_183 : i32
      }
      %scan3A_54 = arith.constant 25 : i32
      %scan3A_55 = arith.constant 0 : i32
      %scan3A_56 = arith.constant 0 : i32
      %scan3A_57 = arith.constant 25 : i32
      %scan3A_58 = arith.addi %scan3A_56, %scan3A_57 : i32
      %scan3A_59 = arith.constant 1 : i32
      %scan3A_60 = scf.for %scan3A_170 = %scan3A_56 to %scan3A_58 step %scan3A_59 iter_args(%scan3A_171 = %scan3A_55) -> (i32)  : i32 {
        %mul3A_172 = arith.constant 80 : i32
        %mul3A_173 = arith.muli %scan3A_170, %mul3A_172 : i32
        %add3A_174 = arith.addi %add3A_47, %mul3A_173 : i32
        %dma_start3A_175 = arith.constant 0 : i32
        %dma_start3A_176 = tpu.memref_slice %arg26[%scan3A_170, %dma_start3A_175] : memref<25x80xi32, #tpu.memory_space<vmem>> -> memref<1x80xi32, #tpu.memory_space<vmem>>
        %dma_start3A_177 = tpu.memref_squeeze %dma_start3A_176 : memref<1x80xi32, #tpu.memory_space<vmem>> -> memref<80xi32, #tpu.memory_space<vmem>>
        %dma_start3A_178 = tpu.memref_slice %arg5[%add3A_174] : memref<3200000xi32, #tpu.memory_space<hbm>> -> memref<80xi32, #tpu.memory_space<hbm>>
        %dma_start3A_179 = arith.constant 0 : i32
        %dma_start3A_180 = tpu.memref_slice %arg26[%scan3A_170, %dma_start3A_179] : memref<25x80xi32, #tpu.memory_space<vmem>> -> memref<1x80xi32, #tpu.memory_space<vmem>>
        %dma_start3A_181 = tpu.memref_squeeze %dma_start3A_180 : memref<1x80xi32, #tpu.memory_space<vmem>> -> memref<80xi32, #tpu.memory_space<vmem>>
        %dma_start3A_182 = tpu.memref_slice %arg5[%add3A_174] : memref<3200000xi32, #tpu.memory_space<hbm>> -> memref<80xi32, #tpu.memory_space<hbm>>
        tpu.enqueue_dma source(%dma_start3A_182 : memref<80xi32, #tpu.memory_space<hbm>>) target(%dma_start3A_181 : memref<80xi32, #tpu.memory_space<vmem>>) target_semaphore(%arg36 : memref<!tpu.dma_semaphore, #tpu.memory_space<semaphore_mem>>)
        %scan3A_183 = arith.constant 0 : i32
        scf.yield %scan3A_183 : i32
      }
      %scan3A_61 = arith.constant 25 : i32
      %dma_start3A_62 = tpu.memref_slice %arg2[%add3A_47] : memref<3200000xf32, #tpu.memory_space<hbm>> -> memref<2000xf32, #tpu.memory_space<hbm>>
      %dma_start3A_63 = tpu.memref_slice %arg2[%add3A_47] : memref<3200000xf32, #tpu.memory_space<hbm>> -> memref<2000xf32, #tpu.memory_space<hbm>>
      tpu.enqueue_dma source(%dma_start3A_63 : memref<2000xf32, #tpu.memory_space<hbm>>) target(%arg27 : memref<2000xf32, #tpu.memory_space<vmem>>) target_semaphore(%arg36 : memref<!tpu.dma_semaphore, #tpu.memory_space<semaphore_mem>>)
      %dma_start3A_64 = tpu.memref_slice %arg3[%add3A_47] : memref<3200000xf32, #tpu.memory_space<hbm>> -> memref<2000xf32, #tpu.memory_space<hbm>>
      %dma_start3A_65 = tpu.memref_slice %arg3[%add3A_47] : memref<3200000xf32, #tpu.memory_space<hbm>> -> memref<2000xf32, #tpu.memory_space<hbm>>
      tpu.enqueue_dma source(%dma_start3A_65 : memref<2000xf32, #tpu.memory_space<hbm>>) target(%arg28 : memref<2000xf32, #tpu.memory_space<vmem>>) target_semaphore(%arg36 : memref<!tpu.dma_semaphore, #tpu.memory_space<semaphore_mem>>)
      %dma_start3A_66 = tpu.memref_slice %arg6[%add3A_47] : memref<3200000xf32, #tpu.memory_space<hbm>> -> memref<2000xf32, #tpu.memory_space<hbm>>
      %dma_start3A_67 = tpu.memref_slice %arg6[%add3A_47] : memref<3200000xf32, #tpu.memory_space<hbm>> -> memref<2000xf32, #tpu.memory_space<hbm>>
      tpu.enqueue_dma source(%dma_start3A_67 : memref<2000xf32, #tpu.memory_space<hbm>>) target(%arg29 : memref<2000xf32, #tpu.memory_space<vmem>>) target_semaphore(%arg36 : memref<!tpu.dma_semaphore, #tpu.memory_space<semaphore_mem>>)
      %mul3A_68 = arith.constant 2000 : i32
      %mul3A_69 = arith.muli %mul3A_42, %mul3A_68 : i32
      %add3A_70 = arith.addi %mul3A_4, %mul3A_69 : i32
      %scan3A_71 = arith.constant 0 : i32
      %scan3A_72 = arith.constant 0 : i32
      %scan3A_73 = arith.constant 25 : i32
      %scan3A_74 = arith.addi %scan3A_72, %scan3A_73 : i32
      %scan3A_75 = arith.constant 1 : i32
      %scan3A_76 = scf.for %scan3A_170 = %scan3A_72 to %scan3A_74 step %scan3A_75 iter_args(%scan3A_171 = %scan3A_71) -> (i32)  : i32 {
        %mul3A_172 = arith.constant 80 : i32
        %mul3A_173 = arith.muli %scan3A_170, %mul3A_172 : i32
        %add3A_174 = arith.addi %add3A_70, %mul3A_173 : i32
        %dma_wait3A_175 = arith.constant 0 : i32
        %dma_wait3A_176 = tpu.memref_slice %arg16[%scan3A_170, %dma_wait3A_175] : memref<25x80xi32, #tpu.memory_space<vmem>> -> memref<1x80xi32, #tpu.memory_space<vmem>>
        %dma_wait3A_177 = tpu.memref_squeeze %dma_wait3A_176 : memref<1x80xi32, #tpu.memory_space<vmem>> -> memref<80xi32, #tpu.memory_space<vmem>>
        %dma_wait3A_178 = tpu.memref_slice %arg4[%add3A_174] : memref<3200000xi32, #tpu.memory_space<hbm>> -> memref<80xi32, #tpu.memory_space<hbm>>
        %dma_wait3A_179 = arith.constant 0 : i32
        %dma_wait3A_180 = tpu.memref_slice %arg16[%scan3A_170, %dma_wait3A_179] : memref<25x80xi32, #tpu.memory_space<vmem>> -> memref<1x80xi32, #tpu.memory_space<vmem>>
        %dma_wait3A_181 = tpu.memref_squeeze %dma_wait3A_180 : memref<1x80xi32, #tpu.memory_space<vmem>> -> memref<80xi32, #tpu.memory_space<vmem>>
        %dma_wait3A_182 = tpu.memref_slice %arg4[%add3A_174] : memref<3200000xi32, #tpu.memory_space<hbm>> -> memref<80xi32, #tpu.memory_space<hbm>>
        tpu.wait_dma2 semaphore(%arg35 : memref<!tpu.dma_semaphore, #tpu.memory_space<semaphore_mem>>) src(%dma_wait3A_182 : memref<80xi32, #tpu.memory_space<hbm>>) dst(%dma_wait3A_181 : memref<80xi32, #tpu.memory_space<vmem>>)
        %scan3A_183 = arith.constant 0 : i32
        scf.yield %scan3A_183 : i32
      }
      %scan3A_77 = arith.constant 25 : i32
      %scan3A_78 = arith.constant 0 : i32
      %scan3A_79 = arith.constant 0 : i32
      %scan3A_80 = arith.constant 25 : i32
      %scan3A_81 = arith.addi %scan3A_79, %scan3A_80 : i32
      %scan3A_82 = arith.constant 1 : i32
      %scan3A_83 = scf.for %scan3A_170 = %scan3A_79 to %scan3A_81 step %scan3A_82 iter_args(%scan3A_171 = %scan3A_78) -> (i32)  : i32 {
        %mul3A_172 = arith.constant 80 : i32
        %mul3A_173 = arith.muli %scan3A_170, %mul3A_172 : i32
        %add3A_174 = arith.addi %add3A_70, %mul3A_173 : i32
        %dma_wait3A_175 = arith.constant 0 : i32
        %dma_wait3A_176 = tpu.memref_slice %arg17[%scan3A_170, %dma_wait3A_175] : memref<25x80xi32, #tpu.memory_space<vmem>> -> memref<1x80xi32, #tpu.memory_space<vmem>>
        %dma_wait3A_177 = tpu.memref_squeeze %dma_wait3A_176 : memref<1x80xi32, #tpu.memory_space<vmem>> -> memref<80xi32, #tpu.memory_space<vmem>>
        %dma_wait3A_178 = tpu.memref_slice %arg5[%add3A_174] : memref<3200000xi32, #tpu.memory_space<hbm>> -> memref<80xi32, #tpu.memory_space<hbm>>
        %dma_wait3A_179 = arith.constant 0 : i32
        %dma_wait3A_180 = tpu.memref_slice %arg17[%scan3A_170, %dma_wait3A_179] : memref<25x80xi32, #tpu.memory_space<vmem>> -> memref<1x80xi32, #tpu.memory_space<vmem>>
        %dma_wait3A_181 = tpu.memref_squeeze %dma_wait3A_180 : memref<1x80xi32, #tpu.memory_space<vmem>> -> memref<80xi32, #tpu.memory_space<vmem>>
        %dma_wait3A_182 = tpu.memref_slice %arg5[%add3A_174] : memref<3200000xi32, #tpu.memory_space<hbm>> -> memref<80xi32, #tpu.memory_space<hbm>>
        tpu.wait_dma2 semaphore(%arg35 : memref<!tpu.dma_semaphore, #tpu.memory_space<semaphore_mem>>) src(%dma_wait3A_182 : memref<80xi32, #tpu.memory_space<hbm>>) dst(%dma_wait3A_181 : memref<80xi32, #tpu.memory_space<vmem>>)
        %scan3A_183 = arith.constant 0 : i32
        scf.yield %scan3A_183 : i32
      }
      %scan3A_84 = arith.constant 25 : i32
      %dma_wait3A = tpu.memref_slice %arg2[%add3A_70] : memref<3200000xf32, #tpu.memory_space<hbm>> -> memref<2000xf32, #tpu.memory_space<hbm>>
      %dma_wait3A_85 = tpu.memref_slice %arg2[%add3A_70] : memref<3200000xf32, #tpu.memory_space<hbm>> -> memref<2000xf32, #tpu.memory_space<hbm>>
      tpu.wait_dma2 semaphore(%arg35 : memref<!tpu.dma_semaphore, #tpu.memory_space<semaphore_mem>>) src(%dma_wait3A_85 : memref<2000xf32, #tpu.memory_space<hbm>>) dst(%arg18 : memref<2000xf32, #tpu.memory_space<vmem>>)
      %dma_wait3A_86 = tpu.memref_slice %arg3[%add3A_70] : memref<3200000xf32, #tpu.memory_space<hbm>> -> memref<2000xf32, #tpu.memory_space<hbm>>
      %dma_wait3A_87 = tpu.memref_slice %arg3[%add3A_70] : memref<3200000xf32, #tpu.memory_space<hbm>> -> memref<2000xf32, #tpu.memory_space<hbm>>
      tpu.wait_dma2 semaphore(%arg35 : memref<!tpu.dma_semaphore, #tpu.memory_space<semaphore_mem>>) src(%dma_wait3A_87 : memref<2000xf32, #tpu.memory_space<hbm>>) dst(%arg19 : memref<2000xf32, #tpu.memory_space<vmem>>)
      %dma_wait3A_88 = tpu.memref_slice %arg6[%add3A_70] : memref<3200000xf32, #tpu.memory_space<hbm>> -> memref<2000xf32, #tpu.memory_space<hbm>>
      %dma_wait3A_89 = tpu.memref_slice %arg6[%add3A_70] : memref<3200000xf32, #tpu.memory_space<hbm>> -> memref<2000xf32, #tpu.memory_space<hbm>>
      tpu.wait_dma2 semaphore(%arg35 : memref<!tpu.dma_semaphore, #tpu.memory_space<semaphore_mem>>) src(%dma_wait3A_89 : memref<2000xf32, #tpu.memory_space<hbm>>) dst(%arg20 : memref<2000xf32, #tpu.memory_space<vmem>>)
      %scan3A_90 = arith.constant 0 : i32
      %scan3A_91 = arith.constant 0 : i32
      %scan3A_92 = arith.constant 25 : i32
      %scan3A_93 = arith.addi %scan3A_91, %scan3A_92 : i32
      %scan3A_94 = arith.constant 1 : i32
      %scan3A_95 = scf.for %scan3A_170 = %scan3A_91 to %scan3A_93 step %scan3A_94 iter_args(%scan3A_171 = %scan3A_90) -> (i32)  : i32 {
        %mul3A_172 = arith.constant 80 : i32
        %mul3A_173 = arith.muli %scan3A_170, %mul3A_172 : i32
        %dma_start3A_174 = tpu.memref_slice %arg21[%mul3A_173] : memref<2000xf32, #tpu.memory_space<vmem>> -> memref<80xf32, #tpu.memory_space<vmem>>
        %dma_start3A_175 = arith.constant 0 : i32
        %dma_start3A_176 = tpu.memref_slice %arg16[%scan3A_170, %dma_start3A_175] : memref<25x80xi32, #tpu.memory_space<vmem>> -> memref<1x80xi32, #tpu.memory_space<vmem>>
        %dma_start3A_177 = tpu.memref_squeeze %dma_start3A_176 : memref<1x80xi32, #tpu.memory_space<vmem>> -> memref<80xi32, #tpu.memory_space<vmem>>
        %dma_start3A_178 = arith.constant 0 : i32
        %dma_start3A_179 = tpu.memref_slice %arg12[%dma_start3A_178] : memref<100352xf32, #tpu.memory_space<vmem_shared>> -> memref<100352xf32, #tpu.memory_space<vmem_shared>>
        tpu.enqueue_indirect_dma source(%dma_start3A_179 : memref<100352xf32, #tpu.memory_space<vmem_shared>>) target(%dma_start3A_174 : memref<80xf32, #tpu.memory_space<vmem>>) offsets(%dma_start3A_177 : memref<80xi32, #tpu.memory_space<vmem>>) semaphore(%arg37 : memref<!tpu.dma_semaphore, #tpu.memory_space<semaphore_mem>>)
        %dma_start3A_180 = tpu.memref_slice %arg22[%mul3A_173] : memref<2000xf32, #tpu.memory_space<vmem>> -> memref<80xf32, #tpu.memory_space<vmem>>
        %dma_start3A_181 = arith.constant 0 : i32
        %dma_start3A_182 = tpu.memref_slice %arg16[%scan3A_170, %dma_start3A_181] : memref<25x80xi32, #tpu.memory_space<vmem>> -> memref<1x80xi32, #tpu.memory_space<vmem>>
        %dma_start3A_183 = tpu.memref_squeeze %dma_start3A_182 : memref<1x80xi32, #tpu.memory_space<vmem>> -> memref<80xi32, #tpu.memory_space<vmem>>
        %dma_start3A_184 = arith.constant 0 : i32
        %dma_start3A_185 = tpu.memref_slice %arg13[%dma_start3A_184] : memref<100352xf32, #tpu.memory_space<vmem_shared>> -> memref<100352xf32, #tpu.memory_space<vmem_shared>>
        tpu.enqueue_indirect_dma source(%dma_start3A_185 : memref<100352xf32, #tpu.memory_space<vmem_shared>>) target(%dma_start3A_180 : memref<80xf32, #tpu.memory_space<vmem>>) offsets(%dma_start3A_183 : memref<80xi32, #tpu.memory_space<vmem>>) semaphore(%arg37 : memref<!tpu.dma_semaphore, #tpu.memory_space<semaphore_mem>>)
        %dma_start3A_186 = tpu.memref_slice %arg23[%mul3A_173] : memref<2000xf32, #tpu.memory_space<vmem>> -> memref<80xf32, #tpu.memory_space<vmem>>
        %dma_start3A_187 = arith.constant 0 : i32
        %dma_start3A_188 = tpu.memref_slice %arg17[%scan3A_170, %dma_start3A_187] : memref<25x80xi32, #tpu.memory_space<vmem>> -> memref<1x80xi32, #tpu.memory_space<vmem>>
        %dma_start3A_189 = tpu.memref_squeeze %dma_start3A_188 : memref<1x80xi32, #tpu.memory_space<vmem>> -> memref<80xi32, #tpu.memory_space<vmem>>
        %dma_start3A_190 = arith.constant 0 : i32
        %dma_start3A_191 = tpu.memref_slice %arg14[%dma_start3A_190] : memref<100352xf32, #tpu.memory_space<vmem_shared>> -> memref<100352xf32, #tpu.memory_space<vmem_shared>>
        tpu.enqueue_indirect_dma source(%dma_start3A_191 : memref<100352xf32, #tpu.memory_space<vmem_shared>>) target(%dma_start3A_186 : memref<80xf32, #tpu.memory_space<vmem>>) offsets(%dma_start3A_189 : memref<80xi32, #tpu.memory_space<vmem>>) semaphore(%arg37 : memref<!tpu.dma_semaphore, #tpu.memory_space<semaphore_mem>>)
        %dma_start3A_192 = tpu.memref_slice %arg24[%mul3A_173] : memref<2000xf32, #tpu.memory_space<vmem>> -> memref<80xf32, #tpu.memory_space<vmem>>
        %dma_start3A_193 = arith.constant 0 : i32
        %dma_start3A_194 = tpu.memref_slice %arg17[%scan3A_170, %dma_start3A_193] : memref<25x80xi32, #tpu.memory_space<vmem>> -> memref<1x80xi32, #tpu.memory_space<vmem>>
        %dma_start3A_195 = tpu.memref_squeeze %dma_start3A_194 : memref<1x80xi32, #tpu.memory_space<vmem>> -> memref<80xi32, #tpu.memory_space<vmem>>
        %dma_start3A_196 = arith.constant 0 : i32
        %dma_start3A_197 = tpu.memref_slice %arg15[%dma_start3A_196] : memref<100352xf32, #tpu.memory_space<vmem_shared>> -> memref<100352xf32, #tpu.memory_space<vmem_shared>>
        tpu.enqueue_indirect_dma source(%dma_start3A_197 : memref<100352xf32, #tpu.memory_space<vmem_shared>>) target(%dma_start3A_192 : memref<80xf32, #tpu.memory_space<vmem>>) offsets(%dma_start3A_195 : memref<80xi32, #tpu.memory_space<vmem>>) semaphore(%arg37 : memref<!tpu.dma_semaphore, #tpu.memory_space<semaphore_mem>>)
        %scan3A_198 = arith.constant 0 : i32
        scf.yield %scan3A_198 : i32
      }
      %scan3A_96 = arith.constant 25 : i32
      %scan3A_97 = arith.constant 0 : i32
      %scan3A_98 = arith.constant 0 : i32
      %scan3A_99 = arith.constant 25 : i32
      %scan3A_100 = arith.addi %scan3A_98, %scan3A_99 : i32
      %scan3A_101 = arith.constant 1 : i32
      %scan3A_102 = scf.for %scan3A_170 = %scan3A_98 to %scan3A_100 step %scan3A_101 iter_args(%scan3A_171 = %scan3A_97) -> (i32)  : i32 {
        %mul3A_172 = arith.constant 80 : i32
        %mul3A_173 = arith.muli %scan3A_170, %mul3A_172 : i32
        %dma_wait3A_174 = tpu.memref_slice %arg21[%mul3A_173] : memref<2000xf32, #tpu.memory_space<vmem>> -> memref<80xf32, #tpu.memory_space<vmem>>
        %dma_wait3A_175 = arith.constant 0 : i32
        %dma_wait3A_176 = tpu.memref_slice %arg16[%scan3A_170, %dma_wait3A_175] : memref<25x80xi32, #tpu.memory_space<vmem>> -> memref<1x80xi32, #tpu.memory_space<vmem>>
        %dma_wait3A_177 = tpu.memref_squeeze %dma_wait3A_176 : memref<1x80xi32, #tpu.memory_space<vmem>> -> memref<80xi32, #tpu.memory_space<vmem>>
        %dma_wait3A_178 = arith.constant 0 : i32
        %dma_wait3A_179 = tpu.memref_slice %arg12[%dma_wait3A_178] : memref<100352xf32, #tpu.memory_space<vmem_shared>> -> memref<100352xf32, #tpu.memory_space<vmem_shared>>
        tpu.wait_indirect_dma semaphore(%arg37 : memref<!tpu.dma_semaphore, #tpu.memory_space<semaphore_mem>>) src(%dma_wait3A_179 : memref<100352xf32, #tpu.memory_space<vmem_shared>>) dst(%dma_wait3A_174 : memref<80xf32, #tpu.memory_space<vmem>>)
        %dma_wait3A_180 = tpu.memref_slice %arg22[%mul3A_173] : memref<2000xf32, #tpu.memory_space<vmem>> -> memref<80xf32, #tpu.memory_space<vmem>>
        %dma_wait3A_181 = arith.constant 0 : i32
        %dma_wait3A_182 = tpu.memref_slice %arg16[%scan3A_170, %dma_wait3A_181] : memref<25x80xi32, #tpu.memory_space<vmem>> -> memref<1x80xi32, #tpu.memory_space<vmem>>
        %dma_wait3A_183 = tpu.memref_squeeze %dma_wait3A_182 : memref<1x80xi32, #tpu.memory_space<vmem>> -> memref<80xi32, #tpu.memory_space<vmem>>
        %dma_wait3A_184 = arith.constant 0 : i32
        %dma_wait3A_185 = tpu.memref_slice %arg13[%dma_wait3A_184] : memref<100352xf32, #tpu.memory_space<vmem_shared>> -> memref<100352xf32, #tpu.memory_space<vmem_shared>>
        tpu.wait_indirect_dma semaphore(%arg37 : memref<!tpu.dma_semaphore, #tpu.memory_space<semaphore_mem>>) src(%dma_wait3A_185 : memref<100352xf32, #tpu.memory_space<vmem_shared>>) dst(%dma_wait3A_180 : memref<80xf32, #tpu.memory_space<vmem>>)
        %dma_wait3A_186 = tpu.memref_slice %arg23[%mul3A_173] : memref<2000xf32, #tpu.memory_space<vmem>> -> memref<80xf32, #tpu.memory_space<vmem>>
        %dma_wait3A_187 = arith.constant 0 : i32
        %dma_wait3A_188 = tpu.memref_slice %arg17[%scan3A_170, %dma_wait3A_187] : memref<25x80xi32, #tpu.memory_space<vmem>> -> memref<1x80xi32, #tpu.memory_space<vmem>>
        %dma_wait3A_189 = tpu.memref_squeeze %dma_wait3A_188 : memref<1x80xi32, #tpu.memory_space<vmem>> -> memref<80xi32, #tpu.memory_space<vmem>>
        %dma_wait3A_190 = arith.constant 0 : i32
        %dma_wait3A_191 = tpu.memref_slice %arg14[%dma_wait3A_190] : memref<100352xf32, #tpu.memory_space<vmem_shared>> -> memref<100352xf32, #tpu.memory_space<vmem_shared>>
        tpu.wait_indirect_dma semaphore(%arg37 : memref<!tpu.dma_semaphore, #tpu.memory_space<semaphore_mem>>) src(%dma_wait3A_191 : memref<100352xf32, #tpu.memory_space<vmem_shared>>) dst(%dma_wait3A_186 : memref<80xf32, #tpu.memory_space<vmem>>)
        %dma_wait3A_192 = tpu.memref_slice %arg24[%mul3A_173] : memref<2000xf32, #tpu.memory_space<vmem>> -> memref<80xf32, #tpu.memory_space<vmem>>
        %dma_wait3A_193 = arith.constant 0 : i32
        %dma_wait3A_194 = tpu.memref_slice %arg17[%scan3A_170, %dma_wait3A_193] : memref<25x80xi32, #tpu.memory_space<vmem>> -> memref<1x80xi32, #tpu.memory_space<vmem>>
        %dma_wait3A_195 = tpu.memref_squeeze %dma_wait3A_194 : memref<1x80xi32, #tpu.memory_space<vmem>> -> memref<80xi32, #tpu.memory_space<vmem>>
        %dma_wait3A_196 = arith.constant 0 : i32
        %dma_wait3A_197 = tpu.memref_slice %arg15[%dma_wait3A_196] : memref<100352xf32, #tpu.memory_space<vmem_shared>> -> memref<100352xf32, #tpu.memory_space<vmem_shared>>
        tpu.wait_indirect_dma semaphore(%arg37 : memref<!tpu.dma_semaphore, #tpu.memory_space<semaphore_mem>>) src(%dma_wait3A_197 : memref<100352xf32, #tpu.memory_space<vmem_shared>>) dst(%dma_wait3A_192 : memref<80xf32, #tpu.memory_space<vmem>>)
        %scan3A_198 = arith.constant 0 : i32
        scf.yield %scan3A_198 : i32
      }
      %scan3A_103 = arith.constant 25 : i32
      %get3A_104 = arith.constant 0 : index
      %get3A_105 = tpu.vector_load %arg38[%get3A_104] {strides = array<i32>} : memref<16xf32, #tpu.memory_space<vmem>>, vector<16xf32>,
      %scan3A_106 = arith.constant 0 : i32
      %scan3A_107 = arith.constant 125 : i32
      %scan3A_108 = arith.addi %scan3A_106, %scan3A_107 : i32
      %scan3A_109 = arith.constant 1 : i32
      %scan3A_110 = scf.for %scan3A_170 = %scan3A_106 to %scan3A_108 step %scan3A_109 iter_args(%scan3A_171 = %get3A_105) -> (vector<16xf32>)  : i32 {
        %mul3A_172 = arith.constant 16 : i32
        %mul3A_173 = arith.muli %scan3A_170, %mul3A_172 : i32
        %get3A_174 = arith.index_cast %mul3A_173 : i32 to index
        %get3A_175 = tpu.vector_load %arg21[%get3A_174] {strides = array<i32>} : memref<2000xf32, #tpu.memory_space<vmem>>, vector<16xf32>,
        %get3A_176 = arith.index_cast %mul3A_173 : i32 to index
        %get3A_177 = tpu.vector_load %arg18[%get3A_176] {strides = array<i32>} : memref<2000xf32, #tpu.memory_space<vmem>>, vector<16xf32>,
        %exp3A = math.exp %get3A_177 : vector<16xf32>
        %mul3A_178 = arith.mulf %get3A_175, %exp3A : vector<16xf32>
        %get3A_179 = arith.index_cast %mul3A_173 : i32 to index
        %get3A_180 = tpu.vector_load %arg23[%get3A_179] {strides = array<i32>} : memref<2000xf32, #tpu.memory_space<vmem>>, vector<16xf32>,
        %get3A_181 = arith.index_cast %mul3A_173 : i32 to index
        %get3A_182 = tpu.vector_load %arg22[%get3A_181] {strides = array<i32>} : memref<2000xf32, #tpu.memory_space<vmem>>, vector<16xf32>,
        %mul3A_183 = arith.mulf %get3A_180, %get3A_182 : vector<16xf32>
        %get3A_184 = arith.index_cast %mul3A_173 : i32 to index
        %get3A_185 = tpu.vector_load %arg19[%get3A_184] {strides = array<i32>} : memref<2000xf32, #tpu.memory_space<vmem>>, vector<16xf32>,
        %exp3A_186 = math.exp %get3A_185 : vector<16xf32>
        %mul3A_187 = arith.mulf %mul3A_183, %exp3A_186 : vector<16xf32>
        %get3A_188 = arith.index_cast %mul3A_173 : i32 to index
        %get3A_189 = tpu.vector_load %arg20[%get3A_188] {strides = array<i32>} : memref<2000xf32, #tpu.memory_space<vmem>>, vector<16xf32>,
        %get3A_190 = arith.index_cast %mul3A_173 : i32 to index
        %get3A_191 = tpu.vector_load %arg24[%get3A_190] {strides = array<i32>} : memref<2000xf32, #tpu.memory_space<vmem>>, vector<16xf32>,
        %sub3A = arith.subf %get3A_191, %get3A_189 : vector<16xf32>
        %add3A_192 = arith.constant 9.99999971E-10 : f32
        %add3A_193 = vector.broadcast %add3A_192 : f32 to vector<16xf32>
        %add3A_194 = arith.addf %sub3A, %add3A_193 : vector<16xf32>
        %div3A = arith.divf %get3A_189, %add3A_194 : vector<16xf32>
        %add3A_195 = arith.constant 1.000000e+00 : f32
        %add3A_196 = vector.broadcast %add3A_195 : f32 to vector<16xf32>
        %add3A_197 = arith.addf %add3A_196, %div3A : vector<16xf32>
        %bitcast_convert_type3A = tpu.bitcast %add3A_197 : vector<16xf32> -> vector<16xi32>
        %add3A_198 = arith.constant 4913933 : i32
        %add3A_199 = vector.broadcast %add3A_198 : i32 to vector<16xi32>
        %add3A_200 = arith.addi %bitcast_convert_type3A, %add3A_199 : vector<16xi32>
        %shift_right_arithmetic3A = arith.constant 23 : i32
        %shift_right_arithmetic3A_201 = vector.broadcast %shift_right_arithmetic3A : i32 to vector<16xi32>
        %shift_right_arithmetic3A_202 = arith.shrsi %add3A_200, %shift_right_arithmetic3A_201 : vector<16xi32>
        %sub3A_203 = arith.constant 127 : i32
        %sub3A_204 = vector.broadcast %sub3A_203 : i32 to vector<16xi32>
        %sub3A_205 = arith.subi %shift_right_arithmetic3A_202, %sub3A_204 : vector<16xi32>
        %and3A = arith.constant 8388607 : i32
        %and3A_206 = vector.broadcast %and3A : i32 to vector<16xi32>
        %and3A_207 = arith.andi %add3A_200, %and3A_206 : vector<16xi32>
        %add3A_208 = arith.constant 1060439283 : i32
        %add3A_209 = vector.broadcast %add3A_208 : i32 to vector<16xi32>
        %add3A_210 = arith.addi %and3A_207, %add3A_209 : vector<16xi32>
        %bitcast_convert_type3A_211 = tpu.bitcast %add3A_210 : vector<16xi32> -> vector<16xf32>
        %sub3A_212 = arith.constant 1.000000e+00 : f32
        %sub3A_213 = vector.broadcast %sub3A_212 : f32 to vector<16xf32>
        %sub3A_214 = arith.subf %bitcast_convert_type3A_211, %sub3A_213 : vector<16xf32>
        %add3A_215 = arith.constant 2.000000e+00 : f32
        %add3A_216 = vector.broadcast %add3A_215 : f32 to vector<16xf32>
        %add3A_217 = arith.addf %add3A_216, %sub3A_214 : vector<16xf32>
        %div3A_218 = arith.divf %sub3A_214, %add3A_217 : vector<16xf32>
        %mul3A_219 = arith.mulf %div3A_218, %div3A_218 : vector<16xf32>
        %mul3A_220 = arith.mulf %mul3A_219, %mul3A_219 : vector<16xf32>
        %mul3A_221 = arith.constant 0.242790788 : f32
        %mul3A_222 = vector.broadcast %mul3A_221 : f32 to vector<16xf32>
        %mul3A_223 = arith.mulf %mul3A_220, %mul3A_222 : vector<16xf32>
        %add3A_224 = arith.constant 0.400009722 : f32
        %add3A_225 = vector.broadcast %add3A_224 : f32 to vector<16xf32>
        %add3A_226 = arith.addf %add3A_225, %mul3A_223 : vector<16xf32>
        %mul3A_227 = arith.mulf %mul3A_220, %add3A_226 : vector<16xf32>
        %mul3A_228 = arith.constant 0.284987867 : f32
        %mul3A_229 = vector.broadcast %mul3A_228 : f32 to vector<16xf32>
        %mul3A_230 = arith.mulf %mul3A_220, %mul3A_229 : vector<16xf32>
        %add3A_231 = arith.constant 0.666666627 : f32
        %add3A_232 = vector.broadcast %add3A_231 : f32 to vector<16xf32>
        %add3A_233 = arith.addf %add3A_232, %mul3A_230 : vector<16xf32>
        %mul3A_234 = arith.mulf %mul3A_219, %add3A_233 : vector<16xf32>
        %mul3A_235 = arith.constant 5.000000e-01 : f32
        %mul3A_236 = vector.broadcast %mul3A_235 : f32 to vector<16xf32>
        %mul3A_237 = arith.mulf %mul3A_236, %sub3A_214 : vector<16xf32>
        %mul3A_238 = arith.mulf %mul3A_237, %sub3A_214 : vector<16xf32>
        %sub3A_239 = arith.subf %sub3A_214, %mul3A_238 : vector<16xf32>
        %add3A_240 = arith.addf %mul3A_238, %mul3A_227 : vector<16xf32>
        %add3A_241 = arith.addf %add3A_240, %mul3A_234 : vector<16xf32>
        %mul3A_242 = arith.mulf %div3A_218, %add3A_241 : vector<16xf32>
        %add3A_243 = arith.addf %sub3A_239, %mul3A_242 : vector<16xf32>
        %mul3A_244 = arith.constant 1.44269502 : f32
        %mul3A_245 = vector.broadcast %mul3A_244 : f32 to vector<16xf32>
        %mul3A_246 = arith.mulf %add3A_243, %mul3A_245 : vector<16xf32>
        %convert_element_type3A_247 = arith.sitofp %sub3A_205 : vector<16xi32> to vector<16xf32>
        %add3A_248 = arith.addf %mul3A_246, %convert_element_type3A_247 : vector<16xf32>
        %add3A_249 = arith.constant 9.99999968E-21 : f32
        %add3A_250 = vector.broadcast %add3A_249 : f32 to vector<16xf32>
        %add3A_251 = arith.addf %add3A_248, %add3A_250 : vector<16xf32>
        %div3A_252 = arith.divf %mul3A_178, %add3A_251 : vector<16xf32>
        %add3A_253 = arith.addf %scan3A_171, %div3A_252 : vector<16xf32>
        %add3A_254 = arith.constant 9.99999968E-21 : f32
        %add3A_255 = vector.broadcast %add3A_254 : f32 to vector<16xf32>
        %add3A_256 = arith.addf %mul3A_187, %add3A_255 : vector<16xf32>
        %div3A_257 = arith.divf %mul3A_178, %add3A_256 : vector<16xf32>
        %add3A_258 = arith.addf %add3A_253, %div3A_257 : vector<16xf32>
        scf.yield %add3A_258 : vector<16xf32>
      }
      %scan3A_111 = arith.constant 125 : i32
      %swap3A_112 = arith.constant 0 : index
      %swap3A_113 = tpu.vector_load %arg38[%swap3A_112] {strides = array<i32>} : memref<16xf32, #tpu.memory_space<vmem>>, vector<16xf32>,
      tpu.vector_store %arg38[%swap3A_112], %scan3A_110 {strides = array<i32>} : memref<16xf32, #tpu.memory_space<vmem>>, vector<16xf32>,
      %add3A_114 = arith.constant 2 : i32
      %add3A_115 = arith.addi %mul3A_42, %add3A_114 : i32
      %lt3A = arith.constant 50 : i32
      %lt3A_116 = arith.cmpi slt, %add3A_115, %lt3A : i32
      %convert_element_type3A = arith.extui %lt3A_116 : i1 to i32
      %cond3A = arith.constant 0 : i32
      %cond3A_117 = arith.cmpi ne, %convert_element_type3A, %cond3A : i32
      scf.if %cond3A_117 {
        %add3A_170 = arith.constant 2 : i32
        %add3A_171 = arith.addi %mul3A_42, %add3A_170 : i32
        %mul3A_172 = arith.constant 2000 : i32
        %mul3A_173 = arith.muli %add3A_171, %mul3A_172 : i32
        %add3A_174 = arith.addi %mul3A_4, %mul3A_173 : i32
        %scan3A_175 = arith.constant 0 : i32
        %scan3A_176 = arith.constant 0 : i32
        %scan3A_177 = arith.constant 25 : i32
        %scan3A_178 = arith.addi %scan3A_176, %scan3A_177 : i32
        %scan3A_179 = arith.constant 1 : i32
        %scan3A_180 = scf.for %scan3A_195 = %scan3A_176 to %scan3A_178 step %scan3A_179 iter_args(%scan3A_196 = %scan3A_175) -> (i32)  : i32 {
          %mul3A_197 = arith.constant 80 : i32
          %mul3A_198 = arith.muli %scan3A_195, %mul3A_197 : i32
          %add3A_199 = arith.addi %add3A_174, %mul3A_198 : i32
          %dma_start3A_200 = arith.constant 0 : i32
          %dma_start3A_201 = tpu.memref_slice %arg16[%scan3A_195, %dma_start3A_200] : memref<25x80xi32, #tpu.memory_space<vmem>> -> memref<1x80xi32, #tpu.memory_space<vmem>>
          %dma_start3A_202 = tpu.memref_squeeze %dma_start3A_201 : memref<1x80xi32, #tpu.memory_space<vmem>> -> memref<80xi32, #tpu.memory_space<vmem>>
          %dma_start3A_203 = tpu.memref_slice %arg4[%add3A_199] : memref<3200000xi32, #tpu.memory_space<hbm>> -> memref<80xi32, #tpu.memory_space<hbm>>
          %dma_start3A_204 = arith.constant 0 : i32
          %dma_start3A_205 = tpu.memref_slice %arg16[%scan3A_195, %dma_start3A_204] : memref<25x80xi32, #tpu.memory_space<vmem>> -> memref<1x80xi32, #tpu.memory_space<vmem>>
          %dma_start3A_206 = tpu.memref_squeeze %dma_start3A_205 : memref<1x80xi32, #tpu.memory_space<vmem>> -> memref<80xi32, #tpu.memory_space<vmem>>
          %dma_start3A_207 = tpu.memref_slice %arg4[%add3A_199] : memref<3200000xi32, #tpu.memory_space<hbm>> -> memref<80xi32, #tpu.memory_space<hbm>>
          tpu.enqueue_dma source(%dma_start3A_207 : memref<80xi32, #tpu.memory_space<hbm>>) target(%dma_start3A_206 : memref<80xi32, #tpu.memory_space<vmem>>) target_semaphore(%arg35 : memref<!tpu.dma_semaphore, #tpu.memory_space<semaphore_mem>>)
          %scan3A_208 = arith.constant 0 : i32
          scf.yield %scan3A_208 : i32
        }
        %scan3A_181 = arith.constant 25 : i32
        %scan3A_182 = arith.constant 0 : i32
        %scan3A_183 = arith.constant 0 : i32
        %scan3A_184 = arith.constant 25 : i32
        %scan3A_185 = arith.addi %scan3A_183, %scan3A_184 : i32
        %scan3A_186 = arith.constant 1 : i32
        %scan3A_187 = scf.for %scan3A_195 = %scan3A_183 to %scan3A_185 step %scan3A_186 iter_args(%scan3A_196 = %scan3A_182) -> (i32)  : i32 {
          %mul3A_197 = arith.constant 80 : i32
          %mul3A_198 = arith.muli %scan3A_195, %mul3A_197 : i32
          %add3A_199 = arith.addi %add3A_174, %mul3A_198 : i32
          %dma_start3A_200 = arith.constant 0 : i32
          %dma_start3A_201 = tpu.memref_slice %arg17[%scan3A_195, %dma_start3A_200] : memref<25x80xi32, #tpu.memory_space<vmem>> -> memref<1x80xi32, #tpu.memory_space<vmem>>
          %dma_start3A_202 = tpu.memref_squeeze %dma_start3A_201 : memref<1x80xi32, #tpu.memory_space<vmem>> -> memref<80xi32, #tpu.memory_space<vmem>>
          %dma_start3A_203 = tpu.memref_slice %arg5[%add3A_199] : memref<3200000xi32, #tpu.memory_space<hbm>> -> memref<80xi32, #tpu.memory_space<hbm>>
          %dma_start3A_204 = arith.constant 0 : i32
          %dma_start3A_205 = tpu.memref_slice %arg17[%scan3A_195, %dma_start3A_204] : memref<25x80xi32, #tpu.memory_space<vmem>> -> memref<1x80xi32, #tpu.memory_space<vmem>>
          %dma_start3A_206 = tpu.memref_squeeze %dma_start3A_205 : memref<1x80xi32, #tpu.memory_space<vmem>> -> memref<80xi32, #tpu.memory_space<vmem>>
          %dma_start3A_207 = tpu.memref_slice %arg5[%add3A_199] : memref<3200000xi32, #tpu.memory_space<hbm>> -> memref<80xi32, #tpu.memory_space<hbm>>
          tpu.enqueue_dma source(%dma_start3A_207 : memref<80xi32, #tpu.memory_space<hbm>>) target(%dma_start3A_206 : memref<80xi32, #tpu.memory_space<vmem>>) target_semaphore(%arg35 : memref<!tpu.dma_semaphore, #tpu.memory_space<semaphore_mem>>)
          %scan3A_208 = arith.constant 0 : i32
          scf.yield %scan3A_208 : i32
        }
        %scan3A_188 = arith.constant 25 : i32
        %dma_start3A_189 = tpu.memref_slice %arg2[%add3A_174] : memref<3200000xf32, #tpu.memory_space<hbm>> -> memref<2000xf32, #tpu.memory_space<hbm>>
        %dma_start3A_190 = tpu.memref_slice %arg2[%add3A_174] : memref<3200000xf32, #tpu.memory_space<hbm>> -> memref<2000xf32, #tpu.memory_space<hbm>>
        tpu.enqueue_dma source(%dma_start3A_190 : memref<2000xf32, #tpu.memory_space<hbm>>) target(%arg18 : memref<2000xf32, #tpu.memory_space<vmem>>) target_semaphore(%arg35 : memref<!tpu.dma_semaphore, #tpu.memory_space<semaphore_mem>>)
        %dma_start3A_191 = tpu.memref_slice %arg3[%add3A_174] : memref<3200000xf32, #tpu.memory_space<hbm>> -> memref<2000xf32, #tpu.memory_space<hbm>>
        %dma_start3A_192 = tpu.memref_slice %arg3[%add3A_174] : memref<3200000xf32, #tpu.memory_space<hbm>> -> memref<2000xf32, #tpu.memory_space<hbm>>
        tpu.enqueue_dma source(%dma_start3A_192 : memref<2000xf32, #tpu.memory_space<hbm>>) target(%arg19 : memref<2000xf32, #tpu.memory_space<vmem>>) target_semaphore(%arg35 : memref<!tpu.dma_semaphore, #tpu.memory_space<semaphore_mem>>)
        %dma_start3A_193 = tpu.memref_slice %arg6[%add3A_174] : memref<3200000xf32, #tpu.memory_space<hbm>> -> memref<2000xf32, #tpu.memory_space<hbm>>
        %dma_start3A_194 = tpu.memref_slice %arg6[%add3A_174] : memref<3200000xf32, #tpu.memory_space<hbm>> -> memref<2000xf32, #tpu.memory_space<hbm>>
        tpu.enqueue_dma source(%dma_start3A_194 : memref<2000xf32, #tpu.memory_space<hbm>>) target(%arg20 : memref<2000xf32, #tpu.memory_space<vmem>>) target_semaphore(%arg35 : memref<!tpu.dma_semaphore, #tpu.memory_space<semaphore_mem>>)
      } else {
      }
      %add3A_118 = arith.constant 1 : i32
      %add3A_119 = arith.addi %mul3A_42, %add3A_118 : i32
      %mul3A_120 = arith.constant 2000 : i32
      %mul3A_121 = arith.muli %add3A_119, %mul3A_120 : i32
      %add3A_122 = arith.addi %mul3A_4, %mul3A_121 : i32
      %scan3A_123 = arith.constant 0 : i32
      %scan3A_124 = arith.constant 0 : i32
      %scan3A_125 = arith.constant 25 : i32
      %scan3A_126 = arith.addi %scan3A_124, %scan3A_125 : i32
      %scan3A_127 = arith.constant 1 : i32
      %scan3A_128 = scf.for %scan3A_170 = %scan3A_124 to %scan3A_126 step %scan3A_127 iter_args(%scan3A_171 = %scan3A_123) -> (i32)  : i32 {
        %mul3A_172 = arith.constant 80 : i32
        %mul3A_173 = arith.muli %scan3A_170, %mul3A_172 : i32
        %add3A_174 = arith.addi %add3A_122, %mul3A_173 : i32
        %dma_wait3A_175 = arith.constant 0 : i32
        %dma_wait3A_176 = tpu.memref_slice %arg25[%scan3A_170, %dma_wait3A_175] : memref<25x80xi32, #tpu.memory_space<vmem>> -> memref<1x80xi32, #tpu.memory_space<vmem>>
        %dma_wait3A_177 = tpu.memref_squeeze %dma_wait3A_176 : memref<1x80xi32, #tpu.memory_space<vmem>> -> memref<80xi32, #tpu.memory_space<vmem>>
        %dma_wait3A_178 = tpu.memref_slice %arg4[%add3A_174] : memref<3200000xi32, #tpu.memory_space<hbm>> -> memref<80xi32, #tpu.memory_space<hbm>>
        %dma_wait3A_179 = arith.constant 0 : i32
        %dma_wait3A_180 = tpu.memref_slice %arg25[%scan3A_170, %dma_wait3A_179] : memref<25x80xi32, #tpu.memory_space<vmem>> -> memref<1x80xi32, #tpu.memory_space<vmem>>
        %dma_wait3A_181 = tpu.memref_squeeze %dma_wait3A_180 : memref<1x80xi32, #tpu.memory_space<vmem>> -> memref<80xi32, #tpu.memory_space<vmem>>
        %dma_wait3A_182 = tpu.memref_slice %arg4[%add3A_174] : memref<3200000xi32, #tpu.memory_space<hbm>> -> memref<80xi32, #tpu.memory_space<hbm>>
        tpu.wait_dma2 semaphore(%arg36 : memref<!tpu.dma_semaphore, #tpu.memory_space<semaphore_mem>>) src(%dma_wait3A_182 : memref<80xi32, #tpu.memory_space<hbm>>) dst(%dma_wait3A_181 : memref<80xi32, #tpu.memory_space<vmem>>)
        %scan3A_183 = arith.constant 0 : i32
        scf.yield %scan3A_183 : i32
      }
      %scan3A_129 = arith.constant 25 : i32
      %scan3A_130 = arith.constant 0 : i32
      %scan3A_131 = arith.constant 0 : i32
      %scan3A_132 = arith.constant 25 : i32
      %scan3A_133 = arith.addi %scan3A_131, %scan3A_132 : i32
      %scan3A_134 = arith.constant 1 : i32
      %scan3A_135 = scf.for %scan3A_170 = %scan3A_131 to %scan3A_133 step %scan3A_134 iter_args(%scan3A_171 = %scan3A_130) -> (i32)  : i32 {
        %mul3A_172 = arith.constant 80 : i32
        %mul3A_173 = arith.muli %scan3A_170, %mul3A_172 : i32
        %add3A_174 = arith.addi %add3A_122, %mul3A_173 : i32
        %dma_wait3A_175 = arith.constant 0 : i32
        %dma_wait3A_176 = tpu.memref_slice %arg26[%scan3A_170, %dma_wait3A_175] : memref<25x80xi32, #tpu.memory_space<vmem>> -> memref<1x80xi32, #tpu.memory_space<vmem>>
        %dma_wait3A_177 = tpu.memref_squeeze %dma_wait3A_176 : memref<1x80xi32, #tpu.memory_space<vmem>> -> memref<80xi32, #tpu.memory_space<vmem>>
        %dma_wait3A_178 = tpu.memref_slice %arg5[%add3A_174] : memref<3200000xi32, #tpu.memory_space<hbm>> -> memref<80xi32, #tpu.memory_space<hbm>>
        %dma_wait3A_179 = arith.constant 0 : i32
        %dma_wait3A_180 = tpu.memref_slice %arg26[%scan3A_170, %dma_wait3A_179] : memref<25x80xi32, #tpu.memory_space<vmem>> -> memref<1x80xi32, #tpu.memory_space<vmem>>
        %dma_wait3A_181 = tpu.memref_squeeze %dma_wait3A_180 : memref<1x80xi32, #tpu.memory_space<vmem>> -> memref<80xi32, #tpu.memory_space<vmem>>
        %dma_wait3A_182 = tpu.memref_slice %arg5[%add3A_174] : memref<3200000xi32, #tpu.memory_space<hbm>> -> memref<80xi32, #tpu.memory_space<hbm>>
        tpu.wait_dma2 semaphore(%arg36 : memref<!tpu.dma_semaphore, #tpu.memory_space<semaphore_mem>>) src(%dma_wait3A_182 : memref<80xi32, #tpu.memory_space<hbm>>) dst(%dma_wait3A_181 : memref<80xi32, #tpu.memory_space<vmem>>)
        %scan3A_183 = arith.constant 0 : i32
        scf.yield %scan3A_183 : i32
      }
      %scan3A_136 = arith.constant 25 : i32
      %dma_wait3A_137 = tpu.memref_slice %arg2[%add3A_122] : memref<3200000xf32, #tpu.memory_space<hbm>> -> memref<2000xf32, #tpu.memory_space<hbm>>
      %dma_wait3A_138 = tpu.memref_slice %arg2[%add3A_122] : memref<3200000xf32, #tpu.memory_space<hbm>> -> memref<2000xf32, #tpu.memory_space<hbm>>
      tpu.wait_dma2 semaphore(%arg36 : memref<!tpu.dma_semaphore, #tpu.memory_space<semaphore_mem>>) src(%dma_wait3A_138 : memref<2000xf32, #tpu.memory_space<hbm>>) dst(%arg27 : memref<2000xf32, #tpu.memory_space<vmem>>)
      %dma_wait3A_139 = tpu.memref_slice %arg3[%add3A_122] : memref<3200000xf32, #tpu.memory_space<hbm>> -> memref<2000xf32, #tpu.memory_space<hbm>>
      %dma_wait3A_140 = tpu.memref_slice %arg3[%add3A_122] : memref<3200000xf32, #tpu.memory_space<hbm>> -> memref<2000xf32, #tpu.memory_space<hbm>>
      tpu.wait_dma2 semaphore(%arg36 : memref<!tpu.dma_semaphore, #tpu.memory_space<semaphore_mem>>) src(%dma_wait3A_140 : memref<2000xf32, #tpu.memory_space<hbm>>) dst(%arg28 : memref<2000xf32, #tpu.memory_space<vmem>>)
      %dma_wait3A_141 = tpu.memref_slice %arg6[%add3A_122] : memref<3200000xf32, #tpu.memory_space<hbm>> -> memref<2000xf32, #tpu.memory_space<hbm>>
      %dma_wait3A_142 = tpu.memref_slice %arg6[%add3A_122] : memref<3200000xf32, #tpu.memory_space<hbm>> -> memref<2000xf32, #tpu.memory_space<hbm>>
      tpu.wait_dma2 semaphore(%arg36 : memref<!tpu.dma_semaphore, #tpu.memory_space<semaphore_mem>>) src(%dma_wait3A_142 : memref<2000xf32, #tpu.memory_space<hbm>>) dst(%arg29 : memref<2000xf32, #tpu.memory_space<vmem>>)
      %add3A_143 = arith.constant 1 : i32
      %add3A_144 = arith.addi %mul3A_42, %add3A_143 : i32
      %scan3A_145 = arith.constant 0 : i32
      %scan3A_146 = arith.constant 0 : i32
      %scan3A_147 = arith.constant 25 : i32
      %scan3A_148 = arith.addi %scan3A_146, %scan3A_147 : i32
      %scan3A_149 = arith.constant 1 : i32
      %scan3A_150 = scf.for %scan3A_170 = %scan3A_146 to %scan3A_148 step %scan3A_149 iter_args(%scan3A_171 = %scan3A_145) -> (i32)  : i32 {
        %mul3A_172 = arith.constant 80 : i32
        %mul3A_173 = arith.muli %scan3A_170, %mul3A_172 : i32
        %dma_start3A_174 = tpu.memref_slice %arg30[%mul3A_173] : memref<2000xf32, #tpu.memory_space<vmem>> -> memref<80xf32, #tpu.memory_space<vmem>>
        %dma_start3A_175 = arith.constant 0 : i32
        %dma_start3A_176 = tpu.memref_slice %arg25[%scan3A_170, %dma_start3A_175] : memref<25x80xi32, #tpu.memory_space<vmem>> -> memref<1x80xi32, #tpu.memory_space<vmem>>
        %dma_start3A_177 = tpu.memref_squeeze %dma_start3A_176 : memref<1x80xi32, #tpu.memory_space<vmem>> -> memref<80xi32, #tpu.memory_space<vmem>>
        %dma_start3A_178 = arith.constant 0 : i32
        %dma_start3A_179 = tpu.memref_slice %arg12[%dma_start3A_178] : memref<100352xf32, #tpu.memory_space<vmem_shared>> -> memref<100352xf32, #tpu.memory_space<vmem_shared>>
        tpu.enqueue_indirect_dma source(%dma_start3A_179 : memref<100352xf32, #tpu.memory_space<vmem_shared>>) target(%dma_start3A_174 : memref<80xf32, #tpu.memory_space<vmem>>) offsets(%dma_start3A_177 : memref<80xi32, #tpu.memory_space<vmem>>) semaphore(%arg37 : memref<!tpu.dma_semaphore, #tpu.memory_space<semaphore_mem>>)
        %dma_start3A_180 = tpu.memref_slice %arg31[%mul3A_173] : memref<2000xf32, #tpu.memory_space<vmem>> -> memref<80xf32, #tpu.memory_space<vmem>>
        %dma_start3A_181 = arith.constant 0 : i32
        %dma_start3A_182 = tpu.memref_slice %arg25[%scan3A_170, %dma_start3A_181] : memref<25x80xi32, #tpu.memory_space<vmem>> -> memref<1x80xi32, #tpu.memory_space<vmem>>
        %dma_start3A_183 = tpu.memref_squeeze %dma_start3A_182 : memref<1x80xi32, #tpu.memory_space<vmem>> -> memref<80xi32, #tpu.memory_space<vmem>>
        %dma_start3A_184 = arith.constant 0 : i32
        %dma_start3A_185 = tpu.memref_slice %arg13[%dma_start3A_184] : memref<100352xf32, #tpu.memory_space<vmem_shared>> -> memref<100352xf32, #tpu.memory_space<vmem_shared>>
        tpu.enqueue_indirect_dma source(%dma_start3A_185 : memref<100352xf32, #tpu.memory_space<vmem_shared>>) target(%dma_start3A_180 : memref<80xf32, #tpu.memory_space<vmem>>) offsets(%dma_start3A_183 : memref<80xi32, #tpu.memory_space<vmem>>) semaphore(%arg37 : memref<!tpu.dma_semaphore, #tpu.memory_space<semaphore_mem>>)
        %dma_start3A_186 = tpu.memref_slice %arg32[%mul3A_173] : memref<2000xf32, #tpu.memory_space<vmem>> -> memref<80xf32, #tpu.memory_space<vmem>>
        %dma_start3A_187 = arith.constant 0 : i32
        %dma_start3A_188 = tpu.memref_slice %arg26[%scan3A_170, %dma_start3A_187] : memref<25x80xi32, #tpu.memory_space<vmem>> -> memref<1x80xi32, #tpu.memory_space<vmem>>
        %dma_start3A_189 = tpu.memref_squeeze %dma_start3A_188 : memref<1x80xi32, #tpu.memory_space<vmem>> -> memref<80xi32, #tpu.memory_space<vmem>>
        %dma_start3A_190 = arith.constant 0 : i32
        %dma_start3A_191 = tpu.memref_slice %arg14[%dma_start3A_190] : memref<100352xf32, #tpu.memory_space<vmem_shared>> -> memref<100352xf32, #tpu.memory_space<vmem_shared>>
        tpu.enqueue_indirect_dma source(%dma_start3A_191 : memref<100352xf32, #tpu.memory_space<vmem_shared>>) target(%dma_start3A_186 : memref<80xf32, #tpu.memory_space<vmem>>) offsets(%dma_start3A_189 : memref<80xi32, #tpu.memory_space<vmem>>) semaphore(%arg37 : memref<!tpu.dma_semaphore, #tpu.memory_space<semaphore_mem>>)
        %dma_start3A_192 = tpu.memref_slice %arg33[%mul3A_173] : memref<2000xf32, #tpu.memory_space<vmem>> -> memref<80xf32, #tpu.memory_space<vmem>>
        %dma_start3A_193 = arith.constant 0 : i32
        %dma_start3A_194 = tpu.memref_slice %arg26[%scan3A_170, %dma_start3A_193] : memref<25x80xi32, #tpu.memory_space<vmem>> -> memref<1x80xi32, #tpu.memory_space<vmem>>
        %dma_start3A_195 = tpu.memref_squeeze %dma_start3A_194 : memref<1x80xi32, #tpu.memory_space<vmem>> -> memref<80xi32, #tpu.memory_space<vmem>>
        %dma_start3A_196 = arith.constant 0 : i32
        %dma_start3A_197 = tpu.memref_slice %arg15[%dma_start3A_196] : memref<100352xf32, #tpu.memory_space<vmem_shared>> -> memref<100352xf32, #tpu.memory_space<vmem_shared>>
        tpu.enqueue_indirect_dma source(%dma_start3A_197 : memref<100352xf32, #tpu.memory_space<vmem_shared>>) target(%dma_start3A_192 : memref<80xf32, #tpu.memory_space<vmem>>) offsets(%dma_start3A_195 : memref<80xi32, #tpu.memory_space<vmem>>) semaphore(%arg37 : memref<!tpu.dma_semaphore, #tpu.memory_space<semaphore_mem>>)
        %scan3A_198 = arith.constant 0 : i32
        scf.yield %scan3A_198 : i32
      }
      %scan3A_151 = arith.constant 25 : i32
      %scan3A_152 = arith.constant 0 : i32
      %scan3A_153 = arith.constant 0 : i32
      %scan3A_154 = arith.constant 25 : i32
      %scan3A_155 = arith.addi %scan3A_153, %scan3A_154 : i32
      %scan3A_156 = arith.constant 1 : i32
      %scan3A_157 = scf.for %scan3A_170 = %scan3A_153 to %scan3A_155 step %scan3A_156 iter_args(%scan3A_171 = %scan3A_152) -> (i32)  : i32 {
        %mul3A_172 = arith.constant 80 : i32
        %mul3A_173 = arith.muli %scan3A_170, %mul3A_172 : i32
        %dma_wait3A_174 = tpu.memref_slice %arg30[%mul3A_173] : memref<2000xf32, #tpu.memory_space<vmem>> -> memref<80xf32, #tpu.memory_space<vmem>>
        %dma_wait3A_175 = arith.constant 0 : i32
        %dma_wait3A_176 = tpu.memref_slice %arg25[%scan3A_170, %dma_wait3A_175] : memref<25x80xi32, #tpu.memory_space<vmem>> -> memref<1x80xi32, #tpu.memory_space<vmem>>
        %dma_wait3A_177 = tpu.memref_squeeze %dma_wait3A_176 : memref<1x80xi32, #tpu.memory_space<vmem>> -> memref<80xi32, #tpu.memory_space<vmem>>
        %dma_wait3A_178 = arith.constant 0 : i32
        %dma_wait3A_179 = tpu.memref_slice %arg12[%dma_wait3A_178] : memref<100352xf32, #tpu.memory_space<vmem_shared>> -> memref<100352xf32, #tpu.memory_space<vmem_shared>>
        tpu.wait_indirect_dma semaphore(%arg37 : memref<!tpu.dma_semaphore, #tpu.memory_space<semaphore_mem>>) src(%dma_wait3A_179 : memref<100352xf32, #tpu.memory_space<vmem_shared>>) dst(%dma_wait3A_174 : memref<80xf32, #tpu.memory_space<vmem>>)
        %dma_wait3A_180 = tpu.memref_slice %arg31[%mul3A_173] : memref<2000xf32, #tpu.memory_space<vmem>> -> memref<80xf32, #tpu.memory_space<vmem>>
        %dma_wait3A_181 = arith.constant 0 : i32
        %dma_wait3A_182 = tpu.memref_slice %arg25[%scan3A_170, %dma_wait3A_181] : memref<25x80xi32, #tpu.memory_space<vmem>> -> memref<1x80xi32, #tpu.memory_space<vmem>>
        %dma_wait3A_183 = tpu.memref_squeeze %dma_wait3A_182 : memref<1x80xi32, #tpu.memory_space<vmem>> -> memref<80xi32, #tpu.memory_space<vmem>>
        %dma_wait3A_184 = arith.constant 0 : i32
        %dma_wait3A_185 = tpu.memref_slice %arg13[%dma_wait3A_184] : memref<100352xf32, #tpu.memory_space<vmem_shared>> -> memref<100352xf32, #tpu.memory_space<vmem_shared>>
        tpu.wait_indirect_dma semaphore(%arg37 : memref<!tpu.dma_semaphore, #tpu.memory_space<semaphore_mem>>) src(%dma_wait3A_185 : memref<100352xf32, #tpu.memory_space<vmem_shared>>) dst(%dma_wait3A_180 : memref<80xf32, #tpu.memory_space<vmem>>)
        %dma_wait3A_186 = tpu.memref_slice %arg32[%mul3A_173] : memref<2000xf32, #tpu.memory_space<vmem>> -> memref<80xf32, #tpu.memory_space<vmem>>
        %dma_wait3A_187 = arith.constant 0 : i32
        %dma_wait3A_188 = tpu.memref_slice %arg26[%scan3A_170, %dma_wait3A_187] : memref<25x80xi32, #tpu.memory_space<vmem>> -> memref<1x80xi32, #tpu.memory_space<vmem>>
        %dma_wait3A_189 = tpu.memref_squeeze %dma_wait3A_188 : memref<1x80xi32, #tpu.memory_space<vmem>> -> memref<80xi32, #tpu.memory_space<vmem>>
        %dma_wait3A_190 = arith.constant 0 : i32
        %dma_wait3A_191 = tpu.memref_slice %arg14[%dma_wait3A_190] : memref<100352xf32, #tpu.memory_space<vmem_shared>> -> memref<100352xf32, #tpu.memory_space<vmem_shared>>
        tpu.wait_indirect_dma semaphore(%arg37 : memref<!tpu.dma_semaphore, #tpu.memory_space<semaphore_mem>>) src(%dma_wait3A_191 : memref<100352xf32, #tpu.memory_space<vmem_shared>>) dst(%dma_wait3A_186 : memref<80xf32, #tpu.memory_space<vmem>>)
        %dma_wait3A_192 = tpu.memref_slice %arg33[%mul3A_173] : memref<2000xf32, #tpu.memory_space<vmem>> -> memref<80xf32, #tpu.memory_space<vmem>>
        %dma_wait3A_193 = arith.constant 0 : i32
        %dma_wait3A_194 = tpu.memref_slice %arg26[%scan3A_170, %dma_wait3A_193] : memref<25x80xi32, #tpu.memory_space<vmem>> -> memref<1x80xi32, #tpu.memory_space<vmem>>
        %dma_wait3A_195 = tpu.memref_squeeze %dma_wait3A_194 : memref<1x80xi32, #tpu.memory_space<vmem>> -> memref<80xi32, #tpu.memory_space<vmem>>
        %dma_wait3A_196 = arith.constant 0 : i32
        %dma_wait3A_197 = tpu.memref_slice %arg15[%dma_wait3A_196] : memref<100352xf32, #tpu.memory_space<vmem_shared>> -> memref<100352xf32, #tpu.memory_space<vmem_shared>>
        tpu.wait_indirect_dma semaphore(%arg37 : memref<!tpu.dma_semaphore, #tpu.memory_space<semaphore_mem>>) src(%dma_wait3A_197 : memref<100352xf32, #tpu.memory_space<vmem_shared>>) dst(%dma_wait3A_192 : memref<80xf32, #tpu.memory_space<vmem>>)
        %scan3A_198 = arith.constant 0 : i32
        scf.yield %scan3A_198 : i32
      }
      %scan3A_158 = arith.constant 25 : i32
      %get3A_159 = arith.constant 0 : index
      %get3A_160 = tpu.vector_load %arg38[%get3A_159] {strides = array<i32>} : memref<16xf32, #tpu.memory_space<vmem>>, vector<16xf32>,
      %scan3A_161 = arith.constant 0 : i32
      %scan3A_162 = arith.constant 125 : i32
      %scan3A_163 = arith.addi %scan3A_161, %scan3A_162 : i32
      %scan3A_164 = arith.constant 1 : i32
      %scan3A_165 = scf.for %scan3A_170 = %scan3A_161 to %scan3A_163 step %scan3A_164 iter_args(%scan3A_171 = %get3A_160) -> (vector<16xf32>)  : i32 {
        %mul3A_172 = arith.constant 16 : i32
        %mul3A_173 = arith.muli %scan3A_170, %mul3A_172 : i32
        %get3A_174 = arith.index_cast %mul3A_173 : i32 to index
        %get3A_175 = tpu.vector_load %arg30[%get3A_174] {strides = array<i32>} : memref<2000xf32, #tpu.memory_space<vmem>>, vector<16xf32>,
        %get3A_176 = arith.index_cast %mul3A_173 : i32 to index
        %get3A_177 = tpu.vector_load %arg27[%get3A_176] {strides = array<i32>} : memref<2000xf32, #tpu.memory_space<vmem>>, vector<16xf32>,
        %exp3A = math.exp %get3A_177 : vector<16xf32>
        %mul3A_178 = arith.mulf %get3A_175, %exp3A : vector<16xf32>
        %get3A_179 = arith.index_cast %mul3A_173 : i32 to index
        %get3A_180 = tpu.vector_load %arg32[%get3A_179] {strides = array<i32>} : memref<2000xf32, #tpu.memory_space<vmem>>, vector<16xf32>,
        %get3A_181 = arith.index_cast %mul3A_173 : i32 to index
        %get3A_182 = tpu.vector_load %arg31[%get3A_181] {strides = array<i32>} : memref<2000xf32, #tpu.memory_space<vmem>>, vector<16xf32>,
        %mul3A_183 = arith.mulf %get3A_180, %get3A_182 : vector<16xf32>
        %get3A_184 = arith.index_cast %mul3A_173 : i32 to index
        %get3A_185 = tpu.vector_load %arg28[%get3A_184] {strides = array<i32>} : memref<2000xf32, #tpu.memory_space<vmem>>, vector<16xf32>,
        %exp3A_186 = math.exp %get3A_185 : vector<16xf32>
        %mul3A_187 = arith.mulf %mul3A_183, %exp3A_186 : vector<16xf32>
        %get3A_188 = arith.index_cast %mul3A_173 : i32 to index
        %get3A_189 = tpu.vector_load %arg29[%get3A_188] {strides = array<i32>} : memref<2000xf32, #tpu.memory_space<vmem>>, vector<16xf32>,
        %get3A_190 = arith.index_cast %mul3A_173 : i32 to index
        %get3A_191 = tpu.vector_load %arg33[%get3A_190] {strides = array<i32>} : memref<2000xf32, #tpu.memory_space<vmem>>, vector<16xf32>,
        %sub3A = arith.subf %get3A_191, %get3A_189 : vector<16xf32>
        %add3A_192 = arith.constant 9.99999971E-10 : f32
        %add3A_193 = vector.broadcast %add3A_192 : f32 to vector<16xf32>
        %add3A_194 = arith.addf %sub3A, %add3A_193 : vector<16xf32>
        %div3A = arith.divf %get3A_189, %add3A_194 : vector<16xf32>
        %add3A_195 = arith.constant 1.000000e+00 : f32
        %add3A_196 = vector.broadcast %add3A_195 : f32 to vector<16xf32>
        %add3A_197 = arith.addf %add3A_196, %div3A : vector<16xf32>
        %bitcast_convert_type3A = tpu.bitcast %add3A_197 : vector<16xf32> -> vector<16xi32>
        %add3A_198 = arith.constant 4913933 : i32
        %add3A_199 = vector.broadcast %add3A_198 : i32 to vector<16xi32>
        %add3A_200 = arith.addi %bitcast_convert_type3A, %add3A_199 : vector<16xi32>
        %shift_right_arithmetic3A = arith.constant 23 : i32
        %shift_right_arithmetic3A_201 = vector.broadcast %shift_right_arithmetic3A : i32 to vector<16xi32>
        %shift_right_arithmetic3A_202 = arith.shrsi %add3A_200, %shift_right_arithmetic3A_201 : vector<16xi32>
        %sub3A_203 = arith.constant 127 : i32
        %sub3A_204 = vector.broadcast %sub3A_203 : i32 to vector<16xi32>
        %sub3A_205 = arith.subi %shift_right_arithmetic3A_202, %sub3A_204 : vector<16xi32>
        %and3A = arith.constant 8388607 : i32
        %and3A_206 = vector.broadcast %and3A : i32 to vector<16xi32>
        %and3A_207 = arith.andi %add3A_200, %and3A_206 : vector<16xi32>
        %add3A_208 = arith.constant 1060439283 : i32
        %add3A_209 = vector.broadcast %add3A_208 : i32 to vector<16xi32>
        %add3A_210 = arith.addi %and3A_207, %add3A_209 : vector<16xi32>
        %bitcast_convert_type3A_211 = tpu.bitcast %add3A_210 : vector<16xi32> -> vector<16xf32>
        %sub3A_212 = arith.constant 1.000000e+00 : f32
        %sub3A_213 = vector.broadcast %sub3A_212 : f32 to vector<16xf32>
        %sub3A_214 = arith.subf %bitcast_convert_type3A_211, %sub3A_213 : vector<16xf32>
        %add3A_215 = arith.constant 2.000000e+00 : f32
        %add3A_216 = vector.broadcast %add3A_215 : f32 to vector<16xf32>
        %add3A_217 = arith.addf %add3A_216, %sub3A_214 : vector<16xf32>
        %div3A_218 = arith.divf %sub3A_214, %add3A_217 : vector<16xf32>
        %mul3A_219 = arith.mulf %div3A_218, %div3A_218 : vector<16xf32>
        %mul3A_220 = arith.mulf %mul3A_219, %mul3A_219 : vector<16xf32>
        %mul3A_221 = arith.constant 0.242790788 : f32
        %mul3A_222 = vector.broadcast %mul3A_221 : f32 to vector<16xf32>
        %mul3A_223 = arith.mulf %mul3A_220, %mul3A_222 : vector<16xf32>
        %add3A_224 = arith.constant 0.400009722 : f32
        %add3A_225 = vector.broadcast %add3A_224 : f32 to vector<16xf32>
        %add3A_226 = arith.addf %add3A_225, %mul3A_223 : vector<16xf32>
        %mul3A_227 = arith.mulf %mul3A_220, %add3A_226 : vector<16xf32>
        %mul3A_228 = arith.constant 0.284987867 : f32
        %mul3A_229 = vector.broadcast %mul3A_228 : f32 to vector<16xf32>
        %mul3A_230 = arith.mulf %mul3A_220, %mul3A_229 : vector<16xf32>
        %add3A_231 = arith.constant 0.666666627 : f32
        %add3A_232 = vector.broadcast %add3A_231 : f32 to vector<16xf32>
        %add3A_233 = arith.addf %add3A_232, %mul3A_230 : vector<16xf32>
        %mul3A_234 = arith.mulf %mul3A_219, %add3A_233 : vector<16xf32>
        %mul3A_235 = arith.constant 5.000000e-01 : f32
        %mul3A_236 = vector.broadcast %mul3A_235 : f32 to vector<16xf32>
        %mul3A_237 = arith.mulf %mul3A_236, %sub3A_214 : vector<16xf32>
        %mul3A_238 = arith.mulf %mul3A_237, %sub3A_214 : vector<16xf32>
        %sub3A_239 = arith.subf %sub3A_214, %mul3A_238 : vector<16xf32>
        %add3A_240 = arith.addf %mul3A_238, %mul3A_227 : vector<16xf32>
        %add3A_241 = arith.addf %add3A_240, %mul3A_234 : vector<16xf32>
        %mul3A_242 = arith.mulf %div3A_218, %add3A_241 : vector<16xf32>
        %add3A_243 = arith.addf %sub3A_239, %mul3A_242 : vector<16xf32>
        %mul3A_244 = arith.constant 1.44269502 : f32
        %mul3A_245 = vector.broadcast %mul3A_244 : f32 to vector<16xf32>
        %mul3A_246 = arith.mulf %add3A_243, %mul3A_245 : vector<16xf32>
        %convert_element_type3A_247 = arith.sitofp %sub3A_205 : vector<16xi32> to vector<16xf32>
        %add3A_248 = arith.addf %mul3A_246, %convert_element_type3A_247 : vector<16xf32>
        %add3A_249 = arith.constant 9.99999968E-21 : f32
        %add3A_250 = vector.broadcast %add3A_249 : f32 to vector<16xf32>
        %add3A_251 = arith.addf %add3A_248, %add3A_250 : vector<16xf32>
        %div3A_252 = arith.divf %mul3A_178, %add3A_251 : vector<16xf32>
        %add3A_253 = arith.addf %scan3A_171, %div3A_252 : vector<16xf32>
        %add3A_254 = arith.constant 9.99999968E-21 : f32
        %add3A_255 = vector.broadcast %add3A_254 : f32 to vector<16xf32>
        %add3A_256 = arith.addf %mul3A_187, %add3A_255 : vector<16xf32>
        %div3A_257 = arith.divf %mul3A_178, %add3A_256 : vector<16xf32>
        %add3A_258 = arith.addf %add3A_253, %div3A_257 : vector<16xf32>
        scf.yield %add3A_258 : vector<16xf32>
      }
      %scan3A_166 = arith.constant 125 : i32
      %swap3A_167 = arith.constant 0 : index
      %swap3A_168 = tpu.vector_load %arg38[%swap3A_167] {strides = array<i32>} : memref<16xf32, #tpu.memory_space<vmem>>, vector<16xf32>,
      tpu.vector_store %arg38[%swap3A_167], %scan3A_165 {strides = array<i32>} : memref<16xf32, #tpu.memory_space<vmem>>, vector<16xf32>,
      %scan3A_169 = arith.constant 0 : i32
      scf.yield %scan3A_169 : i32
    }
    %scan3A_33 = arith.constant 25 : i32
    %get3A = arith.constant 0 : index
    %get3A_34 = tpu.vector_load %arg38[%get3A] {strides = array<i32>} : memref<16xf32, #tpu.memory_space<vmem>>, vector<16xf32>,
    %swap3A_35 = arith.constant 0 : index
    %swap3A_36 = tpu.vector_load %arg34[%swap3A_35] {strides = array<i32>} : memref<16xf32, #tpu.memory_space<vmem>>, vector<16xf32>,
    tpu.vector_store %arg34[%swap3A_35], %get3A_34 {strides = array<i32>} : memref<16xf32, #tpu.memory_space<vmem>>, vector<16xf32>,
    %mul3A_37 = arith.constant 16 : i32
    %mul3A_38 = arith.muli %add3A, %mul3A_37 : i32
    "tpu.region"() ({
      %run_scoped3A = tpu.sem_alloc : memref<!tpu.dma_semaphore, #tpu.memory_space<semaphore_mem>>
      %dma_start3A_39 = tpu.memref_slice %arg11[%mul3A_38] : memref<512xf32, #tpu.memory_space<hbm>> -> memref<16xf32, #tpu.memory_space<hbm>>
      %dma_start3A_40 = tpu.memref_slice %arg11[%mul3A_38] : memref<512xf32, #tpu.memory_space<hbm>> -> memref<16xf32, #tpu.memory_space<hbm>>
      tpu.enqueue_dma source(%arg34 : memref<16xf32, #tpu.memory_space<vmem>>) target(%dma_start3A_40 : memref<16xf32, #tpu.memory_space<hbm>>) target_semaphore(%run_scoped3A : memref<!tpu.dma_semaphore, #tpu.memory_space<semaphore_mem>>)
      %dma_wait3A = tpu.memref_slice %arg11[%mul3A_38] : memref<512xf32, #tpu.memory_space<hbm>> -> memref<16xf32, #tpu.memory_space<hbm>>
      %dma_wait3A_41 = tpu.memref_slice %arg11[%mul3A_38] : memref<512xf32, #tpu.memory_space<hbm>> -> memref<16xf32, #tpu.memory_space<hbm>>
      tpu.wait_dma2 semaphore(%run_scoped3A : memref<!tpu.dma_semaphore, #tpu.memory_space<semaphore_mem>>) src(%arg34 : memref<16xf32, #tpu.memory_space<vmem>>) dst(%dma_wait3A_41 : memref<16xf32, #tpu.memory_space<hbm>>)
      tpu.yield
    }) : () -> ()
    return
  }
}

#map = affine_map<(d0, d1) -> (0)>
module attributes {stable_mosaic.version = 14 : i64} {
  func.func @_l2_body(%arg0: i32, %arg1: i32, %arg2: memref<3200000xf32, #tpu.memory_space<hbm>>, %arg3: memref<3200000xf32, #tpu.memory_space<hbm>>, %arg4: memref<3200000xi32, #tpu.memory_space<hbm>>, %arg5: memref<3200000xi32, #tpu.memory_space<hbm>>, %arg6: memref<100352xf32, #tpu.memory_space<hbm>>, %arg7: memref<3200000xf32, #tpu.memory_space<hbm>>, %arg8: memref<200704xf32, #tpu.memory_space<hbm>>, %arg9: memref<100352xf32, #tpu.memory_space<vmem_shared>>, %arg10: memref<100352xf32, #tpu.memory_space<vmem>>, %arg11: memref<25x80xi32, #tpu.memory_space<vmem>>, %arg12: memref<2000xi32, #tpu.memory_space<vmem>>, %arg13: memref<2000xf32, #tpu.memory_space<vmem>>, %arg14: memref<2000xf32, #tpu.memory_space<vmem>>, %arg15: memref<25x80xi32, #tpu.memory_space<vmem>>, %arg16: memref<2000xi32, #tpu.memory_space<vmem>>, %arg17: memref<2000xf32, #tpu.memory_space<vmem>>, %arg18: memref<2000xf32, #tpu.memory_space<vmem>>, %arg19: memref<!tpu.dma_semaphore, #tpu.memory_space<semaphore_mem>>, %arg20: memref<!tpu.dma_semaphore, #tpu.memory_space<semaphore_mem>>, %arg21: memref<!tpu.dma_semaphore, #tpu.memory_space<semaphore_mem>>) attributes {dimension_semantics = [#tpu.dimension_semantics<core_parallel>, #tpu.dimension_semantics<subcore_parallel>], iteration_bounds = array<i64: 2, 16>, scalar_prefetch = 0 : i64, scratch_operands = 13 : i64, tpu.core_type = #tpu.core_type<sc_vector_subcore>, window_params = [{transform_indices = #map}, {transform_indices = #map}, {transform_indices = #map}, {transform_indices = #map}, {transform_indices = #map}, {transform_indices = #map}, {transform_indices = #map}]} {
    %mul3A = arith.constant 16 : i32
    %mul3A_0 = arith.muli %arg0, %mul3A : i32
    %add3A = arith.addi %mul3A_0, %arg1 : i32
    %mul3A_1 = arith.constant 6272 : i32
    %mul3A_2 = arith.muli %arg1, %mul3A_1 : i32
    "tpu.region"() ({
      %run_scoped3A = tpu.sem_alloc : memref<!tpu.dma_semaphore, #tpu.memory_space<semaphore_mem>>
      tpu.enqueue_dma source(%arg6 : memref<100352xf32, #tpu.memory_space<hbm>>) target(%arg10 : memref<100352xf32, #tpu.memory_space<vmem>>) target_semaphore(%run_scoped3A : memref<!tpu.dma_semaphore, #tpu.memory_space<semaphore_mem>>)
      tpu.wait_dma2 semaphore(%run_scoped3A : memref<!tpu.dma_semaphore, #tpu.memory_space<semaphore_mem>>) src(%arg6 : memref<100352xf32, #tpu.memory_space<hbm>>) dst(%arg10 : memref<100352xf32, #tpu.memory_space<vmem>>)
      tpu.yield
    }) : () -> ()
    %scan3A = arith.constant 0 : i32
    %scan3A_3 = arith.constant 0 : i32
    %scan3A_4 = arith.constant 125 : i32
    %scan3A_5 = arith.addi %scan3A_3, %scan3A_4 : i32
    %scan3A_6 = arith.constant 1 : i32
    %scan3A_7 = scf.for %scan3A_44 = %scan3A_3 to %scan3A_5 step %scan3A_6 iter_args(%scan3A_45 = %scan3A) -> (i32)  : i32 {
      %broadcast_in_dim3A = arith.constant 0.000000e+00 : f32
      %broadcast_in_dim3A_46 = vector.broadcast %broadcast_in_dim3A : f32 to vector<16xf32>
      %mul3A_47 = arith.constant 16 : i32
      %mul3A_48 = arith.muli %scan3A_44, %mul3A_47 : i32
      %swap3A = arith.index_cast %mul3A_48 : i32 to index
      %swap3A_49 = tpu.vector_load %arg13[%swap3A] {strides = array<i32>} : memref<2000xf32, #tpu.memory_space<vmem>>, vector<16xf32>,
      tpu.vector_store %arg13[%swap3A], %broadcast_in_dim3A_46 {strides = array<i32>} : memref<2000xf32, #tpu.memory_space<vmem>>, vector<16xf32>,
      %scan3A_50 = arith.constant 0 : i32
      scf.yield %scan3A_50 : i32
    }
    %scan3A_8 = arith.constant 125 : i32
    %add3A_9 = arith.constant 0 : i32
    %add3A_10 = arith.addi %mul3A_2, %add3A_9 : i32
    "tpu.region"() ({
      %run_scoped3A = tpu.sem_alloc : memref<!tpu.dma_semaphore, #tpu.memory_space<semaphore_mem>>
      %dma_start3A_44 = tpu.memref_slice %arg9[%add3A_10] : memref<100352xf32, #tpu.memory_space<vmem_shared>> -> memref<2000xf32, #tpu.memory_space<vmem_shared>>
      %dma_start3A_45 = tpu.memref_slice %arg9[%add3A_10] : memref<100352xf32, #tpu.memory_space<vmem_shared>> -> memref<2000xf32, #tpu.memory_space<vmem_shared>>
      tpu.enqueue_dma source(%arg13 : memref<2000xf32, #tpu.memory_space<vmem>>) target(%dma_start3A_45 : memref<2000xf32, #tpu.memory_space<vmem_shared>>) target_semaphore(%run_scoped3A : memref<!tpu.dma_semaphore, #tpu.memory_space<semaphore_mem>>)
      %dma_wait3A = tpu.memref_slice %arg9[%add3A_10] : memref<100352xf32, #tpu.memory_space<vmem_shared>> -> memref<2000xf32, #tpu.memory_space<vmem_shared>>
      %dma_wait3A_46 = tpu.memref_slice %arg9[%add3A_10] : memref<100352xf32, #tpu.memory_space<vmem_shared>> -> memref<2000xf32, #tpu.memory_space<vmem_shared>>
      tpu.wait_dma2 semaphore(%run_scoped3A : memref<!tpu.dma_semaphore, #tpu.memory_space<semaphore_mem>>) src(%arg13 : memref<2000xf32, #tpu.memory_space<vmem>>) dst(%dma_wait3A_46 : memref<2000xf32, #tpu.memory_space<vmem_shared>>)
      tpu.yield
    }) : () -> ()
    %add3A_11 = arith.constant 2000 : i32
    %add3A_12 = arith.addi %mul3A_2, %add3A_11 : i32
    "tpu.region"() ({
      %run_scoped3A = tpu.sem_alloc : memref<!tpu.dma_semaphore, #tpu.memory_space<semaphore_mem>>
      %dma_start3A_44 = tpu.memref_slice %arg9[%add3A_12] : memref<100352xf32, #tpu.memory_space<vmem_shared>> -> memref<2000xf32, #tpu.memory_space<vmem_shared>>
      %dma_start3A_45 = tpu.memref_slice %arg9[%add3A_12] : memref<100352xf32, #tpu.memory_space<vmem_shared>> -> memref<2000xf32, #tpu.memory_space<vmem_shared>>
      tpu.enqueue_dma source(%arg13 : memref<2000xf32, #tpu.memory_space<vmem>>) target(%dma_start3A_45 : memref<2000xf32, #tpu.memory_space<vmem_shared>>) target_semaphore(%run_scoped3A : memref<!tpu.dma_semaphore, #tpu.memory_space<semaphore_mem>>)
      %dma_wait3A = tpu.memref_slice %arg9[%add3A_12] : memref<100352xf32, #tpu.memory_space<vmem_shared>> -> memref<2000xf32, #tpu.memory_space<vmem_shared>>
      %dma_wait3A_46 = tpu.memref_slice %arg9[%add3A_12] : memref<100352xf32, #tpu.memory_space<vmem_shared>> -> memref<2000xf32, #tpu.memory_space<vmem_shared>>
      tpu.wait_dma2 semaphore(%run_scoped3A : memref<!tpu.dma_semaphore, #tpu.memory_space<semaphore_mem>>) src(%arg13 : memref<2000xf32, #tpu.memory_space<vmem>>) dst(%dma_wait3A_46 : memref<2000xf32, #tpu.memory_space<vmem_shared>>)
      tpu.yield
    }) : () -> ()
    %add3A_13 = arith.constant 4000 : i32
    %add3A_14 = arith.addi %mul3A_2, %add3A_13 : i32
    "tpu.region"() ({
      %run_scoped3A = tpu.sem_alloc : memref<!tpu.dma_semaphore, #tpu.memory_space<semaphore_mem>>
      %dma_start3A_44 = tpu.memref_slice %arg9[%add3A_14] : memref<100352xf32, #tpu.memory_space<vmem_shared>> -> memref<2000xf32, #tpu.memory_space<vmem_shared>>
      %dma_start3A_45 = tpu.memref_slice %arg9[%add3A_14] : memref<100352xf32, #tpu.memory_space<vmem_shared>> -> memref<2000xf32, #tpu.memory_space<vmem_shared>>
      tpu.enqueue_dma source(%arg13 : memref<2000xf32, #tpu.memory_space<vmem>>) target(%dma_start3A_45 : memref<2000xf32, #tpu.memory_space<vmem_shared>>) target_semaphore(%run_scoped3A : memref<!tpu.dma_semaphore, #tpu.memory_space<semaphore_mem>>)
      %dma_wait3A = tpu.memref_slice %arg9[%add3A_14] : memref<100352xf32, #tpu.memory_space<vmem_shared>> -> memref<2000xf32, #tpu.memory_space<vmem_shared>>
      %dma_wait3A_46 = tpu.memref_slice %arg9[%add3A_14] : memref<100352xf32, #tpu.memory_space<vmem_shared>> -> memref<2000xf32, #tpu.memory_space<vmem_shared>>
      tpu.wait_dma2 semaphore(%run_scoped3A : memref<!tpu.dma_semaphore, #tpu.memory_space<semaphore_mem>>) src(%arg13 : memref<2000xf32, #tpu.memory_space<vmem>>) dst(%dma_wait3A_46 : memref<2000xf32, #tpu.memory_space<vmem_shared>>)
      tpu.yield
    }) : () -> ()
    %add3A_15 = arith.constant 6000 : i32
    %add3A_16 = arith.addi %mul3A_2, %add3A_15 : i32
    "tpu.region"() ({
      %run_scoped3A = tpu.sem_alloc : memref<!tpu.dma_semaphore, #tpu.memory_space<semaphore_mem>>
      %dma_start3A_44 = arith.constant 0 : i32
      %dma_start3A_45 = tpu.memref_slice %arg13[%dma_start3A_44] : memref<2000xf32, #tpu.memory_space<vmem>> -> memref<272xf32, #tpu.memory_space<vmem>>
      %dma_start3A_46 = tpu.memref_slice %arg9[%add3A_16] : memref<100352xf32, #tpu.memory_space<vmem_shared>> -> memref<272xf32, #tpu.memory_space<vmem_shared>>
      %dma_start3A_47 = tpu.memref_slice %arg9[%add3A_16] : memref<100352xf32, #tpu.memory_space<vmem_shared>> -> memref<272xf32, #tpu.memory_space<vmem_shared>>
      %dma_start3A_48 = arith.constant 0 : i32
      %dma_start3A_49 = tpu.memref_slice %arg13[%dma_start3A_48] : memref<2000xf32, #tpu.memory_space<vmem>> -> memref<272xf32, #tpu.memory_space<vmem>>
      tpu.enqueue_dma source(%dma_start3A_49 : memref<272xf32, #tpu.memory_space<vmem>>) target(%dma_start3A_47 : memref<272xf32, #tpu.memory_space<vmem_shared>>) target_semaphore(%run_scoped3A : memref<!tpu.dma_semaphore, #tpu.memory_space<semaphore_mem>>)
      %dma_wait3A = arith.constant 0 : i32
      %dma_wait3A_50 = tpu.memref_slice %arg13[%dma_wait3A] : memref<2000xf32, #tpu.memory_space<vmem>> -> memref<272xf32, #tpu.memory_space<vmem>>
      %dma_wait3A_51 = tpu.memref_slice %arg9[%add3A_16] : memref<100352xf32, #tpu.memory_space<vmem_shared>> -> memref<272xf32, #tpu.memory_space<vmem_shared>>
      %dma_wait3A_52 = tpu.memref_slice %arg9[%add3A_16] : memref<100352xf32, #tpu.memory_space<vmem_shared>> -> memref<272xf32, #tpu.memory_space<vmem_shared>>
      %dma_wait3A_53 = arith.constant 0 : i32
      %dma_wait3A_54 = tpu.memref_slice %arg13[%dma_wait3A_53] : memref<2000xf32, #tpu.memory_space<vmem>> -> memref<272xf32, #tpu.memory_space<vmem>>
      tpu.wait_dma2 semaphore(%run_scoped3A : memref<!tpu.dma_semaphore, #tpu.memory_space<semaphore_mem>>) src(%dma_wait3A_54 : memref<272xf32, #tpu.memory_space<vmem>>) dst(%dma_wait3A_52 : memref<272xf32, #tpu.memory_space<vmem_shared>>)
      tpu.yield
    }) : () -> ()
    %barrier3A = arith.constant 0 : index
    tpu.barrier barrier_id(%barrier3A)
    %mul3A_17 = arith.constant 100000 : i32
    %mul3A_18 = arith.muli %add3A, %mul3A_17 : i32
    %add3A_19 = arith.constant 0 : i32
    %add3A_20 = arith.addi %mul3A_18, %add3A_19 : i32
    %scan3A_21 = arith.constant 0 : i32
    %scan3A_22 = arith.constant 0 : i32
    %scan3A_23 = arith.constant 25 : i32
    %scan3A_24 = arith.addi %scan3A_22, %scan3A_23 : i32
    %scan3A_25 = arith.constant 1 : i32
    %scan3A_26 = scf.for %scan3A_44 = %scan3A_22 to %scan3A_24 step %scan3A_25 iter_args(%scan3A_45 = %scan3A_21) -> (i32)  : i32 {
      %mul3A_46 = arith.constant 80 : i32
      %mul3A_47 = arith.muli %scan3A_44, %mul3A_46 : i32
      %add3A_48 = arith.addi %add3A_20, %mul3A_47 : i32
      %dma_start3A_49 = arith.constant 0 : i32
      %dma_start3A_50 = tpu.memref_slice %arg11[%scan3A_44, %dma_start3A_49] : memref<25x80xi32, #tpu.memory_space<vmem>> -> memref<1x80xi32, #tpu.memory_space<vmem>>
      %dma_start3A_51 = tpu.memref_squeeze %dma_start3A_50 : memref<1x80xi32, #tpu.memory_space<vmem>> -> memref<80xi32, #tpu.memory_space<vmem>>
      %dma_start3A_52 = tpu.memref_slice %arg5[%add3A_48] : memref<3200000xi32, #tpu.memory_space<hbm>> -> memref<80xi32, #tpu.memory_space<hbm>>
      %dma_start3A_53 = arith.constant 0 : i32
      %dma_start3A_54 = tpu.memref_slice %arg11[%scan3A_44, %dma_start3A_53] : memref<25x80xi32, #tpu.memory_space<vmem>> -> memref<1x80xi32, #tpu.memory_space<vmem>>
      %dma_start3A_55 = tpu.memref_squeeze %dma_start3A_54 : memref<1x80xi32, #tpu.memory_space<vmem>> -> memref<80xi32, #tpu.memory_space<vmem>>
      %dma_start3A_56 = tpu.memref_slice %arg5[%add3A_48] : memref<3200000xi32, #tpu.memory_space<hbm>> -> memref<80xi32, #tpu.memory_space<hbm>>
      tpu.enqueue_dma source(%dma_start3A_56 : memref<80xi32, #tpu.memory_space<hbm>>) target(%dma_start3A_55 : memref<80xi32, #tpu.memory_space<vmem>>) target_semaphore(%arg19 : memref<!tpu.dma_semaphore, #tpu.memory_space<semaphore_mem>>)
      %scan3A_57 = arith.constant 0 : i32
      scf.yield %scan3A_57 : i32
    }
    %scan3A_27 = arith.constant 25 : i32
    %dma_start3A = tpu.memref_slice %arg4[%add3A_20] : memref<3200000xi32, #tpu.memory_space<hbm>> -> memref<2000xi32, #tpu.memory_space<hbm>>
    %dma_start3A_28 = tpu.memref_slice %arg4[%add3A_20] : memref<3200000xi32, #tpu.memory_space<hbm>> -> memref<2000xi32, #tpu.memory_space<hbm>>
    tpu.enqueue_dma source(%dma_start3A_28 : memref<2000xi32, #tpu.memory_space<hbm>>) target(%arg12 : memref<2000xi32, #tpu.memory_space<vmem>>) target_semaphore(%arg19 : memref<!tpu.dma_semaphore, #tpu.memory_space<semaphore_mem>>)
    %dma_start3A_29 = tpu.memref_slice %arg2[%add3A_20] : memref<3200000xf32, #tpu.memory_space<hbm>> -> memref<2000xf32, #tpu.memory_space<hbm>>
    %dma_start3A_30 = tpu.memref_slice %arg2[%add3A_20] : memref<3200000xf32, #tpu.memory_space<hbm>> -> memref<2000xf32, #tpu.memory_space<hbm>>
    tpu.enqueue_dma source(%dma_start3A_30 : memref<2000xf32, #tpu.memory_space<hbm>>) target(%arg13 : memref<2000xf32, #tpu.memory_space<vmem>>) target_semaphore(%arg19 : memref<!tpu.dma_semaphore, #tpu.memory_space<semaphore_mem>>)
    %dma_start3A_31 = tpu.memref_slice %arg3[%add3A_20] : memref<3200000xf32, #tpu.memory_space<hbm>> -> memref<2000xf32, #tpu.memory_space<hbm>>
    %dma_start3A_32 = tpu.memref_slice %arg3[%add3A_20] : memref<3200000xf32, #tpu.memory_space<hbm>> -> memref<2000xf32, #tpu.memory_space<hbm>>
    tpu.enqueue_dma source(%dma_start3A_32 : memref<2000xf32, #tpu.memory_space<hbm>>) target(%arg14 : memref<2000xf32, #tpu.memory_space<vmem>>) target_semaphore(%arg19 : memref<!tpu.dma_semaphore, #tpu.memory_space<semaphore_mem>>)
    %scan3A_33 = arith.constant 0 : i32
    %scan3A_34 = arith.constant 0 : i32
    %scan3A_35 = arith.constant 25 : i32
    %scan3A_36 = arith.addi %scan3A_34, %scan3A_35 : i32
    %scan3A_37 = arith.constant 1 : i32
    %scan3A_38 = scf.for %scan3A_44 = %scan3A_34 to %scan3A_36 step %scan3A_37 iter_args(%scan3A_45 = %scan3A_33) -> (i32)  : i32 {
      %mul3A_46 = arith.constant 2 : i32
      %mul3A_47 = arith.muli %mul3A_46, %scan3A_44 : i32
      %add3A_48 = arith.constant 1 : i32
      %add3A_49 = arith.addi %mul3A_47, %add3A_48 : i32
      %mul3A_50 = arith.constant 2000 : i32
      %mul3A_51 = arith.muli %add3A_49, %mul3A_50 : i32
      %add3A_52 = arith.addi %mul3A_18, %mul3A_51 : i32
      %scan3A_53 = arith.constant 0 : i32
      %scan3A_54 = arith.constant 0 : i32
      %scan3A_55 = arith.constant 25 : i32
      %scan3A_56 = arith.addi %scan3A_54, %scan3A_55 : i32
      %scan3A_57 = arith.constant 1 : i32
      %scan3A_58 = scf.for %scan3A_154 = %scan3A_54 to %scan3A_56 step %scan3A_57 iter_args(%scan3A_155 = %scan3A_53) -> (i32)  : i32 {
        %mul3A_156 = arith.constant 80 : i32
        %mul3A_157 = arith.muli %scan3A_154, %mul3A_156 : i32
        %add3A_158 = arith.addi %add3A_52, %mul3A_157 : i32
        %dma_start3A_159 = arith.constant 0 : i32
        %dma_start3A_160 = tpu.memref_slice %arg15[%scan3A_154, %dma_start3A_159] : memref<25x80xi32, #tpu.memory_space<vmem>> -> memref<1x80xi32, #tpu.memory_space<vmem>>
        %dma_start3A_161 = tpu.memref_squeeze %dma_start3A_160 : memref<1x80xi32, #tpu.memory_space<vmem>> -> memref<80xi32, #tpu.memory_space<vmem>>
        %dma_start3A_162 = tpu.memref_slice %arg5[%add3A_158] : memref<3200000xi32, #tpu.memory_space<hbm>> -> memref<80xi32, #tpu.memory_space<hbm>>
        %dma_start3A_163 = arith.constant 0 : i32
        %dma_start3A_164 = tpu.memref_slice %arg15[%scan3A_154, %dma_start3A_163] : memref<25x80xi32, #tpu.memory_space<vmem>> -> memref<1x80xi32, #tpu.memory_space<vmem>>
        %dma_start3A_165 = tpu.memref_squeeze %dma_start3A_164 : memref<1x80xi32, #tpu.memory_space<vmem>> -> memref<80xi32, #tpu.memory_space<vmem>>
        %dma_start3A_166 = tpu.memref_slice %arg5[%add3A_158] : memref<3200000xi32, #tpu.memory_space<hbm>> -> memref<80xi32, #tpu.memory_space<hbm>>
        tpu.enqueue_dma source(%dma_start3A_166 : memref<80xi32, #tpu.memory_space<hbm>>) target(%dma_start3A_165 : memref<80xi32, #tpu.memory_space<vmem>>) target_semaphore(%arg20 : memref<!tpu.dma_semaphore, #tpu.memory_space<semaphore_mem>>)
        %scan3A_167 = arith.constant 0 : i32
        scf.yield %scan3A_167 : i32
      }
      %scan3A_59 = arith.constant 25 : i32
      %dma_start3A_60 = tpu.memref_slice %arg4[%add3A_52] : memref<3200000xi32, #tpu.memory_space<hbm>> -> memref<2000xi32, #tpu.memory_space<hbm>>
      %dma_start3A_61 = tpu.memref_slice %arg4[%add3A_52] : memref<3200000xi32, #tpu.memory_space<hbm>> -> memref<2000xi32, #tpu.memory_space<hbm>>
      tpu.enqueue_dma source(%dma_start3A_61 : memref<2000xi32, #tpu.memory_space<hbm>>) target(%arg16 : memref<2000xi32, #tpu.memory_space<vmem>>) target_semaphore(%arg20 : memref<!tpu.dma_semaphore, #tpu.memory_space<semaphore_mem>>)
      %dma_start3A_62 = tpu.memref_slice %arg2[%add3A_52] : memref<3200000xf32, #tpu.memory_space<hbm>> -> memref<2000xf32, #tpu.memory_space<hbm>>
      %dma_start3A_63 = tpu.memref_slice %arg2[%add3A_52] : memref<3200000xf32, #tpu.memory_space<hbm>> -> memref<2000xf32, #tpu.memory_space<hbm>>
      tpu.enqueue_dma source(%dma_start3A_63 : memref<2000xf32, #tpu.memory_space<hbm>>) target(%arg17 : memref<2000xf32, #tpu.memory_space<vmem>>) target_semaphore(%arg20 : memref<!tpu.dma_semaphore, #tpu.memory_space<semaphore_mem>>)
      %dma_start3A_64 = tpu.memref_slice %arg3[%add3A_52] : memref<3200000xf32, #tpu.memory_space<hbm>> -> memref<2000xf32, #tpu.memory_space<hbm>>
      %dma_start3A_65 = tpu.memref_slice %arg3[%add3A_52] : memref<3200000xf32, #tpu.memory_space<hbm>> -> memref<2000xf32, #tpu.memory_space<hbm>>
      tpu.enqueue_dma source(%dma_start3A_65 : memref<2000xf32, #tpu.memory_space<hbm>>) target(%arg18 : memref<2000xf32, #tpu.memory_space<vmem>>) target_semaphore(%arg20 : memref<!tpu.dma_semaphore, #tpu.memory_space<semaphore_mem>>)
      %mul3A_66 = arith.constant 2000 : i32
      %mul3A_67 = arith.muli %mul3A_47, %mul3A_66 : i32
      %add3A_68 = arith.addi %mul3A_18, %mul3A_67 : i32
      %scan3A_69 = arith.constant 0 : i32
      %scan3A_70 = arith.constant 0 : i32
      %scan3A_71 = arith.constant 25 : i32
      %scan3A_72 = arith.addi %scan3A_70, %scan3A_71 : i32
      %scan3A_73 = arith.constant 1 : i32
      %scan3A_74 = scf.for %scan3A_154 = %scan3A_70 to %scan3A_72 step %scan3A_73 iter_args(%scan3A_155 = %scan3A_69) -> (i32)  : i32 {
        %mul3A_156 = arith.constant 80 : i32
        %mul3A_157 = arith.muli %scan3A_154, %mul3A_156 : i32
        %add3A_158 = arith.addi %add3A_68, %mul3A_157 : i32
        %dma_wait3A_159 = arith.constant 0 : i32
        %dma_wait3A_160 = tpu.memref_slice %arg11[%scan3A_154, %dma_wait3A_159] : memref<25x80xi32, #tpu.memory_space<vmem>> -> memref<1x80xi32, #tpu.memory_space<vmem>>
        %dma_wait3A_161 = tpu.memref_squeeze %dma_wait3A_160 : memref<1x80xi32, #tpu.memory_space<vmem>> -> memref<80xi32, #tpu.memory_space<vmem>>
        %dma_wait3A_162 = tpu.memref_slice %arg5[%add3A_158] : memref<3200000xi32, #tpu.memory_space<hbm>> -> memref<80xi32, #tpu.memory_space<hbm>>
        %dma_wait3A_163 = arith.constant 0 : i32
        %dma_wait3A_164 = tpu.memref_slice %arg11[%scan3A_154, %dma_wait3A_163] : memref<25x80xi32, #tpu.memory_space<vmem>> -> memref<1x80xi32, #tpu.memory_space<vmem>>
        %dma_wait3A_165 = tpu.memref_squeeze %dma_wait3A_164 : memref<1x80xi32, #tpu.memory_space<vmem>> -> memref<80xi32, #tpu.memory_space<vmem>>
        %dma_wait3A_166 = tpu.memref_slice %arg5[%add3A_158] : memref<3200000xi32, #tpu.memory_space<hbm>> -> memref<80xi32, #tpu.memory_space<hbm>>
        tpu.wait_dma2 semaphore(%arg19 : memref<!tpu.dma_semaphore, #tpu.memory_space<semaphore_mem>>) src(%dma_wait3A_166 : memref<80xi32, #tpu.memory_space<hbm>>) dst(%dma_wait3A_165 : memref<80xi32, #tpu.memory_space<vmem>>)
        %scan3A_167 = arith.constant 0 : i32
        scf.yield %scan3A_167 : i32
      }
      %scan3A_75 = arith.constant 25 : i32
      %dma_wait3A = tpu.memref_slice %arg4[%add3A_68] : memref<3200000xi32, #tpu.memory_space<hbm>> -> memref<2000xi32, #tpu.memory_space<hbm>>
      %dma_wait3A_76 = tpu.memref_slice %arg4[%add3A_68] : memref<3200000xi32, #tpu.memory_space<hbm>> -> memref<2000xi32, #tpu.memory_space<hbm>>
      tpu.wait_dma2 semaphore(%arg19 : memref<!tpu.dma_semaphore, #tpu.memory_space<semaphore_mem>>) src(%dma_wait3A_76 : memref<2000xi32, #tpu.memory_space<hbm>>) dst(%arg12 : memref<2000xi32, #tpu.memory_space<vmem>>)
      %dma_wait3A_77 = tpu.memref_slice %arg2[%add3A_68] : memref<3200000xf32, #tpu.memory_space<hbm>> -> memref<2000xf32, #tpu.memory_space<hbm>>
      %dma_wait3A_78 = tpu.memref_slice %arg2[%add3A_68] : memref<3200000xf32, #tpu.memory_space<hbm>> -> memref<2000xf32, #tpu.memory_space<hbm>>
      tpu.wait_dma2 semaphore(%arg19 : memref<!tpu.dma_semaphore, #tpu.memory_space<semaphore_mem>>) src(%dma_wait3A_78 : memref<2000xf32, #tpu.memory_space<hbm>>) dst(%arg13 : memref<2000xf32, #tpu.memory_space<vmem>>)
      %dma_wait3A_79 = tpu.memref_slice %arg3[%add3A_68] : memref<3200000xf32, #tpu.memory_space<hbm>> -> memref<2000xf32, #tpu.memory_space<hbm>>
      %dma_wait3A_80 = tpu.memref_slice %arg3[%add3A_68] : memref<3200000xf32, #tpu.memory_space<hbm>> -> memref<2000xf32, #tpu.memory_space<hbm>>
      tpu.wait_dma2 semaphore(%arg19 : memref<!tpu.dma_semaphore, #tpu.memory_space<semaphore_mem>>) src(%dma_wait3A_80 : memref<2000xf32, #tpu.memory_space<hbm>>) dst(%arg14 : memref<2000xf32, #tpu.memory_space<vmem>>)
      %scan3A_81 = arith.constant 0 : i32
      %scan3A_82 = arith.constant 0 : i32
      %scan3A_83 = arith.constant 125 : i32
      %scan3A_84 = arith.addi %scan3A_82, %scan3A_83 : i32
      %scan3A_85 = arith.constant 1 : i32
      %scan3A_86 = scf.for %scan3A_154 = %scan3A_82 to %scan3A_84 step %scan3A_85 iter_args(%scan3A_155 = %scan3A_81) -> (i32)  : i32 {
        %mul3A_156 = arith.constant 16 : i32
        %mul3A_157 = arith.muli %scan3A_154, %mul3A_156 : i32
        %get3A = arith.index_cast %mul3A_157 : i32 to index
        %get3A_158 = tpu.vector_load %arg12[%get3A] {strides = array<i32>} : memref<2000xi32, #tpu.memory_space<vmem>>, vector<16xi32>,
        %gather3A = tpu.vector_load_idx %arg10[%get3A_158] : memref<100352xf32, #tpu.memory_space<vmem>>[vector<16xi32>], vector<16xf32>,
        %get3A_159 = arith.index_cast %mul3A_157 : i32 to index
        %get3A_160 = tpu.vector_load %arg13[%get3A_159] {strides = array<i32>} : memref<2000xf32, #tpu.memory_space<vmem>>, vector<16xf32>,
        %exp3A = math.exp %get3A_160 : vector<16xf32>
        %mul3A_161 = arith.mulf %exp3A, %gather3A : vector<16xf32>
        %get3A_162 = arith.index_cast %mul3A_157 : i32 to index
        %get3A_163 = tpu.vector_load %arg14[%get3A_162] {strides = array<i32>} : memref<2000xf32, #tpu.memory_space<vmem>>, vector<16xf32>,
        %mul3A_164 = arith.mulf %mul3A_161, %get3A_163 : vector<16xf32>
        %swap3A = arith.index_cast %mul3A_157 : i32 to index
        %swap3A_165 = tpu.vector_load %arg13[%swap3A] {strides = array<i32>} : memref<2000xf32, #tpu.memory_space<vmem>>, vector<16xf32>,
        tpu.vector_store %arg13[%swap3A], %mul3A_164 {strides = array<i32>} : memref<2000xf32, #tpu.memory_space<vmem>>, vector<16xf32>,
        %scan3A_166 = arith.constant 0 : i32
        scf.yield %scan3A_166 : i32
      }
      %scan3A_87 = arith.constant 125 : i32
      %scan3A_88 = arith.constant 0 : i32
      %scan3A_89 = arith.constant 0 : i32
      %scan3A_90 = arith.constant 25 : i32
      %scan3A_91 = arith.addi %scan3A_89, %scan3A_90 : i32
      %scan3A_92 = arith.constant 1 : i32
      %scan3A_93 = scf.for %scan3A_154 = %scan3A_89 to %scan3A_91 step %scan3A_92 iter_args(%scan3A_155 = %scan3A_88) -> (i32)  : i32 {
        %mul3A_156 = arith.constant 80 : i32
        %mul3A_157 = arith.muli %scan3A_154, %mul3A_156 : i32
        %dma_start3A_158 = tpu.memref_slice %arg13[%mul3A_157] : memref<2000xf32, #tpu.memory_space<vmem>> -> memref<80xf32, #tpu.memory_space<vmem>>
        %dma_start3A_159 = arith.constant 0 : i32
        %dma_start3A_160 = tpu.memref_slice %arg11[%scan3A_154, %dma_start3A_159] : memref<25x80xi32, #tpu.memory_space<vmem>> -> memref<1x80xi32, #tpu.memory_space<vmem>>
        %dma_start3A_161 = tpu.memref_squeeze %dma_start3A_160 : memref<1x80xi32, #tpu.memory_space<vmem>> -> memref<80xi32, #tpu.memory_space<vmem>>
        %dma_start3A_162 = arith.constant 0 : i32
        %dma_start3A_163 = tpu.memref_slice %arg9[%dma_start3A_162] : memref<100352xf32, #tpu.memory_space<vmem_shared>> -> memref<100352xf32, #tpu.memory_space<vmem_shared>>
        tpu.enqueue_indirect_dma source(%dma_start3A_158 : memref<80xf32, #tpu.memory_space<vmem>>) target(%dma_start3A_163 : memref<100352xf32, #tpu.memory_space<vmem_shared>>) offsets(%dma_start3A_161 : memref<80xi32, #tpu.memory_space<vmem>>) semaphore(%arg21 : memref<!tpu.dma_semaphore, #tpu.memory_space<semaphore_mem>>) {add = true}
        %scan3A_164 = arith.constant 0 : i32
        scf.yield %scan3A_164 : i32
      }
      %scan3A_94 = arith.constant 25 : i32
      %scan3A_95 = arith.constant 0 : i32
      %scan3A_96 = arith.constant 0 : i32
      %scan3A_97 = arith.constant 25 : i32
      %scan3A_98 = arith.addi %scan3A_96, %scan3A_97 : i32
      %scan3A_99 = arith.constant 1 : i32
      %scan3A_100 = scf.for %scan3A_154 = %scan3A_96 to %scan3A_98 step %scan3A_99 iter_args(%scan3A_155 = %scan3A_95) -> (i32)  : i32 {
        %mul3A_156 = arith.constant 80 : i32
        %mul3A_157 = arith.muli %scan3A_154, %mul3A_156 : i32
        %dma_wait3A_158 = tpu.memref_slice %arg13[%mul3A_157] : memref<2000xf32, #tpu.memory_space<vmem>> -> memref<80xf32, #tpu.memory_space<vmem>>
        %dma_wait3A_159 = arith.constant 0 : i32
        %dma_wait3A_160 = tpu.memref_slice %arg11[%scan3A_154, %dma_wait3A_159] : memref<25x80xi32, #tpu.memory_space<vmem>> -> memref<1x80xi32, #tpu.memory_space<vmem>>
        %dma_wait3A_161 = tpu.memref_squeeze %dma_wait3A_160 : memref<1x80xi32, #tpu.memory_space<vmem>> -> memref<80xi32, #tpu.memory_space<vmem>>
        %dma_wait3A_162 = arith.constant 0 : i32
        %dma_wait3A_163 = tpu.memref_slice %arg9[%dma_wait3A_162] : memref<100352xf32, #tpu.memory_space<vmem_shared>> -> memref<100352xf32, #tpu.memory_space<vmem_shared>>
        tpu.wait_indirect_dma semaphore(%arg21 : memref<!tpu.dma_semaphore, #tpu.memory_space<semaphore_mem>>) src(%dma_wait3A_158 : memref<80xf32, #tpu.memory_space<vmem>>) dst(%dma_wait3A_163 : memref<100352xf32, #tpu.memory_space<vmem_shared>>)
        %scan3A_164 = arith.constant 0 : i32
        scf.yield %scan3A_164 : i32
      }
      %scan3A_101 = arith.constant 25 : i32
      %mul3A_102 = arith.constant 2000 : i32
      %mul3A_103 = arith.muli %mul3A_47, %mul3A_102 : i32
      %add3A_104 = arith.addi %mul3A_18, %mul3A_103 : i32
      "tpu.region"() ({
        %run_scoped3A = tpu.sem_alloc : memref<!tpu.dma_semaphore, #tpu.memory_space<semaphore_mem>>
        %dma_start3A_154 = tpu.memref_slice %arg7[%add3A_104] : memref<3200000xf32, #tpu.memory_space<hbm>> -> memref<2000xf32, #tpu.memory_space<hbm>>
        %dma_start3A_155 = tpu.memref_slice %arg7[%add3A_104] : memref<3200000xf32, #tpu.memory_space<hbm>> -> memref<2000xf32, #tpu.memory_space<hbm>>
        tpu.enqueue_dma source(%arg13 : memref<2000xf32, #tpu.memory_space<vmem>>) target(%dma_start3A_155 : memref<2000xf32, #tpu.memory_space<hbm>>) target_semaphore(%run_scoped3A : memref<!tpu.dma_semaphore, #tpu.memory_space<semaphore_mem>>)
        %dma_wait3A_156 = tpu.memref_slice %arg7[%add3A_104] : memref<3200000xf32, #tpu.memory_space<hbm>> -> memref<2000xf32, #tpu.memory_space<hbm>>
        %dma_wait3A_157 = tpu.memref_slice %arg7[%add3A_104] : memref<3200000xf32, #tpu.memory_space<hbm>> -> memref<2000xf32, #tpu.memory_space<hbm>>
        tpu.wait_dma2 semaphore(%run_scoped3A : memref<!tpu.dma_semaphore, #tpu.memory_space<semaphore_mem>>) src(%arg13 : memref<2000xf32, #tpu.memory_space<vmem>>) dst(%dma_wait3A_157 : memref<2000xf32, #tpu.memory_space<hbm>>)
        tpu.yield
      }) : () -> ()
      %add3A_105 = arith.constant 2 : i32
      %add3A_106 = arith.addi %mul3A_47, %add3A_105 : i32
      %lt3A = arith.constant 50 : i32
      %lt3A_107 = arith.cmpi slt, %add3A_106, %lt3A : i32
      %convert_element_type3A = arith.extui %lt3A_107 : i1 to i32
      %cond3A = arith.constant 0 : i32
      %cond3A_108 = arith.cmpi ne, %convert_element_type3A, %cond3A : i32
      scf.if %cond3A_108 {
        %add3A_154 = arith.constant 2 : i32
        %add3A_155 = arith.addi %mul3A_47, %add3A_154 : i32
        %mul3A_156 = arith.constant 2000 : i32
        %mul3A_157 = arith.muli %add3A_155, %mul3A_156 : i32
        %add3A_158 = arith.addi %mul3A_18, %mul3A_157 : i32
        %scan3A_159 = arith.constant 0 : i32
        %scan3A_160 = arith.constant 0 : i32
        %scan3A_161 = arith.constant 25 : i32
        %scan3A_162 = arith.addi %scan3A_160, %scan3A_161 : i32
        %scan3A_163 = arith.constant 1 : i32
        %scan3A_164 = scf.for %scan3A_172 = %scan3A_160 to %scan3A_162 step %scan3A_163 iter_args(%scan3A_173 = %scan3A_159) -> (i32)  : i32 {
          %mul3A_174 = arith.constant 80 : i32
          %mul3A_175 = arith.muli %scan3A_172, %mul3A_174 : i32
          %add3A_176 = arith.addi %add3A_158, %mul3A_175 : i32
          %dma_start3A_177 = arith.constant 0 : i32
          %dma_start3A_178 = tpu.memref_slice %arg11[%scan3A_172, %dma_start3A_177] : memref<25x80xi32, #tpu.memory_space<vmem>> -> memref<1x80xi32, #tpu.memory_space<vmem>>
          %dma_start3A_179 = tpu.memref_squeeze %dma_start3A_178 : memref<1x80xi32, #tpu.memory_space<vmem>> -> memref<80xi32, #tpu.memory_space<vmem>>
          %dma_start3A_180 = tpu.memref_slice %arg5[%add3A_176] : memref<3200000xi32, #tpu.memory_space<hbm>> -> memref<80xi32, #tpu.memory_space<hbm>>
          %dma_start3A_181 = arith.constant 0 : i32
          %dma_start3A_182 = tpu.memref_slice %arg11[%scan3A_172, %dma_start3A_181] : memref<25x80xi32, #tpu.memory_space<vmem>> -> memref<1x80xi32, #tpu.memory_space<vmem>>
          %dma_start3A_183 = tpu.memref_squeeze %dma_start3A_182 : memref<1x80xi32, #tpu.memory_space<vmem>> -> memref<80xi32, #tpu.memory_space<vmem>>
          %dma_start3A_184 = tpu.memref_slice %arg5[%add3A_176] : memref<3200000xi32, #tpu.memory_space<hbm>> -> memref<80xi32, #tpu.memory_space<hbm>>
          tpu.enqueue_dma source(%dma_start3A_184 : memref<80xi32, #tpu.memory_space<hbm>>) target(%dma_start3A_183 : memref<80xi32, #tpu.memory_space<vmem>>) target_semaphore(%arg19 : memref<!tpu.dma_semaphore, #tpu.memory_space<semaphore_mem>>)
          %scan3A_185 = arith.constant 0 : i32
          scf.yield %scan3A_185 : i32
        }
        %scan3A_165 = arith.constant 25 : i32
        %dma_start3A_166 = tpu.memref_slice %arg4[%add3A_158] : memref<3200000xi32, #tpu.memory_space<hbm>> -> memref<2000xi32, #tpu.memory_space<hbm>>
        %dma_start3A_167 = tpu.memref_slice %arg4[%add3A_158] : memref<3200000xi32, #tpu.memory_space<hbm>> -> memref<2000xi32, #tpu.memory_space<hbm>>
        tpu.enqueue_dma source(%dma_start3A_167 : memref<2000xi32, #tpu.memory_space<hbm>>) target(%arg12 : memref<2000xi32, #tpu.memory_space<vmem>>) target_semaphore(%arg19 : memref<!tpu.dma_semaphore, #tpu.memory_space<semaphore_mem>>)
        %dma_start3A_168 = tpu.memref_slice %arg2[%add3A_158] : memref<3200000xf32, #tpu.memory_space<hbm>> -> memref<2000xf32, #tpu.memory_space<hbm>>
        %dma_start3A_169 = tpu.memref_slice %arg2[%add3A_158] : memref<3200000xf32, #tpu.memory_space<hbm>> -> memref<2000xf32, #tpu.memory_space<hbm>>
        tpu.enqueue_dma source(%dma_start3A_169 : memref<2000xf32, #tpu.memory_space<hbm>>) target(%arg13 : memref<2000xf32, #tpu.memory_space<vmem>>) target_semaphore(%arg19 : memref<!tpu.dma_semaphore, #tpu.memory_space<semaphore_mem>>)
        %dma_start3A_170 = tpu.memref_slice %arg3[%add3A_158] : memref<3200000xf32, #tpu.memory_space<hbm>> -> memref<2000xf32, #tpu.memory_space<hbm>>
        %dma_start3A_171 = tpu.memref_slice %arg3[%add3A_158] : memref<3200000xf32, #tpu.memory_space<hbm>> -> memref<2000xf32, #tpu.memory_space<hbm>>
        tpu.enqueue_dma source(%dma_start3A_171 : memref<2000xf32, #tpu.memory_space<hbm>>) target(%arg14 : memref<2000xf32, #tpu.memory_space<vmem>>) target_semaphore(%arg19 : memref<!tpu.dma_semaphore, #tpu.memory_space<semaphore_mem>>)
      } else {
      }
      %add3A_109 = arith.constant 1 : i32
      %add3A_110 = arith.addi %mul3A_47, %add3A_109 : i32
      %mul3A_111 = arith.constant 2000 : i32
      %mul3A_112 = arith.muli %add3A_110, %mul3A_111 : i32
      %add3A_113 = arith.addi %mul3A_18, %mul3A_112 : i32
      %scan3A_114 = arith.constant 0 : i32
      %scan3A_115 = arith.constant 0 : i32
      %scan3A_116 = arith.constant 25 : i32
      %scan3A_117 = arith.addi %scan3A_115, %scan3A_116 : i32
      %scan3A_118 = arith.constant 1 : i32
      %scan3A_119 = scf.for %scan3A_154 = %scan3A_115 to %scan3A_117 step %scan3A_118 iter_args(%scan3A_155 = %scan3A_114) -> (i32)  : i32 {
        %mul3A_156 = arith.constant 80 : i32
        %mul3A_157 = arith.muli %scan3A_154, %mul3A_156 : i32
        %add3A_158 = arith.addi %add3A_113, %mul3A_157 : i32
        %dma_wait3A_159 = arith.constant 0 : i32
        %dma_wait3A_160 = tpu.memref_slice %arg15[%scan3A_154, %dma_wait3A_159] : memref<25x80xi32, #tpu.memory_space<vmem>> -> memref<1x80xi32, #tpu.memory_space<vmem>>
        %dma_wait3A_161 = tpu.memref_squeeze %dma_wait3A_160 : memref<1x80xi32, #tpu.memory_space<vmem>> -> memref<80xi32, #tpu.memory_space<vmem>>
        %dma_wait3A_162 = tpu.memref_slice %arg5[%add3A_158] : memref<3200000xi32, #tpu.memory_space<hbm>> -> memref<80xi32, #tpu.memory_space<hbm>>
        %dma_wait3A_163 = arith.constant 0 : i32
        %dma_wait3A_164 = tpu.memref_slice %arg15[%scan3A_154, %dma_wait3A_163] : memref<25x80xi32, #tpu.memory_space<vmem>> -> memref<1x80xi32, #tpu.memory_space<vmem>>
        %dma_wait3A_165 = tpu.memref_squeeze %dma_wait3A_164 : memref<1x80xi32, #tpu.memory_space<vmem>> -> memref<80xi32, #tpu.memory_space<vmem>>
        %dma_wait3A_166 = tpu.memref_slice %arg5[%add3A_158] : memref<3200000xi32, #tpu.memory_space<hbm>> -> memref<80xi32, #tpu.memory_space<hbm>>
        tpu.wait_dma2 semaphore(%arg20 : memref<!tpu.dma_semaphore, #tpu.memory_space<semaphore_mem>>) src(%dma_wait3A_166 : memref<80xi32, #tpu.memory_space<hbm>>) dst(%dma_wait3A_165 : memref<80xi32, #tpu.memory_space<vmem>>)
        %scan3A_167 = arith.constant 0 : i32
        scf.yield %scan3A_167 : i32
      }
      %scan3A_120 = arith.constant 25 : i32
      %dma_wait3A_121 = tpu.memref_slice %arg4[%add3A_113] : memref<3200000xi32, #tpu.memory_space<hbm>> -> memref<2000xi32, #tpu.memory_space<hbm>>
      %dma_wait3A_122 = tpu.memref_slice %arg4[%add3A_113] : memref<3200000xi32, #tpu.memory_space<hbm>> -> memref<2000xi32, #tpu.memory_space<hbm>>
      tpu.wait_dma2 semaphore(%arg20 : memref<!tpu.dma_semaphore, #tpu.memory_space<semaphore_mem>>) src(%dma_wait3A_122 : memref<2000xi32, #tpu.memory_space<hbm>>) dst(%arg16 : memref<2000xi32, #tpu.memory_space<vmem>>)
      %dma_wait3A_123 = tpu.memref_slice %arg2[%add3A_113] : memref<3200000xf32, #tpu.memory_space<hbm>> -> memref<2000xf32, #tpu.memory_space<hbm>>
      %dma_wait3A_124 = tpu.memref_slice %arg2[%add3A_113] : memref<3200000xf32, #tpu.memory_space<hbm>> -> memref<2000xf32, #tpu.memory_space<hbm>>
      tpu.wait_dma2 semaphore(%arg20 : memref<!tpu.dma_semaphore, #tpu.memory_space<semaphore_mem>>) src(%dma_wait3A_124 : memref<2000xf32, #tpu.memory_space<hbm>>) dst(%arg17 : memref<2000xf32, #tpu.memory_space<vmem>>)
      %dma_wait3A_125 = tpu.memref_slice %arg3[%add3A_113] : memref<3200000xf32, #tpu.memory_space<hbm>> -> memref<2000xf32, #tpu.memory_space<hbm>>
      %dma_wait3A_126 = tpu.memref_slice %arg3[%add3A_113] : memref<3200000xf32, #tpu.memory_space<hbm>> -> memref<2000xf32, #tpu.memory_space<hbm>>
      tpu.wait_dma2 semaphore(%arg20 : memref<!tpu.dma_semaphore, #tpu.memory_space<semaphore_mem>>) src(%dma_wait3A_126 : memref<2000xf32, #tpu.memory_space<hbm>>) dst(%arg18 : memref<2000xf32, #tpu.memory_space<vmem>>)
      %add3A_127 = arith.constant 1 : i32
      %add3A_128 = arith.addi %mul3A_47, %add3A_127 : i32
      %scan3A_129 = arith.constant 0 : i32
      %scan3A_130 = arith.constant 0 : i32
      %scan3A_131 = arith.constant 125 : i32
      %scan3A_132 = arith.addi %scan3A_130, %scan3A_131 : i32
      %scan3A_133 = arith.constant 1 : i32
      %scan3A_134 = scf.for %scan3A_154 = %scan3A_130 to %scan3A_132 step %scan3A_133 iter_args(%scan3A_155 = %scan3A_129) -> (i32)  : i32 {
        %mul3A_156 = arith.constant 16 : i32
        %mul3A_157 = arith.muli %scan3A_154, %mul3A_156 : i32
        %get3A = arith.index_cast %mul3A_157 : i32 to index
        %get3A_158 = tpu.vector_load %arg16[%get3A] {strides = array<i32>} : memref<2000xi32, #tpu.memory_space<vmem>>, vector<16xi32>,
        %gather3A = tpu.vector_load_idx %arg10[%get3A_158] : memref<100352xf32, #tpu.memory_space<vmem>>[vector<16xi32>], vector<16xf32>,
        %get3A_159 = arith.index_cast %mul3A_157 : i32 to index
        %get3A_160 = tpu.vector_load %arg17[%get3A_159] {strides = array<i32>} : memref<2000xf32, #tpu.memory_space<vmem>>, vector<16xf32>,
        %exp3A = math.exp %get3A_160 : vector<16xf32>
        %mul3A_161 = arith.mulf %exp3A, %gather3A : vector<16xf32>
        %get3A_162 = arith.index_cast %mul3A_157 : i32 to index
        %get3A_163 = tpu.vector_load %arg18[%get3A_162] {strides = array<i32>} : memref<2000xf32, #tpu.memory_space<vmem>>, vector<16xf32>,
        %mul3A_164 = arith.mulf %mul3A_161, %get3A_163 : vector<16xf32>
        %swap3A = arith.index_cast %mul3A_157 : i32 to index
        %swap3A_165 = tpu.vector_load %arg17[%swap3A] {strides = array<i32>} : memref<2000xf32, #tpu.memory_space<vmem>>, vector<16xf32>,
        tpu.vector_store %arg17[%swap3A], %mul3A_164 {strides = array<i32>} : memref<2000xf32, #tpu.memory_space<vmem>>, vector<16xf32>,
        %scan3A_166 = arith.constant 0 : i32
        scf.yield %scan3A_166 : i32
      }
      %scan3A_135 = arith.constant 125 : i32
      %scan3A_136 = arith.constant 0 : i32
      %scan3A_137 = arith.constant 0 : i32
      %scan3A_138 = arith.constant 25 : i32
      %scan3A_139 = arith.addi %scan3A_137, %scan3A_138 : i32
      %scan3A_140 = arith.constant 1 : i32
      %scan3A_141 = scf.for %scan3A_154 = %scan3A_137 to %scan3A_139 step %scan3A_140 iter_args(%scan3A_155 = %scan3A_136) -> (i32)  : i32 {
        %mul3A_156 = arith.constant 80 : i32
        %mul3A_157 = arith.muli %scan3A_154, %mul3A_156 : i32
        %dma_start3A_158 = tpu.memref_slice %arg17[%mul3A_157] : memref<2000xf32, #tpu.memory_space<vmem>> -> memref<80xf32, #tpu.memory_space<vmem>>
        %dma_start3A_159 = arith.constant 0 : i32
        %dma_start3A_160 = tpu.memref_slice %arg15[%scan3A_154, %dma_start3A_159] : memref<25x80xi32, #tpu.memory_space<vmem>> -> memref<1x80xi32, #tpu.memory_space<vmem>>
        %dma_start3A_161 = tpu.memref_squeeze %dma_start3A_160 : memref<1x80xi32, #tpu.memory_space<vmem>> -> memref<80xi32, #tpu.memory_space<vmem>>
        %dma_start3A_162 = arith.constant 0 : i32
        %dma_start3A_163 = tpu.memref_slice %arg9[%dma_start3A_162] : memref<100352xf32, #tpu.memory_space<vmem_shared>> -> memref<100352xf32, #tpu.memory_space<vmem_shared>>
        tpu.enqueue_indirect_dma source(%dma_start3A_158 : memref<80xf32, #tpu.memory_space<vmem>>) target(%dma_start3A_163 : memref<100352xf32, #tpu.memory_space<vmem_shared>>) offsets(%dma_start3A_161 : memref<80xi32, #tpu.memory_space<vmem>>) semaphore(%arg21 : memref<!tpu.dma_semaphore, #tpu.memory_space<semaphore_mem>>) {add = true}
        %scan3A_164 = arith.constant 0 : i32
        scf.yield %scan3A_164 : i32
      }
      %scan3A_142 = arith.constant 25 : i32
      %scan3A_143 = arith.constant 0 : i32
      %scan3A_144 = arith.constant 0 : i32
      %scan3A_145 = arith.constant 25 : i32
      %scan3A_146 = arith.addi %scan3A_144, %scan3A_145 : i32
      %scan3A_147 = arith.constant 1 : i32
      %scan3A_148 = scf.for %scan3A_154 = %scan3A_144 to %scan3A_146 step %scan3A_147 iter_args(%scan3A_155 = %scan3A_143) -> (i32)  : i32 {
        %mul3A_156 = arith.constant 80 : i32
        %mul3A_157 = arith.muli %scan3A_154, %mul3A_156 : i32
        %dma_wait3A_158 = tpu.memref_slice %arg17[%mul3A_157] : memref<2000xf32, #tpu.memory_space<vmem>> -> memref<80xf32, #tpu.memory_space<vmem>>
        %dma_wait3A_159 = arith.constant 0 : i32
        %dma_wait3A_160 = tpu.memref_slice %arg15[%scan3A_154, %dma_wait3A_159] : memref<25x80xi32, #tpu.memory_space<vmem>> -> memref<1x80xi32, #tpu.memory_space<vmem>>
        %dma_wait3A_161 = tpu.memref_squeeze %dma_wait3A_160 : memref<1x80xi32, #tpu.memory_space<vmem>> -> memref<80xi32, #tpu.memory_space<vmem>>
        %dma_wait3A_162 = arith.constant 0 : i32
        %dma_wait3A_163 = tpu.memref_slice %arg9[%dma_wait3A_162] : memref<100352xf32, #tpu.memory_space<vmem_shared>> -> memref<100352xf32, #tpu.memory_space<vmem_shared>>
        tpu.wait_indirect_dma semaphore(%arg21 : memref<!tpu.dma_semaphore, #tpu.memory_space<semaphore_mem>>) src(%dma_wait3A_158 : memref<80xf32, #tpu.memory_space<vmem>>) dst(%dma_wait3A_163 : memref<100352xf32, #tpu.memory_space<vmem_shared>>)
        %scan3A_164 = arith.constant 0 : i32
        scf.yield %scan3A_164 : i32
      }
      %scan3A_149 = arith.constant 25 : i32
      %mul3A_150 = arith.constant 2000 : i32
      %mul3A_151 = arith.muli %add3A_128, %mul3A_150 : i32
      %add3A_152 = arith.addi %mul3A_18, %mul3A_151 : i32
      "tpu.region"() ({
        %run_scoped3A = tpu.sem_alloc : memref<!tpu.dma_semaphore, #tpu.memory_space<semaphore_mem>>
        %dma_start3A_154 = tpu.memref_slice %arg7[%add3A_152] : memref<3200000xf32, #tpu.memory_space<hbm>> -> memref<2000xf32, #tpu.memory_space<hbm>>
        %dma_start3A_155 = tpu.memref_slice %arg7[%add3A_152] : memref<3200000xf32, #tpu.memory_space<hbm>> -> memref<2000xf32, #tpu.memory_space<hbm>>
        tpu.enqueue_dma source(%arg17 : memref<2000xf32, #tpu.memory_space<vmem>>) target(%dma_start3A_155 : memref<2000xf32, #tpu.memory_space<hbm>>) target_semaphore(%run_scoped3A : memref<!tpu.dma_semaphore, #tpu.memory_space<semaphore_mem>>)
        %dma_wait3A_156 = tpu.memref_slice %arg7[%add3A_152] : memref<3200000xf32, #tpu.memory_space<hbm>> -> memref<2000xf32, #tpu.memory_space<hbm>>
        %dma_wait3A_157 = tpu.memref_slice %arg7[%add3A_152] : memref<3200000xf32, #tpu.memory_space<hbm>> -> memref<2000xf32, #tpu.memory_space<hbm>>
        tpu.wait_dma2 semaphore(%run_scoped3A : memref<!tpu.dma_semaphore, #tpu.memory_space<semaphore_mem>>) src(%arg17 : memref<2000xf32, #tpu.memory_space<vmem>>) dst(%dma_wait3A_157 : memref<2000xf32, #tpu.memory_space<hbm>>)
        tpu.yield
      }) : () -> ()
      %scan3A_153 = arith.constant 0 : i32
      scf.yield %scan3A_153 : i32
    }
    %scan3A_39 = arith.constant 25 : i32
    %barrier3A_40 = arith.constant 0 : index
    tpu.barrier barrier_id(%barrier3A_40)
    %mul3A_41 = arith.constant 100352 : i32
    %mul3A_42 = arith.muli %arg0, %mul3A_41 : i32
    %add3A_43 = arith.addi %mul3A_42, %mul3A_2 : i32
    "tpu.region"() ({
      %run_scoped3A = tpu.sem_alloc : memref<!tpu.dma_semaphore, #tpu.memory_space<semaphore_mem>>
      %dma_start3A_44 = tpu.memref_slice %arg8[%add3A_43] : memref<200704xf32, #tpu.memory_space<hbm>> -> memref<6272xf32, #tpu.memory_space<hbm>>
      %dma_start3A_45 = tpu.memref_slice %arg9[%mul3A_2] : memref<100352xf32, #tpu.memory_space<vmem_shared>> -> memref<6272xf32, #tpu.memory_space<vmem_shared>>
      tpu.enqueue_dma source(%dma_start3A_45 : memref<6272xf32, #tpu.memory_space<vmem_shared>>) target(%dma_start3A_44 : memref<6272xf32, #tpu.memory_space<hbm>>) target_semaphore(%run_scoped3A : memref<!tpu.dma_semaphore, #tpu.memory_space<semaphore_mem>>)
      %dma_wait3A = tpu.memref_slice %arg8[%add3A_43] : memref<200704xf32, #tpu.memory_space<hbm>> -> memref<6272xf32, #tpu.memory_space<hbm>>
      %dma_wait3A_46 = tpu.memref_slice %arg9[%mul3A_2] : memref<100352xf32, #tpu.memory_space<vmem_shared>> -> memref<6272xf32, #tpu.memory_space<vmem_shared>>
      tpu.wait_dma2 semaphore(%run_scoped3A : memref<!tpu.dma_semaphore, #tpu.memory_space<semaphore_mem>>) src(%dma_wait3A_46 : memref<6272xf32, #tpu.memory_space<vmem_shared>>) dst(%dma_wait3A : memref<6272xf32, #tpu.memory_space<hbm>>)
      tpu.yield
    }) : () -> ()
    return
  }
}

#map = affine_map<(d0, d1) -> (0)>
module attributes {stable_mosaic.version = 14 : i64} {
  func.func @_l1_body(%arg0: i32, %arg1: i32, %arg2: memref<3200000xf32, #tpu.memory_space<hbm>>, %arg3: memref<3200000xf32, #tpu.memory_space<hbm>>, %arg4: memref<3200000xf32, #tpu.memory_space<hbm>>, %arg5: memref<3200000xi32, #tpu.memory_space<hbm>>, %arg6: memref<602112xf32, #tpu.memory_space<hbm>>, %arg7: memref<100352xf32, #tpu.memory_space<vmem_shared>>, %arg8: memref<100352xf32, #tpu.memory_space<vmem_shared>>, %arg9: memref<100352xf32, #tpu.memory_space<vmem_shared>>, %arg10: memref<6272xf32, #tpu.memory_space<vmem>>, %arg11: memref<25x80xi32, #tpu.memory_space<vmem>>, %arg12: memref<2000xf32, #tpu.memory_space<vmem>>, %arg13: memref<2000xf32, #tpu.memory_space<vmem>>, %arg14: memref<2000xf32, #tpu.memory_space<vmem>>, %arg15: memref<25x80xi32, #tpu.memory_space<vmem>>, %arg16: memref<2000xf32, #tpu.memory_space<vmem>>, %arg17: memref<2000xf32, #tpu.memory_space<vmem>>, %arg18: memref<2000xf32, #tpu.memory_space<vmem>>, %arg19: memref<!tpu.dma_semaphore, #tpu.memory_space<semaphore_mem>>, %arg20: memref<!tpu.dma_semaphore, #tpu.memory_space<semaphore_mem>>, %arg21: memref<!tpu.dma_semaphore, #tpu.memory_space<semaphore_mem>>) attributes {dimension_semantics = [#tpu.dimension_semantics<core_parallel>, #tpu.dimension_semantics<subcore_parallel>], iteration_bounds = array<i64: 2, 16>, scalar_prefetch = 0 : i64, scratch_operands = 15 : i64, tpu.core_type = #tpu.core_type<sc_vector_subcore>, window_params = [{transform_indices = #map}, {transform_indices = #map}, {transform_indices = #map}, {transform_indices = #map}, {transform_indices = #map}]} {
    %mul3A = arith.constant 16 : i32
    %mul3A_0 = arith.muli %arg0, %mul3A : i32
    %add3A = arith.addi %mul3A_0, %arg1 : i32
    %mul3A_1 = arith.constant 6272 : i32
    %mul3A_2 = arith.muli %arg1, %mul3A_1 : i32
    %scan3A = arith.constant 0 : i32
    %scan3A_3 = arith.constant 0 : i32
    %scan3A_4 = arith.constant 392 : i32
    %scan3A_5 = arith.addi %scan3A_3, %scan3A_4 : i32
    %scan3A_6 = arith.constant 1 : i32
    %scan3A_7 = scf.for %scan3A_42 = %scan3A_3 to %scan3A_5 step %scan3A_6 iter_args(%scan3A_43 = %scan3A) -> (i32)  : i32 {
      %broadcast_in_dim3A = arith.constant 0.000000e+00 : f32
      %broadcast_in_dim3A_44 = vector.broadcast %broadcast_in_dim3A : f32 to vector<16xf32>
      %mul3A_45 = arith.constant 16 : i32
      %mul3A_46 = arith.muli %scan3A_42, %mul3A_45 : i32
      %swap3A = arith.index_cast %mul3A_46 : i32 to index
      %swap3A_47 = tpu.vector_load %arg10[%swap3A] {strides = array<i32>} : memref<6272xf32, #tpu.memory_space<vmem>>, vector<16xf32>,
      tpu.vector_store %arg10[%swap3A], %broadcast_in_dim3A_44 {strides = array<i32>} : memref<6272xf32, #tpu.memory_space<vmem>>, vector<16xf32>,
      %scan3A_48 = arith.constant 0 : i32
      scf.yield %scan3A_48 : i32
    }
    %scan3A_8 = arith.constant 392 : i32
    "tpu.region"() ({
      %run_scoped3A = tpu.sem_alloc : memref<!tpu.dma_semaphore, #tpu.memory_space<semaphore_mem>>
      %dma_start3A_42 = tpu.memref_slice %arg7[%mul3A_2] : memref<100352xf32, #tpu.memory_space<vmem_shared>> -> memref<6272xf32, #tpu.memory_space<vmem_shared>>
      %dma_start3A_43 = tpu.memref_slice %arg7[%mul3A_2] : memref<100352xf32, #tpu.memory_space<vmem_shared>> -> memref<6272xf32, #tpu.memory_space<vmem_shared>>
      tpu.enqueue_dma source(%arg10 : memref<6272xf32, #tpu.memory_space<vmem>>) target(%dma_start3A_43 : memref<6272xf32, #tpu.memory_space<vmem_shared>>) target_semaphore(%run_scoped3A : memref<!tpu.dma_semaphore, #tpu.memory_space<semaphore_mem>>)
      %dma_wait3A = tpu.memref_slice %arg7[%mul3A_2] : memref<100352xf32, #tpu.memory_space<vmem_shared>> -> memref<6272xf32, #tpu.memory_space<vmem_shared>>
      %dma_wait3A_44 = tpu.memref_slice %arg7[%mul3A_2] : memref<100352xf32, #tpu.memory_space<vmem_shared>> -> memref<6272xf32, #tpu.memory_space<vmem_shared>>
      tpu.wait_dma2 semaphore(%run_scoped3A : memref<!tpu.dma_semaphore, #tpu.memory_space<semaphore_mem>>) src(%arg10 : memref<6272xf32, #tpu.memory_space<vmem>>) dst(%dma_wait3A_44 : memref<6272xf32, #tpu.memory_space<vmem_shared>>)
      tpu.yield
    }) : () -> ()
    "tpu.region"() ({
      %run_scoped3A = tpu.sem_alloc : memref<!tpu.dma_semaphore, #tpu.memory_space<semaphore_mem>>
      %dma_start3A_42 = tpu.memref_slice %arg8[%mul3A_2] : memref<100352xf32, #tpu.memory_space<vmem_shared>> -> memref<6272xf32, #tpu.memory_space<vmem_shared>>
      %dma_start3A_43 = tpu.memref_slice %arg8[%mul3A_2] : memref<100352xf32, #tpu.memory_space<vmem_shared>> -> memref<6272xf32, #tpu.memory_space<vmem_shared>>
      tpu.enqueue_dma source(%arg10 : memref<6272xf32, #tpu.memory_space<vmem>>) target(%dma_start3A_43 : memref<6272xf32, #tpu.memory_space<vmem_shared>>) target_semaphore(%run_scoped3A : memref<!tpu.dma_semaphore, #tpu.memory_space<semaphore_mem>>)
      %dma_wait3A = tpu.memref_slice %arg8[%mul3A_2] : memref<100352xf32, #tpu.memory_space<vmem_shared>> -> memref<6272xf32, #tpu.memory_space<vmem_shared>>
      %dma_wait3A_44 = tpu.memref_slice %arg8[%mul3A_2] : memref<100352xf32, #tpu.memory_space<vmem_shared>> -> memref<6272xf32, #tpu.memory_space<vmem_shared>>
      tpu.wait_dma2 semaphore(%run_scoped3A : memref<!tpu.dma_semaphore, #tpu.memory_space<semaphore_mem>>) src(%arg10 : memref<6272xf32, #tpu.memory_space<vmem>>) dst(%dma_wait3A_44 : memref<6272xf32, #tpu.memory_space<vmem_shared>>)
      tpu.yield
    }) : () -> ()
    "tpu.region"() ({
      %run_scoped3A = tpu.sem_alloc : memref<!tpu.dma_semaphore, #tpu.memory_space<semaphore_mem>>
      %dma_start3A_42 = tpu.memref_slice %arg9[%mul3A_2] : memref<100352xf32, #tpu.memory_space<vmem_shared>> -> memref<6272xf32, #tpu.memory_space<vmem_shared>>
      %dma_start3A_43 = tpu.memref_slice %arg9[%mul3A_2] : memref<100352xf32, #tpu.memory_space<vmem_shared>> -> memref<6272xf32, #tpu.memory_space<vmem_shared>>
      tpu.enqueue_dma source(%arg10 : memref<6272xf32, #tpu.memory_space<vmem>>) target(%dma_start3A_43 : memref<6272xf32, #tpu.memory_space<vmem_shared>>) target_semaphore(%run_scoped3A : memref<!tpu.dma_semaphore, #tpu.memory_space<semaphore_mem>>)
      %dma_wait3A = tpu.memref_slice %arg9[%mul3A_2] : memref<100352xf32, #tpu.memory_space<vmem_shared>> -> memref<6272xf32, #tpu.memory_space<vmem_shared>>
      %dma_wait3A_44 = tpu.memref_slice %arg9[%mul3A_2] : memref<100352xf32, #tpu.memory_space<vmem_shared>> -> memref<6272xf32, #tpu.memory_space<vmem_shared>>
      tpu.wait_dma2 semaphore(%run_scoped3A : memref<!tpu.dma_semaphore, #tpu.memory_space<semaphore_mem>>) src(%arg10 : memref<6272xf32, #tpu.memory_space<vmem>>) dst(%dma_wait3A_44 : memref<6272xf32, #tpu.memory_space<vmem_shared>>)
      tpu.yield
    }) : () -> ()
    %barrier3A = arith.constant 0 : index
    tpu.barrier barrier_id(%barrier3A)
    %mul3A_9 = arith.constant 100000 : i32
    %mul3A_10 = arith.muli %add3A, %mul3A_9 : i32
    %add3A_11 = arith.constant 0 : i32
    %add3A_12 = arith.addi %mul3A_10, %add3A_11 : i32
    %scan3A_13 = arith.constant 0 : i32
    %scan3A_14 = arith.constant 0 : i32
    %scan3A_15 = arith.constant 25 : i32
    %scan3A_16 = arith.addi %scan3A_14, %scan3A_15 : i32
    %scan3A_17 = arith.constant 1 : i32
    %scan3A_18 = scf.for %scan3A_42 = %scan3A_14 to %scan3A_16 step %scan3A_17 iter_args(%scan3A_43 = %scan3A_13) -> (i32)  : i32 {
      %mul3A_44 = arith.constant 80 : i32
      %mul3A_45 = arith.muli %scan3A_42, %mul3A_44 : i32
      %add3A_46 = arith.addi %add3A_12, %mul3A_45 : i32
      %dma_start3A_47 = arith.constant 0 : i32
      %dma_start3A_48 = tpu.memref_slice %arg11[%scan3A_42, %dma_start3A_47] : memref<25x80xi32, #tpu.memory_space<vmem>> -> memref<1x80xi32, #tpu.memory_space<vmem>>
      %dma_start3A_49 = tpu.memref_squeeze %dma_start3A_48 : memref<1x80xi32, #tpu.memory_space<vmem>> -> memref<80xi32, #tpu.memory_space<vmem>>
      %dma_start3A_50 = tpu.memref_slice %arg5[%add3A_46] : memref<3200000xi32, #tpu.memory_space<hbm>> -> memref<80xi32, #tpu.memory_space<hbm>>
      %dma_start3A_51 = arith.constant 0 : i32
      %dma_start3A_52 = tpu.memref_slice %arg11[%scan3A_42, %dma_start3A_51] : memref<25x80xi32, #tpu.memory_space<vmem>> -> memref<1x80xi32, #tpu.memory_space<vmem>>
      %dma_start3A_53 = tpu.memref_squeeze %dma_start3A_52 : memref<1x80xi32, #tpu.memory_space<vmem>> -> memref<80xi32, #tpu.memory_space<vmem>>
      %dma_start3A_54 = tpu.memref_slice %arg5[%add3A_46] : memref<3200000xi32, #tpu.memory_space<hbm>> -> memref<80xi32, #tpu.memory_space<hbm>>
      tpu.enqueue_dma source(%dma_start3A_54 : memref<80xi32, #tpu.memory_space<hbm>>) target(%dma_start3A_53 : memref<80xi32, #tpu.memory_space<vmem>>) target_semaphore(%arg19 : memref<!tpu.dma_semaphore, #tpu.memory_space<semaphore_mem>>)
      %scan3A_55 = arith.constant 0 : i32
      scf.yield %scan3A_55 : i32
    }
    %scan3A_19 = arith.constant 25 : i32
    %dma_start3A = tpu.memref_slice %arg2[%add3A_12] : memref<3200000xf32, #tpu.memory_space<hbm>> -> memref<2000xf32, #tpu.memory_space<hbm>>
    %dma_start3A_20 = tpu.memref_slice %arg2[%add3A_12] : memref<3200000xf32, #tpu.memory_space<hbm>> -> memref<2000xf32, #tpu.memory_space<hbm>>
    tpu.enqueue_dma source(%dma_start3A_20 : memref<2000xf32, #tpu.memory_space<hbm>>) target(%arg12 : memref<2000xf32, #tpu.memory_space<vmem>>) target_semaphore(%arg19 : memref<!tpu.dma_semaphore, #tpu.memory_space<semaphore_mem>>)
    %dma_start3A_21 = tpu.memref_slice %arg3[%add3A_12] : memref<3200000xf32, #tpu.memory_space<hbm>> -> memref<2000xf32, #tpu.memory_space<hbm>>
    %dma_start3A_22 = tpu.memref_slice %arg3[%add3A_12] : memref<3200000xf32, #tpu.memory_space<hbm>> -> memref<2000xf32, #tpu.memory_space<hbm>>
    tpu.enqueue_dma source(%dma_start3A_22 : memref<2000xf32, #tpu.memory_space<hbm>>) target(%arg13 : memref<2000xf32, #tpu.memory_space<vmem>>) target_semaphore(%arg19 : memref<!tpu.dma_semaphore, #tpu.memory_space<semaphore_mem>>)
    %dma_start3A_23 = tpu.memref_slice %arg4[%add3A_12] : memref<3200000xf32, #tpu.memory_space<hbm>> -> memref<2000xf32, #tpu.memory_space<hbm>>
    %dma_start3A_24 = tpu.memref_slice %arg4[%add3A_12] : memref<3200000xf32, #tpu.memory_space<hbm>> -> memref<2000xf32, #tpu.memory_space<hbm>>
    tpu.enqueue_dma source(%dma_start3A_24 : memref<2000xf32, #tpu.memory_space<hbm>>) target(%arg14 : memref<2000xf32, #tpu.memory_space<vmem>>) target_semaphore(%arg19 : memref<!tpu.dma_semaphore, #tpu.memory_space<semaphore_mem>>)
    %scan3A_25 = arith.constant 0 : i32
    %scan3A_26 = arith.constant 0 : i32
    %scan3A_27 = arith.constant 25 : i32
    %scan3A_28 = arith.addi %scan3A_26, %scan3A_27 : i32
    %scan3A_29 = arith.constant 1 : i32
    %scan3A_30 = scf.for %scan3A_42 = %scan3A_26 to %scan3A_28 step %scan3A_29 iter_args(%scan3A_43 = %scan3A_25) -> (i32)  : i32 {
      %mul3A_44 = arith.constant 2 : i32
      %mul3A_45 = arith.muli %mul3A_44, %scan3A_42 : i32
      %add3A_46 = arith.constant 1 : i32
      %add3A_47 = arith.addi %mul3A_45, %add3A_46 : i32
      %mul3A_48 = arith.constant 2000 : i32
      %mul3A_49 = arith.muli %add3A_47, %mul3A_48 : i32
      %add3A_50 = arith.addi %mul3A_10, %mul3A_49 : i32
      %scan3A_51 = arith.constant 0 : i32
      %scan3A_52 = arith.constant 0 : i32
      %scan3A_53 = arith.constant 25 : i32
      %scan3A_54 = arith.addi %scan3A_52, %scan3A_53 : i32
      %scan3A_55 = arith.constant 1 : i32
      %scan3A_56 = scf.for %scan3A_146 = %scan3A_52 to %scan3A_54 step %scan3A_55 iter_args(%scan3A_147 = %scan3A_51) -> (i32)  : i32 {
        %mul3A_148 = arith.constant 80 : i32
        %mul3A_149 = arith.muli %scan3A_146, %mul3A_148 : i32
        %add3A_150 = arith.addi %add3A_50, %mul3A_149 : i32
        %dma_start3A_151 = arith.constant 0 : i32
        %dma_start3A_152 = tpu.memref_slice %arg15[%scan3A_146, %dma_start3A_151] : memref<25x80xi32, #tpu.memory_space<vmem>> -> memref<1x80xi32, #tpu.memory_space<vmem>>
        %dma_start3A_153 = tpu.memref_squeeze %dma_start3A_152 : memref<1x80xi32, #tpu.memory_space<vmem>> -> memref<80xi32, #tpu.memory_space<vmem>>
        %dma_start3A_154 = tpu.memref_slice %arg5[%add3A_150] : memref<3200000xi32, #tpu.memory_space<hbm>> -> memref<80xi32, #tpu.memory_space<hbm>>
        %dma_start3A_155 = arith.constant 0 : i32
        %dma_start3A_156 = tpu.memref_slice %arg15[%scan3A_146, %dma_start3A_155] : memref<25x80xi32, #tpu.memory_space<vmem>> -> memref<1x80xi32, #tpu.memory_space<vmem>>
        %dma_start3A_157 = tpu.memref_squeeze %dma_start3A_156 : memref<1x80xi32, #tpu.memory_space<vmem>> -> memref<80xi32, #tpu.memory_space<vmem>>
        %dma_start3A_158 = tpu.memref_slice %arg5[%add3A_150] : memref<3200000xi32, #tpu.memory_space<hbm>> -> memref<80xi32, #tpu.memory_space<hbm>>
        tpu.enqueue_dma source(%dma_start3A_158 : memref<80xi32, #tpu.memory_space<hbm>>) target(%dma_start3A_157 : memref<80xi32, #tpu.memory_space<vmem>>) target_semaphore(%arg20 : memref<!tpu.dma_semaphore, #tpu.memory_space<semaphore_mem>>)
        %scan3A_159 = arith.constant 0 : i32
        scf.yield %scan3A_159 : i32
      }
      %scan3A_57 = arith.constant 25 : i32
      %dma_start3A_58 = tpu.memref_slice %arg2[%add3A_50] : memref<3200000xf32, #tpu.memory_space<hbm>> -> memref<2000xf32, #tpu.memory_space<hbm>>
      %dma_start3A_59 = tpu.memref_slice %arg2[%add3A_50] : memref<3200000xf32, #tpu.memory_space<hbm>> -> memref<2000xf32, #tpu.memory_space<hbm>>
      tpu.enqueue_dma source(%dma_start3A_59 : memref<2000xf32, #tpu.memory_space<hbm>>) target(%arg16 : memref<2000xf32, #tpu.memory_space<vmem>>) target_semaphore(%arg20 : memref<!tpu.dma_semaphore, #tpu.memory_space<semaphore_mem>>)
      %dma_start3A_60 = tpu.memref_slice %arg3[%add3A_50] : memref<3200000xf32, #tpu.memory_space<hbm>> -> memref<2000xf32, #tpu.memory_space<hbm>>
      %dma_start3A_61 = tpu.memref_slice %arg3[%add3A_50] : memref<3200000xf32, #tpu.memory_space<hbm>> -> memref<2000xf32, #tpu.memory_space<hbm>>
      tpu.enqueue_dma source(%dma_start3A_61 : memref<2000xf32, #tpu.memory_space<hbm>>) target(%arg17 : memref<2000xf32, #tpu.memory_space<vmem>>) target_semaphore(%arg20 : memref<!tpu.dma_semaphore, #tpu.memory_space<semaphore_mem>>)
      %dma_start3A_62 = tpu.memref_slice %arg4[%add3A_50] : memref<3200000xf32, #tpu.memory_space<hbm>> -> memref<2000xf32, #tpu.memory_space<hbm>>
      %dma_start3A_63 = tpu.memref_slice %arg4[%add3A_50] : memref<3200000xf32, #tpu.memory_space<hbm>> -> memref<2000xf32, #tpu.memory_space<hbm>>
      tpu.enqueue_dma source(%dma_start3A_63 : memref<2000xf32, #tpu.memory_space<hbm>>) target(%arg18 : memref<2000xf32, #tpu.memory_space<vmem>>) target_semaphore(%arg20 : memref<!tpu.dma_semaphore, #tpu.memory_space<semaphore_mem>>)
      %mul3A_64 = arith.constant 2000 : i32
      %mul3A_65 = arith.muli %mul3A_45, %mul3A_64 : i32
      %add3A_66 = arith.addi %mul3A_10, %mul3A_65 : i32
      %scan3A_67 = arith.constant 0 : i32
      %scan3A_68 = arith.constant 0 : i32
      %scan3A_69 = arith.constant 25 : i32
      %scan3A_70 = arith.addi %scan3A_68, %scan3A_69 : i32
      %scan3A_71 = arith.constant 1 : i32
      %scan3A_72 = scf.for %scan3A_146 = %scan3A_68 to %scan3A_70 step %scan3A_71 iter_args(%scan3A_147 = %scan3A_67) -> (i32)  : i32 {
        %mul3A_148 = arith.constant 80 : i32
        %mul3A_149 = arith.muli %scan3A_146, %mul3A_148 : i32
        %add3A_150 = arith.addi %add3A_66, %mul3A_149 : i32
        %dma_wait3A_151 = arith.constant 0 : i32
        %dma_wait3A_152 = tpu.memref_slice %arg11[%scan3A_146, %dma_wait3A_151] : memref<25x80xi32, #tpu.memory_space<vmem>> -> memref<1x80xi32, #tpu.memory_space<vmem>>
        %dma_wait3A_153 = tpu.memref_squeeze %dma_wait3A_152 : memref<1x80xi32, #tpu.memory_space<vmem>> -> memref<80xi32, #tpu.memory_space<vmem>>
        %dma_wait3A_154 = tpu.memref_slice %arg5[%add3A_150] : memref<3200000xi32, #tpu.memory_space<hbm>> -> memref<80xi32, #tpu.memory_space<hbm>>
        %dma_wait3A_155 = arith.constant 0 : i32
        %dma_wait3A_156 = tpu.memref_slice %arg11[%scan3A_146, %dma_wait3A_155] : memref<25x80xi32, #tpu.memory_space<vmem>> -> memref<1x80xi32, #tpu.memory_space<vmem>>
        %dma_wait3A_157 = tpu.memref_squeeze %dma_wait3A_156 : memref<1x80xi32, #tpu.memory_space<vmem>> -> memref<80xi32, #tpu.memory_space<vmem>>
        %dma_wait3A_158 = tpu.memref_slice %arg5[%add3A_150] : memref<3200000xi32, #tpu.memory_space<hbm>> -> memref<80xi32, #tpu.memory_space<hbm>>
        tpu.wait_dma2 semaphore(%arg19 : memref<!tpu.dma_semaphore, #tpu.memory_space<semaphore_mem>>) src(%dma_wait3A_158 : memref<80xi32, #tpu.memory_space<hbm>>) dst(%dma_wait3A_157 : memref<80xi32, #tpu.memory_space<vmem>>)
        %scan3A_159 = arith.constant 0 : i32
        scf.yield %scan3A_159 : i32
      }
      %scan3A_73 = arith.constant 25 : i32
      %dma_wait3A = tpu.memref_slice %arg2[%add3A_66] : memref<3200000xf32, #tpu.memory_space<hbm>> -> memref<2000xf32, #tpu.memory_space<hbm>>
      %dma_wait3A_74 = tpu.memref_slice %arg2[%add3A_66] : memref<3200000xf32, #tpu.memory_space<hbm>> -> memref<2000xf32, #tpu.memory_space<hbm>>
      tpu.wait_dma2 semaphore(%arg19 : memref<!tpu.dma_semaphore, #tpu.memory_space<semaphore_mem>>) src(%dma_wait3A_74 : memref<2000xf32, #tpu.memory_space<hbm>>) dst(%arg12 : memref<2000xf32, #tpu.memory_space<vmem>>)
      %dma_wait3A_75 = tpu.memref_slice %arg3[%add3A_66] : memref<3200000xf32, #tpu.memory_space<hbm>> -> memref<2000xf32, #tpu.memory_space<hbm>>
      %dma_wait3A_76 = tpu.memref_slice %arg3[%add3A_66] : memref<3200000xf32, #tpu.memory_space<hbm>> -> memref<2000xf32, #tpu.memory_space<hbm>>
      tpu.wait_dma2 semaphore(%arg19 : memref<!tpu.dma_semaphore, #tpu.memory_space<semaphore_mem>>) src(%dma_wait3A_76 : memref<2000xf32, #tpu.memory_space<hbm>>) dst(%arg13 : memref<2000xf32, #tpu.memory_space<vmem>>)
      %dma_wait3A_77 = tpu.memref_slice %arg4[%add3A_66] : memref<3200000xf32, #tpu.memory_space<hbm>> -> memref<2000xf32, #tpu.memory_space<hbm>>
      %dma_wait3A_78 = tpu.memref_slice %arg4[%add3A_66] : memref<3200000xf32, #tpu.memory_space<hbm>> -> memref<2000xf32, #tpu.memory_space<hbm>>
      tpu.wait_dma2 semaphore(%arg19 : memref<!tpu.dma_semaphore, #tpu.memory_space<semaphore_mem>>) src(%dma_wait3A_78 : memref<2000xf32, #tpu.memory_space<hbm>>) dst(%arg14 : memref<2000xf32, #tpu.memory_space<vmem>>)
      %scan3A_79 = arith.constant 0 : i32
      %scan3A_80 = arith.constant 0 : i32
      %scan3A_81 = arith.constant 125 : i32
      %scan3A_82 = arith.addi %scan3A_80, %scan3A_81 : i32
      %scan3A_83 = arith.constant 1 : i32
      %scan3A_84 = scf.for %scan3A_146 = %scan3A_80 to %scan3A_82 step %scan3A_83 iter_args(%scan3A_147 = %scan3A_79) -> (i32)  : i32 {
        %mul3A_148 = arith.constant 16 : i32
        %mul3A_149 = arith.muli %scan3A_146, %mul3A_148 : i32
        %get3A = arith.index_cast %mul3A_149 : i32 to index
        %get3A_150 = tpu.vector_load %arg12[%get3A] {strides = array<i32>} : memref<2000xf32, #tpu.memory_space<vmem>>, vector<16xf32>,
        %exp3A = math.exp %get3A_150 : vector<16xf32>
        %swap3A = arith.index_cast %mul3A_149 : i32 to index
        %swap3A_151 = tpu.vector_load %arg12[%swap3A] {strides = array<i32>} : memref<2000xf32, #tpu.memory_space<vmem>>, vector<16xf32>,
        tpu.vector_store %arg12[%swap3A], %exp3A {strides = array<i32>} : memref<2000xf32, #tpu.memory_space<vmem>>, vector<16xf32>,
        %get3A_152 = arith.index_cast %mul3A_149 : i32 to index
        %get3A_153 = tpu.vector_load %arg13[%get3A_152] {strides = array<i32>} : memref<2000xf32, #tpu.memory_space<vmem>>, vector<16xf32>,
        %exp3A_154 = math.exp %get3A_153 : vector<16xf32>
        %swap3A_155 = arith.index_cast %mul3A_149 : i32 to index
        %swap3A_156 = tpu.vector_load %arg13[%swap3A_155] {strides = array<i32>} : memref<2000xf32, #tpu.memory_space<vmem>>, vector<16xf32>,
        tpu.vector_store %arg13[%swap3A_155], %exp3A_154 {strides = array<i32>} : memref<2000xf32, #tpu.memory_space<vmem>>, vector<16xf32>,
        %get3A_157 = arith.index_cast %mul3A_149 : i32 to index
        %get3A_158 = tpu.vector_load %arg14[%get3A_157] {strides = array<i32>} : memref<2000xf32, #tpu.memory_space<vmem>>, vector<16xf32>,
        %exp3A_159 = math.exp %get3A_158 : vector<16xf32>
        %swap3A_160 = arith.index_cast %mul3A_149 : i32 to index
        %swap3A_161 = tpu.vector_load %arg14[%swap3A_160] {strides = array<i32>} : memref<2000xf32, #tpu.memory_space<vmem>>, vector<16xf32>,
        tpu.vector_store %arg14[%swap3A_160], %exp3A_159 {strides = array<i32>} : memref<2000xf32, #tpu.memory_space<vmem>>, vector<16xf32>,
        %scan3A_162 = arith.constant 0 : i32
        scf.yield %scan3A_162 : i32
      }
      %scan3A_85 = arith.constant 125 : i32
      %scan3A_86 = arith.constant 0 : i32
      %scan3A_87 = arith.constant 0 : i32
      %scan3A_88 = arith.constant 25 : i32
      %scan3A_89 = arith.addi %scan3A_87, %scan3A_88 : i32
      %scan3A_90 = arith.constant 1 : i32
      %scan3A_91 = scf.for %scan3A_146 = %scan3A_87 to %scan3A_89 step %scan3A_90 iter_args(%scan3A_147 = %scan3A_86) -> (i32)  : i32 {
        %mul3A_148 = arith.constant 80 : i32
        %mul3A_149 = arith.muli %scan3A_146, %mul3A_148 : i32
        %dma_start3A_150 = tpu.memref_slice %arg12[%mul3A_149] : memref<2000xf32, #tpu.memory_space<vmem>> -> memref<80xf32, #tpu.memory_space<vmem>>
        %dma_start3A_151 = arith.constant 0 : i32
        %dma_start3A_152 = tpu.memref_slice %arg11[%scan3A_146, %dma_start3A_151] : memref<25x80xi32, #tpu.memory_space<vmem>> -> memref<1x80xi32, #tpu.memory_space<vmem>>
        %dma_start3A_153 = tpu.memref_squeeze %dma_start3A_152 : memref<1x80xi32, #tpu.memory_space<vmem>> -> memref<80xi32, #tpu.memory_space<vmem>>
        %dma_start3A_154 = arith.constant 0 : i32
        %dma_start3A_155 = tpu.memref_slice %arg7[%dma_start3A_154] : memref<100352xf32, #tpu.memory_space<vmem_shared>> -> memref<100352xf32, #tpu.memory_space<vmem_shared>>
        tpu.enqueue_indirect_dma source(%dma_start3A_150 : memref<80xf32, #tpu.memory_space<vmem>>) target(%dma_start3A_155 : memref<100352xf32, #tpu.memory_space<vmem_shared>>) offsets(%dma_start3A_153 : memref<80xi32, #tpu.memory_space<vmem>>) semaphore(%arg21 : memref<!tpu.dma_semaphore, #tpu.memory_space<semaphore_mem>>) {add = true}
        %dma_start3A_156 = tpu.memref_slice %arg13[%mul3A_149] : memref<2000xf32, #tpu.memory_space<vmem>> -> memref<80xf32, #tpu.memory_space<vmem>>
        %dma_start3A_157 = arith.constant 0 : i32
        %dma_start3A_158 = tpu.memref_slice %arg11[%scan3A_146, %dma_start3A_157] : memref<25x80xi32, #tpu.memory_space<vmem>> -> memref<1x80xi32, #tpu.memory_space<vmem>>
        %dma_start3A_159 = tpu.memref_squeeze %dma_start3A_158 : memref<1x80xi32, #tpu.memory_space<vmem>> -> memref<80xi32, #tpu.memory_space<vmem>>
        %dma_start3A_160 = arith.constant 0 : i32
        %dma_start3A_161 = tpu.memref_slice %arg8[%dma_start3A_160] : memref<100352xf32, #tpu.memory_space<vmem_shared>> -> memref<100352xf32, #tpu.memory_space<vmem_shared>>
        tpu.enqueue_indirect_dma source(%dma_start3A_156 : memref<80xf32, #tpu.memory_space<vmem>>) target(%dma_start3A_161 : memref<100352xf32, #tpu.memory_space<vmem_shared>>) offsets(%dma_start3A_159 : memref<80xi32, #tpu.memory_space<vmem>>) semaphore(%arg21 : memref<!tpu.dma_semaphore, #tpu.memory_space<semaphore_mem>>) {add = true}
        %dma_start3A_162 = tpu.memref_slice %arg14[%mul3A_149] : memref<2000xf32, #tpu.memory_space<vmem>> -> memref<80xf32, #tpu.memory_space<vmem>>
        %dma_start3A_163 = arith.constant 0 : i32
        %dma_start3A_164 = tpu.memref_slice %arg11[%scan3A_146, %dma_start3A_163] : memref<25x80xi32, #tpu.memory_space<vmem>> -> memref<1x80xi32, #tpu.memory_space<vmem>>
        %dma_start3A_165 = tpu.memref_squeeze %dma_start3A_164 : memref<1x80xi32, #tpu.memory_space<vmem>> -> memref<80xi32, #tpu.memory_space<vmem>>
        %dma_start3A_166 = arith.constant 0 : i32
        %dma_start3A_167 = tpu.memref_slice %arg9[%dma_start3A_166] : memref<100352xf32, #tpu.memory_space<vmem_shared>> -> memref<100352xf32, #tpu.memory_space<vmem_shared>>
        tpu.enqueue_indirect_dma source(%dma_start3A_162 : memref<80xf32, #tpu.memory_space<vmem>>) target(%dma_start3A_167 : memref<100352xf32, #tpu.memory_space<vmem_shared>>) offsets(%dma_start3A_165 : memref<80xi32, #tpu.memory_space<vmem>>) semaphore(%arg21 : memref<!tpu.dma_semaphore, #tpu.memory_space<semaphore_mem>>) {add = true}
        %scan3A_168 = arith.constant 0 : i32
        scf.yield %scan3A_168 : i32
      }
      %scan3A_92 = arith.constant 25 : i32
      %scan3A_93 = arith.constant 0 : i32
      %scan3A_94 = arith.constant 0 : i32
      %scan3A_95 = arith.constant 25 : i32
      %scan3A_96 = arith.addi %scan3A_94, %scan3A_95 : i32
      %scan3A_97 = arith.constant 1 : i32
      %scan3A_98 = scf.for %scan3A_146 = %scan3A_94 to %scan3A_96 step %scan3A_97 iter_args(%scan3A_147 = %scan3A_93) -> (i32)  : i32 {
        %mul3A_148 = arith.constant 80 : i32
        %mul3A_149 = arith.muli %scan3A_146, %mul3A_148 : i32
        %dma_wait3A_150 = tpu.memref_slice %arg12[%mul3A_149] : memref<2000xf32, #tpu.memory_space<vmem>> -> memref<80xf32, #tpu.memory_space<vmem>>
        %dma_wait3A_151 = arith.constant 0 : i32
        %dma_wait3A_152 = tpu.memref_slice %arg11[%scan3A_146, %dma_wait3A_151] : memref<25x80xi32, #tpu.memory_space<vmem>> -> memref<1x80xi32, #tpu.memory_space<vmem>>
        %dma_wait3A_153 = tpu.memref_squeeze %dma_wait3A_152 : memref<1x80xi32, #tpu.memory_space<vmem>> -> memref<80xi32, #tpu.memory_space<vmem>>
        %dma_wait3A_154 = arith.constant 0 : i32
        %dma_wait3A_155 = tpu.memref_slice %arg7[%dma_wait3A_154] : memref<100352xf32, #tpu.memory_space<vmem_shared>> -> memref<100352xf32, #tpu.memory_space<vmem_shared>>
        tpu.wait_indirect_dma semaphore(%arg21 : memref<!tpu.dma_semaphore, #tpu.memory_space<semaphore_mem>>) src(%dma_wait3A_150 : memref<80xf32, #tpu.memory_space<vmem>>) dst(%dma_wait3A_155 : memref<100352xf32, #tpu.memory_space<vmem_shared>>)
        %dma_wait3A_156 = tpu.memref_slice %arg13[%mul3A_149] : memref<2000xf32, #tpu.memory_space<vmem>> -> memref<80xf32, #tpu.memory_space<vmem>>
        %dma_wait3A_157 = arith.constant 0 : i32
        %dma_wait3A_158 = tpu.memref_slice %arg11[%scan3A_146, %dma_wait3A_157] : memref<25x80xi32, #tpu.memory_space<vmem>> -> memref<1x80xi32, #tpu.memory_space<vmem>>
        %dma_wait3A_159 = tpu.memref_squeeze %dma_wait3A_158 : memref<1x80xi32, #tpu.memory_space<vmem>> -> memref<80xi32, #tpu.memory_space<vmem>>
        %dma_wait3A_160 = arith.constant 0 : i32
        %dma_wait3A_161 = tpu.memref_slice %arg8[%dma_wait3A_160] : memref<100352xf32, #tpu.memory_space<vmem_shared>> -> memref<100352xf32, #tpu.memory_space<vmem_shared>>
        tpu.wait_indirect_dma semaphore(%arg21 : memref<!tpu.dma_semaphore, #tpu.memory_space<semaphore_mem>>) src(%dma_wait3A_156 : memref<80xf32, #tpu.memory_space<vmem>>) dst(%dma_wait3A_161 : memref<100352xf32, #tpu.memory_space<vmem_shared>>)
        %dma_wait3A_162 = tpu.memref_slice %arg14[%mul3A_149] : memref<2000xf32, #tpu.memory_space<vmem>> -> memref<80xf32, #tpu.memory_space<vmem>>
        %dma_wait3A_163 = arith.constant 0 : i32
        %dma_wait3A_164 = tpu.memref_slice %arg11[%scan3A_146, %dma_wait3A_163] : memref<25x80xi32, #tpu.memory_space<vmem>> -> memref<1x80xi32, #tpu.memory_space<vmem>>
        %dma_wait3A_165 = tpu.memref_squeeze %dma_wait3A_164 : memref<1x80xi32, #tpu.memory_space<vmem>> -> memref<80xi32, #tpu.memory_space<vmem>>
        %dma_wait3A_166 = arith.constant 0 : i32
        %dma_wait3A_167 = tpu.memref_slice %arg9[%dma_wait3A_166] : memref<100352xf32, #tpu.memory_space<vmem_shared>> -> memref<100352xf32, #tpu.memory_space<vmem_shared>>
        tpu.wait_indirect_dma semaphore(%arg21 : memref<!tpu.dma_semaphore, #tpu.memory_space<semaphore_mem>>) src(%dma_wait3A_162 : memref<80xf32, #tpu.memory_space<vmem>>) dst(%dma_wait3A_167 : memref<100352xf32, #tpu.memory_space<vmem_shared>>)
        %scan3A_168 = arith.constant 0 : i32
        scf.yield %scan3A_168 : i32
      }
      %scan3A_99 = arith.constant 25 : i32
      %add3A_100 = arith.constant 2 : i32
      %add3A_101 = arith.addi %mul3A_45, %add3A_100 : i32
      %lt3A = arith.constant 50 : i32
      %lt3A_102 = arith.cmpi slt, %add3A_101, %lt3A : i32
      %convert_element_type3A = arith.extui %lt3A_102 : i1 to i32
      %cond3A = arith.constant 0 : i32
      %cond3A_103 = arith.cmpi ne, %convert_element_type3A, %cond3A : i32
      scf.if %cond3A_103 {
        %add3A_146 = arith.constant 2 : i32
        %add3A_147 = arith.addi %mul3A_45, %add3A_146 : i32
        %mul3A_148 = arith.constant 2000 : i32
        %mul3A_149 = arith.muli %add3A_147, %mul3A_148 : i32
        %add3A_150 = arith.addi %mul3A_10, %mul3A_149 : i32
        %scan3A_151 = arith.constant 0 : i32
        %scan3A_152 = arith.constant 0 : i32
        %scan3A_153 = arith.constant 25 : i32
        %scan3A_154 = arith.addi %scan3A_152, %scan3A_153 : i32
        %scan3A_155 = arith.constant 1 : i32
        %scan3A_156 = scf.for %scan3A_164 = %scan3A_152 to %scan3A_154 step %scan3A_155 iter_args(%scan3A_165 = %scan3A_151) -> (i32)  : i32 {
          %mul3A_166 = arith.constant 80 : i32
          %mul3A_167 = arith.muli %scan3A_164, %mul3A_166 : i32
          %add3A_168 = arith.addi %add3A_150, %mul3A_167 : i32
          %dma_start3A_169 = arith.constant 0 : i32
          %dma_start3A_170 = tpu.memref_slice %arg11[%scan3A_164, %dma_start3A_169] : memref<25x80xi32, #tpu.memory_space<vmem>> -> memref<1x80xi32, #tpu.memory_space<vmem>>
          %dma_start3A_171 = tpu.memref_squeeze %dma_start3A_170 : memref<1x80xi32, #tpu.memory_space<vmem>> -> memref<80xi32, #tpu.memory_space<vmem>>
          %dma_start3A_172 = tpu.memref_slice %arg5[%add3A_168] : memref<3200000xi32, #tpu.memory_space<hbm>> -> memref<80xi32, #tpu.memory_space<hbm>>
          %dma_start3A_173 = arith.constant 0 : i32
          %dma_start3A_174 = tpu.memref_slice %arg11[%scan3A_164, %dma_start3A_173] : memref<25x80xi32, #tpu.memory_space<vmem>> -> memref<1x80xi32, #tpu.memory_space<vmem>>
          %dma_start3A_175 = tpu.memref_squeeze %dma_start3A_174 : memref<1x80xi32, #tpu.memory_space<vmem>> -> memref<80xi32, #tpu.memory_space<vmem>>
          %dma_start3A_176 = tpu.memref_slice %arg5[%add3A_168] : memref<3200000xi32, #tpu.memory_space<hbm>> -> memref<80xi32, #tpu.memory_space<hbm>>
          tpu.enqueue_dma source(%dma_start3A_176 : memref<80xi32, #tpu.memory_space<hbm>>) target(%dma_start3A_175 : memref<80xi32, #tpu.memory_space<vmem>>) target_semaphore(%arg19 : memref<!tpu.dma_semaphore, #tpu.memory_space<semaphore_mem>>)
          %scan3A_177 = arith.constant 0 : i32
          scf.yield %scan3A_177 : i32
        }
        %scan3A_157 = arith.constant 25 : i32
        %dma_start3A_158 = tpu.memref_slice %arg2[%add3A_150] : memref<3200000xf32, #tpu.memory_space<hbm>> -> memref<2000xf32, #tpu.memory_space<hbm>>
        %dma_start3A_159 = tpu.memref_slice %arg2[%add3A_150] : memref<3200000xf32, #tpu.memory_space<hbm>> -> memref<2000xf32, #tpu.memory_space<hbm>>
        tpu.enqueue_dma source(%dma_start3A_159 : memref<2000xf32, #tpu.memory_space<hbm>>) target(%arg12 : memref<2000xf32, #tpu.memory_space<vmem>>) target_semaphore(%arg19 : memref<!tpu.dma_semaphore, #tpu.memory_space<semaphore_mem>>)
        %dma_start3A_160 = tpu.memref_slice %arg3[%add3A_150] : memref<3200000xf32, #tpu.memory_space<hbm>> -> memref<2000xf32, #tpu.memory_space<hbm>>
        %dma_start3A_161 = tpu.memref_slice %arg3[%add3A_150] : memref<3200000xf32, #tpu.memory_space<hbm>> -> memref<2000xf32, #tpu.memory_space<hbm>>
        tpu.enqueue_dma source(%dma_start3A_161 : memref<2000xf32, #tpu.memory_space<hbm>>) target(%arg13 : memref<2000xf32, #tpu.memory_space<vmem>>) target_semaphore(%arg19 : memref<!tpu.dma_semaphore, #tpu.memory_space<semaphore_mem>>)
        %dma_start3A_162 = tpu.memref_slice %arg4[%add3A_150] : memref<3200000xf32, #tpu.memory_space<hbm>> -> memref<2000xf32, #tpu.memory_space<hbm>>
        %dma_start3A_163 = tpu.memref_slice %arg4[%add3A_150] : memref<3200000xf32, #tpu.memory_space<hbm>> -> memref<2000xf32, #tpu.memory_space<hbm>>
        tpu.enqueue_dma source(%dma_start3A_163 : memref<2000xf32, #tpu.memory_space<hbm>>) target(%arg14 : memref<2000xf32, #tpu.memory_space<vmem>>) target_semaphore(%arg19 : memref<!tpu.dma_semaphore, #tpu.memory_space<semaphore_mem>>)
      } else {
      }
      %add3A_104 = arith.constant 1 : i32
      %add3A_105 = arith.addi %mul3A_45, %add3A_104 : i32
      %mul3A_106 = arith.constant 2000 : i32
      %mul3A_107 = arith.muli %add3A_105, %mul3A_106 : i32
      %add3A_108 = arith.addi %mul3A_10, %mul3A_107 : i32
      %scan3A_109 = arith.constant 0 : i32
      %scan3A_110 = arith.constant 0 : i32
      %scan3A_111 = arith.constant 25 : i32
      %scan3A_112 = arith.addi %scan3A_110, %scan3A_111 : i32
      %scan3A_113 = arith.constant 1 : i32
      %scan3A_114 = scf.for %scan3A_146 = %scan3A_110 to %scan3A_112 step %scan3A_113 iter_args(%scan3A_147 = %scan3A_109) -> (i32)  : i32 {
        %mul3A_148 = arith.constant 80 : i32
        %mul3A_149 = arith.muli %scan3A_146, %mul3A_148 : i32
        %add3A_150 = arith.addi %add3A_108, %mul3A_149 : i32
        %dma_wait3A_151 = arith.constant 0 : i32
        %dma_wait3A_152 = tpu.memref_slice %arg15[%scan3A_146, %dma_wait3A_151] : memref<25x80xi32, #tpu.memory_space<vmem>> -> memref<1x80xi32, #tpu.memory_space<vmem>>
        %dma_wait3A_153 = tpu.memref_squeeze %dma_wait3A_152 : memref<1x80xi32, #tpu.memory_space<vmem>> -> memref<80xi32, #tpu.memory_space<vmem>>
        %dma_wait3A_154 = tpu.memref_slice %arg5[%add3A_150] : memref<3200000xi32, #tpu.memory_space<hbm>> -> memref<80xi32, #tpu.memory_space<hbm>>
        %dma_wait3A_155 = arith.constant 0 : i32
        %dma_wait3A_156 = tpu.memref_slice %arg15[%scan3A_146, %dma_wait3A_155] : memref<25x80xi32, #tpu.memory_space<vmem>> -> memref<1x80xi32, #tpu.memory_space<vmem>>
        %dma_wait3A_157 = tpu.memref_squeeze %dma_wait3A_156 : memref<1x80xi32, #tpu.memory_space<vmem>> -> memref<80xi32, #tpu.memory_space<vmem>>
        %dma_wait3A_158 = tpu.memref_slice %arg5[%add3A_150] : memref<3200000xi32, #tpu.memory_space<hbm>> -> memref<80xi32, #tpu.memory_space<hbm>>
        tpu.wait_dma2 semaphore(%arg20 : memref<!tpu.dma_semaphore, #tpu.memory_space<semaphore_mem>>) src(%dma_wait3A_158 : memref<80xi32, #tpu.memory_space<hbm>>) dst(%dma_wait3A_157 : memref<80xi32, #tpu.memory_space<vmem>>)
        %scan3A_159 = arith.constant 0 : i32
        scf.yield %scan3A_159 : i32
      }
      %scan3A_115 = arith.constant 25 : i32
      %dma_wait3A_116 = tpu.memref_slice %arg2[%add3A_108] : memref<3200000xf32, #tpu.memory_space<hbm>> -> memref<2000xf32, #tpu.memory_space<hbm>>
      %dma_wait3A_117 = tpu.memref_slice %arg2[%add3A_108] : memref<3200000xf32, #tpu.memory_space<hbm>> -> memref<2000xf32, #tpu.memory_space<hbm>>
      tpu.wait_dma2 semaphore(%arg20 : memref<!tpu.dma_semaphore, #tpu.memory_space<semaphore_mem>>) src(%dma_wait3A_117 : memref<2000xf32, #tpu.memory_space<hbm>>) dst(%arg16 : memref<2000xf32, #tpu.memory_space<vmem>>)
      %dma_wait3A_118 = tpu.memref_slice %arg3[%add3A_108] : memref<3200000xf32, #tpu.memory_space<hbm>> -> memref<2000xf32, #tpu.memory_space<hbm>>
      %dma_wait3A_119 = tpu.memref_slice %arg3[%add3A_108] : memref<3200000xf32, #tpu.memory_space<hbm>> -> memref<2000xf32, #tpu.memory_space<hbm>>
      tpu.wait_dma2 semaphore(%arg20 : memref<!tpu.dma_semaphore, #tpu.memory_space<semaphore_mem>>) src(%dma_wait3A_119 : memref<2000xf32, #tpu.memory_space<hbm>>) dst(%arg17 : memref<2000xf32, #tpu.memory_space<vmem>>)
      %dma_wait3A_120 = tpu.memref_slice %arg4[%add3A_108] : memref<3200000xf32, #tpu.memory_space<hbm>> -> memref<2000xf32, #tpu.memory_space<hbm>>
      %dma_wait3A_121 = tpu.memref_slice %arg4[%add3A_108] : memref<3200000xf32, #tpu.memory_space<hbm>> -> memref<2000xf32, #tpu.memory_space<hbm>>
      tpu.wait_dma2 semaphore(%arg20 : memref<!tpu.dma_semaphore, #tpu.memory_space<semaphore_mem>>) src(%dma_wait3A_121 : memref<2000xf32, #tpu.memory_space<hbm>>) dst(%arg18 : memref<2000xf32, #tpu.memory_space<vmem>>)
      %add3A_122 = arith.constant 1 : i32
      %add3A_123 = arith.addi %mul3A_45, %add3A_122 : i32
      %scan3A_124 = arith.constant 0 : i32
      %scan3A_125 = arith.constant 0 : i32
      %scan3A_126 = arith.constant 125 : i32
      %scan3A_127 = arith.addi %scan3A_125, %scan3A_126 : i32
      %scan3A_128 = arith.constant 1 : i32
      %scan3A_129 = scf.for %scan3A_146 = %scan3A_125 to %scan3A_127 step %scan3A_128 iter_args(%scan3A_147 = %scan3A_124) -> (i32)  : i32 {
        %mul3A_148 = arith.constant 16 : i32
        %mul3A_149 = arith.muli %scan3A_146, %mul3A_148 : i32
        %get3A = arith.index_cast %mul3A_149 : i32 to index
        %get3A_150 = tpu.vector_load %arg16[%get3A] {strides = array<i32>} : memref<2000xf32, #tpu.memory_space<vmem>>, vector<16xf32>,
        %exp3A = math.exp %get3A_150 : vector<16xf32>
        %swap3A = arith.index_cast %mul3A_149 : i32 to index
        %swap3A_151 = tpu.vector_load %arg16[%swap3A] {strides = array<i32>} : memref<2000xf32, #tpu.memory_space<vmem>>, vector<16xf32>,
        tpu.vector_store %arg16[%swap3A], %exp3A {strides = array<i32>} : memref<2000xf32, #tpu.memory_space<vmem>>, vector<16xf32>,
        %get3A_152 = arith.index_cast %mul3A_149 : i32 to index
        %get3A_153 = tpu.vector_load %arg17[%get3A_152] {strides = array<i32>} : memref<2000xf32, #tpu.memory_space<vmem>>, vector<16xf32>,
        %exp3A_154 = math.exp %get3A_153 : vector<16xf32>
        %swap3A_155 = arith.index_cast %mul3A_149 : i32 to index
        %swap3A_156 = tpu.vector_load %arg17[%swap3A_155] {strides = array<i32>} : memref<2000xf32, #tpu.memory_space<vmem>>, vector<16xf32>,
        tpu.vector_store %arg17[%swap3A_155], %exp3A_154 {strides = array<i32>} : memref<2000xf32, #tpu.memory_space<vmem>>, vector<16xf32>,
        %get3A_157 = arith.index_cast %mul3A_149 : i32 to index
        %get3A_158 = tpu.vector_load %arg18[%get3A_157] {strides = array<i32>} : memref<2000xf32, #tpu.memory_space<vmem>>, vector<16xf32>,
        %exp3A_159 = math.exp %get3A_158 : vector<16xf32>
        %swap3A_160 = arith.index_cast %mul3A_149 : i32 to index
        %swap3A_161 = tpu.vector_load %arg18[%swap3A_160] {strides = array<i32>} : memref<2000xf32, #tpu.memory_space<vmem>>, vector<16xf32>,
        tpu.vector_store %arg18[%swap3A_160], %exp3A_159 {strides = array<i32>} : memref<2000xf32, #tpu.memory_space<vmem>>, vector<16xf32>,
        %scan3A_162 = arith.constant 0 : i32
        scf.yield %scan3A_162 : i32
      }
      %scan3A_130 = arith.constant 125 : i32
      %scan3A_131 = arith.constant 0 : i32
      %scan3A_132 = arith.constant 0 : i32
      %scan3A_133 = arith.constant 25 : i32
      %scan3A_134 = arith.addi %scan3A_132, %scan3A_133 : i32
      %scan3A_135 = arith.constant 1 : i32
      %scan3A_136 = scf.for %scan3A_146 = %scan3A_132 to %scan3A_134 step %scan3A_135 iter_args(%scan3A_147 = %scan3A_131) -> (i32)  : i32 {
        %mul3A_148 = arith.constant 80 : i32
        %mul3A_149 = arith.muli %scan3A_146, %mul3A_148 : i32
        %dma_start3A_150 = tpu.memref_slice %arg16[%mul3A_149] : memref<2000xf32, #tpu.memory_space<vmem>> -> memref<80xf32, #tpu.memory_space<vmem>>
        %dma_start3A_151 = arith.constant 0 : i32
        %dma_start3A_152 = tpu.memref_slice %arg15[%scan3A_146, %dma_start3A_151] : memref<25x80xi32, #tpu.memory_space<vmem>> -> memref<1x80xi32, #tpu.memory_space<vmem>>
        %dma_start3A_153 = tpu.memref_squeeze %dma_start3A_152 : memref<1x80xi32, #tpu.memory_space<vmem>> -> memref<80xi32, #tpu.memory_space<vmem>>
        %dma_start3A_154 = arith.constant 0 : i32
        %dma_start3A_155 = tpu.memref_slice %arg7[%dma_start3A_154] : memref<100352xf32, #tpu.memory_space<vmem_shared>> -> memref<100352xf32, #tpu.memory_space<vmem_shared>>
        tpu.enqueue_indirect_dma source(%dma_start3A_150 : memref<80xf32, #tpu.memory_space<vmem>>) target(%dma_start3A_155 : memref<100352xf32, #tpu.memory_space<vmem_shared>>) offsets(%dma_start3A_153 : memref<80xi32, #tpu.memory_space<vmem>>) semaphore(%arg21 : memref<!tpu.dma_semaphore, #tpu.memory_space<semaphore_mem>>) {add = true}
        %dma_start3A_156 = tpu.memref_slice %arg17[%mul3A_149] : memref<2000xf32, #tpu.memory_space<vmem>> -> memref<80xf32, #tpu.memory_space<vmem>>
        %dma_start3A_157 = arith.constant 0 : i32
        %dma_start3A_158 = tpu.memref_slice %arg15[%scan3A_146, %dma_start3A_157] : memref<25x80xi32, #tpu.memory_space<vmem>> -> memref<1x80xi32, #tpu.memory_space<vmem>>
        %dma_start3A_159 = tpu.memref_squeeze %dma_start3A_158 : memref<1x80xi32, #tpu.memory_space<vmem>> -> memref<80xi32, #tpu.memory_space<vmem>>
        %dma_start3A_160 = arith.constant 0 : i32
        %dma_start3A_161 = tpu.memref_slice %arg8[%dma_start3A_160] : memref<100352xf32, #tpu.memory_space<vmem_shared>> -> memref<100352xf32, #tpu.memory_space<vmem_shared>>
        tpu.enqueue_indirect_dma source(%dma_start3A_156 : memref<80xf32, #tpu.memory_space<vmem>>) target(%dma_start3A_161 : memref<100352xf32, #tpu.memory_space<vmem_shared>>) offsets(%dma_start3A_159 : memref<80xi32, #tpu.memory_space<vmem>>) semaphore(%arg21 : memref<!tpu.dma_semaphore, #tpu.memory_space<semaphore_mem>>) {add = true}
        %dma_start3A_162 = tpu.memref_slice %arg18[%mul3A_149] : memref<2000xf32, #tpu.memory_space<vmem>> -> memref<80xf32, #tpu.memory_space<vmem>>
        %dma_start3A_163 = arith.constant 0 : i32
        %dma_start3A_164 = tpu.memref_slice %arg15[%scan3A_146, %dma_start3A_163] : memref<25x80xi32, #tpu.memory_space<vmem>> -> memref<1x80xi32, #tpu.memory_space<vmem>>
        %dma_start3A_165 = tpu.memref_squeeze %dma_start3A_164 : memref<1x80xi32, #tpu.memory_space<vmem>> -> memref<80xi32, #tpu.memory_space<vmem>>
        %dma_start3A_166 = arith.constant 0 : i32
        %dma_start3A_167 = tpu.memref_slice %arg9[%dma_start3A_166] : memref<100352xf32, #tpu.memory_space<vmem_shared>> -> memref<100352xf32, #tpu.memory_space<vmem_shared>>
        tpu.enqueue_indirect_dma source(%dma_start3A_162 : memref<80xf32, #tpu.memory_space<vmem>>) target(%dma_start3A_167 : memref<100352xf32, #tpu.memory_space<vmem_shared>>) offsets(%dma_start3A_165 : memref<80xi32, #tpu.memory_space<vmem>>) semaphore(%arg21 : memref<!tpu.dma_semaphore, #tpu.memory_space<semaphore_mem>>) {add = true}
        %scan3A_168 = arith.constant 0 : i32
        scf.yield %scan3A_168 : i32
      }
      %scan3A_137 = arith.constant 25 : i32
      %scan3A_138 = arith.constant 0 : i32
      %scan3A_139 = arith.constant 0 : i32
      %scan3A_140 = arith.constant 25 : i32
      %scan3A_141 = arith.addi %scan3A_139, %scan3A_140 : i32
      %scan3A_142 = arith.constant 1 : i32
      %scan3A_143 = scf.for %scan3A_146 = %scan3A_139 to %scan3A_141 step %scan3A_142 iter_args(%scan3A_147 = %scan3A_138) -> (i32)  : i32 {
        %mul3A_148 = arith.constant 80 : i32
        %mul3A_149 = arith.muli %scan3A_146, %mul3A_148 : i32
        %dma_wait3A_150 = tpu.memref_slice %arg16[%mul3A_149] : memref<2000xf32, #tpu.memory_space<vmem>> -> memref<80xf32, #tpu.memory_space<vmem>>
        %dma_wait3A_151 = arith.constant 0 : i32
        %dma_wait3A_152 = tpu.memref_slice %arg15[%scan3A_146, %dma_wait3A_151] : memref<25x80xi32, #tpu.memory_space<vmem>> -> memref<1x80xi32, #tpu.memory_space<vmem>>
        %dma_wait3A_153 = tpu.memref_squeeze %dma_wait3A_152 : memref<1x80xi32, #tpu.memory_space<vmem>> -> memref<80xi32, #tpu.memory_space<vmem>>
        %dma_wait3A_154 = arith.constant 0 : i32
        %dma_wait3A_155 = tpu.memref_slice %arg7[%dma_wait3A_154] : memref<100352xf32, #tpu.memory_space<vmem_shared>> -> memref<100352xf32, #tpu.memory_space<vmem_shared>>
        tpu.wait_indirect_dma semaphore(%arg21 : memref<!tpu.dma_semaphore, #tpu.memory_space<semaphore_mem>>) src(%dma_wait3A_150 : memref<80xf32, #tpu.memory_space<vmem>>) dst(%dma_wait3A_155 : memref<100352xf32, #tpu.memory_space<vmem_shared>>)
        %dma_wait3A_156 = tpu.memref_slice %arg17[%mul3A_149] : memref<2000xf32, #tpu.memory_space<vmem>> -> memref<80xf32, #tpu.memory_space<vmem>>
        %dma_wait3A_157 = arith.constant 0 : i32
        %dma_wait3A_158 = tpu.memref_slice %arg15[%scan3A_146, %dma_wait3A_157] : memref<25x80xi32, #tpu.memory_space<vmem>> -> memref<1x80xi32, #tpu.memory_space<vmem>>
        %dma_wait3A_159 = tpu.memref_squeeze %dma_wait3A_158 : memref<1x80xi32, #tpu.memory_space<vmem>> -> memref<80xi32, #tpu.memory_space<vmem>>
        %dma_wait3A_160 = arith.constant 0 : i32
        %dma_wait3A_161 = tpu.memref_slice %arg8[%dma_wait3A_160] : memref<100352xf32, #tpu.memory_space<vmem_shared>> -> memref<100352xf32, #tpu.memory_space<vmem_shared>>
        tpu.wait_indirect_dma semaphore(%arg21 : memref<!tpu.dma_semaphore, #tpu.memory_space<semaphore_mem>>) src(%dma_wait3A_156 : memref<80xf32, #tpu.memory_space<vmem>>) dst(%dma_wait3A_161 : memref<100352xf32, #tpu.memory_space<vmem_shared>>)
        %dma_wait3A_162 = tpu.memref_slice %arg18[%mul3A_149] : memref<2000xf32, #tpu.memory_space<vmem>> -> memref<80xf32, #tpu.memory_space<vmem>>
        %dma_wait3A_163 = arith.constant 0 : i32
        %dma_wait3A_164 = tpu.memref_slice %arg15[%scan3A_146, %dma_wait3A_163] : memref<25x80xi32, #tpu.memory_space<vmem>> -> memref<1x80xi32, #tpu.memory_space<vmem>>
        %dma_wait3A_165 = tpu.memref_squeeze %dma_wait3A_164 : memref<1x80xi32, #tpu.memory_space<vmem>> -> memref<80xi32, #tpu.memory_space<vmem>>
        %dma_wait3A_166 = arith.constant 0 : i32
        %dma_wait3A_167 = tpu.memref_slice %arg9[%dma_wait3A_166] : memref<100352xf32, #tpu.memory_space<vmem_shared>> -> memref<100352xf32, #tpu.memory_space<vmem_shared>>
        tpu.wait_indirect_dma semaphore(%arg21 : memref<!tpu.dma_semaphore, #tpu.memory_space<semaphore_mem>>) src(%dma_wait3A_162 : memref<80xf32, #tpu.memory_space<vmem>>) dst(%dma_wait3A_167 : memref<100352xf32, #tpu.memory_space<vmem_shared>>)
        %scan3A_168 = arith.constant 0 : i32
        scf.yield %scan3A_168 : i32
      }
      %scan3A_144 = arith.constant 25 : i32
      %scan3A_145 = arith.constant 0 : i32
      scf.yield %scan3A_145 : i32
    }
    %scan3A_31 = arith.constant 25 : i32
    %barrier3A_32 = arith.constant 0 : index
    tpu.barrier barrier_id(%barrier3A_32)
    %mul3A_33 = arith.constant 3 : i32
    %mul3A_34 = arith.muli %arg0, %mul3A_33 : i32
    %mul3A_35 = arith.constant 100352 : i32
    %mul3A_36 = arith.muli %mul3A_34, %mul3A_35 : i32
    %add3A_37 = arith.addi %mul3A_36, %mul3A_2 : i32
    "tpu.region"() ({
      %run_scoped3A = tpu.sem_alloc : memref<!tpu.dma_semaphore, #tpu.memory_space<semaphore_mem>>
      %dma_start3A_42 = tpu.memref_slice %arg6[%add3A_37] : memref<602112xf32, #tpu.memory_space<hbm>> -> memref<6272xf32, #tpu.memory_space<hbm>>
      %dma_start3A_43 = tpu.memref_slice %arg7[%mul3A_2] : memref<100352xf32, #tpu.memory_space<vmem_shared>> -> memref<6272xf32, #tpu.memory_space<vmem_shared>>
      tpu.enqueue_dma source(%dma_start3A_43 : memref<6272xf32, #tpu.memory_space<vmem_shared>>) target(%dma_start3A_42 : memref<6272xf32, #tpu.memory_space<hbm>>) target_semaphore(%run_scoped3A : memref<!tpu.dma_semaphore, #tpu.memory_space<semaphore_mem>>)
      %dma_wait3A = tpu.memref_slice %arg6[%add3A_37] : memref<602112xf32, #tpu.memory_space<hbm>> -> memref<6272xf32, #tpu.memory_space<hbm>>
      %dma_wait3A_44 = tpu.memref_slice %arg7[%mul3A_2] : memref<100352xf32, #tpu.memory_space<vmem_shared>> -> memref<6272xf32, #tpu.memory_space<vmem_shared>>
      tpu.wait_dma2 semaphore(%run_scoped3A : memref<!tpu.dma_semaphore, #tpu.memory_space<semaphore_mem>>) src(%dma_wait3A_44 : memref<6272xf32, #tpu.memory_space<vmem_shared>>) dst(%dma_wait3A : memref<6272xf32, #tpu.memory_space<hbm>>)
      tpu.yield
    }) : () -> ()
    %add3A_38 = arith.constant 100352 : i32
    %add3A_39 = arith.addi %add3A_37, %add3A_38 : i32
    "tpu.region"() ({
      %run_scoped3A = tpu.sem_alloc : memref<!tpu.dma_semaphore, #tpu.memory_space<semaphore_mem>>
      %dma_start3A_42 = tpu.memref_slice %arg6[%add3A_39] : memref<602112xf32, #tpu.memory_space<hbm>> -> memref<6272xf32, #tpu.memory_space<hbm>>
      %dma_start3A_43 = tpu.memref_slice %arg8[%mul3A_2] : memref<100352xf32, #tpu.memory_space<vmem_shared>> -> memref<6272xf32, #tpu.memory_space<vmem_shared>>
      tpu.enqueue_dma source(%dma_start3A_43 : memref<6272xf32, #tpu.memory_space<vmem_shared>>) target(%dma_start3A_42 : memref<6272xf32, #tpu.memory_space<hbm>>) target_semaphore(%run_scoped3A : memref<!tpu.dma_semaphore, #tpu.memory_space<semaphore_mem>>)
      %dma_wait3A = tpu.memref_slice %arg6[%add3A_39] : memref<602112xf32, #tpu.memory_space<hbm>> -> memref<6272xf32, #tpu.memory_space<hbm>>
      %dma_wait3A_44 = tpu.memref_slice %arg8[%mul3A_2] : memref<100352xf32, #tpu.memory_space<vmem_shared>> -> memref<6272xf32, #tpu.memory_space<vmem_shared>>
      tpu.wait_dma2 semaphore(%run_scoped3A : memref<!tpu.dma_semaphore, #tpu.memory_space<semaphore_mem>>) src(%dma_wait3A_44 : memref<6272xf32, #tpu.memory_space<vmem_shared>>) dst(%dma_wait3A : memref<6272xf32, #tpu.memory_space<hbm>>)
      tpu.yield
    }) : () -> ()
    %add3A_40 = arith.constant 200704 : i32
    %add3A_41 = arith.addi %add3A_37, %add3A_40 : i32
    "tpu.region"() ({
      %run_scoped3A = tpu.sem_alloc : memref<!tpu.dma_semaphore, #tpu.memory_space<semaphore_mem>>
      %dma_start3A_42 = tpu.memref_slice %arg6[%add3A_41] : memref<602112xf32, #tpu.memory_space<hbm>> -> memref<6272xf32, #tpu.memory_space<hbm>>
      %dma_start3A_43 = tpu.memref_slice %arg9[%mul3A_2] : memref<100352xf32, #tpu.memory_space<vmem_shared>> -> memref<6272xf32, #tpu.memory_space<vmem_shared>>
      tpu.enqueue_dma source(%dma_start3A_43 : memref<6272xf32, #tpu.memory_space<vmem_shared>>) target(%dma_start3A_42 : memref<6272xf32, #tpu.memory_space<hbm>>) target_semaphore(%run_scoped3A : memref<!tpu.dma_semaphore, #tpu.memory_space<semaphore_mem>>)
      %dma_wait3A = tpu.memref_slice %arg6[%add3A_41] : memref<602112xf32, #tpu.memory_space<hbm>> -> memref<6272xf32, #tpu.memory_space<hbm>>
      %dma_wait3A_44 = tpu.memref_slice %arg9[%mul3A_2] : memref<100352xf32, #tpu.memory_space<vmem_shared>> -> memref<6272xf32, #tpu.memory_space<vmem_shared>>
      tpu.wait_dma2 semaphore(%run_scoped3A : memref<!tpu.dma_semaphore, #tpu.memory_space<semaphore_mem>>) src(%dma_wait3A_44 : memref<6272xf32, #tpu.memory_space<vmem_shared>>) dst(%dma_wait3A : memref<6272xf32, #tpu.memory_space<hbm>>)
      tpu.yield
    }) : () -> ()
    return
  }
}

</mosaic_0001>

<sc_bundles>
// kernel: kernel.11.cloned.1.call-start
scs
__scs_entry_jumppad:
0x0: {  	(pc) =	sbr.rel $0x88, $3  }
0x1: {  	(tag) =	ssettag $0x0;
	lr =	simm.s32 $0x1  }
0x2: {  	[smem:$0x3F9A] =	sst lr;
	_ =	strace $0xD0000000  }
0x3: {  	_ = 	snop  }
0x4: {  	_ = 	snop  }
0x5: {  	_ = 	snop  }
0x6: {  	_ = 	snop  }
0x7: {  	_ = 	snop  }
__scs_overlays_trampoline_lowered:
0x8: {  	[smem:$0x3FA9] =	sst s0  }
0x9: {  	[smem:$0x3FAA] =	sst s1  }
0xa: {  	[smem:$0x3FAB] =	sst s2  }
0xb: {  	[smem:$0x3FAC] =	sst s3  }
0xc: {  	[smem:$0x3FAD] =	sst s4  }
0xd: {  	[smem:$0x3FAE] =	sst s5  }
0xe: {  	[smem:$0x3FAF] =	sst s6  }
0xf: {  	[smem:$0x3FB0] =	sst s7  }
0x10: {  	[smem:$0x3FB1] =	sst s8  }
0x11: {  	[smem:$0x3FB2] =	sst s9;
	s0 =	simm.s32 @!p0 $0x0  }
0x12: {  	s1 =	sld [smem:$0x3F98];
	s0 =	simm.s32 @p0 $0x1  }
0x13: {  	[smem:$0x3FB3] =	sst s0;
	s0 =	simm.s32 @!p1 $0x0  }
0x14: {  	s2 =	sld [smem:$0x3F97];
	s0 =	simm.s32 @p1 $0x1  }
0x15: {  	[smem:$0x3FB4] =	sst s0;
	s0 =	simm.s32 @!p2 $0x0  }
0x16: {  	s3 =	sld [smem:$0x3FDB];
	s0 =	simm.s32 @p2 $0x1  }
0x17: {  	s4 =	simm.s32 $0x1BF5;
	[smem:$0x3FB6] =	sst s0  }
0x18: {  	s0 =	sld [smem:$0x3F99];
	_ =	swait.ge [sflag:s4], $0x0  }
0x19: {  	s7 =	sld [smem:$0x3F9A]  }
0x1a: {  	s8 =	sadd.s32 $0xFFFFE003, lr  }
0x1b: {  	s9 =	sadd.s32 $0xFFFFFEF7, lr;
	s5 =	simm.s32 $0xFFFFFFFF;
	p2 =	slt.u32 s8, $0xFFFFF086  }
0x1c: {  	p1 =	slt.u32 s9, $0xF7A;
	s5 =	simm.s32 @!p2 $0x0  }
0x1d: {  	s5 =	simm.s32 @p1 $0x1;
	p0 =	seq.s32 s7, s2  }
0x1e: {  	s7 =	smul.u32 @!p0 $0xF7A, s2;
	p2 =	seq.s32 @!p0 s5, $0x0  }
0x1f: {  	s9 =	smul.u32 $0xF7A, s1;
	s8 =	simm.s32 @!p0 $0x1BF5;
	p2 =	por !p2, p0  }
0x20: {  	[sflag:s8] =	ssyncset.s32 @!p0 $0xFFFFF086;
	s6 =	sadd.s32 @!p0 s3, s7;
	s7 =	simm.s32 @!p0 $0x108  }
0x21: {  	s3 =	sadd.s32 s3, s9;
	s6 =	sadd.s32 @!p0 $0x88, s6;
	s7 =	simm.s32 @p2 $0x1082  }
0x22: {  	[simem:s7], [sflag:s8] =	dma.local @!p0 [hbm:s6], $0xF7A  }
0x23: {  	s9 =	sor.u32 $0xD0000000, s2;
	s6 =	simm.s32 $0x108;
	_ =	swait.ge @!p0 [sflag:s8], $0x0  }
0x24: {  	s3 =	sadd.s32 $0x88, s3;
	s6 =	simm.s32 @!p1 $0x1082;
	[sflag:s4] =	ssyncset.s32 $0xFFFFF086  }
0x25: {  	[simem:s6], [sflag:s4] =	dma.local [hbm:s3], $0xF7A  }
0x26: {  	[smem:$0x3F9A] =	sst s1;
	(tag) =	ssettag s2;
	_ =	strace s9  }
0x27: {  	s1 =	sld [smem:$0x3FAA]  }
0x28: {  	s2 =	sld [smem:$0x3FAB]  }
0x29: {  	s4 =	sld [smem:$0x3FAD]  }
0x2a: {  	p0 =	seq.s32 s5, $0x0;
	s5 =	sld [smem:$0x3FAE]  }
0x2b: {  	s6 =	sld [smem:$0x3FAF]  }
0x2c: {  	s7 =	sld [smem:$0x3FB0]  }
0x2d: {  	s3 =	simm.s32 $0x108;
	s8 =	sld [smem:$0x3FB1]  }
0x2e: {  	s3 =	simm.s32 @!p0 $0x1082;
	s9 =	sld [smem:$0x3FB2]  }
0x2f: {  	lr =	sadd.s32 s0, s3;
	s0 =	sld [smem:$0x3FA9]  }
0x30: {  	s3 =	sld [smem:$0x3FAC]  }
0x31: {  	[smem:$0x3FB5] =	sst s10  }
0x32: {  	s10 =	sld [smem:$0x3FB3];
	_ =	sdelay $0x3  }
0x33: {  	p0 =	seq.s32 s10, $0x1;
	s10 =	sld [smem:$0x3FB5];
	_ =	sdelay $0x3  }
0x34: {  	[smem:$0x3FB5] =	sst s10  }
0x35: {  	s10 =	sld [smem:$0x3FB4];
	_ =	sdelay $0x3  }
0x36: {  	p1 =	seq.s32 s10, $0x1;
	s10 =	sld [smem:$0x3FB5];
	_ =	sdelay $0x3  }
0x37: {  	[smem:$0x3FB5] =	sst s10  }
0x38: {  	s10 =	sld [smem:$0x3FB6]  }
0x39: {  	_ = 	snop;
	(pc) =	sbr.ind lr, $3  }
0x3a: {  	_ = 	snop  }
0x3b: {  	_ = 	snop  }
0x3c: {  	p2 =	seq.s32 s10, $0x1;
	s10 =	sld [smem:$0x3FB5]  }
0x3d: {  	_ =	shalt  }
0x3e: {  	_ =	shalt  }
0x3f: {  	_ =	shalt  }
0x40: {  	_ =	shalt  }
0x41: {  	_ =	shalt  }
0x42: {  	_ =	shalt  }
0x43: {  	_ =	shalt  }
0x44: {  	_ =	shalt  }
0x45: {  	_ =	shalt  }
0x46: {  	_ =	shalt  }
0x47: {  	_ =	shalt  }
0x48: {  	_ =	shalt  }
0x49: {  	_ =	shalt  }
0x4a: {  	_ =	shalt  }
0x4b: {  	_ =	shalt  }
0x4c: {  	_ =	shalt  }
0x4d: {  	_ =	shalt  }
0x4e: {  	_ =	shalt  }
0x4f: {  	_ =	shalt  }
0x50: {  	_ =	shalt  }
0x51: {  	_ =	shalt  }
0x52: {  	_ =	shalt  }
0x53: {  	_ =	shalt  }
0x54: {  	_ =	shalt  }
0x55: {  	_ =	shalt  }
0x56: {  	_ =	shalt  }
0x57: {  	_ =	shalt  }
0x58: {  	_ =	shalt  }
0x59: {  	_ =	shalt  }
0x5a: {  	_ =	shalt  }
0x5b: {  	_ =	shalt  }
0x5c: {  	_ =	shalt  }
0x5d: {  	_ =	shalt  }
0x5e: {  	_ =	shalt  }
0x5f: {  	_ =	shalt  }
0x60: {  	_ =	shalt  }
0x61: {  	_ =	shalt  }
0x62: {  	_ =	shalt  }
0x63: {  	_ =	shalt  }
0x64: {  	_ =	shalt  }
0x65: {  	_ =	shalt  }
0x66: {  	_ =	shalt  }
0x67: {  	_ =	shalt  }
0x68: {  	_ =	shalt  }
0x69: {  	_ =	shalt  }
0x6a: {  	_ =	shalt  }
0x6b: {  	_ =	shalt  }
0x6c: {  	_ =	shalt  }
0x6d: {  	_ =	shalt  }
0x6e: {  	_ =	shalt  }
0x6f: {  	_ =	shalt  }
0x70: {  	_ =	shalt  }
0x71: {  	_ =	shalt  }
0x72: {  	_ =	shalt  }
0x73: {  	_ =	shalt  }
0x74: {  	_ =	shalt  }
0x75: {  	_ =	shalt  }
0x76: {  	_ =	shalt  }
0x77: {  	_ =	shalt  }
0x78: {  	_ =	shalt  }
0x79: {  	_ =	shalt  }
0x7a: {  	_ =	shalt  }
0x7b: {  	_ =	shalt  }
0x7c: {  	_ =	shalt  }
0x7d: {  	_ =	shalt  }
0x7e: {  	_ =	shalt  }
0x7f: {  	_ =	shalt  }
0x80: {  	_ =	shalt  }
0x81: {  	_ =	shalt  }
0x82: {  	_ =	shalt  }
0x83: {  	_ =	shalt  }
0x84: {  	_ =	shalt  }
0x85: {  	_ =	shalt  }
0x86: {  	_ =	shalt  }
0x87: {  	_ =	shalt  }
.Lfunc_end0:
.L_simem_size_0:
called_computation.2_lowered:
.L_overlay_start_0:
0x88: {  	s2 =	sld [smem:$0x3FD9]  }
0x89: {  	s3 =	sld [smem:$0x3FFE];
	_ =	sdelay $0x1  }
0x8a: {  	s1 =	srdreg.scid  }
0x8b: {  	s0 =	sand.u32 $0x1, s1  }
0x8c: {  	s17 =	sshll.u32 s0, $0xA;
	s2 =	sadd.s32 s3, s2  }
0x8d: {  	s2 =	sadd.s32 s2, s17  }
0x8e: {  	[smem:$0x3FC1] =	sst s2  }
0x8f: {  	_ = 	snop  }
0x90: {  	s2 =	sld [smem:$0x3FC5]  }
0x91: {  	s18 =	sld [smem:$0x3FC3];
	(tm) =	ssettm $0x1  }
0x92: {  	s4 =	sld [smem:$0x3FFB];
	_ =	sdelay $0x3  }
0x93: {  	_ =	strace s4  }
0x94: {  	s4 =	sld [smem:$0x3FFC];
	_ =	sdelay $0x3  }
0x95: {  	_ =	strace s4  }
0x96: {  	s4 =	sld [smem:$0x3FFD];
	_ =	sdelay $0x3  }
0x97: {  	_ =	strace s4  }
0x98: {  	_ =	strace $0x8FFFFFFF  }
0x99: {  	s19 =	sld [smem:$0x3FDB];
	_ =	sdelay $0x1  }
0x9a: {  	s5 =	simm.s32 $_scs_section_size  }
0x9b: {  	s6 =	simm.s32 $_size__tile_overlayer_lowered;
	s7 =	simm.s32 $_tile_overlayer_lowered  }
0x9c: {  	s22 =	simm.s32 $0x1BFF;
	s21 =	sshll.u32 s7, $0x1;
	s4 =	sadd.s32 s5, s19  }
0x9d: {  	s8 =	simm.s32 $0x0;
	s20 =	sshll.u32 s6, $0x1;
	s6 =	sadd.s32 s21, s4  }
0x9e: {  	[timem:s8], [sflag:s22] =	dma.local [hbm:s6], s20  }
0x9f: {  	_ =	swait.ge [sflag:s22], s20  }
0xa0: {  	s5 =	ssub.s32 $0x0, s20;
	[sflag:s22] =	ssyncset.done $0x0  }
0xa1: {  	[sflag:s22] =	ssyncadd.s32 s5;
	_ =	sdelay $0x1  }
0xa2: {  	s23 =	simm.s32 $0x1B8B  }
0xa3: {  	_ =	swait.ge [sflag:s23], $0x1  }
0xa4: {  	[sflag:s23] =	ssyncset.done $0x0  }
0xa5: {  	s25 =	simm.s32 $0x1B8E;
	s24 =	sld [smem:$0x3FFE];
	[sflag:s23] =	ssyncadd.s32 $0xFFFFFFFF  }
0xa6: {  	s26 =	simm.s32 $execute0_lowered;
	[smem:$0x3FD2] =	sst s25  }
0xa7: {  	s6 =	sshll.u32 s26, $0x1;
	_ =	strace $0x8000004C;
	[dreg:$0x1] =	wrdreg $0xFFFFFFFF  }
0xa8: {  	s28 =	simm.s32 $_size_execute0_lowered;
	s4 =	sadd.s32 s4, s6;
	[dreg:$0x0] =	wrdreg $0x0  }
0xa9: {  	s6 =	sshll.u32 s28, $0x1;
	[dreg:$0x2] =	wrdreg s4  }
0xaa: {  	[dreg:$0x3] =	wrdreg s6  }
0xab: {  	[dreg:$0x4] =	wrdreg $0xC0  }
0xac: {  	_ =	task [dreg:s8], $0x5FFFF  }
0xad: {  	[dreg:$0x1] =	wrdreg $0xFFFFFFFF  }
0xae: {  	[dreg:$0x0] =	wrdreg $0x60  }
0xaf: {  	[dreg:$0x2] =	wrdreg s2  }
0xb0: {  	[dreg:$0x3] =	wrdreg s18  }
0xb1: {  	[dreg:$0x4] =	wrdreg s24  }
0xb2: {  	[dreg:$0x5] =	wrdreg $0x0  }
0xb3: {  	[dreg:$0x6] =	wrdreg $0x18800  }
0xb4: {  	[dreg:$0x7] =	wrdreg $0x31000  }
0xb5: {  	[dreg:$0x8] =	wrdreg $0x49800  }
0xb6: {  	[dreg:$0x9] =	wrdreg $0x9  }
0xb7: {  	_ =	task.clear_ibuf [dreg:s8], $0xAFFFF;
	_ =	strace $0x9000004C  }
0xb8: {  	s29 =	simm.s32 $0x9;
	_ =	strace $0x8000004E  }
0xb9: {  	_ =	swait.ge [sflag:s29], $0x1  }
0xba: {  	[sflag:s29] =	ssyncadd.s32 $0xFFFFFFFF  }
0xbb: {  	_ =	strace $0x9000004E  }
0xbc: {  	_ =	sfence  }
0xbd: {  	s30 =	sld [smem:$0x0];
	_ =	sdelay $0x2  }
0xbe: {  	s31 =	sshll.u32 s1, $0xD;
	s1 =	sshrl.u32 s1, $0x2  }
0xbf: {  	s3 =	sand.u32 $0x4000, s31;
	s1 =	sadd.s32 s1, s30  }
0xc0: {  	s0 =	sor.u32 s3, s0;
	s1 =	sshll.u32 s1, $0x11  }
0xc1: {  	s0 =	sor.u32 s1, s0  }
0xc2: {  	s0 =	sadd.s32 $0x8F2B, s0  }
0xc3: {  	[sflag:s0] =	ssyncadd.remote.s32 $0x1  }
0xc4: {  	_ =	sfence.sel $0xFFFF  }
0xc5: {  	[dreg:$0x0] =	wrdreg $0xFFFFFFFF;
	(pc) =	sbr.abs _section_cstart, $3  }
0xc6: {  	[dreg:$0x1] =	wrdreg $0xFFFFFFFF  }
0xc7: {  	_ =	task.clear_ibuf [dreg:s8], $0x2FFFF;
	_ =	strace $0x9FFFFFFF  }
0xc8: {  	(tm) =	ssettm $0x7FFFFFFF  }
0xc9: {  	_ =	shalt  }
tec
execute0_lowered:
.L_overlay_start_1:
0x0: {  	(tag) =	ssettag $0x1  }
0x1: {  	s0 =	rddreg [dreg:$0x0]  }
0x2: {  	s20 =	rddreg [dreg:$0x1]  }
0x3: {  	s1 =	rddreg [dreg:$0x2]  }
0x4: {  	s3 =	rddreg [dreg:$0x3]  }
0x5: {  	s4 =	rddreg [dreg:$0x4]  }
0x6: {  	s5 =	rddreg [dreg:$0x5]  }
0x7: {  	s6 =	rddreg [dreg:$0x6]  }
0x8: {  	s8 =	simm.s32 $0x0;
	s7 =	srdreg.scid;
	s2 =	stileid.u32  }
0x9: {  	s30 =	simm.s32 $0x3;
	s31 =	simm.s32 $0x2;
	[smem:$0x7FF] =	sst s8  }
0xa: {  	s7 =	sand.u32 $0x1, s7;
	s9 =	sadd.s32 $0x63000, s1;
	s12 =	smul.u32 $0x1880, s2  }
0xb: {  	s10 =	sadd.s32 $0x1400, s1;
	s11 =	sadd.s32 $0xE0800, s1;
	s13 =	sshll.u32 s7, $0x4  }
0xc: {  	s16 =	ssub.s32 $0x2, s7;
	s13 =	sor.u32 s2, s13;
	s14 =	sshrl.u32 s12, $0x3  }
0xd: {  	s17 =	sshrl.u32 s16, $0x1;
	s15 =	sshll.u32 s13, $0x1;
	s14 =	sadd.s32 s14, s1  }
0xe: {  	s1 =	sadd.s32 s15, s1;
	s15 =	ssub.s32 s16, s17;
	s17 =	sadd.s32 $0xDD600, s14  }
0xf: {  	_ =	strace $0x8000004D;
	s19 =	sadd.s32 $0xDA400, s14;
	[dreg:$0x8] =	wrdreg s17  }
0x10: {  	s18 =	sshll.u32 s2, $0x6;
	s21 =	sadd.s32 $0xCAE00, s14;
	[dreg:$0xa] =	wrdreg s19  }
0x11: {  	s13 =	smul.u32 $0x186A0, s13;
	s23 =	sadd.s32 $0xCE000, s14;
	[dreg:$0xb] =	wrdreg s21  }
0x12: {  	s7 =	smul.u32 $0x186A00, s7;
	s17 =	sor.u32 $0x1C04, s18;
	[dreg:$0xc] =	wrdreg s23  }
0x13: {  	s16 =	sadd.s32 s12, s3;
	s26 =	sadd.s32 $0xFA0, s13;
	[dreg:$0x9] =	wrdreg s17  }
0x14: {  	s18 =	smul.u32 $0x186A0, s2;
	s28 =	sadd.s32 $0xC4C00, s1;
	[dreg:$0x10] =	wrdreg s26  }
0x15: {  	s19 =	sadd.s32 s12, s5;
	s15 =	smax.u32 s15, $0x1;
	[dreg:$0x11] =	wrdreg s28  }
0x16: {  	s22 =	sshrl.u32 s13, $0x3;
	s23 =	sshrl.u32 s16, $0x3;
	[dreg:$0x12] =	wrdreg s15  }
0x17: {  	s2 =	smov.u32 s20;
	s0 =	sadd.s32 s0, s22;
	[dreg:$0x16] =	wrdreg s23  }
0x18: {  	s17 =	sadd.s32 s12, s4;
	s24 =	sadd.s32 s20, s22;
	[dreg:$0xd] =	wrdreg s0  }
0x19: {  	s12 =	sadd.s32 s12, s6;
	s25 =	sadd.s32 s11, s22;
	[dreg:$0xe] =	wrdreg s24  }
0x1a: {  	s20 =	sadd.s32 $0x7D0, s13;
	s28 =	sshrl.u32 s19, $0x3;
	[dreg:$0xf] =	wrdreg s25  }
0x1b: {  	s7 =	sadd.s32 s18, s7;
	s26 =	sshrl.u32 s17, $0x3;
	[dreg:$0x18] =	wrdreg s28  }
0x1c: {  	s29 =	sshrl.u32 s7, $0x3;
	s14 =	sadd.s32 $0x7D0, s7;
	s22 =	sadd.s32 $0xFA0, s7  }
0x1d: {  	[dreg:$0x17] =	wrdreg s26;
	s13 =	sshrl.u32 s14, $0x3;
	s24 =	sadd.s32 s29, s9  }
0x1e: {  	s25 =	sadd.s32 s29, s10;
	[dreg:$0x15] =	wrdreg s22;
	s29 =	sshrl.u32 s12, $0x3  }
0x1f: {  	s1 =	simm.s32 $0x0;
	s18 =	sadd.s32 s13, s9;
	[dreg:$0x19] =	wrdreg s29  }
0x20: {  	s23 =	simm.s32 $0x50;
	s21 =	sadd.s32 s13, s10;
	[dreg:$0x13] =	wrdreg s18  }
0x21: {  	v0 =	vimm.f32 $0.0e+00;
	s12 =	simm.s32 $0x4;
	s22 =	simm.s32 $0x1;
	[dreg:$0x14] =	wrdreg s21  }
.LBB2_1:
0x22: {  	[dreg:$0x1a] =	wrdreg s1  }
0x23: {  	s0 =	rddreg [dreg:$0x8]  }
0x24: {  	s17 =	rddreg [dreg:$0x9]  }
0x25: {  	s7 =	rddreg [dreg:$0x16]  }
0x26: {  	[spmem:s7], [sflag:s17] =	dma.local [hbm:s0], $0x310  }
0x27: {  	_ =	swait.ge [sflag:s12], $0x310  }
0x28: {  	[sflag:s12] =	ssyncset.done $0x0;
	s18 =	rddreg [dreg:$0xa]  }
0x29: {  	s19 =	rddreg [dreg:$0x17];
	[sflag:s12] =	ssyncadd.s32 $0xFFFFFCF0  }
0x2a: {  	[spmem:s19], [sflag:s17] =	dma.local [hbm:s18], $0x310  }
0x2b: {  	_ =	swait.ge [sflag:s12], $0x310  }
0x2c: {  	[sflag:s12] =	ssyncset.done $0x0;
	s21 =	rddreg [dreg:$0xb]  }
0x2d: {  	s26 =	rddreg [dreg:$0x18];
	[sflag:s12] =	ssyncadd.s32 $0xFFFFFCF0  }
0x2e: {  	[spmem:s26], [sflag:s17] =	dma.local [hbm:s21], $0x310  }
0x2f: {  	_ =	swait.ge [sflag:s12], $0x310  }
0x30: {  	[sflag:s12] =	ssyncset.done $0x0;
	s28 =	rddreg [dreg:$0xc]  }
0x31: {  	s29 =	rddreg [dreg:$0x19];
	[sflag:s12] =	ssyncadd.s32 $0xFFFFFCF0  }
0x32: {  	[spmem:s29], [sflag:s17] =	dma.local [hbm:s28], $0x310  }
0x33: {  	_ =	swait.ge [sflag:s12], $0x310  }
0x34: {  	[sflag:s12] =	ssyncset.done $0x0  }
0x35: {  	[sflag:s12] =	ssyncadd.s32 $0xFFFFFCF0  }
0x36: {  	[bflag:$0x0] =	sbarrier.arrive $0xFFFF  }
0x37: {  	s1 =	simm.s32 $0x6200;
	s7 =	simm.s32 $0x0;
	[tilespmem:$0x11280] =	vst v0  }
.LBB2_2:
0x38: {  	p0 =	sne.s32 s7, $0xF0  }
.Ltmp0:
0x39: {  	_ = 	snop;
	(pc) =	sbr.rel @p0 .LBB2_2-.Ltmp0, $4  }
0x3a: {  	_ = 	snop  }
0x3b: {  	s12 =	sadd.s32 s7, s24;
	s13 =	simm.s32 $0x0  }
0x3c: {  	[tilespmem:s1], [sflag:$0x1] =	stream.linear.gather [hbm4b:s12+s13], $0x50, $0x38;
	[tilespmem:$0x11300] =	vst v63  }
0x3d: {  	s7 =	sadd.s32 $0xA, s7;
	s1 =	sadd.s32 $0x80, s1  }
0x3e: {  	s1 =	simm.s32 $0x7200  }
0x3f: {  	s7 =	simm.s32 $0xA;
	s13 =	sadd.s32 $0x0, s25;
	s12 =	simm.s32 $0x7280  }
.LBB2_4:
0x40: {  	[tilespmem:s1], [sflag:$0x1] =	stream.linear.gather [hbm4b:s13+s8], $0x50, $0x38;
	[tilespmem:$0x11300] =	vst v63  }
0x41: {  	s13 =	smov.u32 s7;
	s1 =	smov.u32 s12;
	p0 =	sne.s32 s7, $0xF0  }
.Ltmp1:
0x42: {  	s7 =	sadd.s32 $0xA, s7;
	(pc) =	sbr.rel @p0 .LBB2_4-.Ltmp1, $2  }
0x43: {  	_ =	sdelay $0x2  }
0x44: {  	s12 =	sadd.s32 $0x80, s12;
	s13 =	sadd.s32 s13, s25  }
0x45: {  	[tilespmem:s1], [sflag:$0x1] =	stream.linear.gather [hbm4b:s13+s8], $0x50, $0x38;
	[tilespmem:$0x11300] =	vst v63  }
0x46: {  	s0 =	rddreg [dreg:$0xd]  }
0x47: {  	s18 =	rddreg [dreg:$0xe]  }
0x48: {  	s7 =	simm.s32 $0x0;
	s17 =	simm.s32 $0x8200;
	s21 =	rddreg [dreg:$0xf]  }
0x49: {  	[tilespmem:s17], [sflag:$0x1] =	stream.linear.gather [hbm4b:s0+s7], $0x7D0, $0x38;
	[tilespmem:$0x11300] =	vst v63  }
0x4a: {  	s19 =	simm.s32 $0x8A00;
	s29 =	rddreg [dreg:$0x15]  }
0x4b: {  	[tilespmem:s19], [sflag:$0x1] =	stream.linear.gather [hbm4b:s18+s7], $0x7D0, $0x38;
	[tilespmem:$0x11300] =	vst v63  }
0x4c: {  	s26 =	simm.s32 $0x9200;
	s28 =	rddreg [dreg:$0x14]  }
0x4d: {  	[tilespmem:s26], [sflag:$0x1] =	stream.linear.gather [hbm4b:s21+s7], $0x7D0, $0x38;
	[tilespmem:$0x11300] =	vst v63  }
0x4e: {  	s26 =	rddreg [dreg:$0x13]  }
.LBB2_6:
0x4f: {  	s12 =	smul.u32 $0xFA0, s7  }
0x50: {  	s1 =	sshrl.u32 s29, $0x3;
	s15 =	simm.s32 $0xBA00;
	s16 =	simm.s32 $0x0  }
0x51: {  	s13 =	sadd.s32 s1, s10;
	s1 =	sadd.s32 s1, s9;
	s14 =	sadd.s32 s12, s20  }
.LBB2_7:
0x52: {  	p0 =	sne.s32 s16, $0xF0  }
.Ltmp2:
0x53: {  	_ = 	snop;
	(pc) =	sbr.rel @p0 .LBB2_7-.Ltmp2, $4  }
0x54: {  	_ = 	snop  }
0x55: {  	s17 =	sadd.s32 s16, s26;
	s18 =	simm.s32 $0x0  }
0x56: {  	[tilespmem:s15], [sflag:$0x2] =	stream.linear.gather [hbm4b:s17+s18], $0x50, $0x38;
	[tilespmem:$0x11300] =	vst v63  }
0x57: {  	s16 =	sadd.s32 $0xA, s16;
	s15 =	sadd.s32 $0x80, s15  }
0x58: {  	s15 =	simm.s32 $0xCA00  }
0x59: {  	s16 =	simm.s32 $0xA;
	s18 =	sadd.s32 $0x0, s28;
	s17 =	simm.s32 $0xCA80  }
.LBB2_9:
0x5a: {  	[tilespmem:s15], [sflag:$0x2] =	stream.linear.gather [hbm4b:s18+s8], $0x50, $0x38;
	[tilespmem:$0x11300] =	vst v63  }
0x5b: {  	s18 =	smov.u32 s16;
	s15 =	smov.u32 s17;
	p0 =	sne.s32 s16, $0xF0  }
.Ltmp3:
0x5c: {  	s16 =	sadd.s32 $0xA, s16;
	(pc) =	sbr.rel @p0 .LBB2_9-.Ltmp3, $2  }
0x5d: {  	_ =	sdelay $0x2  }
0x5e: {  	s17 =	sadd.s32 $0x80, s17;
	s18 =	sadd.s32 s18, s28  }
0x5f: {  	[tilespmem:s15], [sflag:$0x2] =	stream.linear.gather [hbm4b:s18+s8], $0x50, $0x38;
	[tilespmem:$0x11300] =	vst v63  }
0x60: {  	s14 =	sshrl.u32 s14, $0x3;
	s0 =	rddreg [dreg:$0x0]  }
0x61: {  	s16 =	simm.s32 $0x0;
	s18 =	simm.s32 $0xDA00;
	s17 =	sadd.s32 s0, s14  }
0x62: {  	[tilespmem:s18], [sflag:$0x2] =	stream.linear.gather [hbm4b:s17+s16], $0x7D0, $0x38;
	[tilespmem:$0x11300] =	vst v63  }
0x63: {  	s21 =	simm.s32 $0xE200;
	s19 =	sadd.s32 s2, s14  }
0x64: {  	[tilespmem:s21], [sflag:$0x2] =	stream.linear.gather [hbm4b:s19+s16], $0x7D0, $0x38;
	[tilespmem:$0x11300] =	vst v63  }
0x65: {  	s15 =	simm.s32 $0xEA00;
	s14 =	sadd.s32 s11, s14  }
0x66: {  	[tilespmem:s15], [sflag:$0x2] =	stream.linear.gather [hbm4b:s14+s16], $0x7D0, $0x38;
	[tilespmem:$0x11300] =	vst v63  }
0x67: {  	_ =	swait.ge [sflag:s22], $0x50  }
0x68: {  	[sflag:s22] =	ssyncset.done $0x0  }
0x69: {  	[sflag:s22] =	ssyncadd.s32 $0xFFFFFFB0  }
0x6a: {  	_ =	swait.ge [sflag:s22], $0x50  }
0x6b: {  	[sflag:s22] =	ssyncset.done $0x0  }
0x6c: {  	[sflag:s22] =	ssyncadd.s32 $0xFFFFFFB0  }
0x6d: {  	_ =	swait.ge [sflag:s22], $0x50  }
0x6e: {  	[sflag:s22] =	ssyncset.done $0x0  }
0x6f: {  	[sflag:s22] =	ssyncadd.s32 $0xFFFFFFB0  }
0x70: {  	_ =	swait.ge [sflag:s22], $0x50  }
0x71: {  	[sflag:s22] =	ssyncset.done $0x0  }
0x72: {  	[sflag:s22] =	ssyncadd.s32 $0xFFFFFFB0  }
0x73: {  	_ =	swait.ge [sflag:s22], $0x50  }
0x74: {  	[sflag:s22] =	ssyncset.done $0x0  }
0x75: {  	[sflag:s22] =	ssyncadd.s32 $0xFFFFFFB0  }
0x76: {  	_ =	swait.ge [sflag:s22], $0x50  }
0x77: {  	[sflag:s22] =	ssyncset.done $0x0  }
0x78: {  	[sflag:s22] =	ssyncadd.s32 $0xFFFFFFB0  }
0x79: {  	_ =	swait.ge [sflag:s22], $0x50  }
0x7a: {  	[sflag:s22] =	ssyncset.done $0x0  }
0x7b: {  	[sflag:s22] =	ssyncadd.s32 $0xFFFFFFB0  }
0x7c: {  	_ =	swait.ge [sflag:s22], $0x50  }
0x7d: {  	[sflag:s22] =	ssyncset.done $0x0  }
0x7e: {  	[sflag:s22] =	ssyncadd.s32 $0xFFFFFFB0  }
0x7f: {  	_ =	swait.ge [sflag:s22], $0x50  }
0x80: {  	[sflag:s22] =	ssyncset.done $0x0  }
0x81: {  	[sflag:s22] =	ssyncadd.s32 $0xFFFFFFB0  }
0x82: {  	_ =	swait.ge [sflag:s22], $0x50  }
0x83: {  	[sflag:s22] =	ssyncset.done $0x0  }
0x84: {  	[sflag:s22] =	ssyncadd.s32 $0xFFFFFFB0  }
0x85: {  	_ =	swait.ge [sflag:s22], $0x50  }
0x86: {  	[sflag:s22] =	ssyncset.done $0x0  }
0x87: {  	[sflag:s22] =	ssyncadd.s32 $0xFFFFFFB0  }
0x88: {  	_ =	swait.ge [sflag:s22], $0x50  }
0x89: {  	[sflag:s22] =	ssyncset.done $0x0  }
0x8a: {  	[sflag:s22] =	ssyncadd.s32 $0xFFFFFFB0  }
0x8b: {  	_ =	swait.ge [sflag:s22], $0x50  }
0x8c: {  	[sflag:s22] =	ssyncset.done $0x0  }
0x8d: {  	[sflag:s22] =	ssyncadd.s32 $0xFFFFFFB0  }
0x8e: {  	_ =	swait.ge [sflag:s22], $0x50  }
0x8f: {  	[sflag:s22] =	ssyncset.done $0x0  }
0x90: {  	[sflag:s22] =	ssyncadd.s32 $0xFFFFFFB0  }
0x91: {  	_ =	swait.ge [sflag:s22], $0x50  }
0x92: {  	[sflag:s22] =	ssyncset.done $0x0  }
0x93: {  	[sflag:s22] =	ssyncadd.s32 $0xFFFFFFB0  }
0x94: {  	_ =	swait.ge [sflag:s22], $0x50  }
0x95: {  	[sflag:s22] =	ssyncset.done $0x0  }
0x96: {  	[sflag:s22] =	ssyncadd.s32 $0xFFFFFFB0  }
0x97: {  	_ =	swait.ge [sflag:s22], $0x50  }
0x98: {  	[sflag:s22] =	ssyncset.done $0x0  }
0x99: {  	[sflag:s22] =	ssyncadd.s32 $0xFFFFFFB0  }
0x9a: {  	_ =	swait.ge [sflag:s22], $0x50  }
0x9b: {  	[sflag:s22] =	ssyncset.done $0x0  }
0x9c: {  	[sflag:s22] =	ssyncadd.s32 $0xFFFFFFB0  }
0x9d: {  	_ =	swait.ge [sflag:s22], $0x50  }
0x9e: {  	[sflag:s22] =	ssyncset.done $0x0  }
0x9f: {  	[sflag:s22] =	ssyncadd.s32 $0xFFFFFFB0  }
0xa0: {  	_ =	swait.ge [sflag:s22], $0x50  }
0xa1: {  	[sflag:s22] =	ssyncset.done $0x0  }
0xa2: {  	[sflag:s22] =	ssyncadd.s32 $0xFFFFFFB0  }
0xa3: {  	_ =	swait.ge [sflag:s22], $0x50  }
0xa4: {  	[sflag:s22] =	ssyncset.done $0x0  }
0xa5: {  	[sflag:s22] =	ssyncadd.s32 $0xFFFFFFB0  }
0xa6: {  	_ =	swait.ge [sflag:s22], $0x50  }
0xa7: {  	[sflag:s22] =	ssyncset.done $0x0  }
0xa8: {  	[sflag:s22] =	ssyncadd.s32 $0xFFFFFFB0  }
0xa9: {  	_ =	swait.ge [sflag:s22], $0x50  }
0xaa: {  	[sflag:s22] =	ssyncset.done $0x0  }
0xab: {  	[sflag:s22] =	ssyncadd.s32 $0xFFFFFFB0  }
0xac: {  	_ =	swait.ge [sflag:s22], $0x50  }
0xad: {  	[sflag:s22] =	ssyncset.done $0x0  }
0xae: {  	[sflag:s22] =	ssyncadd.s32 $0xFFFFFFB0  }
0xaf: {  	_ =	swait.ge [sflag:s22], $0x50  }
0xb0: {  	[sflag:s22] =	ssyncset.done $0x0  }
0xb1: {  	[sflag:s22] =	ssyncadd.s32 $0xFFFFFFB0  }
0xb2: {  	_ =	swait.ge [sflag:s22], $0x50  }
0xb3: {  	[sflag:s22] =	ssyncset.done $0x0  }
0xb4: {  	[sflag:s22] =	ssyncadd.s32 $0xFFFFFFB0  }
0xb5: {  	_ =	swait.ge [sflag:s22], $0x50  }
0xb6: {  	[sflag:s22] =	ssyncset.done $0x0  }
0xb7: {  	[sflag:s22] =	ssyncadd.s32 $0xFFFFFFB0  }
0xb8: {  	_ =	swait.ge [sflag:s22], $0x50  }
0xb9: {  	[sflag:s22] =	ssyncset.done $0x0  }
0xba: {  	[sflag:s22] =	ssyncadd.s32 $0xFFFFFFB0  }
0xbb: {  	_ =	swait.ge [sflag:s22], $0x50  }
0xbc: {  	[sflag:s22] =	ssyncset.done $0x0  }
0xbd: {  	[sflag:s22] =	ssyncadd.s32 $0xFFFFFFB0  }
0xbe: {  	_ =	swait.ge [sflag:s22], $0x50  }
0xbf: {  	[sflag:s22] =	ssyncset.done $0x0  }
0xc0: {  	[sflag:s22] =	ssyncadd.s32 $0xFFFFFFB0  }
0xc1: {  	_ =	swait.ge [sflag:s22], $0x50  }
0xc2: {  	[sflag:s22] =	ssyncset.done $0x0  }
0xc3: {  	[sflag:s22] =	ssyncadd.s32 $0xFFFFFFB0  }
0xc4: {  	_ =	swait.ge [sflag:s22], $0x50  }
0xc5: {  	[sflag:s22] =	ssyncset.done $0x0  }
0xc6: {  	[sflag:s22] =	ssyncadd.s32 $0xFFFFFFB0  }
0xc7: {  	_ =	swait.ge [sflag:s22], $0x50  }
0xc8: {  	[sflag:s22] =	ssyncset.done $0x0  }
0xc9: {  	[sflag:s22] =	ssyncadd.s32 $0xFFFFFFB0  }
0xca: {  	_ =	swait.ge [sflag:s22], $0x50  }
0xcb: {  	[sflag:s22] =	ssyncset.done $0x0  }
0xcc: {  	[sflag:s22] =	ssyncadd.s32 $0xFFFFFFB0  }
0xcd: {  	_ =	swait.ge [sflag:s22], $0x50  }
0xce: {  	[sflag:s22] =	ssyncset.done $0x0  }
0xcf: {  	[sflag:s22] =	ssyncadd.s32 $0xFFFFFFB0  }
0xd0: {  	_ =	swait.ge [sflag:s22], $0x50  }
0xd1: {  	[sflag:s22] =	ssyncset.done $0x0  }
0xd2: {  	[sflag:s22] =	ssyncadd.s32 $0xFFFFFFB0  }
0xd3: {  	_ =	swait.ge [sflag:s22], $0x50  }
0xd4: {  	[sflag:s22] =	ssyncset.done $0x0  }
0xd5: {  	[sflag:s22] =	ssyncadd.s32 $0xFFFFFFB0  }
0xd6: {  	_ =	swait.ge [sflag:s22], $0x50  }
0xd7: {  	[sflag:s22] =	ssyncset.done $0x0  }
0xd8: {  	[sflag:s22] =	ssyncadd.s32 $0xFFFFFFB0  }
0xd9: {  	_ =	swait.ge [sflag:s22], $0x50  }
0xda: {  	[sflag:s22] =	ssyncset.done $0x0  }
0xdb: {  	[sflag:s22] =	ssyncadd.s32 $0xFFFFFFB0  }
0xdc: {  	_ =	swait.ge [sflag:s22], $0x50  }
0xdd: {  	[sflag:s22] =	ssyncset.done $0x0  }
0xde: {  	[sflag:s22] =	ssyncadd.s32 $0xFFFFFFB0  }
0xdf: {  	_ =	swait.ge [sflag:s22], $0x50  }
0xe0: {  	[sflag:s22] =	ssyncset.done $0x0  }
0xe1: {  	[sflag:s22] =	ssyncadd.s32 $0xFFFFFFB0  }
0xe2: {  	_ =	swait.ge [sflag:s22], $0x50  }
0xe3: {  	[sflag:s22] =	ssyncset.done $0x0  }
0xe4: {  	[sflag:s22] =	ssyncadd.s32 $0xFFFFFFB0  }
0xe5: {  	_ =	swait.ge [sflag:s22], $0x50  }
0xe6: {  	[sflag:s22] =	ssyncset.done $0x0  }
0xe7: {  	[sflag:s22] =	ssyncadd.s32 $0xFFFFFFB0  }
0xe8: {  	_ =	swait.ge [sflag:s22], $0x50  }
0xe9: {  	[sflag:s22] =	ssyncset.done $0x0  }
0xea: {  	[sflag:s22] =	ssyncadd.s32 $0xFFFFFFB0  }
0xeb: {  	_ =	swait.ge [sflag:s22], $0x50  }
0xec: {  	[sflag:s22] =	ssyncset.done $0x0  }
0xed: {  	[sflag:s22] =	ssyncadd.s32 $0xFFFFFFB0  }
0xee: {  	_ =	swait.ge [sflag:s22], $0x50  }
0xef: {  	[sflag:s22] =	ssyncset.done $0x0  }
0xf0: {  	[sflag:s22] =	ssyncadd.s32 $0xFFFFFFB0  }
0xf1: {  	_ =	swait.ge [sflag:s22], $0x50  }
0xf2: {  	[sflag:s22] =	ssyncset.done $0x0  }
0xf3: {  	[sflag:s22] =	ssyncadd.s32 $0xFFFFFFB0  }
0xf4: {  	_ =	swait.ge [sflag:s22], $0x50  }
0xf5: {  	[sflag:s22] =	ssyncset.done $0x0  }
0xf6: {  	[sflag:s22] =	ssyncadd.s32 $0xFFFFFFB0  }
0xf7: {  	_ =	swait.ge [sflag:s22], $0x50  }
0xf8: {  	[sflag:s22] =	ssyncset.done $0x0  }
0xf9: {  	[sflag:s22] =	ssyncadd.s32 $0xFFFFFFB0  }
0xfa: {  	_ =	swait.ge [sflag:s22], $0x50  }
0xfb: {  	[sflag:s22] =	ssyncset.done $0x0  }
0xfc: {  	[sflag:s22] =	ssyncadd.s32 $0xFFFFFFB0  }
0xfd: {  	_ =	swait.ge [sflag:s22], $0x7D0  }
0xfe: {  	[sflag:s22] =	ssyncset.done $0x0  }
0xff: {  	[sflag:s22] =	ssyncadd.s32 $0xFFFFF830  }
0x100: {  	_ =	swait.ge [sflag:s22], $0x7D0  }
0x101: {  	[sflag:s22] =	ssyncset.done $0x0  }
0x102: {  	[sflag:s22] =	ssyncadd.s32 $0xFFFFF830  }
0x103: {  	_ =	swait.ge [sflag:s22], $0x7D0  }
0x104: {  	s17 =	simm.s32 $0x6200;
	s18 =	simm.s32 $0x9A00;
	[sflag:s22] =	ssyncset.done $0x0  }
0x105: {  	s19 =	simm.s32 $0xA200;
	s21 =	simm.s32 $0xAA00;
	[sflag:s22] =	ssyncadd.s32 $0xFFFFF830  }
0x106: {  	[tilespmem:s18], [sflag:$0x3] =	stream.indirect.gather [spmem:s3], $0x1, s17, s23, $0xb8;
	[tilespmem:$0x11300] =	vst v63  }
0x107: {  	s15 =	simm.s32 $0x50;
	s16 =	simm.s32 $0x6280;
	s14 =	simm.s32 $0x7280  }
0x108: {  	[tilespmem:s19], [sflag:$0x3] =	stream.indirect.gather [spmem:s4], $0x1, s17, s23, $0xb8;
	[tilespmem:$0x11300] =	vst v63  }
0x109: {  	s18 =	simm.s32 $0x280;
	s17 =	simm.s32 $0x7200;
	s19 =	simm.s32 $0xB200  }
0x10a: {  	[tilespmem:s21], [sflag:$0x3] =	stream.indirect.gather [spmem:s5], $0x1, s17, s23, $0xb8;
	[tilespmem:$0x11300] =	vst v63  }
.LBB2_11:
0x10b: {  	[tilespmem:s19], [sflag:$0x3] =	stream.indirect.gather [spmem:s6], $0x1, s17, s23, $0xb8;
	[tilespmem:$0x11300] =	vst v63  }
0x10c: {  	s19 =	smov.u32 s15  }
0x10d: {  	s15 =	smov.u32 s18;
	s17 =	smov.u32 s14;
	s21 =	sadd.s32 $0x140, s18  }
0x10e: {  	p0 =	sne.s32 s18, $0x1E00;
	s15 =	sshra.s32 s15, $0x2;
	s0 =	sadd.s32 $0x9A00, s19  }
0x10f: {  	[tilespmem:s0], [sflag:$0x3] =	stream.indirect.gather [spmem:s3], $0x1, s16, s23, $0xb8;
	[tilespmem:$0x11300] =	vst v63  }
.Ltmp4:
0x110: {  	s0 =	sadd.s32 $0xA200, s19;
	(pc) =	sbr.rel @p0 .LBB2_11-.Ltmp4, $4  }
0x111: {  	[tilespmem:s0], [sflag:$0x3] =	stream.indirect.gather [spmem:s4], $0x1, s16, s23, $0xb8;
	[tilespmem:$0x11300] =	vst v63  }
0x112: {  	s18 =	smov.u32 s21;
	s0 =	sadd.s32 $0xAA00, s19  }
0x113: {  	[tilespmem:s0], [sflag:$0x3] =	stream.indirect.gather [spmem:s5], $0x1, s14, s23, $0xb8;
	[tilespmem:$0x11300] =	vst v63  }
0x114: {  	s19 =	sadd.s32 $0xB200, s19;
	s16 =	sadd.s32 $0x80, s16;
	s14 =	sadd.s32 $0x80, s14  }
0x115: {  	[tilespmem:s19], [sflag:$0x3] =	stream.indirect.gather [spmem:s6], $0x1, s17, s23, $0xb8;
	[tilespmem:$0x11300] =	vst v63  }
0x116: {  	s0 =	sadd.s32 $0x9A00, s15  }
0x117: {  	[tilespmem:s0], [sflag:$0x3] =	stream.indirect.gather [spmem:s3], $0x1, s16, s23, $0xb8;
	[tilespmem:$0x11300] =	vst v63  }
0x118: {  	s18 =	sadd.s32 $0xA200, s15  }
0x119: {  	[tilespmem:s18], [sflag:$0x3] =	stream.indirect.gather [spmem:s4], $0x1, s16, s23, $0xb8;
	[tilespmem:$0x11300] =	vst v63  }
0x11a: {  	s19 =	sadd.s32 $0xAA00, s15  }
0x11b: {  	[tilespmem:s19], [sflag:$0x3] =	stream.indirect.gather [spmem:s5], $0x1, s14, s23, $0xb8;
	[tilespmem:$0x11300] =	vst v63  }
0x11c: {  	s21 =	sadd.s32 $0xB200, s15  }
0x11d: {  	[tilespmem:s21], [sflag:$0x3] =	stream.indirect.gather [spmem:s6], $0x1, s14, s23, $0xb8;
	[tilespmem:$0x11300] =	vst v63  }
0x11e: {  	_ =	swait.ge [sflag:s30], $0x50  }
0x11f: {  	[sflag:s30] =	ssyncset.done $0x0  }
0x120: {  	[sflag:s30] =	ssyncadd.s32 $0xFFFFFFB0  }
0x121: {  	_ =	swait.ge [sflag:s30], $0x50  }
0x122: {  	[sflag:s30] =	ssyncset.done $0x0  }
0x123: {  	[sflag:s30] =	ssyncadd.s32 $0xFFFFFFB0  }
0x124: {  	_ =	swait.ge [sflag:s30], $0x50  }
0x125: {  	[sflag:s30] =	ssyncset.done $0x0  }
0x126: {  	[sflag:s30] =	ssyncadd.s32 $0xFFFFFFB0  }
0x127: {  	_ =	swait.ge [sflag:s30], $0x50  }
0x128: {  	s14 =	simm.s32 $0x18;
	[sflag:s30] =	ssyncset.done $0x0  }
.LBB2_13:
0x129: {  	p0 =	sne.s32 s14, $0x1;
	s14 =	sadd.s32 $0xFFFFFFFF, s14;
	[sflag:s30] =	ssyncadd.s32 $0xFFFFFFB0  }
0x12a: {  	_ =	swait.ge [sflag:s30], $0x50  }
0x12b: {  	[sflag:s30] =	ssyncset.done $0x0  }
0x12c: {  	[sflag:s30] =	ssyncadd.s32 $0xFFFFFFB0  }
0x12d: {  	_ =	swait.ge [sflag:s30], $0x50  }
0x12e: {  	[sflag:s30] =	ssyncset.done $0x0  }
0x12f: {  	[sflag:s30] =	ssyncadd.s32 $0xFFFFFFB0  }
.Ltmp5:
0x130: {  	_ =	swait.ge [sflag:s30], $0x50;
	(pc) =	sbr.rel @p0 .LBB2_13-.Ltmp5, $4  }
0x131: {  	[sflag:s30] =	ssyncset.done $0x0  }
0x132: {  	[sflag:s30] =	ssyncadd.s32 $0xFFFFFFB0  }
0x133: {  	_ =	swait.ge [sflag:s30], $0x50  }
0x134: {  	[sflag:s30] =	ssyncset.done $0x0  }
0x135: {  	[sflag:s30] =	ssyncadd.s32 $0xFFFFFFB0;
	s19 =	simm.s32 $0x0  }
0x136: {  	v1 =	vld [tilespmem:s19+$0xB200]  }
0x137: {  	v2 =	vld [tilespmem:s19+$0x9200];
	_ =	sdelay $0x3  }
0x138: {  	v3 =	vld [tilespmem:s19+$0x8A00]  }
0x139: {  	v1 =	vsub.f32 v1, v2  }
0x13a: {  	s16 =	simm.s32 $0x10  }
0x13b: {  	v4 =	vld [tilespmem:s16+$0xB200];
	v1 =	vadd.f32 $9.999999710e-10, v1  }
0x13c: {  	v5 =	vld [tilespmem:s16+$0x9200]  }
0x13d: {  	v3 =	vmul.f32 $1.442695020e+00, v3;
	(erf) = vrcp.f32 v1;
	v1 =	vld [tilespmem:s19+$0x8200];
	_ =	sdelay $0x1  }
0x13e: {  	(erf) = vpow2.f32 v3  }
0x13f: {  	v3 =	vld [tilespmem:s16+$0x8A00]  }
0x140: {  	v6 =	vld [tilespmem:s19+$0xAA00];
	v4 =	vsub.f32 v4, v5  }
0x141: {  	v7 =	vld [tilespmem:s19+$0xA200];
	v1 =	vmul.f32 $1.442695020e+00, v1  }
0x142: {  	s14 =	simm.s32 $0x20;
	v4 =	vadd.f32 $9.999999710e-10, v4  }
0x143: {  	(erf) = vpow2.f32 v1;
	v1 =	vld [tilespmem:s14+$0xB200]  }
0x144: {  	v3 =	vmul.f32 $1.442695020e+00, v3;
	(erf) = vrcp.f32 v4;
	v4 =	vld [tilespmem:s14+$0x9200];
	_ =	sdelay $0x1  }
0x145: {  	v6 =	vmul.f32 v7, v6;
	v7 =	vpop (erf);
	(erf) = vpow2.f32 v3;
	v3 =	vld [tilespmem:s16+$0x8200]  }
0x146: {  	v8 =	vpop (erf)  }
0x147: {  	v9 =	vld [tilespmem:s16+$0xAA00];
	v6 =	vmul.f32 v8, v6  }
0x148: {  	v8 =	vld [tilespmem:s16+$0xA200];
	v1 =	vsub.f32 v1, v4  }
0x149: {  	v6 =	vadd.f32 $9.999999680e-21, v6  }
0x14a: {  	s15 =	simm.s32 $0x30;
	v3 =	vmul.f32 $1.442695020e+00, v3;
	v1 =	vadd.f32 $9.999999710e-10, v1  }
0x14b: {  	v10 =	vld [tilespmem:s15+$0x9200];
	v2 =	vmul.f32 v7, v2;
	(erf) = vrcp.f32 v6  }
0x14c: {  	v7 =	vld [tilespmem:s14+$0x8A00];
	v11 =	vpop (erf);
	(erf) = vpow2.f32 v3  }
0x14d: {  	v2 =	vadd.f32 $1.000000000e+00, v2;
	v6 =	vld [tilespmem:s14+$0x8200];
	v8 =	vmul.f32 v8, v9;
	v9 =	vpop (erf);
	(erf) = vrcp.f32 v1  }
0x14e: {  	v3 =	vld [tilespmem:s15+$0xB200];
	v1 =	vpop (erf)  }
0x14f: {  	v2 =	vadd.s32 $0x4AFB0D, v2;
	v1 =	vmul.f32 v1, v8  }
0x150: {  	v12 =	vand.u32 $0x7FFFFF, v2  }
0x151: {  	v7 =	vmul.f32 $1.442695020e+00, v7;
	v8 =	vadd.s32 $0x3F3504F3, v12;
	v1 =	vadd.f32 $9.999999680e-21, v1  }
0x152: {  	v8 =	vadd.f32 $-1.000000000e+00, v8  }
0x153: {  	(erf) = vpow2.f32 v7;
	v6 =	vmul.f32 $1.442695020e+00, v6;
	v3 =	vsub.f32 v3, v10  }
0x154: {  	v14 =	vld [tilespmem:s14+$0xAA00];
	v12 =	vadd.f32 $2.000000000e+00, v8;
	(erf) = vrcp.f32 v1;
	v13 =	vpop (erf)  }
0x155: {  	v7 =	vld [tilespmem:s15+$0x8A00];
	v3 =	vadd.f32 $9.999999710e-10, v3;
	(erf) = vpow2.f32 v6;
	v1 =	vpop (erf)  }
0x156: {  	v5 =	vmul.f32 v9, v5;
	v6 =	vld [tilespmem:s14+$0xA200];
	(erf) = vrcp.f32 v12;
	v9 =	vpop (erf)  }
0x157: {  	(erf) = vrcp.f32 v3;
	v3 =	vmul.f32 v9, v4  }
0x158: {  	v16 =	vld [tilespmem:s15+$0xAA00];
	v2 =	vshra.s32 v2, $0x17;
	v4 =	vadd.f32 $1.000000000e+00, v5  }
0x159: {  	v18 =	vld [tilespmem:s15+$0xA200];
	v15 =	vadd.s32 $0xFFFFFF81, v2;
	v2 =	vadd.f32 $1.000000000e+00, v3  }
0x15a: {  	s21 =	simm.s32 $0x40;
	v5 =	vmul.f32 $1.442695020e+00, v7;
	v7 =	vld [tilespmem:s15+$0x8200];
	v3 =	vadd.s32 $0x4AFB0D, v4  }
0x15b: {  	v9 =	vld [tilespmem:s21+$0xB200];
	v4 =	vmul.f32 v6, v14;
	v14 =	vadd.s32 $0x4AFB0D, v2  }
0x15c: {  	(erf) = vpow2.f32 v5;
	v6 =	vld [tilespmem:s21+$0x9200];
	v2 =	vand.u32 $0x7FFFFF, v14  }
0x15d: {  	v5 =	vand.u32 $0x7FFFFF, v3;
	v12 =	vshra.s32 v3, $0x17;
	v3 =	vpop (erf)  }
0x15e: {  	v17 =	vmul.f32 $5.000000000e-01, v8;
	v4 =	vmul.f32 v3, v4;
	v3 =	vpop (erf)  }
0x15f: {  	v16 =	vmul.f32 v18, v16;
	v5 =	vadd.s32 $0x3F3504F3, v5;
	v19 =	vadd.s32 $0x3F3504F3, v2;
	v2 =	vpop (erf)  }
0x160: {  	v17 =	vmul.f32 v17, v8;
	v21 =	vadd.f32 $-1.000000000e+00, v5;
	v5 =	vld [tilespmem:s21+$0x8A00];
	v4 =	vadd.f32 $9.999999680e-21, v4;
	v20 =	vpop (erf)  }
0x161: {  	v7 =	vmul.f32 $1.442695020e+00, v7;
	v9 =	vsub.f32 v9, v6;
	v22 =	vpop (erf);
	v20 =	vmul.f32 v20, v8  }
0x162: {  	(erf) = vrcp.f32 v4;
	v4 =	vmul.f32 v22, v10;
	v10 =	vadd.f32 $2.000000000e+00, v21  }
0x163: {  	s17 =	simm.s32 $0x50;
	v12 =	vadd.s32 $0xFFFFFF81, v12;
	(erf) = vpow2.f32 v7;
	v7 =	vmul.f32 v20, v20  }
0x164: {  	v25 =	vld [tilespmem:s17+$0x8A00];
	v9 =	vadd.f32 $9.999999710e-10, v9;
	v8 =	vsub.f32 v8, v17;
	(erf) = vrcp.f32 v10  }
0x165: {  	v5 =	vmul.f32 $1.442695020e+00, v5;
	v22 =	vld [tilespmem:s21+$0xAA00];
	v18 =	vpop (erf);
	v4 =	vadd.f32 $1.000000000e+00, v4;
	v23 =	vmul.f32 v7, v7  }
0x166: {  	(erf) = vrcp.f32 v9;
	v9 =	vshra.s32 v14, $0x17;
	v14 =	vmul.f32 v18, v16;
	v16 =	vld [tilespmem:s21+$0x8200]  }
0x167: {  	v10 =	vld [tilespmem:s21+$0xA200];
	v18 =	vmul.f32 $5.000000000e-01, v21;
	v24 =	vadd.s32 $0x4AFB0D, v4;
	v4 =	vmul.f32 $2.427907880e-01, v23  }
0x168: {  	v27 =	vld [tilespmem:s17+$0xB200];
	(erf) = vpow2.f32 v5;
	v26 =	vmul.f32 $2.849878670e-01, v23;
	v14 =	vadd.f32 $9.999999680e-21, v14  }
0x169: {  	v29 =	vld [tilespmem:s17+$0x9200];
	v5 =	vand.u32 $0x7FFFFF, v24;
	v18 =	vmul.f32 v18, v21;
	v28 =	vadd.f32 $4.000097220e-01, v4  }
0x16a: {  	v30 =	vadd.s32 $0x3F3504F3, v5;
	v26 =	vadd.f32 $6.666666270e-01, v26;
	(erf) = vrcp.f32 v14  }
0x16b: {  	v31 =	vsub.f32 v21, v18;
	v16 =	vmul.f32 $1.442695020e+00, v16;
	v4 =	vpop (erf);
	v23 =	vmul.f32 v28, v23  }
0x16c: {  	v14 =	vshra.s32 v24, $0x17;
	v22 =	vmul.f32 v10, v22;
	v7 =	vmul.f32 v26, v7;
	v5 =	vpop (erf)  }
0x16d: {  	(erf) = vpow2.f32 v16;
	v24 =	vpop (erf);
	v17 =	vadd.f32 v23, v17;
	v23 =	vadd.f32 $-1.000000000e+00, v19  }
0x16e: {  	v19 =	vmul.f32 $1.442695020e+00, v25;
	v21 =	vmul.f32 v24, v21;
	v24 =	vsub.f32 v27, v29  }
0x16f: {  	v25 =	vcvt.s32.f32 v15;
	v10 =	vpop (erf);
	v7 =	vadd.f32 v17, v7;
	v17 =	vadd.f32 $2.000000000e+00, v23  }
0x170: {  	v26 =	vld [tilespmem:s17+$0x8200];
	v6 =	vmul.f32 v10, v6;
	v16 =	vmul.f32 v21, v21;
	v24 =	vadd.f32 $9.999999710e-10, v24  }
0x171: {  	v10 =	vadd.s32 $0xFFFFFF81, v14;
	v7 =	vmul.f32 v7, v20;
	(erf) = vrcp.f32 v17  }
0x172: {  	v14 =	vpop (erf);
	v6 =	vadd.f32 $1.000000000e+00, v6;
	v20 =	vmul.f32 v16, v16;
	(erf) = vrcp.f32 v24  }
0x173: {  	s18 =	simm.s32 $0x60;
	v14 =	vmul.f32 v14, v22;
	v7 =	vadd.f32 v7, v8;
	(erf) = vpow2.f32 v19  }
0x174: {  	v33 =	vld [tilespmem:s18+$0x8A00];
	v8 =	vmul.f32 $5.000000000e-01, v23;
	v19 =	vadd.s32 $0x4AFB0D, v6;
	v6 =	vmul.f32 $2.427907880e-01, v20  }
0x175: {  	v9 =	vadd.s32 $0xFFFFFF81, v9;
	v22 =	vld [tilespmem:s17+$0xA200];
	v62 =	vmul.f32 $1.442695020e+00, v26;
	v7 =	vmul.f32 $1.442695020e+00, v7  }
0x176: {  	v24 =	vld [tilespmem:s17+$0xAA00];
	v27 =	vmul.f32 $2.849878670e-01, v20;
	v17 =	vmul.f32 v8, v23;
	v8 =	vadd.f32 $4.000097220e-01, v6  }
0x177: {  	v34 =	vld [tilespmem:s18+$0xB200];
	v32 =	vadd.f32 $9.999999680e-21, v14;
	v15 =	vand.u32 $0x7FFFFF, v19;
	v25 =	vadd.f32 v25, v7  }
0x178: {  	v28 =	vld [tilespmem:s19+$0x9A00];
	v15 =	vadd.s32 $0x3F3504F3, v15;
	v27 =	vadd.f32 $6.666666270e-01, v27;
	v6 =	vpop (erf);
	v20 =	vmul.f32 v8, v20  }
0x179: {  	v8 =	vshra.s32 v19, $0x17;
	(erf) = vrcp.f32 v32;
	v19 =	vld [tilespmem:s18+$0x9200];
	v7 =	vpop (erf);
	v25 =	vadd.f32 $9.999999680e-21, v25  }
0x17a: {  	v27 =	vmul.f32 v27, v16;
	v16 =	vadd.f32 $-1.000000000e+00, v30;
	v30 =	vcvt.s32.f32 v12;
	v26 =	vpop (erf)  }
0x17b: {  	v18 =	vadd.f32 v20, v18;
	v20 =	vmul.f32 v22, v24;
	v24 =	vpop (erf);
	(erf) = vrcp.f32 v25  }
0x17c: {  	v14 =	vsub.f32 v23, v17;
	v25 =	vmul.f32 $1.442695020e+00, v33;
	v22 =	vmul.f32 v26, v23;
	v63 =	vpop (erf)  }
0x17d: {  	v8 =	vadd.s32 $0xFFFFFF81, v8;
	(erf) = vpow2.f32 v62;
	v26 =	vmul.f32 v63, v20  }
0x17e: {  	v20 =	vadd.f32 v18, v27;
	v18 =	vmul.f32 v11, v28;
	v11 =	vsub.f32 v34, v19  }
0x17f: {  	v23 =	vmul.f32 v24, v29;
	v27 =	vadd.f32 $2.000000000e+00, v16;
	v24 =	vmul.f32 v22, v22  }
0x180: {  	v28 =	vmul.f32 $5.000000000e-01, v16;
	v11 =	vadd.f32 $9.999999710e-10, v11;
	v20 =	vmul.f32 v20, v21  }
0x181: {  	v12 =	vld [tilespmem:$0x11280];
	v21 =	vadd.f32 $1.000000000e+00, v23;
	(erf) = vrcp.f32 v27;
	v32 =	vmul.f32 v24, v24  }
0x182: {  	v27 =	vld [tilespmem:s18+$0xAA00];
	v13 =	vmul.f32 v13, v18;
	(erf) = vrcp.f32 v11;
	v20 =	vadd.f32 v20, v31  }
0x183: {  	v23 =	vld [tilespmem:s18+$0xA200];
	v21 =	vadd.s32 $0x4AFB0D, v21;
	v35 =	vmul.f32 $2.427907880e-01, v32;
	(erf) = vpow2.f32 v25  }
0x184: {  	v33 =	vmul.f32 $2.849878670e-01, v32;
	v29 =	vand.u32 $0x7FFFFF, v21;
	v11 =	vpop (erf);
	v34 =	vmul.f32 $1.442695020e+00, v20  }
0x185: {  	s19 =	simm.s32 $0x1C0;
	v28 =	vmul.f32 v28, v16;
	v31 =	vld [tilespmem:s18+$0x8200];
	v29 =	vadd.s32 $0x3F3504F3, v29;
	v35 =	vadd.f32 $4.000097220e-01, v35;
	v25 =	vpop (erf)  }
.LBB2_15:
0x186: {  	s0 =	sshra.s32 s19, $0x2;
	p0 =	sne.s32 s19, $0x1F00;
	s19 =	sadd.s32 $0x40, s19;
	v20 =	vadd.f32 $9.999999680e-21, v26;
	v36 =	vld [tilespmem:s16+$0x9A00];
	v26 =	vadd.f32 v30, v34;
	v38 =	vmul.f32 v25, v18;
	v37 =	vmovc v6;
	v6 =	vmovc v11  }
0x187: {  	s16 =	smov.u32 s14;
	s14 =	smov.u32 s15;
	s15 =	smov.u32 s21;
	v11 =	vld [tilespmem:s0+$0x8A00];
	v25 =	vpop (erf);
	v34 =	vsub.f32 v16, v28;
	v30 =	vmul.f32 v35, v32;
	v35 =	vadd.f32 $6.666666270e-01, v33  }
0x188: {  	v21 =	vshra.s32 v21, $0x17;
	v18 =	vmovc v15;
	v15 =	vmovc v29;
	s21 =	smov.u32 s17;
	s17 =	smov.u32 s18;
	s18 =	smov.u32 s0;
	v33 =	vld [tilespmem:s0+$0xB200];
	(erf) = vrcp.f32 v20;
	v12 =	vadd.f32 v38, v12  }
0x189: {  	v21 =	vadd.s32 $0xFFFFFF81, v21;
	v26 =	vadd.f32 $9.999999680e-21, v26;
	v20 =	vld [tilespmem:s18+$0x9200];
	v24 =	vmul.f32 v35, v24  }
0x18a: {  	v30 =	vadd.f32 v30, v17;
	v29 =	vld [tilespmem:s18+$0xAA00];
	v31 =	vmul.f32 $1.442695020e+00, v31;
	v32 =	vpop (erf);
	v12 =	vadd.f32 v12, v13  }
0x18b: {  	v17 =	vmov v28;
	v13 =	vmul.f32 v23, v27;
	v23 =	vld [tilespmem:s18+$0xA200];
	v27 =	vpop (erf);
	(erf) = vrcp.f32 v26  }
0x18c: {  	v35 =	vmul.f32 v32, v16;
	v16 =	vadd.f32 $-1.000000000e+00, v18;
	v28 =	vmul.f32 $1.442695020e+00, v11;
	v11 =	vpop (erf)  }
0x18d: {  	v18 =	vmul.f32 v1, v36;
	v1 =	vmovc v2;
	v26 =	vmul.f32 v11, v13;
	v11 =	vadd.f32 v30, v24  }
0x18e: {  	v2 =	vmovc v5;
	v5 =	vmovc v7;
	v27 =	vmul.f32 v27, v19;
	v13 =	vsub.f32 v33, v20;
	(erf) = vpow2.f32 v31  }
0x18f: {  	v7 =	vmovc v25;
	v36 =	vmul.f32 $5.000000000e-01, v16;
	v24 =	vmul.f32 v35, v35;
	v31 =	vadd.f32 $2.000000000e+00, v16;
	v19 =	vmovc v20  }
0x190: {  	v30 =	vcvt.s32.f32 v9;
	v9 =	vmovc v10;
	v10 =	vmovc v8;
	v20 =	vmul.f32 v11, v22;
	v13 =	vadd.f32 $9.999999710e-10, v13  }
.Ltmp6:
0x191: {  	v39 =	vadd.f32 $1.000000000e+00, v27;
	v32 =	vmul.f32 v24, v24;
	v11 =	vpop (erf);
	(erf) = vrcp.f32 v31;
	(pc) =	sbr.rel @p0 .LBB2_15-.Ltmp6, $4  }
0x192: {  	v8 =	vmovc v21;
	v20 =	vadd.f32 v20, v14;
	v14 =	vmovc v34;
	(erf) = vrcp.f32 v13;
	v13 =	vmul.f32 v3, v18  }
0x193: {  	v22 =	vmovc v35;
	v21 =	vadd.s32 $0x4AFB0D, v39;
	v27 =	vmovc v29;
	v38 =	vmul.f32 $2.427907880e-01, v32;
	(erf) = vpow2.f32 v28  }
0x194: {  	v33 =	vmul.f32 $2.849878670e-01, v32;
	v28 =	vand.u32 $0x7FFFFF, v21;
	v34 =	vmul.f32 $1.442695020e+00, v20;
	v25 =	vpop (erf)  }
0x195: {  	v3 =	vmovc v4;
	v4 =	vmovc v37;
	v35 =	vadd.f32 $4.000097220e-01, v38;
	v29 =	vadd.s32 $0x3F3504F3, v28;
	v28 =	vmul.f32 v36, v16;
	v31 =	vld [tilespmem:s18+$0x8200]  }
0x196: {  	_ =	sdelay $0x2  }
0x197: {  	v20 =	vpop (erf)  }
0x198: {  	v36 =	vpop (erf)  }
0x199: {  	v36 =	vmul.f32 v36, v16;
	_ =	sdelay $0x1  }
0x19a: {  	v37 =	vmul.f32 v36, v36;
	_ =	sdelay $0x1  }
0x19b: {  	v38 =	vmul.f32 v37, v37  }
0x19c: {  	v33 =	vadd.f32 $6.666666270e-01, v33  }
0x19d: {  	v32 =	vmul.f32 v35, v32;
	v59 =	vmul.f32 $2.427907880e-01, v38  }
0x19e: {  	v24 =	vmul.f32 v33, v24  }
0x19f: {  	v17 =	vadd.f32 v32, v17;
	v60 =	vmul.f32 $2.849878670e-01, v38;
	v61 =	vadd.f32 $4.000097220e-01, v59  }
0x1a0: {  	v30 =	vadd.f32 v30, v34;
	v26 =	vadd.f32 $9.999999680e-21, v26  }
0x1a1: {  	v17 =	vadd.f32 v17, v24;
	v33 =	vadd.f32 $6.666666270e-01, v60;
	v63 =	vmul.f32 v61, v38  }
0x1a2: {  	v23 =	vmul.f32 v23, v27;
	v9 =	vcvt.s32.f32 v9;
	v62 =	vadd.f32 $9.999999680e-21, v30  }
0x1a3: {  	v17 =	vmul.f32 v17, v22;
	v35 =	vmul.f32 v33, v37;
	v24 =	vadd.f32 v63, v28  }
0x1a4: {  	v15 =	vadd.f32 $-1.000000000e+00, v15;
	v10 =	vcvt.s32.f32 v10;
	(erf) = vrcp.f32 v26  }
0x1a5: {  	v34 =	vpop (erf);
	(erf) = vrcp.f32 v62;
	v14 =	vadd.f32 v17, v14;
	v38 =	vadd.f32 v24, v35  }
0x1a6: {  	v39 =	vsub.f32 v16, v28;
	v31 =	vmul.f32 $1.442695020e+00, v31;
	v19 =	vmul.f32 v34, v19  }
0x1a7: {  	v40 =	vpop (erf);
	v14 =	vmul.f32 $1.442695020e+00, v14;
	v37 =	vadd.f32 $2.000000000e+00, v15;
	v17 =	vmul.f32 v38, v36  }
0x1a8: {  	(erf) = vpow2.f32 v31;
	v22 =	vmul.f32 v40, v23;
	v19 =	vadd.f32 $1.000000000e+00, v19  }
0x1a9: {  	v9 =	vadd.f32 v9, v14;
	(erf) = vrcp.f32 v37;
	v41 =	vadd.f32 v17, v39  }
0x1aa: {  	v42 =	vadd.f32 $9.999999680e-21, v22;
	v16 =	vadd.s32 $0x4AFB0D, v19;
	v19 =	vadd.f32 $-1.000000000e+00, v29  }
0x1ab: {  	v9 =	vadd.f32 $9.999999680e-21, v9;
	v14 =	vmul.f32 $1.442695020e+00, v41  }
0x1ac: {  	v43 =	vand.u32 $0x7FFFFF, v16;
	v44 =	vadd.f32 $2.000000000e+00, v19;
	(erf) = vrcp.f32 v42  }
0x1ad: {  	v23 =	vpop (erf);
	v22 =	vadd.s32 $0x3F3504F3, v43;
	(erf) = vrcp.f32 v9;
	v45 =	vadd.f32 v10, v14  }
0x1ae: {  	v10 =	vpop (erf);
	(erf) = vrcp.f32 v44;
	v14 =	vadd.f32 $-1.000000000e+00, v22  }
0x1af: {  	v9 =	vadd.f32 $9.999999680e-21, v45  }
0x1b0: {  	v47 =	vadd.f32 $2.000000000e+00, v14  }
0x1b1: {  	v17 =	vpop (erf);
	(erf) = vrcp.f32 v9  }
0x1b2: {  	v46 =	vpop (erf);
	(erf) = vrcp.f32 v47  }
0x1b3: {  	v22 =	vmul.f32 v46, v15;
	_ =	sdelay $0x1  }
0x1b4: {  	v24 =	vpop (erf);
	v48 =	vmul.f32 v22, v22  }
0x1b5: {  	v27 =	vpop (erf)  }
0x1b6: {  	v49 =	vmul.f32 v48, v48;
	v51 =	vpop (erf)  }
0x1b7: {  	v29 =	vmul.f32 v51, v19  }
0x1b8: {  	v52 =	vmul.f32 $5.000000000e-01, v15;
	v50 =	vmul.f32 $2.427907880e-01, v49  }
0x1b9: {  	v18 =	vmul.f32 v25, v18;
	v54 =	vmul.f32 v29, v29;
	v33 =	vpop (erf)  }
0x1ba: {  	v30 =	vmul.f32 v52, v15;
	v53 =	vmul.f32 $2.849878670e-01, v49;
	v28 =	vadd.f32 $4.000097220e-01, v50;
	v56 =	vpop (erf)  }
0x1bb: {  	v57 =	vmul.f32 v54, v54;
	v31 =	vmul.f32 v56, v14  }
0x1bc: {  	v61 =	vmul.f32 $5.000000000e-01, v19;
	v55 =	vadd.f32 $6.666666270e-01, v53;
	v26 =	vmul.f32 v28, v49  }
0x1bd: {  	v21 =	vshra.s32 v21, $0x17;
	v59 =	vmul.f32 $2.427907880e-01, v57;
	v60 =	vmul.f32 v31, v31  }
0x1be: {  	v9 =	vmul.f32 v55, v48;
	v58 =	vadd.f32 v26, v30;
	v62 =	vmul.f32 $2.849878670e-01, v57  }
0x1bf: {  	v41 =	vmul.f32 v61, v19;
	v39 =	vadd.f32 $4.000097220e-01, v59;
	v40 =	vmul.f32 v60, v60  }
0x1c0: {  	v43 =	vmul.f32 $5.000000000e-01, v14;
	v9 =	vadd.f32 v58, v9;
	v25 =	vadd.f32 $6.666666270e-01, v62  }
0x1c1: {  	v12 =	vadd.f32 v18, v12;
	v18 =	vmul.f32 v39, v57;
	v42 =	vmul.f32 $2.427907880e-01, v40  }
0x1c2: {  	v15 =	vsub.f32 v15, v30;
	v9 =	vmul.f32 v9, v22;
	v25 =	vmul.f32 v25, v54  }
0x1c3: {  	v63 =	vld [tilespmem:s16+$0x9A00];
	v44 =	vmul.f32 $2.849878670e-01, v40;
	v18 =	vadd.f32 v18, v41;
	v34 =	vadd.f32 $4.000097220e-01, v42  }
0x1c4: {  	v8 =	vcvt.s32.f32 v8;
	v45 =	vmul.f32 v43, v14;
	v9 =	vadd.f32 v9, v15  }
0x1c5: {  	v47 =	vadd.f32 $6.666666270e-01, v44;
	v18 =	vadd.f32 v18, v25;
	v46 =	vmul.f32 v34, v40  }
0x1c6: {  	v21 =	vadd.s32 $0xFFFFFF81, v21;
	v19 =	vsub.f32 v19, v41;
	v9 =	vmul.f32 $1.442695020e+00, v9  }
0x1c7: {  	v48 =	vld [tilespmem:s14+$0x9A00];
	v26 =	vmul.f32 v47, v60;
	v18 =	vmul.f32 v18, v29;
	v25 =	vadd.f32 v46, v45  }
0x1c8: {  	v12 =	vadd.f32 v12, v13;
	v1 =	vmul.f32 v1, v63;
	v8 =	vadd.f32 v8, v9  }
0x1c9: {  	v52 =	vcvt.s32.f32 v21;
	v49 =	vadd.f32 v18, v19;
	v50 =	vadd.f32 v25, v26  }
0x1ca: {  	v3 =	vmul.f32 v3, v1;
	v1 =	vmul.f32 v10, v1;
	v51 =	vsub.f32 v14, v45  }
0x1cb: {  	v8 =	vadd.f32 $9.999999680e-21, v8;
	v9 =	vmul.f32 $1.442695020e+00, v49;
	v13 =	vmul.f32 v50, v31  }
0x1cc: {  	v1 =	vadd.f32 v1, v12;
	v53 =	vshra.s32 v16, $0x17;
	v2 =	vmul.f32 v2, v48;
	v54 =	vld [tilespmem:s15+$0x9A00]  }
0x1cd: {  	(erf) = vrcp.f32 v8;
	v55 =	vadd.f32 v52, v9;
	v56 =	vadd.f32 v13, v51  }
0x1ce: {  	v1 =	vadd.f32 v1, v3;
	v57 =	vadd.s32 $0xFFFFFF81, v53;
	v3 =	vmul.f32 v27, v2  }
0x1cf: {  	v10 =	vcvt.s32.f32 v57;
	v8 =	vadd.f32 $9.999999680e-21, v55;
	v9 =	vmul.f32 $1.442695020e+00, v56  }
0x1d0: {  	v2 =	vmul.f32 v4, v2;
	v1 =	vadd.f32 v3, v1;
	v3 =	vld [tilespmem:s21+$0x9A00]  }
0x1d1: {  	v58 =	vmul.f32 v5, v54;
	(erf) = vrcp.f32 v8;
	v59 =	vadd.f32 v10, v9;
	_ =	sdelay $0x1  }
0x1d2: {  	v1 =	vadd.f32 v1, v2;
	v2 =	vmul.f32 v33, v58;
	v5 =	vadd.f32 $9.999999680e-21, v59  }
0x1d3: {  	v60 =	vld [tilespmem:s17+$0x9A00];
	v4 =	vmul.f32 v6, v58  }
0x1d4: {  	v1 =	vadd.f32 v2, v1;
	v2 =	vmul.f32 v7, v3;
	(erf) = vrcp.f32 v5  }
0x1d5: {  	v3 =	vpop (erf)  }
0x1d6: {  	v1 =	vadd.f32 v1, v4;
	v3 =	vmul.f32 v3, v2  }
0x1d7: {  	v61 =	vld [tilespmem:s18+$0x9A00]  }
0x1d8: {  	v2 =	vmul.f32 v11, v2;
	v1 =	vadd.f32 v3, v1;
	v3 =	vmul.f32 v20, v60  }
0x1d9: {  	v62 =	vpop (erf)  }
0x1da: {  	v1 =	vadd.f32 v1, v2;
	v2 =	vmul.f32 v62, v3;
	_ =	sdelay $0x1  }
0x1db: {  	v3 =	vmul.f32 v23, v3;
	v1 =	vadd.f32 v2, v1;
	v2 =	vmul.f32 v17, v61  }
0x1dc: {  	v63 =	vpop (erf)  }
0x1dd: {  	v1 =	vadd.f32 v1, v3;
	v3 =	vmul.f32 v63, v2  }
0x1de: {  	p0 =	seq.s32 s7, $0x18  }
.Ltmp7:
0x1df: {  	v2 =	vmul.f32 v24, v2;
	v1 =	vadd.f32 v3, v1;
	(pc) =	sbr.rel @p0 .LBB2_22-.Ltmp7, $3  }
0x1e0: {  	_ = 	snop  }
0x1e1: {  	v1 =	vadd.f32 v1, v2;
	_ =	sdelay $0x1  }
0x1e2: {  	[tilespmem:$0x11280] =	vst v1  }
0x1e3: {  	s0 =	rddreg [dreg:$0x10];
	s14 =	simm.s32 $0x0  }
0x1e4: {  	s15 =	simm.s32 $0x6200;
	s16 =	simm.s32 $0x0;
	s12 =	sadd.s32 s12, s0  }
.LBB2_18:
0x1e5: {  	p0 =	sne.s32 s16, $0xF0  }
.Ltmp8:
0x1e6: {  	_ = 	snop;
	(pc) =	sbr.rel @p0 .LBB2_18-.Ltmp8, $4  }
0x1e7: {  	_ = 	snop  }
0x1e8: {  	s0 =	sadd.s32 s16, s1  }
0x1e9: {  	[tilespmem:s15], [sflag:$0x1] =	stream.linear.gather [hbm4b:s0+s14], $0x50, $0x38;
	[tilespmem:$0x11300] =	vst v63  }
0x1ea: {  	s16 =	sadd.s32 $0xA, s16;
	s15 =	sadd.s32 $0x80, s15  }
0x1eb: {  	s1 =	simm.s32 $0x7200  }
0x1ec: {  	s14 =	simm.s32 $0xA;
	s16 =	sadd.s32 $0x0, s13;
	s15 =	simm.s32 $0x7280  }
.LBB2_20:
0x1ed: {  	[tilespmem:s1], [sflag:$0x1] =	stream.linear.gather [hbm4b:s16+s8], $0x50, $0x38;
	[tilespmem:$0x11300] =	vst v63  }
0x1ee: {  	s0 =	smov.u32 s14;
	s1 =	smov.u32 s15;
	p0 =	sne.s32 s14, $0xF0  }
.Ltmp9:
0x1ef: {  	s14 =	sadd.s32 $0xA, s14;
	(pc) =	sbr.rel @p0 .LBB2_20-.Ltmp9, $2  }
0x1f0: {  	_ =	sdelay $0x2  }
0x1f1: {  	s15 =	sadd.s32 $0x80, s15;
	s16 =	sadd.s32 s0, s13  }
0x1f2: {  	[tilespmem:s1], [sflag:$0x1] =	stream.linear.gather [hbm4b:s16+s8], $0x50, $0x38;
	[tilespmem:$0x11300] =	vst v63  }
0x1f3: {  	s0 =	sshrl.u32 s12, $0x3;
	s16 =	rddreg [dreg:$0x0]  }
0x1f4: {  	s17 =	simm.s32 $0x8200;
	s1 =	sadd.s32 s16, s0  }
0x1f5: {  	[tilespmem:s17], [sflag:$0x1] =	stream.linear.gather [hbm4b:s1+s8], $0x7D0, $0x38;
	[tilespmem:$0x11300] =	vst v63  }
0x1f6: {  	s19 =	simm.s32 $0x8A00;
	s18 =	sadd.s32 s2, s0  }
0x1f7: {  	[tilespmem:s19], [sflag:$0x1] =	stream.linear.gather [hbm4b:s18+s8], $0x7D0, $0x38;
	[tilespmem:$0x11300] =	vst v63  }
0x1f8: {  	s21 =	simm.s32 $0x9200;
	s0 =	sadd.s32 s11, s0  }
0x1f9: {  	[tilespmem:s21], [sflag:$0x1] =	stream.linear.gather [hbm4b:s0+s8], $0x7D0, $0x38;
	[tilespmem:$0x11300] =	vst v63  }
.LBB2_22:
0x1fa: {  	_ =	swait.ge [sflag:s31], $0x50  }
0x1fb: {  	[sflag:s31] =	ssyncset.done $0x0  }
0x1fc: {  	[sflag:s31] =	ssyncadd.s32 $0xFFFFFFB0  }
0x1fd: {  	_ =	swait.ge [sflag:s31], $0x50  }
0x1fe: {  	[sflag:s31] =	ssyncset.done $0x0  }
0x1ff: {  	[sflag:s31] =	ssyncadd.s32 $0xFFFFFFB0  }
0x200: {  	_ =	swait.ge [sflag:s31], $0x50  }
0x201: {  	[sflag:s31] =	ssyncset.done $0x0  }
0x202: {  	[sflag:s31] =	ssyncadd.s32 $0xFFFFFFB0  }
0x203: {  	_ =	swait.ge [sflag:s31], $0x50  }
0x204: {  	[sflag:s31] =	ssyncset.done $0x0  }
0x205: {  	[sflag:s31] =	ssyncadd.s32 $0xFFFFFFB0  }
0x206: {  	_ =	swait.ge [sflag:s31], $0x50  }
0x207: {  	[sflag:s31] =	ssyncset.done $0x0  }
0x208: {  	[sflag:s31] =	ssyncadd.s32 $0xFFFFFFB0  }
0x209: {  	_ =	swait.ge [sflag:s31], $0x50  }
0x20a: {  	[sflag:s31] =	ssyncset.done $0x0  }
0x20b: {  	[sflag:s31] =	ssyncadd.s32 $0xFFFFFFB0  }
0x20c: {  	_ =	swait.ge [sflag:s31], $0x50  }
0x20d: {  	[sflag:s31] =	ssyncset.done $0x0  }
0x20e: {  	[sflag:s31] =	ssyncadd.s32 $0xFFFFFFB0  }
0x20f: {  	_ =	swait.ge [sflag:s31], $0x50  }
0x210: {  	[sflag:s31] =	ssyncset.done $0x0  }
0x211: {  	[sflag:s31] =	ssyncadd.s32 $0xFFFFFFB0  }
0x212: {  	_ =	swait.ge [sflag:s31], $0x50  }
0x213: {  	[sflag:s31] =	ssyncset.done $0x0  }
0x214: {  	[sflag:s31] =	ssyncadd.s32 $0xFFFFFFB0  }
0x215: {  	_ =	swait.ge [sflag:s31], $0x50  }
0x216: {  	[sflag:s31] =	ssyncset.done $0x0  }
0x217: {  	[sflag:s31] =	ssyncadd.s32 $0xFFFFFFB0  }
0x218: {  	_ =	swait.ge [sflag:s31], $0x50  }
0x219: {  	[sflag:s31] =	ssyncset.done $0x0  }
0x21a: {  	[sflag:s31] =	ssyncadd.s32 $0xFFFFFFB0  }
0x21b: {  	_ =	swait.ge [sflag:s31], $0x50  }
0x21c: {  	[sflag:s31] =	ssyncset.done $0x0  }
0x21d: {  	[sflag:s31] =	ssyncadd.s32 $0xFFFFFFB0  }
0x21e: {  	_ =	swait.ge [sflag:s31], $0x50  }
0x21f: {  	[sflag:s31] =	ssyncset.done $0x0  }
0x220: {  	[sflag:s31] =	ssyncadd.s32 $0xFFFFFFB0  }
0x221: {  	_ =	swait.ge [sflag:s31], $0x50  }
0x222: {  	[sflag:s31] =	ssyncset.done $0x0  }
0x223: {  	[sflag:s31] =	ssyncadd.s32 $0xFFFFFFB0  }
0x224: {  	_ =	swait.ge [sflag:s31], $0x50  }
0x225: {  	[sflag:s31] =	ssyncset.done $0x0  }
0x226: {  	[sflag:s31] =	ssyncadd.s32 $0xFFFFFFB0  }
0x227: {  	_ =	swait.ge [sflag:s31], $0x50  }
0x228: {  	[sflag:s31] =	ssyncset.done $0x0  }
0x229: {  	[sflag:s31] =	ssyncadd.s32 $0xFFFFFFB0  }
0x22a: {  	_ =	swait.ge [sflag:s31], $0x50  }
0x22b: {  	[sflag:s31] =	ssyncset.done $0x0  }
0x22c: {  	[sflag:s31] =	ssyncadd.s32 $0xFFFFFFB0  }
0x22d: {  	_ =	swait.ge [sflag:s31], $0x50  }
0x22e: {  	[sflag:s31] =	ssyncset.done $0x0  }
0x22f: {  	[sflag:s31] =	ssyncadd.s32 $0xFFFFFFB0  }
0x230: {  	_ =	swait.ge [sflag:s31], $0x50  }
0x231: {  	[sflag:s31] =	ssyncset.done $0x0  }
0x232: {  	[sflag:s31] =	ssyncadd.s32 $0xFFFFFFB0  }
0x233: {  	_ =	swait.ge [sflag:s31], $0x50  }
0x234: {  	[sflag:s31] =	ssyncset.done $0x0  }
0x235: {  	[sflag:s31] =	ssyncadd.s32 $0xFFFFFFB0  }
0x236: {  	_ =	swait.ge [sflag:s31], $0x50  }
0x237: {  	[sflag:s31] =	ssyncset.done $0x0  }
0x238: {  	[sflag:s31] =	ssyncadd.s32 $0xFFFFFFB0  }
0x239: {  	_ =	swait.ge [sflag:s31], $0x50  }
0x23a: {  	[sflag:s31] =	ssyncset.done $0x0  }
0x23b: {  	[sflag:s31] =	ssyncadd.s32 $0xFFFFFFB0  }
0x23c: {  	_ =	swait.ge [sflag:s31], $0x50  }
0x23d: {  	[sflag:s31] =	ssyncset.done $0x0  }
0x23e: {  	[sflag:s31] =	ssyncadd.s32 $0xFFFFFFB0  }
0x23f: {  	_ =	swait.ge [sflag:s31], $0x50  }
0x240: {  	[sflag:s31] =	ssyncset.done $0x0  }
0x241: {  	[sflag:s31] =	ssyncadd.s32 $0xFFFFFFB0  }
0x242: {  	_ =	swait.ge [sflag:s31], $0x50  }
0x243: {  	[sflag:s31] =	ssyncset.done $0x0  }
0x244: {  	[sflag:s31] =	ssyncadd.s32 $0xFFFFFFB0  }
0x245: {  	_ =	swait.ge [sflag:s31], $0x50  }
0x246: {  	[sflag:s31] =	ssyncset.done $0x0  }
0x247: {  	[sflag:s31] =	ssyncadd.s32 $0xFFFFFFB0  }
0x248: {  	_ =	swait.ge [sflag:s31], $0x50  }
0x249: {  	[sflag:s31] =	ssyncset.done $0x0  }
0x24a: {  	[sflag:s31] =	ssyncadd.s32 $0xFFFFFFB0  }
0x24b: {  	_ =	swait.ge [sflag:s31], $0x50  }
0x24c: {  	[sflag:s31] =	ssyncset.done $0x0  }
0x24d: {  	[sflag:s31] =	ssyncadd.s32 $0xFFFFFFB0  }
0x24e: {  	_ =	swait.ge [sflag:s31], $0x50  }
0x24f: {  	[sflag:s31] =	ssyncset.done $0x0  }
0x250: {  	[sflag:s31] =	ssyncadd.s32 $0xFFFFFFB0  }
0x251: {  	_ =	swait.ge [sflag:s31], $0x50  }
0x252: {  	[sflag:s31] =	ssyncset.done $0x0  }
0x253: {  	[sflag:s31] =	ssyncadd.s32 $0xFFFFFFB0  }
0x254: {  	_ =	swait.ge [sflag:s31], $0x50  }
0x255: {  	[sflag:s31] =	ssyncset.done $0x0  }
0x256: {  	[sflag:s31] =	ssyncadd.s32 $0xFFFFFFB0  }
0x257: {  	_ =	swait.ge [sflag:s31], $0x50  }
0x258: {  	[sflag:s31] =	ssyncset.done $0x0  }
0x259: {  	[sflag:s31] =	ssyncadd.s32 $0xFFFFFFB0  }
0x25a: {  	_ =	swait.ge [sflag:s31], $0x50  }
0x25b: {  	[sflag:s31] =	ssyncset.done $0x0  }
0x25c: {  	[sflag:s31] =	ssyncadd.s32 $0xFFFFFFB0  }
0x25d: {  	_ =	swait.ge [sflag:s31], $0x50  }
0x25e: {  	[sflag:s31] =	ssyncset.done $0x0  }
0x25f: {  	[sflag:s31] =	ssyncadd.s32 $0xFFFFFFB0  }
0x260: {  	_ =	swait.ge [sflag:s31], $0x50  }
0x261: {  	[sflag:s31] =	ssyncset.done $0x0  }
0x262: {  	[sflag:s31] =	ssyncadd.s32 $0xFFFFFFB0  }
0x263: {  	_ =	swait.ge [sflag:s31], $0x50  }
0x264: {  	[sflag:s31] =	ssyncset.done $0x0  }
0x265: {  	[sflag:s31] =	ssyncadd.s32 $0xFFFFFFB0  }
0x266: {  	_ =	swait.ge [sflag:s31], $0x50  }
0x267: {  	[sflag:s31] =	ssyncset.done $0x0  }
0x268: {  	[sflag:s31] =	ssyncadd.s32 $0xFFFFFFB0  }
0x269: {  	_ =	swait.ge [sflag:s31], $0x50  }
0x26a: {  	[sflag:s31] =	ssyncset.done $0x0  }
0x26b: {  	[sflag:s31] =	ssyncadd.s32 $0xFFFFFFB0  }
0x26c: {  	_ =	swait.ge [sflag:s31], $0x50  }
0x26d: {  	[sflag:s31] =	ssyncset.done $0x0  }
0x26e: {  	[sflag:s31] =	ssyncadd.s32 $0xFFFFFFB0  }
0x26f: {  	_ =	swait.ge [sflag:s31], $0x50  }
0x270: {  	[sflag:s31] =	ssyncset.done $0x0  }
0x271: {  	[sflag:s31] =	ssyncadd.s32 $0xFFFFFFB0  }
0x272: {  	_ =	swait.ge [sflag:s31], $0x50  }
0x273: {  	[sflag:s31] =	ssyncset.done $0x0  }
0x274: {  	[sflag:s31] =	ssyncadd.s32 $0xFFFFFFB0  }
0x275: {  	_ =	swait.ge [sflag:s31], $0x50  }
0x276: {  	[sflag:s31] =	ssyncset.done $0x0  }
0x277: {  	[sflag:s31] =	ssyncadd.s32 $0xFFFFFFB0  }
0x278: {  	_ =	swait.ge [sflag:s31], $0x50  }
0x279: {  	[sflag:s31] =	ssyncset.done $0x0  }
0x27a: {  	[sflag:s31] =	ssyncadd.s32 $0xFFFFFFB0  }
0x27b: {  	_ =	swait.ge [sflag:s31], $0x50  }
0x27c: {  	[sflag:s31] =	ssyncset.done $0x0  }
0x27d: {  	[sflag:s31] =	ssyncadd.s32 $0xFFFFFFB0  }
0x27e: {  	_ =	swait.ge [sflag:s31], $0x50  }
0x27f: {  	[sflag:s31] =	ssyncset.done $0x0  }
0x280: {  	[sflag:s31] =	ssyncadd.s32 $0xFFFFFFB0  }
0x281: {  	_ =	swait.ge [sflag:s31], $0x50  }
0x282: {  	[sflag:s31] =	ssyncset.done $0x0  }
0x283: {  	[sflag:s31] =	ssyncadd.s32 $0xFFFFFFB0  }
0x284: {  	_ =	swait.ge [sflag:s31], $0x50  }
0x285: {  	[sflag:s31] =	ssyncset.done $0x0  }
0x286: {  	[sflag:s31] =	ssyncadd.s32 $0xFFFFFFB0  }
0x287: {  	_ =	swait.ge [sflag:s31], $0x50  }
0x288: {  	[sflag:s31] =	ssyncset.done $0x0  }
0x289: {  	[sflag:s31] =	ssyncadd.s32 $0xFFFFFFB0  }
0x28a: {  	_ =	swait.ge [sflag:s31], $0x50  }
0x28b: {  	[sflag:s31] =	ssyncset.done $0x0  }
0x28c: {  	[sflag:s31] =	ssyncadd.s32 $0xFFFFFFB0  }
0x28d: {  	_ =	swait.ge [sflag:s31], $0x50  }
0x28e: {  	[sflag:s31] =	ssyncset.done $0x0  }
0x28f: {  	[sflag:s31] =	ssyncadd.s32 $0xFFFFFFB0  }
0x290: {  	_ =	swait.ge [sflag:s31], $0x7D0  }
0x291: {  	[sflag:s31] =	ssyncset.done $0x0  }
0x292: {  	[sflag:s31] =	ssyncadd.s32 $0xFFFFF830  }
0x293: {  	_ =	swait.ge [sflag:s31], $0x7D0  }
0x294: {  	[sflag:s31] =	ssyncset.done $0x0  }
0x295: {  	[sflag:s31] =	ssyncadd.s32 $0xFFFFF830  }
0x296: {  	_ =	swait.ge [sflag:s31], $0x7D0  }
0x297: {  	s0 =	simm.s32 $0xBA00;
	s1 =	simm.s32 $0xF200;
	[sflag:s31] =	ssyncset.done $0x0  }
0x298: {  	s19 =	simm.s32 $0xFA00;
	s14 =	simm.s32 $0xCA00;
	[sflag:s31] =	ssyncadd.s32 $0xFFFFF830  }
0x299: {  	[tilespmem:s1], [sflag:$0x3] =	stream.indirect.gather [spmem:s3], $0x1, s0, s23, $0xb8;
	[tilespmem:$0x11300] =	vst v63  }
0x29a: {  	s21 =	simm.s32 $0x10200;
	s12 =	simm.s32 $0x50;
	s15 =	simm.s32 $0x280  }
0x29b: {  	[tilespmem:s19], [sflag:$0x3] =	stream.indirect.gather [spmem:s4], $0x1, s0, s23, $0xb8;
	[tilespmem:$0x11300] =	vst v63  }
0x29c: {  	s16 =	simm.s32 $0x10A00;
	s13 =	simm.s32 $0xBA80;
	s1 =	simm.s32 $0xCA80  }
0x29d: {  	[tilespmem:s21], [sflag:$0x3] =	stream.indirect.gather [spmem:s5], $0x1, s14, s23, $0xb8;
	[tilespmem:$0x11300] =	vst v63  }
.LBB2_23:
0x29e: {  	[tilespmem:s16], [sflag:$0x3] =	stream.indirect.gather [spmem:s6], $0x1, s14, s23, $0xb8;
	[tilespmem:$0x11300] =	vst v63  }
0x29f: {  	s0 =	smov.u32 s12  }
0x2a0: {  	s12 =	smov.u32 s15;
	s14 =	smov.u32 s1;
	s17 =	sadd.s32 $0x140, s15  }
0x2a1: {  	p0 =	sne.s32 s15, $0x1E00;
	s12 =	sshra.s32 s12, $0x2;
	s16 =	sadd.s32 $0xF200, s0  }
0x2a2: {  	[tilespmem:s16], [sflag:$0x3] =	stream.indirect.gather [spmem:s3], $0x1, s13, s23, $0xb8;
	[tilespmem:$0x11300] =	vst v63  }
.Ltmp10:
0x2a3: {  	s15 =	sadd.s32 $0xFA00, s0;
	(pc) =	sbr.rel @p0 .LBB2_23-.Ltmp10, $4  }
0x2a4: {  	[tilespmem:s15], [sflag:$0x3] =	stream.indirect.gather [spmem:s4], $0x1, s13, s23, $0xb8;
	[tilespmem:$0x11300] =	vst v63  }
0x2a5: {  	s16 =	sadd.s32 $0x10A00, s0;
	s15 =	sadd.s32 $0x10200, s0  }
0x2a6: {  	[tilespmem:s15], [sflag:$0x3] =	stream.indirect.gather [spmem:s5], $0x1, s1, s23, $0xb8;
	[tilespmem:$0x11300] =	vst v63  }
0x2a7: {  	s13 =	sadd.s32 $0x80, s13;
	s1 =	sadd.s32 $0x80, s1;
	s15 =	smov.u32 s17  }
0x2a8: {  	[tilespmem:s16], [sflag:$0x3] =	stream.indirect.gather [spmem:s6], $0x1, s14, s23, $0xb8;
	[tilespmem:$0x11300] =	vst v63  }
0x2a9: {  	s0 =	sadd.s32 $0xF200, s12  }
0x2aa: {  	[tilespmem:s0], [sflag:$0x3] =	stream.indirect.gather [spmem:s3], $0x1, s13, s23, $0xb8;
	[tilespmem:$0x11300] =	vst v63  }
0x2ab: {  	s18 =	sadd.s32 $0xFA00, s12  }
0x2ac: {  	[tilespmem:s18], [sflag:$0x3] =	stream.indirect.gather [spmem:s4], $0x1, s13, s23, $0xb8;
	[tilespmem:$0x11300] =	vst v63  }
0x2ad: {  	s19 =	sadd.s32 $0x10200, s12  }
0x2ae: {  	[tilespmem:s19], [sflag:$0x3] =	stream.indirect.gather [spmem:s5], $0x1, s1, s23, $0xb8;
	[tilespmem:$0x11300] =	vst v63  }
0x2af: {  	s21 =	sadd.s32 $0x10A00, s12  }
0x2b0: {  	[tilespmem:s21], [sflag:$0x3] =	stream.indirect.gather [spmem:s6], $0x1, s1, s23, $0xb8;
	[tilespmem:$0x11300] =	vst v63  }
0x2b1: {  	_ =	swait.ge [sflag:s30], $0x50  }
0x2b2: {  	[sflag:s30] =	ssyncset.done $0x0  }
0x2b3: {  	[sflag:s30] =	ssyncadd.s32 $0xFFFFFFB0  }
0x2b4: {  	_ =	swait.ge [sflag:s30], $0x50  }
0x2b5: {  	[sflag:s30] =	ssyncset.done $0x0  }
0x2b6: {  	[sflag:s30] =	ssyncadd.s32 $0xFFFFFFB0  }
0x2b7: {  	_ =	swait.ge [sflag:s30], $0x50  }
0x2b8: {  	[sflag:s30] =	ssyncset.done $0x0  }
0x2b9: {  	[sflag:s30] =	ssyncadd.s32 $0xFFFFFFB0  }
0x2ba: {  	_ =	swait.ge [sflag:s30], $0x50  }
0x2bb: {  	s1 =	simm.s32 $0x18;
	[sflag:s30] =	ssyncset.done $0x0  }
.LBB2_25:
0x2bc: {  	p0 =	sne.s32 s1, $0x1;
	s1 =	sadd.s32 $0xFFFFFFFF, s1;
	[sflag:s30] =	ssyncadd.s32 $0xFFFFFFB0  }
0x2bd: {  	_ =	swait.ge [sflag:s30], $0x50  }
0x2be: {  	[sflag:s30] =	ssyncset.done $0x0  }
0x2bf: {  	[sflag:s30] =	ssyncadd.s32 $0xFFFFFFB0  }
0x2c0: {  	_ =	swait.ge [sflag:s30], $0x50  }
0x2c1: {  	[sflag:s30] =	ssyncset.done $0x0  }
0x2c2: {  	[sflag:s30] =	ssyncadd.s32 $0xFFFFFFB0  }
.Ltmp11:
0x2c3: {  	_ =	swait.ge [sflag:s30], $0x50;
	(pc) =	sbr.rel @p0 .LBB2_25-.Ltmp11, $4  }
0x2c4: {  	[sflag:s30] =	ssyncset.done $0x0  }
0x2c5: {  	[sflag:s30] =	ssyncadd.s32 $0xFFFFFFB0  }
0x2c6: {  	_ =	swait.ge [sflag:s30], $0x50  }
0x2c7: {  	[sflag:s30] =	ssyncset.done $0x0  }
0x2c8: {  	[sflag:s30] =	ssyncadd.s32 $0xFFFFFFB0;
	s17 =	simm.s32 $0x0  }
0x2c9: {  	v1 =	vld [tilespmem:s17+$0x10A00]  }
0x2ca: {  	v2 =	vld [tilespmem:s17+$0xEA00];
	_ =	sdelay $0x3  }
0x2cb: {  	v3 =	vld [tilespmem:s17+$0xE200]  }
0x2cc: {  	v1 =	vsub.f32 v1, v2  }
0x2cd: {  	s13 =	simm.s32 $0x10  }
0x2ce: {  	v4 =	vld [tilespmem:s13+$0x10A00];
	v1 =	vadd.f32 $9.999999710e-10, v1  }
0x2cf: {  	v5 =	vld [tilespmem:s13+$0xEA00]  }
0x2d0: {  	v3 =	vmul.f32 $1.442695020e+00, v3;
	(erf) = vrcp.f32 v1;
	v1 =	vld [tilespmem:s17+$0xDA00];
	_ =	sdelay $0x1  }
0x2d1: {  	(erf) = vpow2.f32 v3  }
0x2d2: {  	v3 =	vld [tilespmem:s13+$0xE200]  }
0x2d3: {  	v6 =	vld [tilespmem:s17+$0x10200];
	v4 =	vsub.f32 v4, v5  }
0x2d4: {  	v7 =	vld [tilespmem:s17+$0xFA00];
	v1 =	vmul.f32 $1.442695020e+00, v1  }
0x2d5: {  	s1 =	simm.s32 $0x20;
	v4 =	vadd.f32 $9.999999710e-10, v4  }
0x2d6: {  	(erf) = vpow2.f32 v1;
	v1 =	vld [tilespmem:s1+$0x10A00]  }
0x2d7: {  	v3 =	vmul.f32 $1.442695020e+00, v3;
	(erf) = vrcp.f32 v4;
	v4 =	vld [tilespmem:s1+$0xEA00];
	_ =	sdelay $0x1  }
0x2d8: {  	v6 =	vmul.f32 v7, v6;
	v7 =	vpop (erf);
	(erf) = vpow2.f32 v3;
	v3 =	vld [tilespmem:s13+$0xDA00]  }
0x2d9: {  	v8 =	vpop (erf)  }
0x2da: {  	v9 =	vld [tilespmem:s13+$0x10200];
	v6 =	vmul.f32 v8, v6  }
0x2db: {  	v8 =	vld [tilespmem:s13+$0xFA00];
	v1 =	vsub.f32 v1, v4  }
0x2dc: {  	v6 =	vadd.f32 $9.999999680e-21, v6  }
0x2dd: {  	s12 =	simm.s32 $0x30;
	v3 =	vmul.f32 $1.442695020e+00, v3;
	v1 =	vadd.f32 $9.999999710e-10, v1  }
0x2de: {  	v10 =	vld [tilespmem:s12+$0xEA00];
	v2 =	vmul.f32 v7, v2;
	(erf) = vrcp.f32 v6  }
0x2df: {  	v7 =	vld [tilespmem:s1+$0xE200];
	v11 =	vpop (erf);
	(erf) = vpow2.f32 v3  }
0x2e0: {  	v2 =	vadd.f32 $1.000000000e+00, v2;
	v6 =	vld [tilespmem:s1+$0xDA00];
	v8 =	vmul.f32 v8, v9;
	v9 =	vpop (erf);
	(erf) = vrcp.f32 v1  }
0x2e1: {  	v3 =	vld [tilespmem:s12+$0x10A00];
	v1 =	vpop (erf)  }
0x2e2: {  	v2 =	vadd.s32 $0x4AFB0D, v2;
	v1 =	vmul.f32 v1, v8  }
0x2e3: {  	v12 =	vand.u32 $0x7FFFFF, v2  }
0x2e4: {  	v7 =	vmul.f32 $1.442695020e+00, v7;
	v8 =	vadd.s32 $0x3F3504F3, v12;
	v1 =	vadd.f32 $9.999999680e-21, v1  }
0x2e5: {  	v8 =	vadd.f32 $-1.000000000e+00, v8  }
0x2e6: {  	(erf) = vpow2.f32 v7;
	v6 =	vmul.f32 $1.442695020e+00, v6;
	v3 =	vsub.f32 v3, v10  }
0x2e7: {  	v14 =	vld [tilespmem:s1+$0x10200];
	v12 =	vadd.f32 $2.000000000e+00, v8;
	(erf) = vrcp.f32 v1;
	v13 =	vpop (erf)  }
0x2e8: {  	v7 =	vld [tilespmem:s12+$0xE200];
	v3 =	vadd.f32 $9.999999710e-10, v3;
	(erf) = vpow2.f32 v6;
	v1 =	vpop (erf)  }
0x2e9: {  	v5 =	vmul.f32 v9, v5;
	v6 =	vld [tilespmem:s1+$0xFA00];
	(erf) = vrcp.f32 v12;
	v9 =	vpop (erf)  }
0x2ea: {  	(erf) = vrcp.f32 v3;
	v3 =	vmul.f32 v9, v4  }
0x2eb: {  	v16 =	vld [tilespmem:s12+$0x10200];
	v2 =	vshra.s32 v2, $0x17;
	v4 =	vadd.f32 $1.000000000e+00, v5  }
0x2ec: {  	v18 =	vld [tilespmem:s12+$0xFA00];
	v15 =	vadd.s32 $0xFFFFFF81, v2;
	v2 =	vadd.f32 $1.000000000e+00, v3  }
0x2ed: {  	s14 =	simm.s32 $0x40;
	v5 =	vmul.f32 $1.442695020e+00, v7;
	v7 =	vld [tilespmem:s12+$0xDA00];
	v3 =	vadd.s32 $0x4AFB0D, v4  }
0x2ee: {  	v9 =	vld [tilespmem:s14+$0x10A00];
	v4 =	vmul.f32 v6, v14;
	v14 =	vadd.s32 $0x4AFB0D, v2  }
0x2ef: {  	(erf) = vpow2.f32 v5;
	v6 =	vld [tilespmem:s14+$0xEA00];
	v2 =	vand.u32 $0x7FFFFF, v14  }
0x2f0: {  	v5 =	vand.u32 $0x7FFFFF, v3;
	v12 =	vshra.s32 v3, $0x17;
	v3 =	vpop (erf)  }
0x2f1: {  	v17 =	vmul.f32 $5.000000000e-01, v8;
	v4 =	vmul.f32 v3, v4;
	v3 =	vpop (erf)  }
0x2f2: {  	v16 =	vmul.f32 v18, v16;
	v5 =	vadd.s32 $0x3F3504F3, v5;
	v19 =	vadd.s32 $0x3F3504F3, v2;
	v2 =	vpop (erf)  }
0x2f3: {  	v17 =	vmul.f32 v17, v8;
	v21 =	vadd.f32 $-1.000000000e+00, v5;
	v5 =	vld [tilespmem:s14+$0xE200];
	v4 =	vadd.f32 $9.999999680e-21, v4;
	v20 =	vpop (erf)  }
0x2f4: {  	v7 =	vmul.f32 $1.442695020e+00, v7;
	v9 =	vsub.f32 v9, v6;
	v22 =	vpop (erf);
	v20 =	vmul.f32 v20, v8  }
0x2f5: {  	(erf) = vrcp.f32 v4;
	v4 =	vmul.f32 v22, v10;
	v10 =	vadd.f32 $2.000000000e+00, v21  }
0x2f6: {  	s15 =	simm.s32 $0x50;
	v12 =	vadd.s32 $0xFFFFFF81, v12;
	(erf) = vpow2.f32 v7;
	v7 =	vmul.f32 v20, v20  }
0x2f7: {  	v25 =	vld [tilespmem:s15+$0xE200];
	v9 =	vadd.f32 $9.999999710e-10, v9;
	v8 =	vsub.f32 v8, v17;
	(erf) = vrcp.f32 v10  }
0x2f8: {  	v5 =	vmul.f32 $1.442695020e+00, v5;
	v22 =	vld [tilespmem:s14+$0x10200];
	v18 =	vpop (erf);
	v4 =	vadd.f32 $1.000000000e+00, v4;
	v23 =	vmul.f32 v7, v7  }
0x2f9: {  	(erf) = vrcp.f32 v9;
	v9 =	vshra.s32 v14, $0x17;
	v14 =	vmul.f32 v18, v16;
	v16 =	vld [tilespmem:s14+$0xDA00]  }
0x2fa: {  	v10 =	vld [tilespmem:s14+$0xFA00];
	v18 =	vmul.f32 $5.000000000e-01, v21;
	v24 =	vadd.s32 $0x4AFB0D, v4;
	v4 =	vmul.f32 $2.427907880e-01, v23  }
0x2fb: {  	v27 =	vld [tilespmem:s15+$0x10A00];
	(erf) = vpow2.f32 v5;
	v26 =	vmul.f32 $2.849878670e-01, v23;
	v14 =	vadd.f32 $9.999999680e-21, v14  }
0x2fc: {  	v29 =	vld [tilespmem:s15+$0xEA00];
	v5 =	vand.u32 $0x7FFFFF, v24;
	v18 =	vmul.f32 v18, v21;
	v28 =	vadd.f32 $4.000097220e-01, v4  }
0x2fd: {  	v30 =	vadd.s32 $0x3F3504F3, v5;
	v26 =	vadd.f32 $6.666666270e-01, v26;
	(erf) = vrcp.f32 v14  }
0x2fe: {  	v31 =	vsub.f32 v21, v18;
	v16 =	vmul.f32 $1.442695020e+00, v16;
	v4 =	vpop (erf);
	v23 =	vmul.f32 v28, v23  }
0x2ff: {  	v14 =	vshra.s32 v24, $0x17;
	v22 =	vmul.f32 v10, v22;
	v7 =	vmul.f32 v26, v7;
	v5 =	vpop (erf)  }
0x300: {  	(erf) = vpow2.f32 v16;
	v24 =	vpop (erf);
	v17 =	vadd.f32 v23, v17;
	v23 =	vadd.f32 $-1.000000000e+00, v19  }
0x301: {  	v19 =	vmul.f32 $1.442695020e+00, v25;
	v21 =	vmul.f32 v24, v21;
	v24 =	vsub.f32 v27, v29  }
0x302: {  	v25 =	vcvt.s32.f32 v15;
	v10 =	vpop (erf);
	v7 =	vadd.f32 v17, v7;
	v17 =	vadd.f32 $2.000000000e+00, v23  }
0x303: {  	v26 =	vld [tilespmem:s15+$0xDA00];
	v6 =	vmul.f32 v10, v6;
	v16 =	vmul.f32 v21, v21;
	v24 =	vadd.f32 $9.999999710e-10, v24  }
0x304: {  	v10 =	vadd.s32 $0xFFFFFF81, v14;
	v7 =	vmul.f32 v7, v20;
	(erf) = vrcp.f32 v17  }
0x305: {  	v14 =	vpop (erf);
	v6 =	vadd.f32 $1.000000000e+00, v6;
	v20 =	vmul.f32 v16, v16;
	(erf) = vrcp.f32 v24  }
0x306: {  	s16 =	simm.s32 $0x60;
	v14 =	vmul.f32 v14, v22;
	v7 =	vadd.f32 v7, v8;
	(erf) = vpow2.f32 v19  }
0x307: {  	v33 =	vld [tilespmem:s16+$0xE200];
	v8 =	vmul.f32 $5.000000000e-01, v23;
	v19 =	vadd.s32 $0x4AFB0D, v6;
	v6 =	vmul.f32 $2.427907880e-01, v20  }
0x308: {  	v9 =	vadd.s32 $0xFFFFFF81, v9;
	v22 =	vld [tilespmem:s15+$0xFA00];
	v62 =	vmul.f32 $1.442695020e+00, v26;
	v7 =	vmul.f32 $1.442695020e+00, v7  }
0x309: {  	v24 =	vld [tilespmem:s15+$0x10200];
	v27 =	vmul.f32 $2.849878670e-01, v20;
	v17 =	vmul.f32 v8, v23;
	v8 =	vadd.f32 $4.000097220e-01, v6  }
0x30a: {  	v34 =	vld [tilespmem:s16+$0x10A00];
	v32 =	vadd.f32 $9.999999680e-21, v14;
	v15 =	vand.u32 $0x7FFFFF, v19;
	v25 =	vadd.f32 v25, v7  }
0x30b: {  	v28 =	vld [tilespmem:s17+$0xF200];
	v15 =	vadd.s32 $0x3F3504F3, v15;
	v27 =	vadd.f32 $6.666666270e-01, v27;
	v6 =	vpop (erf);
	v20 =	vmul.f32 v8, v20  }
0x30c: {  	v8 =	vshra.s32 v19, $0x17;
	(erf) = vrcp.f32 v32;
	v19 =	vld [tilespmem:s16+$0xEA00];
	v7 =	vpop (erf);
	v25 =	vadd.f32 $9.999999680e-21, v25  }
0x30d: {  	v27 =	vmul.f32 v27, v16;
	v16 =	vadd.f32 $-1.000000000e+00, v30;
	v30 =	vcvt.s32.f32 v12;
	v26 =	vpop (erf)  }
0x30e: {  	v18 =	vadd.f32 v20, v18;
	v20 =	vmul.f32 v22, v24;
	v24 =	vpop (erf);
	(erf) = vrcp.f32 v25  }
0x30f: {  	v14 =	vsub.f32 v23, v17;
	v25 =	vmul.f32 $1.442695020e+00, v33;
	v22 =	vmul.f32 v26, v23;
	v63 =	vpop (erf)  }
0x310: {  	v8 =	vadd.s32 $0xFFFFFF81, v8;
	(erf) = vpow2.f32 v62;
	v26 =	vmul.f32 v63, v20  }
0x311: {  	v20 =	vadd.f32 v18, v27;
	v18 =	vmul.f32 v11, v28;
	v11 =	vsub.f32 v34, v19  }
0x312: {  	v23 =	vmul.f32 v24, v29;
	v27 =	vadd.f32 $2.000000000e+00, v16;
	v24 =	vmul.f32 v22, v22  }
0x313: {  	v28 =	vmul.f32 $5.000000000e-01, v16;
	v11 =	vadd.f32 $9.999999710e-10, v11;
	v20 =	vmul.f32 v20, v21  }
0x314: {  	v12 =	vld [tilespmem:$0x11280];
	v21 =	vadd.f32 $1.000000000e+00, v23;
	(erf) = vrcp.f32 v27;
	v32 =	vmul.f32 v24, v24  }
0x315: {  	v27 =	vld [tilespmem:s16+$0x10200];
	v13 =	vmul.f32 v13, v18;
	(erf) = vrcp.f32 v11;
	v20 =	vadd.f32 v20, v31  }
0x316: {  	v23 =	vld [tilespmem:s16+$0xFA00];
	v21 =	vadd.s32 $0x4AFB0D, v21;
	v35 =	vmul.f32 $2.427907880e-01, v32;
	(erf) = vpow2.f32 v25  }
0x317: {  	v33 =	vmul.f32 $2.849878670e-01, v32;
	v29 =	vand.u32 $0x7FFFFF, v21;
	v11 =	vpop (erf);
	v34 =	vmul.f32 $1.442695020e+00, v20  }
0x318: {  	s17 =	simm.s32 $0x1C0;
	v28 =	vmul.f32 v28, v16;
	v31 =	vld [tilespmem:s16+$0xDA00];
	v29 =	vadd.s32 $0x3F3504F3, v29;
	v35 =	vadd.f32 $4.000097220e-01, v35;
	v25 =	vpop (erf)  }
.LBB2_27:
0x319: {  	s0 =	sshra.s32 s17, $0x2;
	p0 =	sne.s32 s17, $0x1F00;
	s17 =	sadd.s32 $0x40, s17;
	v20 =	vadd.f32 $9.999999680e-21, v26;
	v36 =	vld [tilespmem:s13+$0xF200];
	v26 =	vadd.f32 v30, v34;
	v38 =	vmul.f32 v25, v18;
	v37 =	vmovc v6;
	v6 =	vmovc v11  }
0x31a: {  	s13 =	smov.u32 s1;
	s1 =	smov.u32 s12;
	s12 =	smov.u32 s14;
	v11 =	vld [tilespmem:s0+$0xE200];
	v25 =	vpop (erf);
	v34 =	vsub.f32 v16, v28;
	v30 =	vmul.f32 v35, v32;
	v35 =	vadd.f32 $6.666666270e-01, v33  }
0x31b: {  	v21 =	vshra.s32 v21, $0x17;
	v18 =	vmovc v15;
	v15 =	vmovc v29;
	s14 =	smov.u32 s15;
	s15 =	smov.u32 s16;
	s16 =	smov.u32 s0;
	v33 =	vld [tilespmem:s0+$0x10A00];
	(erf) = vrcp.f32 v20;
	v12 =	vadd.f32 v38, v12  }
0x31c: {  	v21 =	vadd.s32 $0xFFFFFF81, v21;
	v26 =	vadd.f32 $9.999999680e-21, v26;
	v20 =	vld [tilespmem:s16+$0xEA00];
	v24 =	vmul.f32 v35, v24  }
0x31d: {  	v30 =	vadd.f32 v30, v17;
	v29 =	vld [tilespmem:s16+$0x10200];
	v31 =	vmul.f32 $1.442695020e+00, v31;
	v32 =	vpop (erf);
	v12 =	vadd.f32 v12, v13  }
0x31e: {  	v17 =	vmov v28;
	v13 =	vmul.f32 v23, v27;
	v23 =	vld [tilespmem:s16+$0xFA00];
	v27 =	vpop (erf);
	(erf) = vrcp.f32 v26  }
0x31f: {  	v35 =	vmul.f32 v32, v16;
	v16 =	vadd.f32 $-1.000000000e+00, v18;
	v28 =	vmul.f32 $1.442695020e+00, v11;
	v11 =	vpop (erf)  }
0x320: {  	v18 =	vmul.f32 v1, v36;
	v1 =	vmovc v2;
	v26 =	vmul.f32 v11, v13;
	v11 =	vadd.f32 v30, v24  }
0x321: {  	v2 =	vmovc v5;
	v5 =	vmovc v7;
	v27 =	vmul.f32 v27, v19;
	v13 =	vsub.f32 v33, v20;
	(erf) = vpow2.f32 v31  }
0x322: {  	v7 =	vmovc v25;
	v36 =	vmul.f32 $5.000000000e-01, v16;
	v24 =	vmul.f32 v35, v35;
	v31 =	vadd.f32 $2.000000000e+00, v16;
	v19 =	vmovc v20  }
0x323: {  	v30 =	vcvt.s32.f32 v9;
	v9 =	vmovc v10;
	v10 =	vmovc v8;
	v20 =	vmul.f32 v11, v22;
	v13 =	vadd.f32 $9.999999710e-10, v13  }
.Ltmp12:
0x324: {  	v39 =	vadd.f32 $1.000000000e+00, v27;
	v32 =	vmul.f32 v24, v24;
	v11 =	vpop (erf);
	(erf) = vrcp.f32 v31;
	(pc) =	sbr.rel @p0 .LBB2_27-.Ltmp12, $4  }
0x325: {  	v8 =	vmovc v21;
	v20 =	vadd.f32 v20, v14;
	v14 =	vmovc v34;
	(erf) = vrcp.f32 v13;
	v13 =	vmul.f32 v3, v18  }
0x326: {  	v22 =	vmovc v35;
	v21 =	vadd.s32 $0x4AFB0D, v39;
	v27 =	vmovc v29;
	v38 =	vmul.f32 $2.427907880e-01, v32;
	(erf) = vpow2.f32 v28  }
0x327: {  	v33 =	vmul.f32 $2.849878670e-01, v32;
	v28 =	vand.u32 $0x7FFFFF, v21;
	v34 =	vmul.f32 $1.442695020e+00, v20;
	v25 =	vpop (erf)  }
0x328: {  	v3 =	vmovc v4;
	v4 =	vmovc v37;
	v35 =	vadd.f32 $4.000097220e-01, v38;
	v29 =	vadd.s32 $0x3F3504F3, v28;
	v28 =	vmul.f32 v36, v16;
	v31 =	vld [tilespmem:s16+$0xDA00]  }
0x329: {  	_ =	sdelay $0x2  }
0x32a: {  	v20 =	vpop (erf)  }
0x32b: {  	v36 =	vpop (erf)  }
0x32c: {  	v36 =	vmul.f32 v36, v16;
	_ =	sdelay $0x1  }
0x32d: {  	v37 =	vmul.f32 v36, v36;
	_ =	sdelay $0x1  }
0x32e: {  	v38 =	vmul.f32 v37, v37  }
0x32f: {  	v33 =	vadd.f32 $6.666666270e-01, v33  }
0x330: {  	v32 =	vmul.f32 v35, v32;
	v59 =	vmul.f32 $2.427907880e-01, v38  }
0x331: {  	v24 =	vmul.f32 v33, v24  }
0x332: {  	v17 =	vadd.f32 v32, v17;
	v60 =	vmul.f32 $2.849878670e-01, v38;
	v61 =	vadd.f32 $4.000097220e-01, v59  }
0x333: {  	v30 =	vadd.f32 v30, v34;
	v26 =	vadd.f32 $9.999999680e-21, v26  }
0x334: {  	v17 =	vadd.f32 v17, v24;
	v33 =	vadd.f32 $6.666666270e-01, v60;
	v63 =	vmul.f32 v61, v38  }
0x335: {  	v23 =	vmul.f32 v23, v27;
	v9 =	vcvt.s32.f32 v9;
	v62 =	vadd.f32 $9.999999680e-21, v30  }
0x336: {  	v17 =	vmul.f32 v17, v22;
	v35 =	vmul.f32 v33, v37;
	v24 =	vadd.f32 v63, v28  }
0x337: {  	v15 =	vadd.f32 $-1.000000000e+00, v15;
	v10 =	vcvt.s32.f32 v10;
	(erf) = vrcp.f32 v26  }
0x338: {  	v34 =	vpop (erf);
	(erf) = vrcp.f32 v62;
	v14 =	vadd.f32 v17, v14;
	v38 =	vadd.f32 v24, v35  }
0x339: {  	v39 =	vsub.f32 v16, v28;
	v31 =	vmul.f32 $1.442695020e+00, v31;
	v19 =	vmul.f32 v34, v19  }
0x33a: {  	v40 =	vpop (erf);
	v14 =	vmul.f32 $1.442695020e+00, v14;
	v37 =	vadd.f32 $2.000000000e+00, v15;
	v17 =	vmul.f32 v38, v36  }
0x33b: {  	(erf) = vpow2.f32 v31;
	v22 =	vmul.f32 v40, v23;
	v19 =	vadd.f32 $1.000000000e+00, v19  }
0x33c: {  	v9 =	vadd.f32 v9, v14;
	(erf) = vrcp.f32 v37;
	v41 =	vadd.f32 v17, v39  }
0x33d: {  	v42 =	vadd.f32 $9.999999680e-21, v22;
	v16 =	vadd.s32 $0x4AFB0D, v19;
	v19 =	vadd.f32 $-1.000000000e+00, v29  }
0x33e: {  	v9 =	vadd.f32 $9.999999680e-21, v9;
	v14 =	vmul.f32 $1.442695020e+00, v41  }
0x33f: {  	v43 =	vand.u32 $0x7FFFFF, v16;
	v44 =	vadd.f32 $2.000000000e+00, v19;
	(erf) = vrcp.f32 v42  }
0x340: {  	v23 =	vpop (erf);
	v22 =	vadd.s32 $0x3F3504F3, v43;
	(erf) = vrcp.f32 v9;
	v45 =	vadd.f32 v10, v14  }
0x341: {  	v10 =	vpop (erf);
	(erf) = vrcp.f32 v44;
	v14 =	vadd.f32 $-1.000000000e+00, v22  }
0x342: {  	v9 =	vadd.f32 $9.999999680e-21, v45  }
0x343: {  	v47 =	vadd.f32 $2.000000000e+00, v14  }
0x344: {  	v17 =	vpop (erf);
	(erf) = vrcp.f32 v9  }
0x345: {  	v46 =	vpop (erf);
	(erf) = vrcp.f32 v47  }
0x346: {  	v22 =	vmul.f32 v46, v15;
	_ =	sdelay $0x1  }
0x347: {  	v24 =	vpop (erf);
	v48 =	vmul.f32 v22, v22  }
0x348: {  	v27 =	vpop (erf)  }
0x349: {  	v49 =	vmul.f32 v48, v48;
	v51 =	vpop (erf)  }
0x34a: {  	v29 =	vmul.f32 v51, v19  }
0x34b: {  	v52 =	vmul.f32 $5.000000000e-01, v15;
	v50 =	vmul.f32 $2.427907880e-01, v49  }
0x34c: {  	v18 =	vmul.f32 v25, v18;
	v54 =	vmul.f32 v29, v29;
	v33 =	vpop (erf)  }
0x34d: {  	v30 =	vmul.f32 v52, v15;
	v53 =	vmul.f32 $2.849878670e-01, v49;
	v28 =	vadd.f32 $4.000097220e-01, v50;
	v56 =	vpop (erf)  }
0x34e: {  	v57 =	vmul.f32 v54, v54;
	v31 =	vmul.f32 v56, v14  }
0x34f: {  	v61 =	vmul.f32 $5.000000000e-01, v19;
	v55 =	vadd.f32 $6.666666270e-01, v53;
	v26 =	vmul.f32 v28, v49  }
0x350: {  	v21 =	vshra.s32 v21, $0x17;
	v59 =	vmul.f32 $2.427907880e-01, v57;
	v60 =	vmul.f32 v31, v31  }
0x351: {  	v9 =	vmul.f32 v55, v48;
	v58 =	vadd.f32 v26, v30;
	v62 =	vmul.f32 $2.849878670e-01, v57  }
0x352: {  	v41 =	vmul.f32 v61, v19;
	v39 =	vadd.f32 $4.000097220e-01, v59;
	v40 =	vmul.f32 v60, v60  }
0x353: {  	v43 =	vmul.f32 $5.000000000e-01, v14;
	v9 =	vadd.f32 v58, v9;
	v25 =	vadd.f32 $6.666666270e-01, v62  }
0x354: {  	v12 =	vadd.f32 v18, v12;
	v18 =	vmul.f32 v39, v57;
	v42 =	vmul.f32 $2.427907880e-01, v40  }
0x355: {  	v15 =	vsub.f32 v15, v30;
	v9 =	vmul.f32 v9, v22;
	v25 =	vmul.f32 v25, v54  }
0x356: {  	v63 =	vld [tilespmem:s13+$0xF200];
	v44 =	vmul.f32 $2.849878670e-01, v40;
	v18 =	vadd.f32 v18, v41;
	v34 =	vadd.f32 $4.000097220e-01, v42  }
0x357: {  	v8 =	vcvt.s32.f32 v8;
	v45 =	vmul.f32 v43, v14;
	v9 =	vadd.f32 v9, v15  }
0x358: {  	v47 =	vadd.f32 $6.666666270e-01, v44;
	v18 =	vadd.f32 v18, v25;
	v46 =	vmul.f32 v34, v40  }
0x359: {  	v21 =	vadd.s32 $0xFFFFFF81, v21;
	v19 =	vsub.f32 v19, v41;
	v9 =	vmul.f32 $1.442695020e+00, v9  }
0x35a: {  	v48 =	vld [tilespmem:s1+$0xF200];
	v26 =	vmul.f32 v47, v60;
	v18 =	vmul.f32 v18, v29;
	v25 =	vadd.f32 v46, v45  }
0x35b: {  	v12 =	vadd.f32 v12, v13;
	v1 =	vmul.f32 v1, v63;
	v8 =	vadd.f32 v8, v9  }
0x35c: {  	v52 =	vcvt.s32.f32 v21;
	v49 =	vadd.f32 v18, v19;
	v50 =	vadd.f32 v25, v26  }
0x35d: {  	v3 =	vmul.f32 v3, v1;
	v1 =	vmul.f32 v10, v1;
	v51 =	vsub.f32 v14, v45  }
0x35e: {  	v8 =	vadd.f32 $9.999999680e-21, v8;
	v9 =	vmul.f32 $1.442695020e+00, v49;
	v13 =	vmul.f32 v50, v31  }
0x35f: {  	v1 =	vadd.f32 v1, v12;
	v53 =	vshra.s32 v16, $0x17;
	v2 =	vmul.f32 v2, v48;
	v54 =	vld [tilespmem:s12+$0xF200]  }
0x360: {  	(erf) = vrcp.f32 v8;
	v55 =	vadd.f32 v52, v9;
	v56 =	vadd.f32 v13, v51  }
0x361: {  	v1 =	vadd.f32 v1, v3;
	v57 =	vadd.s32 $0xFFFFFF81, v53;
	v3 =	vmul.f32 v27, v2  }
0x362: {  	v10 =	vcvt.s32.f32 v57;
	v8 =	vadd.f32 $9.999999680e-21, v55;
	v9 =	vmul.f32 $1.442695020e+00, v56  }
0x363: {  	v2 =	vmul.f32 v4, v2;
	v1 =	vadd.f32 v3, v1;
	v3 =	vld [tilespmem:s14+$0xF200]  }
0x364: {  	v58 =	vmul.f32 v5, v54;
	(erf) = vrcp.f32 v8;
	v59 =	vadd.f32 v10, v9;
	_ =	sdelay $0x1  }
0x365: {  	v1 =	vadd.f32 v1, v2;
	v2 =	vmul.f32 v33, v58;
	v5 =	vadd.f32 $9.999999680e-21, v59  }
0x366: {  	v60 =	vld [tilespmem:s15+$0xF200];
	v4 =	vmul.f32 v6, v58  }
0x367: {  	v1 =	vadd.f32 v2, v1;
	v2 =	vmul.f32 v7, v3;
	(erf) = vrcp.f32 v5  }
0x368: {  	v3 =	vpop (erf)  }
0x369: {  	v1 =	vadd.f32 v1, v4;
	v3 =	vmul.f32 v3, v2  }
0x36a: {  	v61 =	vld [tilespmem:s16+$0xF200]  }
0x36b: {  	v2 =	vmul.f32 v11, v2;
	v1 =	vadd.f32 v3, v1;
	v3 =	vmul.f32 v20, v60  }
0x36c: {  	v62 =	vpop (erf)  }
0x36d: {  	v1 =	vadd.f32 v1, v2;
	v2 =	vmul.f32 v62, v3;
	_ =	sdelay $0x1  }
0x36e: {  	v3 =	vmul.f32 v23, v3;
	v1 =	vadd.f32 v2, v1;
	v2 =	vmul.f32 v17, v61  }
0x36f: {  	v63 =	vpop (erf)  }
0x370: {  	s7 =	sadd.s32 $0x1, s7;
	v1 =	vadd.f32 v1, v3;
	v3 =	vmul.f32 v63, v2  }
0x371: {  	p0 =	sne.s32 s7, $0x19  }
.Ltmp13:
0x372: {  	v2 =	vmul.f32 v24, v2;
	v1 =	vadd.f32 v3, v1;
	(pc) =	sbr.rel @p0 .LBB2_6-.Ltmp13, $3  }
0x373: {  	_ = 	snop  }
0x374: {  	v1 =	vadd.f32 v1, v2;
	_ =	sdelay $0x1  }
0x375: {  	s26 =	sadd.s32 $0x1F4, s26;
	s28 =	sadd.s32 $0x1F4, s28;
	s29 =	sadd.s32 $0xFA0, s29;
	[tilespmem:$0x11280] =	vst v1  }
0x376: {  	[tilespmem:$0x11200] =	vst v1;
	s0 =	rddreg [dreg:$0x11];
	s1 =	simm.s32 $0x11200;
	s12 =	simm.s32 $0x4  }
0x377: {  	[hbm4b:s0+s8] =	stream.linear.scatter [tilespmem:s1], [sflag:$0x4], $0x10, $0x38;
	[tilespmem:$0x11300] =	vst v63  }
0x378: {  	_ =	swait.ge [sflag:s12], $0x10  }
0x379: {  	s28 =	rddreg [dreg:$0x1a]  }
0x37a: {  	s29 =	rddreg [dreg:$0x12];
	s1 =	sadd.s32 $0x1, s28  }
0x37b: {  	p0 =	sne.s32 s1, s29  }
.Ltmp14:
0x37c: {  	_ = 	snop;
	(pc) =	sbr.rel @p0 .LBB2_1-.Ltmp14, $3  }
0x37d: {  	_ =	sdelay $0x1  }
0x37e: {  	[sflag:s12] =	ssyncset.done $0x0  }
0x37f: {  	[sflag:s12] =	ssyncadd.s32 $0xFFFFFFF0  }
0x380: {  	_ =	sfence.sel $0x180000  }
0x381: {  	[bflag:$0x0] =	sbarrier.arrive $0xFFFF  }
0x382: {  	_ =	strace $0x9000004D  }
0x383: {  	s0 =	stileid.u32;
	[bflag:$0x2] =	sbarrier.arrive $0xFFFF  }
0x384: {  	p0 =	sne.s32 s0, $0x0;
	s0 =	rddreg [dreg:$0x7]  }
0x385: {  	s0 =	sadd.s32 @!p0 $0x100000, s0  }
0x386: {  	[sflag:s0] =	ssyncadd.tile.s32 @!p0 $0x1;
	_ =	shalt  }
.Lfunc_end2:
_tile_overlayer_lowered:
.L_overlay_start_2:
0x387: {  	(tag) =	ssettag $0x2  }
0x388: {  	s0 =	rddreg [dreg:$0x0];
	s2 =	stileid.u32  }
0x389: {  	s1 =	rddreg [dreg:$0x1];
	p0 =	sne.s32 s2, $0x0  }
0x38a: {  	s3 =	rddreg [dreg:$0x2];
	[bflag:$0x3] =	sbarrier.arrive $0xFFFF;
	s2 =	simm.s32 @!p0 $0x1C04  }
0x38b: {  	[timem:s3], [sflag:s2] =	dma.local @!p0 [hbm:s0], s1  }
0x38c: {  	s0 =	simm.s32 @!p0 $0x4  }
0x38d: {  	_ =	swait.ge @!p0 [sflag:s0], s1  }
0x38e: {  	s1 =	ssub.s32 @!p0 $0x0, s1;
	[sflag:s0] =	ssyncset.done @!p0 $0x0  }
0x38f: {  	[sflag:s0] =	ssyncadd.s32 @!p0 s1  }
0x390: {  	[bflag:$0x3] =	sbarrier.arrive $0xFFFF  }
0x391: {  	_ =	shalt  }

// kernel: kernel.5.cloned.1.call-start
scs
__scs_entry_jumppad:
0x0: {  	(pc) =	sbr.rel $0x88, $3  }
0x1: {  	(tag) =	ssettag $0x0;
	lr =	simm.s32 $0x1  }
0x2: {  	[smem:$0x3F9A] =	sst lr;
	_ =	strace $0xD0000000  }
0x3: {  	_ = 	snop  }
0x4: {  	_ = 	snop  }
0x5: {  	_ = 	snop  }
0x6: {  	_ = 	snop  }
0x7: {  	_ = 	snop  }
__scs_overlays_trampoline_lowered:
0x8: {  	[smem:$0x3FA9] =	sst s0  }
0x9: {  	[smem:$0x3FAA] =	sst s1  }
0xa: {  	[smem:$0x3FAB] =	sst s2  }
0xb: {  	[smem:$0x3FAC] =	sst s3  }
0xc: {  	[smem:$0x3FAD] =	sst s4  }
0xd: {  	[smem:$0x3FAE] =	sst s5  }
0xe: {  	[smem:$0x3FAF] =	sst s6  }
0xf: {  	[smem:$0x3FB0] =	sst s7  }
0x10: {  	[smem:$0x3FB1] =	sst s8  }
0x11: {  	[smem:$0x3FB2] =	sst s9;
	s0 =	simm.s32 @!p0 $0x0  }
0x12: {  	s1 =	sld [smem:$0x3F98];
	s0 =	simm.s32 @p0 $0x1  }
0x13: {  	[smem:$0x3FB3] =	sst s0;
	s0 =	simm.s32 @!p1 $0x0  }
0x14: {  	s2 =	sld [smem:$0x3F97];
	s0 =	simm.s32 @p1 $0x1  }
0x15: {  	[smem:$0x3FB4] =	sst s0;
	s0 =	simm.s32 @!p2 $0x0  }
0x16: {  	s3 =	sld [smem:$0x3FDB];
	s0 =	simm.s32 @p2 $0x1  }
0x17: {  	s4 =	simm.s32 $0x1BF5;
	[smem:$0x3FB6] =	sst s0  }
0x18: {  	s0 =	sld [smem:$0x3F99];
	_ =	swait.ge [sflag:s4], $0x0  }
0x19: {  	s7 =	sld [smem:$0x3F9A]  }
0x1a: {  	s8 =	sadd.s32 $0xFFFFE003, lr  }
0x1b: {  	s9 =	sadd.s32 $0xFFFFFEF7, lr;
	s5 =	simm.s32 $0xFFFFFFFF;
	p2 =	slt.u32 s8, $0xFFFFF086  }
0x1c: {  	p1 =	slt.u32 s9, $0xF7A;
	s5 =	simm.s32 @!p2 $0x0  }
0x1d: {  	s5 =	simm.s32 @p1 $0x1;
	p0 =	seq.s32 s7, s2  }
0x1e: {  	s7 =	smul.u32 @!p0 $0xF7A, s2;
	p2 =	seq.s32 @!p0 s5, $0x0  }
0x1f: {  	s9 =	smul.u32 $0xF7A, s1;
	s8 =	simm.s32 @!p0 $0x1BF5;
	p2 =	por !p2, p0  }
0x20: {  	[sflag:s8] =	ssyncset.s32 @!p0 $0xFFFFF086;
	s6 =	sadd.s32 @!p0 s3, s7;
	s7 =	simm.s32 @!p0 $0x108  }
0x21: {  	s3 =	sadd.s32 s3, s9;
	s6 =	sadd.s32 @!p0 $0x88, s6;
	s7 =	simm.s32 @p2 $0x1082  }
0x22: {  	[simem:s7], [sflag:s8] =	dma.local @!p0 [hbm:s6], $0xF7A  }
0x23: {  	s9 =	sor.u32 $0xD0000000, s2;
	s6 =	simm.s32 $0x108;
	_ =	swait.ge @!p0 [sflag:s8], $0x0  }
0x24: {  	s3 =	sadd.s32 $0x88, s3;
	s6 =	simm.s32 @!p1 $0x1082;
	[sflag:s4] =	ssyncset.s32 $0xFFFFF086  }
0x25: {  	[simem:s6], [sflag:s4] =	dma.local [hbm:s3], $0xF7A  }
0x26: {  	[smem:$0x3F9A] =	sst s1;
	(tag) =	ssettag s2;
	_ =	strace s9  }
0x27: {  	s1 =	sld [smem:$0x3FAA]  }
0x28: {  	s2 =	sld [smem:$0x3FAB]  }
0x29: {  	s4 =	sld [smem:$0x3FAD]  }
0x2a: {  	p0 =	seq.s32 s5, $0x0;
	s5 =	sld [smem:$0x3FAE]  }
0x2b: {  	s6 =	sld [smem:$0x3FAF]  }
0x2c: {  	s7 =	sld [smem:$0x3FB0]  }
0x2d: {  	s3 =	simm.s32 $0x108;
	s8 =	sld [smem:$0x3FB1]  }
0x2e: {  	s3 =	simm.s32 @!p0 $0x1082;
	s9 =	sld [smem:$0x3FB2]  }
0x2f: {  	lr =	sadd.s32 s0, s3;
	s0 =	sld [smem:$0x3FA9]  }
0x30: {  	s3 =	sld [smem:$0x3FAC]  }
0x31: {  	[smem:$0x3FB5] =	sst s10  }
0x32: {  	s10 =	sld [smem:$0x3FB3];
	_ =	sdelay $0x3  }
0x33: {  	p0 =	seq.s32 s10, $0x1;
	s10 =	sld [smem:$0x3FB5];
	_ =	sdelay $0x3  }
0x34: {  	[smem:$0x3FB5] =	sst s10  }
0x35: {  	s10 =	sld [smem:$0x3FB4];
	_ =	sdelay $0x3  }
0x36: {  	p1 =	seq.s32 s10, $0x1;
	s10 =	sld [smem:$0x3FB5];
	_ =	sdelay $0x3  }
0x37: {  	[smem:$0x3FB5] =	sst s10  }
0x38: {  	s10 =	sld [smem:$0x3FB6]  }
0x39: {  	_ = 	snop;
	(pc) =	sbr.ind lr, $3  }
0x3a: {  	_ = 	snop  }
0x3b: {  	_ = 	snop  }
0x3c: {  	p2 =	seq.s32 s10, $0x1;
	s10 =	sld [smem:$0x3FB5]  }
0x3d: {  	_ =	shalt  }
0x3e: {  	_ =	shalt  }
0x3f: {  	_ =	shalt  }
0x40: {  	_ =	shalt  }
0x41: {  	_ =	shalt  }
0x42: {  	_ =	shalt  }
0x43: {  	_ =	shalt  }
0x44: {  	_ =	shalt  }
0x45: {  	_ =	shalt  }
0x46: {  	_ =	shalt  }
0x47: {  	_ =	shalt  }
0x48: {  	_ =	shalt  }
0x49: {  	_ =	shalt  }
0x4a: {  	_ =	shalt  }
0x4b: {  	_ =	shalt  }
0x4c: {  	_ =	shalt  }
0x4d: {  	_ =	shalt  }
0x4e: {  	_ =	shalt  }
0x4f: {  	_ =	shalt  }
0x50: {  	_ =	shalt  }
0x51: {  	_ =	shalt  }
0x52: {  	_ =	shalt  }
0x53: {  	_ =	shalt  }
0x54: {  	_ =	shalt  }
0x55: {  	_ =	shalt  }
0x56: {  	_ =	shalt  }
0x57: {  	_ =	shalt  }
0x58: {  	_ =	shalt  }
0x59: {  	_ =	shalt  }
0x5a: {  	_ =	shalt  }
0x5b: {  	_ =	shalt  }
0x5c: {  	_ =	shalt  }
0x5d: {  	_ =	shalt  }
0x5e: {  	_ =	shalt  }
0x5f: {  	_ =	shalt  }
0x60: {  	_ =	shalt  }
0x61: {  	_ =	shalt  }
0x62: {  	_ =	shalt  }
0x63: {  	_ =	shalt  }
0x64: {  	_ =	shalt  }
0x65: {  	_ =	shalt  }
0x66: {  	_ =	shalt  }
0x67: {  	_ =	shalt  }
0x68: {  	_ =	shalt  }
0x69: {  	_ =	shalt  }
0x6a: {  	_ =	shalt  }
0x6b: {  	_ =	shalt  }
0x6c: {  	_ =	shalt  }
0x6d: {  	_ =	shalt  }
0x6e: {  	_ =	shalt  }
0x6f: {  	_ =	shalt  }
0x70: {  	_ =	shalt  }
0x71: {  	_ =	shalt  }
0x72: {  	_ =	shalt  }
0x73: {  	_ =	shalt  }
0x74: {  	_ =	shalt  }
0x75: {  	_ =	shalt  }
0x76: {  	_ =	shalt  }
0x77: {  	_ =	shalt  }
0x78: {  	_ =	shalt  }
0x79: {  	_ =	shalt  }
0x7a: {  	_ =	shalt  }
0x7b: {  	_ =	shalt  }
0x7c: {  	_ =	shalt  }
0x7d: {  	_ =	shalt  }
0x7e: {  	_ =	shalt  }
0x7f: {  	_ =	shalt  }
0x80: {  	_ =	shalt  }
0x81: {  	_ =	shalt  }
0x82: {  	_ =	shalt  }
0x83: {  	_ =	shalt  }
0x84: {  	_ =	shalt  }
0x85: {  	_ =	shalt  }
0x86: {  	_ =	shalt  }
0x87: {  	_ =	shalt  }
.Lfunc_end0:
.L_simem_size_0:
called_computation_lowered:
.L_overlay_start_0:
0x88: {  	s2 =	sld [smem:$0x3FD9]  }
0x89: {  	s3 =	sld [smem:$0x3FFE];
	_ =	sdelay $0x1  }
0x8a: {  	s1 =	srdreg.scid  }
0x8b: {  	s0 =	sand.u32 $0x1, s1  }
0x8c: {  	s17 =	sshll.u32 s0, $0xA;
	s2 =	sadd.s32 s3, s2  }
0x8d: {  	s2 =	sadd.s32 s2, s17  }
0x8e: {  	[smem:$0x3FC1] =	sst s2  }
0x8f: {  	_ = 	snop  }
0x90: {  	s2 =	sld [smem:$0x3FC5]  }
0x91: {  	s18 =	sld [smem:$0x3FC4]  }
0x92: {  	s4 =	sld [smem:$0x3FC3];
	(tm) =	ssettm $0x1  }
0x93: {  	s5 =	sld [smem:$0x3FFB];
	_ =	sdelay $0x3  }
0x94: {  	_ =	strace s5  }
0x95: {  	s5 =	sld [smem:$0x3FFC];
	_ =	sdelay $0x3  }
0x96: {  	_ =	strace s5  }
0x97: {  	s5 =	sld [smem:$0x3FFD];
	_ =	sdelay $0x3  }
0x98: {  	_ =	strace s5  }
0x99: {  	_ =	strace $0x8FFFFFFF  }
0x9a: {  	s19 =	sld [smem:$0x3FDB];
	_ =	sdelay $0x1  }
0x9b: {  	s6 =	simm.s32 $_scs_section_size  }
0x9c: {  	s7 =	simm.s32 $_size__tile_overlayer_lowered;
	s8 =	simm.s32 $_tile_overlayer_lowered  }
0x9d: {  	s22 =	simm.s32 $0x1BFF;
	s21 =	sshll.u32 s8, $0x1;
	s5 =	sadd.s32 s6, s19  }
0x9e: {  	s9 =	simm.s32 $0x0;
	s20 =	sshll.u32 s7, $0x1;
	s7 =	sadd.s32 s21, s5  }
0x9f: {  	[timem:s9], [sflag:s22] =	dma.local [hbm:s7], s20  }
0xa0: {  	_ =	swait.ge [sflag:s22], s20  }
0xa1: {  	s6 =	ssub.s32 $0x0, s20;
	[sflag:s22] =	ssyncset.done $0x0  }
0xa2: {  	[sflag:s22] =	ssyncadd.s32 s6;
	_ =	sdelay $0x1  }
0xa3: {  	s23 =	simm.s32 $0x1B8B  }
0xa4: {  	_ =	swait.ge [sflag:s23], $0x1  }
0xa5: {  	[sflag:s23] =	ssyncset.done $0x0  }
0xa6: {  	s25 =	simm.s32 $0x1B8E;
	s24 =	sld [smem:$0x3FFE];
	[sflag:s23] =	ssyncadd.s32 $0xFFFFFFFF  }
0xa7: {  	s26 =	simm.s32 $execute0_lowered;
	[smem:$0x3FD2] =	sst s25  }
0xa8: {  	s7 =	sshll.u32 s26, $0x1;
	_ =	strace $0x80000046;
	[dreg:$0x1] =	wrdreg $0xFFFFFFFF  }
0xa9: {  	s28 =	simm.s32 $_size_execute0_lowered;
	s5 =	sadd.s32 s5, s7;
	[dreg:$0x0] =	wrdreg $0x0  }
0xaa: {  	s7 =	sshll.u32 s28, $0x1;
	[dreg:$0x2] =	wrdreg s5  }
0xab: {  	[dreg:$0x3] =	wrdreg s7  }
0xac: {  	[dreg:$0x4] =	wrdreg $0xC0  }
0xad: {  	_ =	task [dreg:s9], $0x5FFFF  }
0xae: {  	[dreg:$0x1] =	wrdreg $0xFFFFFFFF  }
0xaf: {  	[dreg:$0x0] =	wrdreg $0x60  }
0xb0: {  	[dreg:$0x2] =	wrdreg s2  }
0xb1: {  	[dreg:$0x3] =	wrdreg s18  }
0xb2: {  	[dreg:$0x4] =	wrdreg s4  }
0xb3: {  	[dreg:$0x5] =	wrdreg s24  }
0xb4: {  	[dreg:$0x6] =	wrdreg $0x0  }
0xb5: {  	[dreg:$0x7] =	wrdreg $0x18800  }
0xb6: {  	[dreg:$0x8] =	wrdreg $0x31000  }
0xb7: {  	[dreg:$0x9] =	wrdreg $0x9  }
0xb8: {  	_ =	task.clear_ibuf [dreg:s9], $0xAFFFF;
	_ =	strace $0x90000046  }
0xb9: {  	s29 =	simm.s32 $0x9;
	_ =	strace $0x80000048  }
0xba: {  	_ =	swait.ge [sflag:s29], $0x1  }
0xbb: {  	[sflag:s29] =	ssyncadd.s32 $0xFFFFFFFF  }
0xbc: {  	_ =	strace $0x90000048  }
0xbd: {  	_ =	sfence  }
0xbe: {  	s30 =	sld [smem:$0x0];
	_ =	sdelay $0x2  }
0xbf: {  	s31 =	sshll.u32 s1, $0xD;
	s1 =	sshrl.u32 s1, $0x2  }
0xc0: {  	s3 =	sand.u32 $0x4000, s31;
	s1 =	sadd.s32 s1, s30  }
0xc1: {  	s0 =	sor.u32 s3, s0;
	s1 =	sshll.u32 s1, $0x11  }
0xc2: {  	s0 =	sor.u32 s1, s0  }
0xc3: {  	s0 =	sadd.s32 $0x8F2B, s0  }
0xc4: {  	[sflag:s0] =	ssyncadd.remote.s32 $0x1  }
0xc5: {  	_ =	sfence.sel $0xFFFF  }
0xc6: {  	[dreg:$0x0] =	wrdreg $0xFFFFFFFF;
	(pc) =	sbr.abs _section_cstart, $3  }
0xc7: {  	[dreg:$0x1] =	wrdreg $0xFFFFFFFF  }
0xc8: {  	_ =	task.clear_ibuf [dreg:s9], $0x2FFFF;
	_ =	strace $0x9FFFFFFF  }
0xc9: {  	(tm) =	ssettm $0x7FFFFFFF  }
tec
execute0_lowered:
.L_overlay_start_1:
0x0: {  	(tag) =	ssettag $0x1  }
0x1: {  	s0 =	rddreg [dreg:$0x0]  }
0x2: {  	s2 =	rddreg [dreg:$0x1]  }
0x3: {  	s3 =	rddreg [dreg:$0x2]  }
0x4: {  	s1 =	rddreg [dreg:$0x3]  }
0x5: {  	s4 =	rddreg [dreg:$0x4]  }
0x6: {  	s6 =	rddreg [dreg:$0x5]  }
0x7: {  	s7 =	rddreg [dreg:$0x6]  }
0x8: {  	s5 =	srdreg.scid;
	s14 =	stileid.u32;
	s8 =	simm.s32 $0x0  }
0x9: {  	s29 =	simm.s32 $0x7A00;
	s30 =	simm.s32 $0x8200;
	s10 =	smul.u32 $0x1880, s14  }
0xa: {  	s31 =	simm.s32 $0x9A00;
	s5 =	sand.u32 $0x1, s5;
	s18 =	smul.u32 $0x186A0, s14  }
0xb: {  	[smem:$0x7FF] =	sst s8;
	s9 =	sadd.s32 $0x63000, s1;
	s11 =	smul.u32 $0x49800, s5  }
0xc: {  	_ =	strace $0x80000047;
	s12 =	sshll.u32 s5, $0x4;
	s13 =	ssub.s32 $0x2, s5  }
0xd: {  	s5 =	smul.u32 $0x186A00, s5;
	s12 =	sor.u32 s14, s12;
	s28 =	sshrl.u32 s13, $0x1  }
0xe: {  	s19 =	sadd.s32 s10, s4;
	s20 =	sadd.s32 s10, s6;
	s21 =	sadd.s32 s10, s7  }
0xf: {  	s14 =	simm.s32 $0x50;
	s11 =	sadd.s32 s10, s11;
	[dreg:$0x8] =	wrdreg s19  }
0x10: {  	s12 =	smul.u32 $0x186A0, s12;
	[dreg:$0x9] =	wrdreg s20;
	s11 =	sshrl.u32 s11, $0x3  }
0x11: {  	s5 =	sadd.s32 s18, s5;
	[dreg:$0xa] =	wrdreg s21;
	s1 =	sadd.s32 s11, s1  }
0x12: {  	s11 =	ssub.s32 s13, s28;
	s15 =	sshrl.u32 s12, $0x3;
	s28 =	sadd.s32 $0xFA0, s5  }
0x13: {  	s18 =	simm.s32 $0x2;
	s16 =	sadd.s32 s0, s15;
	[dreg:$0x13] =	wrdreg s28  }
0x14: {  	s24 =	sshrl.u32 s5, $0x3;
	s17 =	sadd.s32 s2, s15;
	[dreg:$0xb] =	wrdreg s16  }
0x15: {  	s25 =	sadd.s32 $0x7D0, s5;
	s10 =	sadd.s32 s3, s15;
	[dreg:$0xc] =	wrdreg s17  }
0x16: {  	s26 =	sshrl.u32 s25, $0x3;
	s22 =	sadd.s32 $0xC4C00, s1;
	[dreg:$0xd] =	wrdreg s10  }
0x17: {  	s5 =	simm.s32 $0xAA00;
	s23 =	sadd.s32 $0xC7D00, s1;
	[dreg:$0xe] =	wrdreg s22  }
0x18: {  	s13 =	simm.s32 $0x1;
	s1 =	sadd.s32 $0xCAE00, s1;
	[dreg:$0xf] =	wrdreg s23  }
0x19: {  	s11 =	smax.u32 s11, $0x1;
	s15 =	simm.s32 $0x3;
	[dreg:$0x10] =	wrdreg s1  }
0x1a: {  	s16 =	sadd.s32 $0x7D0, s12;
	s17 =	sadd.s32 $0xFA0, s12;
	[dreg:$0x11] =	wrdreg s11  }
0x1b: {  	s22 =	sadd.s32 s24, s9;
	s1 =	sadd.s32 s26, s9;
	s26 =	simm.s32 $0x4  }
0x1c: {  	v0 =	vimm.f32 $0.0e+00;
	s11 =	simm.s32 $0x0;
	[dreg:$0x12] =	wrdreg s1;
	s1 =	simm.s32 $0xA200  }
.LBB2_1:
0x1d: {  	[dreg:$0x14] =	wrdreg s11;
	s10 =	simm.s32 $0x40;
	s11 =	simm.s32 $0x0  }
.LBB2_2:
0x1e: {  	p0 =	sne.s32 s10, $0x61C0;
	[tilespmem:s11+$0x4980] =	vst v0;
	s11 =	smov.u32 s10;
	s10 =	sadd.s32 $0x40, s10  }
.Ltmp0:
0x1f: {  	(pc) =	sbr.rel @p0 .LBB2_2-.Ltmp0, $2  }
0x20: {  	_ =	sdelay $0x2  }
0x21: {  	s11 =	sshra.s32 s11, $0x2  }
0x22: {  	[tilespmem:s11+$0x4980] =	vst v0;
	s10 =	simm.s32 $0x4980  }
0x23: {  	[spmem:s19] =	stream.linear.scatter [tilespmem:s10], [sflag:$0x4], $0x1880, $0x38;
	[tilespmem:$0xB200] =	vst v63  }
0x24: {  	_ =	swait.ge [sflag:s26], $0x1880  }
0x25: {  	[sflag:s26] =	ssyncset.done $0x0  }
0x26: {  	[sflag:s26] =	ssyncadd.s32 $0xFFFFE780  }
0x27: {  	[spmem:s20] =	stream.linear.scatter [tilespmem:s10], [sflag:$0x4], $0x1880, $0x38;
	[tilespmem:$0xB200] =	vst v63  }
0x28: {  	_ =	swait.ge [sflag:s26], $0x1880  }
0x29: {  	[sflag:s26] =	ssyncset.done $0x0  }
0x2a: {  	[sflag:s26] =	ssyncadd.s32 $0xFFFFE780  }
0x2b: {  	[spmem:s21] =	stream.linear.scatter [tilespmem:s10], [sflag:$0x4], $0x1880, $0x38;
	[tilespmem:$0xB200] =	vst v63  }
0x2c: {  	_ =	swait.ge [sflag:s26], $0x1880  }
0x2d: {  	[sflag:s26] =	ssyncset.done $0x0  }
0x2e: {  	s11 =	simm.s32 $0xA;
	s12 =	simm.s32 $0x6280;
	[sflag:s26] =	ssyncadd.s32 $0xFFFFE780  }
0x2f: {  	s19 =	sadd.s32 $0x0, s22;
	s10 =	simm.s32 $0x6200;
	[bflag:$0x0] =	sbarrier.arrive $0xFFFF  }
.LBB2_4:
0x30: {  	[tilespmem:s10], [sflag:$0x1] =	stream.linear.gather [hbm4b:s19+s8], $0x50, $0x38;
	[tilespmem:$0xB200] =	vst v63  }
0x31: {  	s19 =	smov.u32 s11;
	s10 =	smov.u32 s12;
	p0 =	sne.s32 s11, $0xF0  }
.Ltmp1:
0x32: {  	s11 =	sadd.s32 $0xA, s11;
	(pc) =	sbr.rel @p0 .LBB2_4-.Ltmp1, $2  }
0x33: {  	_ =	sdelay $0x2  }
0x34: {  	s12 =	sadd.s32 $0x80, s12;
	s19 =	sadd.s32 s19, s22  }
0x35: {  	[tilespmem:s10], [sflag:$0x1] =	stream.linear.gather [hbm4b:s19+s8], $0x50, $0x38;
	[tilespmem:$0xB200] =	vst v63  }
0x36: {  	s24 =	rddreg [dreg:$0xb]  }
0x37: {  	s25 =	rddreg [dreg:$0xc]  }
0x38: {  	s20 =	simm.s32 $0x0;
	s11 =	simm.s32 $0x7200;
	s28 =	rddreg [dreg:$0xd]  }
0x39: {  	[tilespmem:s11], [sflag:$0x1] =	stream.linear.gather [hbm4b:s24+s20], $0x7D0, $0x38;
	[tilespmem:$0xB200] =	vst v63  }
0x3a: {  	s23 =	rddreg [dreg:$0x12]  }
0x3b: {  	[tilespmem:s29], [sflag:$0x1] =	stream.linear.gather [hbm4b:s25+s20], $0x7D0, $0x38;
	[tilespmem:$0xB200] =	vst v63  }
0x3c: {  	s24 =	rddreg [dreg:$0x13]  }
0x3d: {  	[tilespmem:s30], [sflag:$0x1] =	stream.linear.gather [hbm4b:s28+s20], $0x7D0, $0x38;
	[tilespmem:$0xB200] =	vst v63  }
.LBB2_6:
0x3e: {  	s25 =	smul.u32 $0xFA0, s20;
	s10 =	sshrl.u32 s24, $0x3  }
0x3f: {  	s11 =	simm.s32 $0x8A00;
	s12 =	simm.s32 $0xA;
	s28 =	sadd.s32 $0x0, s23  }
0x40: {  	s19 =	simm.s32 $0x8A80;
	s21 =	sadd.s32 s10, s9;
	s10 =	sadd.s32 s25, s16  }
.LBB2_7:
0x41: {  	[tilespmem:s11], [sflag:$0x2] =	stream.linear.gather [hbm4b:s28+s8], $0x50, $0x38;
	[tilespmem:$0xB200] =	vst v63  }
0x42: {  	s28 =	smov.u32 s12;
	s11 =	smov.u32 s19;
	p0 =	sne.s32 s12, $0xF0  }
.Ltmp2:
0x43: {  	s12 =	sadd.s32 $0xA, s12;
	(pc) =	sbr.rel @p0 .LBB2_7-.Ltmp2, $2  }
0x44: {  	_ =	sdelay $0x2  }
0x45: {  	s19 =	sadd.s32 $0x80, s19;
	s28 =	sadd.s32 s28, s23  }
0x46: {  	[tilespmem:s11], [sflag:$0x2] =	stream.linear.gather [hbm4b:s28+s8], $0x50, $0x38;
	[tilespmem:$0xB200] =	vst v63  }
0x47: {  	s10 =	sshrl.u32 s10, $0x3  }
0x48: {  	s12 =	simm.s32 $0x0;
	s19 =	sadd.s32 s0, s10  }
0x49: {  	[tilespmem:s31], [sflag:$0x2] =	stream.linear.gather [hbm4b:s19+s12], $0x7D0, $0x38;
	[tilespmem:$0xB200] =	vst v63  }
0x4a: {  	s28 =	sadd.s32 s2, s10  }
0x4b: {  	[tilespmem:s1], [sflag:$0x2] =	stream.linear.gather [hbm4b:s28+s12], $0x7D0, $0x38;
	[tilespmem:$0xB200] =	vst v63  }
0x4c: {  	s10 =	sadd.s32 s3, s10  }
0x4d: {  	[tilespmem:s5], [sflag:$0x2] =	stream.linear.gather [hbm4b:s10+s12], $0x7D0, $0x38;
	[tilespmem:$0xB200] =	vst v63  }
0x4e: {  	_ =	swait.ge [sflag:s13], $0x50  }
0x4f: {  	[sflag:s13] =	ssyncset.done $0x0  }
0x50: {  	[sflag:s13] =	ssyncadd.s32 $0xFFFFFFB0  }
0x51: {  	_ =	swait.ge [sflag:s13], $0x50  }
0x52: {  	[sflag:s13] =	ssyncset.done $0x0  }
0x53: {  	[sflag:s13] =	ssyncadd.s32 $0xFFFFFFB0  }
0x54: {  	_ =	swait.ge [sflag:s13], $0x50  }
0x55: {  	[sflag:s13] =	ssyncset.done $0x0  }
0x56: {  	[sflag:s13] =	ssyncadd.s32 $0xFFFFFFB0  }
0x57: {  	_ =	swait.ge [sflag:s13], $0x50  }
0x58: {  	[sflag:s13] =	ssyncset.done $0x0  }
0x59: {  	[sflag:s13] =	ssyncadd.s32 $0xFFFFFFB0  }
0x5a: {  	_ =	swait.ge [sflag:s13], $0x50  }
0x5b: {  	[sflag:s13] =	ssyncset.done $0x0  }
0x5c: {  	[sflag:s13] =	ssyncadd.s32 $0xFFFFFFB0  }
0x5d: {  	_ =	swait.ge [sflag:s13], $0x50  }
0x5e: {  	[sflag:s13] =	ssyncset.done $0x0  }
0x5f: {  	[sflag:s13] =	ssyncadd.s32 $0xFFFFFFB0  }
0x60: {  	_ =	swait.ge [sflag:s13], $0x50  }
0x61: {  	[sflag:s13] =	ssyncset.done $0x0  }
0x62: {  	[sflag:s13] =	ssyncadd.s32 $0xFFFFFFB0  }
0x63: {  	_ =	swait.ge [sflag:s13], $0x50  }
0x64: {  	[sflag:s13] =	ssyncset.done $0x0  }
0x65: {  	[sflag:s13] =	ssyncadd.s32 $0xFFFFFFB0  }
0x66: {  	_ =	swait.ge [sflag:s13], $0x50  }
0x67: {  	[sflag:s13] =	ssyncset.done $0x0  }
0x68: {  	[sflag:s13] =	ssyncadd.s32 $0xFFFFFFB0  }
0x69: {  	_ =	swait.ge [sflag:s13], $0x50  }
0x6a: {  	[sflag:s13] =	ssyncset.done $0x0  }
0x6b: {  	[sflag:s13] =	ssyncadd.s32 $0xFFFFFFB0  }
0x6c: {  	_ =	swait.ge [sflag:s13], $0x50  }
0x6d: {  	[sflag:s13] =	ssyncset.done $0x0  }
0x6e: {  	[sflag:s13] =	ssyncadd.s32 $0xFFFFFFB0  }
0x6f: {  	_ =	swait.ge [sflag:s13], $0x50  }
0x70: {  	[sflag:s13] =	ssyncset.done $0x0  }
0x71: {  	[sflag:s13] =	ssyncadd.s32 $0xFFFFFFB0  }
0x72: {  	_ =	swait.ge [sflag:s13], $0x50  }
0x73: {  	[sflag:s13] =	ssyncset.done $0x0  }
0x74: {  	[sflag:s13] =	ssyncadd.s32 $0xFFFFFFB0  }
0x75: {  	_ =	swait.ge [sflag:s13], $0x50  }
0x76: {  	[sflag:s13] =	ssyncset.done $0x0  }
0x77: {  	[sflag:s13] =	ssyncadd.s32 $0xFFFFFFB0  }
0x78: {  	_ =	swait.ge [sflag:s13], $0x50  }
0x79: {  	[sflag:s13] =	ssyncset.done $0x0  }
0x7a: {  	[sflag:s13] =	ssyncadd.s32 $0xFFFFFFB0  }
0x7b: {  	_ =	swait.ge [sflag:s13], $0x50  }
0x7c: {  	[sflag:s13] =	ssyncset.done $0x0  }
0x7d: {  	[sflag:s13] =	ssyncadd.s32 $0xFFFFFFB0  }
0x7e: {  	_ =	swait.ge [sflag:s13], $0x50  }
0x7f: {  	[sflag:s13] =	ssyncset.done $0x0  }
0x80: {  	[sflag:s13] =	ssyncadd.s32 $0xFFFFFFB0  }
0x81: {  	_ =	swait.ge [sflag:s13], $0x50  }
0x82: {  	[sflag:s13] =	ssyncset.done $0x0  }
0x83: {  	[sflag:s13] =	ssyncadd.s32 $0xFFFFFFB0  }
0x84: {  	_ =	swait.ge [sflag:s13], $0x50  }
0x85: {  	[sflag:s13] =	ssyncset.done $0x0  }
0x86: {  	[sflag:s13] =	ssyncadd.s32 $0xFFFFFFB0  }
0x87: {  	_ =	swait.ge [sflag:s13], $0x50  }
0x88: {  	[sflag:s13] =	ssyncset.done $0x0  }
0x89: {  	[sflag:s13] =	ssyncadd.s32 $0xFFFFFFB0  }
0x8a: {  	_ =	swait.ge [sflag:s13], $0x50  }
0x8b: {  	[sflag:s13] =	ssyncset.done $0x0  }
0x8c: {  	[sflag:s13] =	ssyncadd.s32 $0xFFFFFFB0  }
0x8d: {  	_ =	swait.ge [sflag:s13], $0x50  }
0x8e: {  	[sflag:s13] =	ssyncset.done $0x0  }
0x8f: {  	[sflag:s13] =	ssyncadd.s32 $0xFFFFFFB0  }
0x90: {  	_ =	swait.ge [sflag:s13], $0x50  }
0x91: {  	[sflag:s13] =	ssyncset.done $0x0  }
0x92: {  	[sflag:s13] =	ssyncadd.s32 $0xFFFFFFB0  }
0x93: {  	_ =	swait.ge [sflag:s13], $0x50  }
0x94: {  	[sflag:s13] =	ssyncset.done $0x0  }
0x95: {  	[sflag:s13] =	ssyncadd.s32 $0xFFFFFFB0  }
0x96: {  	_ =	swait.ge [sflag:s13], $0x50  }
0x97: {  	[sflag:s13] =	ssyncset.done $0x0  }
0x98: {  	[sflag:s13] =	ssyncadd.s32 $0xFFFFFFB0  }
0x99: {  	_ =	swait.ge [sflag:s13], $0x7D0  }
0x9a: {  	[sflag:s13] =	ssyncset.done $0x0  }
0x9b: {  	[sflag:s13] =	ssyncadd.s32 $0xFFFFF830  }
0x9c: {  	_ =	swait.ge [sflag:s13], $0x7D0  }
0x9d: {  	[sflag:s13] =	ssyncset.done $0x0  }
0x9e: {  	[sflag:s13] =	ssyncadd.s32 $0xFFFFF830  }
0x9f: {  	_ =	swait.ge [sflag:s13], $0x7D0  }
0xa0: {  	[sflag:s13] =	ssyncset.done $0x0  }
0xa1: {  	s10 =	simm.s32 $0x0;
	[sflag:s13] =	ssyncadd.s32 $0xFFFFF830  }
0xa2: {  	v1 =	vld [tilespmem:s10+$0x7200]  }
0xa3: {  	s11 =	simm.s32 $0x0;
	s12 =	simm.s32 $0x40;
	v2 =	vld [tilespmem:s10+$0x7A00]  }
.LBB2_9:
0xa4: {  	p0 =	sne.s32 s12, $0x1F00;
	v3 =	vld [tilespmem:s11+$0x8200];
	_ =	sdelay $0x2  }
0xa5: {  	v1 =	vmul.f32 $1.442695020e+00, v1  }
0xa6: {  	v2 =	vmul.f32 $1.442695020e+00, v2  }
0xa7: {  	v3 =	vmul.f32 $1.442695020e+00, v3;
	(erf) = vpow2.f32 v1  }
0xa8: {  	(erf) = vpow2.f32 v2  }
0xa9: {  	(erf) = vpow2.f32 v3;
	_ =	sdelay $0x5  }
.Ltmp3:
0xaa: {  	(pc) =	sbr.rel @p0 .LBB2_9-.Ltmp3, $4  }
0xab: {  	v1 =	vpop (erf)  }
0xac: {  	s19 =	sshra.s32 s12, $0x2;
	[tilespmem:s11+$0x7200] =	vst v1;
	v2 =	vpop (erf)  }
0xad: {  	v1 =	vld [tilespmem:s19+$0x7200];
	[tilespmem:s11+$0x7A00] =	vst v2;
	v3 =	vpop (erf)  }
0xae: {  	s12 =	sadd.s32 $0x40, s12;
	v2 =	vld [tilespmem:s19+$0x7A00];
	[tilespmem:s11+$0x8200] =	vst v3;
	s11 =	smov.u32 s19  }
0xaf: {  	v3 =	vld [tilespmem:s11+$0x8200];
	_ =	sdelay $0x2  }
0xb0: {  	v1 =	vmul.f32 $1.442695020e+00, v1  }
0xb1: {  	v2 =	vmul.f32 $1.442695020e+00, v2  }
0xb2: {  	v3 =	vmul.f32 $1.442695020e+00, v3;
	(erf) = vpow2.f32 v1  }
0xb3: {  	(erf) = vpow2.f32 v2  }
0xb4: {  	(erf) = vpow2.f32 v3;
	_ =	sdelay $0x6  }
0xb5: {  	v1 =	vpop (erf)  }
0xb6: {  	[tilespmem:s11+$0x7200] =	vst v1;
	v1 =	vpop (erf)  }
0xb7: {  	[tilespmem:s11+$0x7A00] =	vst v1;
	v1 =	vpop (erf)  }
0xb8: {  	s12 =	simm.s32 $0x7200;
	[tilespmem:s11+$0x8200] =	vst v1;
	s11 =	simm.s32 $0x6200  }
0xb9: {  	[spmem:s4] =	stream.indirect.scatter.add.f32 [tilespmem:s12], [sflag:$0x3], $0x1, s11, s14, $0xb8;
	[tilespmem:$0xB200] =	vst v63  }
0xba: {  	s28 =	simm.s32 $0x7A00;
	s19 =	simm.s32 $0x6200;
	s12 =	simm.s32 $0x140  }
0xbb: {  	[spmem:s6] =	stream.indirect.scatter.add.f32 [tilespmem:s28], [sflag:$0x3], $0x1, s11, s14, $0xb8;
	[tilespmem:$0xB200] =	vst v63  }
.LBB2_11:
0xbc: {  	s28 =	sadd.s32 $0x8200, s10  }
0xbd: {  	s10 =	sshra.s32 s12, $0x2;
	s11 =	sadd.s32 $0x80, s11;
	p0 =	sne.s32 s12, $0x1E00  }
0xbe: {  	[spmem:s7] =	stream.indirect.scatter.add.f32 [tilespmem:s28], [sflag:$0x3], $0x1, s19, s14, $0xb8;
	[tilespmem:$0xB200] =	vst v63  }
.Ltmp4:
0xbf: {  	_ = 	snop;
	(pc) =	sbr.rel @p0 .LBB2_11-.Ltmp4, $4  }
0xc0: {  	s12 =	sadd.s32 $0x140, s12;
	s19 =	sadd.s32 $0x7200, s10  }
0xc1: {  	[spmem:s4] =	stream.indirect.scatter.add.f32 [tilespmem:s19], [sflag:$0x3], $0x1, s11, s14, $0xb8;
	[tilespmem:$0xB200] =	vst v63  }
0xc2: {  	s28 =	sadd.s32 $0x7A00, s10;
	s19 =	smov.u32 s11  }
0xc3: {  	[spmem:s6] =	stream.indirect.scatter.add.f32 [tilespmem:s28], [sflag:$0x3], $0x1, s11, s14, $0xb8;
	[tilespmem:$0xB200] =	vst v63  }
0xc4: {  	s10 =	sadd.s32 $0x8200, s10  }
0xc5: {  	[spmem:s7] =	stream.indirect.scatter.add.f32 [tilespmem:s10], [sflag:$0x3], $0x1, s19, s14, $0xb8;
	[tilespmem:$0xB200] =	vst v63  }
0xc6: {  	_ =	swait.ge [sflag:s15], $0x50  }
0xc7: {  	[sflag:s15] =	ssyncset.done $0x0  }
0xc8: {  	[sflag:s15] =	ssyncadd.s32 $0xFFFFFFB0  }
0xc9: {  	_ =	swait.ge [sflag:s15], $0x50  }
0xca: {  	[sflag:s15] =	ssyncset.done $0x0  }
0xcb: {  	[sflag:s15] =	ssyncadd.s32 $0xFFFFFFB0  }
0xcc: {  	_ =	swait.ge [sflag:s15], $0x50  }
0xcd: {  	s10 =	simm.s32 $0x18;
	[sflag:s15] =	ssyncset.done $0x0  }
.LBB2_13:
0xce: {  	p0 =	sne.s32 s10, $0x1;
	s10 =	sadd.s32 $0xFFFFFFFF, s10;
	[sflag:s15] =	ssyncadd.s32 $0xFFFFFFB0  }
0xcf: {  	_ =	swait.ge [sflag:s15], $0x50  }
0xd0: {  	[sflag:s15] =	ssyncset.done $0x0  }
0xd1: {  	[sflag:s15] =	ssyncadd.s32 $0xFFFFFFB0  }
.Ltmp5:
0xd2: {  	_ =	swait.ge [sflag:s15], $0x50;
	(pc) =	sbr.rel @p0 .LBB2_13-.Ltmp5, $4  }
0xd3: {  	[sflag:s15] =	ssyncset.done $0x0  }
0xd4: {  	[sflag:s15] =	ssyncadd.s32 $0xFFFFFFB0  }
0xd5: {  	_ =	swait.ge [sflag:s15], $0x50  }
0xd6: {  	[sflag:s15] =	ssyncset.done $0x0  }
0xd7: {  	p0 =	seq.s32 s20, $0x18  }
.Ltmp6:
0xd8: {  	_ = 	snop;
	(pc) =	sbr.rel @p0 .LBB2_18-.Ltmp6, $2  }
0xd9: {  	_ =	sdelay $0x2  }
0xda: {  	[sflag:s15] =	ssyncadd.s32 $0xFFFFFFB0  }
0xdb: {  	s10 =	sadd.s32 s25, s17;
	s11 =	simm.s32 $0x6200  }
0xdc: {  	s12 =	simm.s32 $0xA;
	s25 =	sadd.s32 $0x0, s21;
	s19 =	simm.s32 $0x6280  }
.LBB2_16:
0xdd: {  	[tilespmem:s11], [sflag:$0x1] =	stream.linear.gather [hbm4b:s25+s8], $0x50, $0x38;
	[tilespmem:$0xB200] =	vst v63  }
0xde: {  	s25 =	smov.u32 s12;
	s11 =	smov.u32 s19;
	p0 =	sne.s32 s12, $0xF0  }
.Ltmp7:
0xdf: {  	s12 =	sadd.s32 $0xA, s12;
	(pc) =	sbr.rel @p0 .LBB2_16-.Ltmp7, $2  }
0xe0: {  	_ =	sdelay $0x2  }
0xe1: {  	s19 =	sadd.s32 $0x80, s19;
	s25 =	sadd.s32 s25, s21  }
0xe2: {  	[tilespmem:s11], [sflag:$0x1] =	stream.linear.gather [hbm4b:s25+s8], $0x50, $0x38;
	[tilespmem:$0xB200] =	vst v63  }
0xe3: {  	s10 =	sshrl.u32 s10, $0x3  }
0xe4: {  	s12 =	simm.s32 $0x7200;
	s25 =	sadd.s32 s0, s10  }
0xe5: {  	[tilespmem:s12], [sflag:$0x1] =	stream.linear.gather [hbm4b:s25+s8], $0x7D0, $0x38;
	[tilespmem:$0xB200] =	vst v63  }
0xe6: {  	s28 =	sadd.s32 s2, s10  }
0xe7: {  	[tilespmem:s29], [sflag:$0x1] =	stream.linear.gather [hbm4b:s28+s8], $0x7D0, $0x38;
	[tilespmem:$0xB200] =	vst v63  }
0xe8: {  	s10 =	sadd.s32 s3, s10  }
0xe9: {  	[tilespmem:s30], [sflag:$0x1] =	stream.linear.gather [hbm4b:s10+s8], $0x7D0, $0x38;
	[tilespmem:$0xB200] =	vst v63  }
.LBB2_18:
0xea: {  	_ =	swait.ge [sflag:s18], $0x50  }
0xeb: {  	[sflag:s18] =	ssyncset.done $0x0  }
0xec: {  	[sflag:s18] =	ssyncadd.s32 $0xFFFFFFB0  }
0xed: {  	_ =	swait.ge [sflag:s18], $0x50  }
0xee: {  	[sflag:s18] =	ssyncset.done $0x0  }
0xef: {  	[sflag:s18] =	ssyncadd.s32 $0xFFFFFFB0  }
0xf0: {  	_ =	swait.ge [sflag:s18], $0x50  }
0xf1: {  	[sflag:s18] =	ssyncset.done $0x0  }
0xf2: {  	[sflag:s18] =	ssyncadd.s32 $0xFFFFFFB0  }
0xf3: {  	_ =	swait.ge [sflag:s18], $0x50  }
0xf4: {  	[sflag:s18] =	ssyncset.done $0x0  }
0xf5: {  	[sflag:s18] =	ssyncadd.s32 $0xFFFFFFB0  }
0xf6: {  	_ =	swait.ge [sflag:s18], $0x50  }
0xf7: {  	[sflag:s18] =	ssyncset.done $0x0  }
0xf8: {  	[sflag:s18] =	ssyncadd.s32 $0xFFFFFFB0  }
0xf9: {  	_ =	swait.ge [sflag:s18], $0x50  }
0xfa: {  	[sflag:s18] =	ssyncset.done $0x0  }
0xfb: {  	[sflag:s18] =	ssyncadd.s32 $0xFFFFFFB0  }
0xfc: {  	_ =	swait.ge [sflag:s18], $0x50  }
0xfd: {  	[sflag:s18] =	ssyncset.done $0x0  }
0xfe: {  	[sflag:s18] =	ssyncadd.s32 $0xFFFFFFB0  }
0xff: {  	_ =	swait.ge [sflag:s18], $0x50  }
0x100: {  	[sflag:s18] =	ssyncset.done $0x0  }
0x101: {  	[sflag:s18] =	ssyncadd.s32 $0xFFFFFFB0  }
0x102: {  	_ =	swait.ge [sflag:s18], $0x50  }
0x103: {  	[sflag:s18] =	ssyncset.done $0x0  }
0x104: {  	[sflag:s18] =	ssyncadd.s32 $0xFFFFFFB0  }
0x105: {  	_ =	swait.ge [sflag:s18], $0x50  }
0x106: {  	[sflag:s18] =	ssyncset.done $0x0  }
0x107: {  	[sflag:s18] =	ssyncadd.s32 $0xFFFFFFB0  }
0x108: {  	_ =	swait.ge [sflag:s18], $0x50  }
0x109: {  	[sflag:s18] =	ssyncset.done $0x0  }
0x10a: {  	[sflag:s18] =	ssyncadd.s32 $0xFFFFFFB0  }
0x10b: {  	_ =	swait.ge [sflag:s18], $0x50  }
0x10c: {  	[sflag:s18] =	ssyncset.done $0x0  }
0x10d: {  	[sflag:s18] =	ssyncadd.s32 $0xFFFFFFB0  }
0x10e: {  	_ =	swait.ge [sflag:s18], $0x50  }
0x10f: {  	[sflag:s18] =	ssyncset.done $0x0  }
0x110: {  	[sflag:s18] =	ssyncadd.s32 $0xFFFFFFB0  }
0x111: {  	_ =	swait.ge [sflag:s18], $0x50  }
0x112: {  	[sflag:s18] =	ssyncset.done $0x0  }
0x113: {  	[sflag:s18] =	ssyncadd.s32 $0xFFFFFFB0  }
0x114: {  	_ =	swait.ge [sflag:s18], $0x50  }
0x115: {  	[sflag:s18] =	ssyncset.done $0x0  }
0x116: {  	[sflag:s18] =	ssyncadd.s32 $0xFFFFFFB0  }
0x117: {  	_ =	swait.ge [sflag:s18], $0x50  }
0x118: {  	[sflag:s18] =	ssyncset.done $0x0  }
0x119: {  	[sflag:s18] =	ssyncadd.s32 $0xFFFFFFB0  }
0x11a: {  	_ =	swait.ge [sflag:s18], $0x50  }
0x11b: {  	[sflag:s18] =	ssyncset.done $0x0  }
0x11c: {  	[sflag:s18] =	ssyncadd.s32 $0xFFFFFFB0  }
0x11d: {  	_ =	swait.ge [sflag:s18], $0x50  }
0x11e: {  	[sflag:s18] =	ssyncset.done $0x0  }
0x11f: {  	[sflag:s18] =	ssyncadd.s32 $0xFFFFFFB0  }
0x120: {  	_ =	swait.ge [sflag:s18], $0x50  }
0x121: {  	[sflag:s18] =	ssyncset.done $0x0  }
0x122: {  	[sflag:s18] =	ssyncadd.s32 $0xFFFFFFB0  }
0x123: {  	_ =	swait.ge [sflag:s18], $0x50  }
0x124: {  	[sflag:s18] =	ssyncset.done $0x0  }
0x125: {  	[sflag:s18] =	ssyncadd.s32 $0xFFFFFFB0  }
0x126: {  	_ =	swait.ge [sflag:s18], $0x50  }
0x127: {  	[sflag:s18] =	ssyncset.done $0x0  }
0x128: {  	[sflag:s18] =	ssyncadd.s32 $0xFFFFFFB0  }
0x129: {  	_ =	swait.ge [sflag:s18], $0x50  }
0x12a: {  	[sflag:s18] =	ssyncset.done $0x0  }
0x12b: {  	[sflag:s18] =	ssyncadd.s32 $0xFFFFFFB0  }
0x12c: {  	_ =	swait.ge [sflag:s18], $0x50  }
0x12d: {  	[sflag:s18] =	ssyncset.done $0x0  }
0x12e: {  	[sflag:s18] =	ssyncadd.s32 $0xFFFFFFB0  }
0x12f: {  	_ =	swait.ge [sflag:s18], $0x50  }
0x130: {  	[sflag:s18] =	ssyncset.done $0x0  }
0x131: {  	[sflag:s18] =	ssyncadd.s32 $0xFFFFFFB0  }
0x132: {  	_ =	swait.ge [sflag:s18], $0x50  }
0x133: {  	[sflag:s18] =	ssyncset.done $0x0  }
0x134: {  	[sflag:s18] =	ssyncadd.s32 $0xFFFFFFB0  }
0x135: {  	_ =	swait.ge [sflag:s18], $0x7D0  }
0x136: {  	[sflag:s18] =	ssyncset.done $0x0  }
0x137: {  	[sflag:s18] =	ssyncadd.s32 $0xFFFFF830  }
0x138: {  	_ =	swait.ge [sflag:s18], $0x7D0  }
0x139: {  	[sflag:s18] =	ssyncset.done $0x0  }
0x13a: {  	[sflag:s18] =	ssyncadd.s32 $0xFFFFF830  }
0x13b: {  	_ =	swait.ge [sflag:s18], $0x7D0  }
0x13c: {  	[sflag:s18] =	ssyncset.done $0x0  }
0x13d: {  	s10 =	simm.s32 $0x0;
	[sflag:s18] =	ssyncadd.s32 $0xFFFFF830  }
0x13e: {  	v1 =	vld [tilespmem:s10+$0x9A00]  }
0x13f: {  	s12 =	simm.s32 $0x40;
	s11 =	simm.s32 $0x0;
	v2 =	vld [tilespmem:s10+$0xA200]  }
.LBB2_19:
0x140: {  	p0 =	sne.s32 s12, $0x1F00;
	v3 =	vld [tilespmem:s11+$0xAA00];
	_ =	sdelay $0x2  }
0x141: {  	v1 =	vmul.f32 $1.442695020e+00, v1  }
0x142: {  	v2 =	vmul.f32 $1.442695020e+00, v2  }
0x143: {  	v3 =	vmul.f32 $1.442695020e+00, v3;
	(erf) = vpow2.f32 v1  }
0x144: {  	(erf) = vpow2.f32 v2  }
0x145: {  	(erf) = vpow2.f32 v3;
	_ =	sdelay $0x5  }
.Ltmp8:
0x146: {  	(pc) =	sbr.rel @p0 .LBB2_19-.Ltmp8, $4  }
0x147: {  	v1 =	vpop (erf)  }
0x148: {  	s19 =	sshra.s32 s12, $0x2;
	[tilespmem:s11+$0x9A00] =	vst v1;
	v2 =	vpop (erf)  }
0x149: {  	v1 =	vld [tilespmem:s19+$0x9A00];
	[tilespmem:s11+$0xA200] =	vst v2;
	v3 =	vpop (erf)  }
0x14a: {  	s12 =	sadd.s32 $0x40, s12;
	v2 =	vld [tilespmem:s19+$0xA200];
	[tilespmem:s11+$0xAA00] =	vst v3;
	s11 =	smov.u32 s19  }
0x14b: {  	v3 =	vld [tilespmem:s11+$0xAA00];
	_ =	sdelay $0x2  }
0x14c: {  	v1 =	vmul.f32 $1.442695020e+00, v1  }
0x14d: {  	v2 =	vmul.f32 $1.442695020e+00, v2  }
0x14e: {  	v3 =	vmul.f32 $1.442695020e+00, v3;
	(erf) = vpow2.f32 v1  }
0x14f: {  	(erf) = vpow2.f32 v2  }
0x150: {  	(erf) = vpow2.f32 v3;
	_ =	sdelay $0x6  }
0x151: {  	v1 =	vpop (erf)  }
0x152: {  	[tilespmem:s11+$0x9A00] =	vst v1;
	v1 =	vpop (erf)  }
0x153: {  	[tilespmem:s11+$0xA200] =	vst v1;
	v1 =	vpop (erf)  }
0x154: {  	s12 =	simm.s32 $0x9A00;
	[tilespmem:s11+$0xAA00] =	vst v1;
	s11 =	simm.s32 $0x8A00  }
0x155: {  	[spmem:s4] =	stream.indirect.scatter.add.f32 [tilespmem:s12], [sflag:$0x3], $0x1, s11, s14, $0xb8;
	[tilespmem:$0xB200] =	vst v63  }
0x156: {  	s28 =	simm.s32 $0xA200;
	s19 =	simm.s32 $0x8A00;
	s12 =	simm.s32 $0x140  }
0x157: {  	[spmem:s6] =	stream.indirect.scatter.add.f32 [tilespmem:s28], [sflag:$0x3], $0x1, s11, s14, $0xb8;
	[tilespmem:$0xB200] =	vst v63  }
.LBB2_21:
0x158: {  	s21 =	sadd.s32 $0xAA00, s10  }
0x159: {  	s10 =	sshra.s32 s12, $0x2;
	s11 =	sadd.s32 $0x80, s11;
	p0 =	sne.s32 s12, $0x1E00  }
0x15a: {  	[spmem:s7] =	stream.indirect.scatter.add.f32 [tilespmem:s21], [sflag:$0x3], $0x1, s19, s14, $0xb8;
	[tilespmem:$0xB200] =	vst v63  }
.Ltmp9:
0x15b: {  	_ = 	snop;
	(pc) =	sbr.rel @p0 .LBB2_21-.Ltmp9, $4  }
0x15c: {  	s12 =	sadd.s32 $0x140, s12;
	s19 =	sadd.s32 $0x9A00, s10  }
0x15d: {  	[spmem:s4] =	stream.indirect.scatter.add.f32 [tilespmem:s19], [sflag:$0x3], $0x1, s11, s14, $0xb8;
	[tilespmem:$0xB200] =	vst v63  }
0x15e: {  	s21 =	sadd.s32 $0xA200, s10;
	s19 =	smov.u32 s11  }
0x15f: {  	[spmem:s6] =	stream.indirect.scatter.add.f32 [tilespmem:s21], [sflag:$0x3], $0x1, s11, s14, $0xb8;
	[tilespmem:$0xB200] =	vst v63  }
0x160: {  	s10 =	sadd.s32 $0xAA00, s10  }
0x161: {  	[spmem:s7] =	stream.indirect.scatter.add.f32 [tilespmem:s10], [sflag:$0x3], $0x1, s19, s14, $0xb8;
	[tilespmem:$0xB200] =	vst v63  }
0x162: {  	_ =	swait.ge [sflag:s15], $0x50  }
0x163: {  	[sflag:s15] =	ssyncset.done $0x0  }
0x164: {  	[sflag:s15] =	ssyncadd.s32 $0xFFFFFFB0  }
0x165: {  	_ =	swait.ge [sflag:s15], $0x50  }
0x166: {  	[sflag:s15] =	ssyncset.done $0x0  }
0x167: {  	[sflag:s15] =	ssyncadd.s32 $0xFFFFFFB0  }
0x168: {  	_ =	swait.ge [sflag:s15], $0x50  }
0x169: {  	s10 =	simm.s32 $0x18;
	[sflag:s15] =	ssyncset.done $0x0  }
.LBB2_23:
0x16a: {  	p0 =	sne.s32 s10, $0x1;
	s10 =	sadd.s32 $0xFFFFFFFF, s10;
	[sflag:s15] =	ssyncadd.s32 $0xFFFFFFB0  }
0x16b: {  	_ =	swait.ge [sflag:s15], $0x50  }
0x16c: {  	[sflag:s15] =	ssyncset.done $0x0  }
0x16d: {  	[sflag:s15] =	ssyncadd.s32 $0xFFFFFFB0  }
.Ltmp10:
0x16e: {  	_ =	swait.ge [sflag:s15], $0x50;
	(pc) =	sbr.rel @p0 .LBB2_23-.Ltmp10, $4  }
0x16f: {  	[sflag:s15] =	ssyncset.done $0x0  }
0x170: {  	[sflag:s15] =	ssyncadd.s32 $0xFFFFFFB0  }
0x171: {  	_ =	swait.ge [sflag:s15], $0x50  }
0x172: {  	[sflag:s15] =	ssyncset.done $0x0  }
0x173: {  	s20 =	sadd.s32 $0x1, s20  }
0x174: {  	p0 =	sne.s32 s20, $0x19  }
.Ltmp11:
0x175: {  	_ = 	snop;
	(pc) =	sbr.rel @p0 .LBB2_6-.Ltmp11, $2  }
0x176: {  	_ =	sdelay $0x2  }
0x177: {  	[sflag:s15] =	ssyncadd.s32 $0xFFFFFFB0;
	s23 =	sadd.s32 $0x1F4, s23;
	s24 =	sadd.s32 $0xFA0, s24  }
0x178: {  	s10 =	stileid.u32;
	[bflag:$0x0] =	sbarrier.arrive $0xFFFF  }
0x179: {  	s10 =	sshll.u32 s10, $0x6;
	s19 =	rddreg [dreg:$0x8]  }
0x17a: {  	s12 =	rddreg [dreg:$0xe];
	s10 =	sor.u32 $0x1C04, s10;
	s11 =	sshrl.u32 s19, $0x3  }
0x17b: {  	[hbm:s12], [sflag:s10] =	dma.local [spmem:s11], $0x310  }
0x17c: {  	_ =	swait.ge [sflag:s26], $0x310  }
0x17d: {  	[sflag:s26] =	ssyncset.done $0x0;
	s20 =	rddreg [dreg:$0x9]  }
0x17e: {  	s21 =	rddreg [dreg:$0xf];
	[sflag:s26] =	ssyncadd.s32 $0xFFFFFCF0;
	s12 =	sshrl.u32 s20, $0x3  }
0x17f: {  	[hbm:s21], [sflag:s10] =	dma.local [spmem:s12], $0x310  }
0x180: {  	_ =	swait.ge [sflag:s26], $0x310  }
0x181: {  	[sflag:s26] =	ssyncset.done $0x0;
	s21 =	rddreg [dreg:$0xa]  }
0x182: {  	s24 =	rddreg [dreg:$0x10];
	[sflag:s26] =	ssyncadd.s32 $0xFFFFFCF0;
	s23 =	sshrl.u32 s21, $0x3  }
0x183: {  	[hbm:s24], [sflag:s10] =	dma.local [spmem:s23], $0x310  }
0x184: {  	_ =	swait.ge [sflag:s26], $0x310  }
0x185: {  	s25 =	rddreg [dreg:$0x14]  }
0x186: {  	s28 =	rddreg [dreg:$0x11];
	s11 =	sadd.s32 $0x1, s25  }
0x187: {  	p0 =	sne.s32 s11, s28  }
.Ltmp12:
0x188: {  	_ = 	snop;
	(pc) =	sbr.rel @p0 .LBB2_1-.Ltmp12, $3  }
0x189: {  	_ =	sdelay $0x1  }
0x18a: {  	[sflag:s26] =	ssyncset.done $0x0  }
0x18b: {  	[sflag:s26] =	ssyncadd.s32 $0xFFFFFCF0  }
0x18c: {  	_ =	sfence.sel $0x180000  }
0x18d: {  	[bflag:$0x0] =	sbarrier.arrive $0xFFFF  }
0x18e: {  	_ =	strace $0x90000047  }
0x18f: {  	s0 =	stileid.u32;
	[bflag:$0x2] =	sbarrier.arrive $0xFFFF  }
0x190: {  	p0 =	sne.s32 s0, $0x0;
	s0 =	rddreg [dreg:$0x7]  }
0x191: {  	s0 =	sadd.s32 @!p0 $0x100000, s0  }
0x192: {  	[sflag:s0] =	ssyncadd.tile.s32 @!p0 $0x1;
	_ =	shalt  }
.Lfunc_end2:
_tile_overlayer_lowered:
.L_overlay_start_2:
0x193: {  	(tag) =	ssettag $0x2  }
0x194: {  	s0 =	rddreg [dreg:$0x0];
	s2 =	stileid.u32  }
0x195: {  	s1 =	rddreg [dreg:$0x1];
	p0 =	sne.s32 s2, $0x0  }
0x196: {  	s3 =	rddreg [dreg:$0x2];
	[bflag:$0x3] =	sbarrier.arrive $0xFFFF;
	s2 =	simm.s32 @!p0 $0x1C04  }
0x197: {  	[timem:s3], [sflag:s2] =	dma.local @!p0 [hbm:s0], s1  }
0x198: {  	s0 =	simm.s32 @!p0 $0x4  }
0x199: {  	_ =	swait.ge @!p0 [sflag:s0], s1  }
0x19a: {  	s1 =	ssub.s32 @!p0 $0x0, s1;
	[sflag:s0] =	ssyncset.done @!p0 $0x0  }
0x19b: {  	[sflag:s0] =	ssyncadd.s32 @!p0 s1  }
0x19c: {  	[bflag:$0x3] =	sbarrier.arrive $0xFFFF  }
0x19d: {  	_ =	shalt  }

// kernel: kernel.8.cloned.1.call-start
scs
__scs_entry_jumppad:
0x0: {  	(pc) =	sbr.rel $0x88, $3  }
0x1: {  	(tag) =	ssettag $0x0;
	lr =	simm.s32 $0x1  }
0x2: {  	[smem:$0x3F9A] =	sst lr;
	_ =	strace $0xD0000000  }
0x3: {  	_ = 	snop  }
0x4: {  	_ = 	snop  }
0x5: {  	_ = 	snop  }
0x6: {  	_ = 	snop  }
0x7: {  	_ = 	snop  }
__scs_overlays_trampoline_lowered:
0x8: {  	[smem:$0x3FA9] =	sst s0  }
0x9: {  	[smem:$0x3FAA] =	sst s1  }
0xa: {  	[smem:$0x3FAB] =	sst s2  }
0xb: {  	[smem:$0x3FAC] =	sst s3  }
0xc: {  	[smem:$0x3FAD] =	sst s4  }
0xd: {  	[smem:$0x3FAE] =	sst s5  }
0xe: {  	[smem:$0x3FAF] =	sst s6  }
0xf: {  	[smem:$0x3FB0] =	sst s7  }
0x10: {  	[smem:$0x3FB1] =	sst s8  }
0x11: {  	[smem:$0x3FB2] =	sst s9;
	s0 =	simm.s32 @!p0 $0x0  }
0x12: {  	s1 =	sld [smem:$0x3F98];
	s0 =	simm.s32 @p0 $0x1  }
0x13: {  	[smem:$0x3FB3] =	sst s0;
	s0 =	simm.s32 @!p1 $0x0  }
0x14: {  	s2 =	sld [smem:$0x3F97];
	s0 =	simm.s32 @p1 $0x1  }
0x15: {  	[smem:$0x3FB4] =	sst s0;
	s0 =	simm.s32 @!p2 $0x0  }
0x16: {  	s3 =	sld [smem:$0x3FDB];
	s0 =	simm.s32 @p2 $0x1  }
0x17: {  	s4 =	simm.s32 $0x1BF5;
	[smem:$0x3FB6] =	sst s0  }
0x18: {  	s0 =	sld [smem:$0x3F99];
	_ =	swait.ge [sflag:s4], $0x0  }
0x19: {  	s7 =	sld [smem:$0x3F9A]  }
0x1a: {  	s8 =	sadd.s32 $0xFFFFE003, lr  }
0x1b: {  	s9 =	sadd.s32 $0xFFFFFEF7, lr;
	s5 =	simm.s32 $0xFFFFFFFF;
	p2 =	slt.u32 s8, $0xFFFFF086  }
0x1c: {  	p1 =	slt.u32 s9, $0xF7A;
	s5 =	simm.s32 @!p2 $0x0  }
0x1d: {  	s5 =	simm.s32 @p1 $0x1;
	p0 =	seq.s32 s7, s2  }
0x1e: {  	s7 =	smul.u32 @!p0 $0xF7A, s2;
	p2 =	seq.s32 @!p0 s5, $0x0  }
0x1f: {  	s9 =	smul.u32 $0xF7A, s1;
	s8 =	simm.s32 @!p0 $0x1BF5;
	p2 =	por !p2, p0  }
0x20: {  	[sflag:s8] =	ssyncset.s32 @!p0 $0xFFFFF086;
	s6 =	sadd.s32 @!p0 s3, s7;
	s7 =	simm.s32 @!p0 $0x108  }
0x21: {  	s3 =	sadd.s32 s3, s9;
	s6 =	sadd.s32 @!p0 $0x88, s6;
	s7 =	simm.s32 @p2 $0x1082  }
0x22: {  	[simem:s7], [sflag:s8] =	dma.local @!p0 [hbm:s6], $0xF7A  }
0x23: {  	s9 =	sor.u32 $0xD0000000, s2;
	s6 =	simm.s32 $0x108;
	_ =	swait.ge @!p0 [sflag:s8], $0x0  }
0x24: {  	s3 =	sadd.s32 $0x88, s3;
	s6 =	simm.s32 @!p1 $0x1082;
	[sflag:s4] =	ssyncset.s32 $0xFFFFF086  }
0x25: {  	[simem:s6], [sflag:s4] =	dma.local [hbm:s3], $0xF7A  }
0x26: {  	[smem:$0x3F9A] =	sst s1;
	(tag) =	ssettag s2;
	_ =	strace s9  }
0x27: {  	s1 =	sld [smem:$0x3FAA]  }
0x28: {  	s2 =	sld [smem:$0x3FAB]  }
0x29: {  	s4 =	sld [smem:$0x3FAD]  }
0x2a: {  	p0 =	seq.s32 s5, $0x0;
	s5 =	sld [smem:$0x3FAE]  }
0x2b: {  	s6 =	sld [smem:$0x3FAF]  }
0x2c: {  	s7 =	sld [smem:$0x3FB0]  }
0x2d: {  	s3 =	simm.s32 $0x108;
	s8 =	sld [smem:$0x3FB1]  }
0x2e: {  	s3 =	simm.s32 @!p0 $0x1082;
	s9 =	sld [smem:$0x3FB2]  }
0x2f: {  	lr =	sadd.s32 s0, s3;
	s0 =	sld [smem:$0x3FA9]  }
0x30: {  	s3 =	sld [smem:$0x3FAC]  }
0x31: {  	[smem:$0x3FB5] =	sst s10  }
0x32: {  	s10 =	sld [smem:$0x3FB3];
	_ =	sdelay $0x3  }
0x33: {  	p0 =	seq.s32 s10, $0x1;
	s10 =	sld [smem:$0x3FB5];
	_ =	sdelay $0x3  }
0x34: {  	[smem:$0x3FB5] =	sst s10  }
0x35: {  	s10 =	sld [smem:$0x3FB4];
	_ =	sdelay $0x3  }
0x36: {  	p1 =	seq.s32 s10, $0x1;
	s10 =	sld [smem:$0x3FB5];
	_ =	sdelay $0x3  }
0x37: {  	[smem:$0x3FB5] =	sst s10  }
0x38: {  	s10 =	sld [smem:$0x3FB6]  }
0x39: {  	_ = 	snop;
	(pc) =	sbr.ind lr, $3  }
0x3a: {  	_ = 	snop  }
0x3b: {  	_ = 	snop  }
0x3c: {  	p2 =	seq.s32 s10, $0x1;
	s10 =	sld [smem:$0x3FB5]  }
0x3d: {  	_ =	shalt  }
0x3e: {  	_ =	shalt  }
0x3f: {  	_ =	shalt  }
0x40: {  	_ =	shalt  }
0x41: {  	_ =	shalt  }
0x42: {  	_ =	shalt  }
0x43: {  	_ =	shalt  }
0x44: {  	_ =	shalt  }
0x45: {  	_ =	shalt  }
0x46: {  	_ =	shalt  }
0x47: {  	_ =	shalt  }
0x48: {  	_ =	shalt  }
0x49: {  	_ =	shalt  }
0x4a: {  	_ =	shalt  }
0x4b: {  	_ =	shalt  }
0x4c: {  	_ =	shalt  }
0x4d: {  	_ =	shalt  }
0x4e: {  	_ =	shalt  }
0x4f: {  	_ =	shalt  }
0x50: {  	_ =	shalt  }
0x51: {  	_ =	shalt  }
0x52: {  	_ =	shalt  }
0x53: {  	_ =	shalt  }
0x54: {  	_ =	shalt  }
0x55: {  	_ =	shalt  }
0x56: {  	_ =	shalt  }
0x57: {  	_ =	shalt  }
0x58: {  	_ =	shalt  }
0x59: {  	_ =	shalt  }
0x5a: {  	_ =	shalt  }
0x5b: {  	_ =	shalt  }
0x5c: {  	_ =	shalt  }
0x5d: {  	_ =	shalt  }
0x5e: {  	_ =	shalt  }
0x5f: {  	_ =	shalt  }
0x60: {  	_ =	shalt  }
0x61: {  	_ =	shalt  }
0x62: {  	_ =	shalt  }
0x63: {  	_ =	shalt  }
0x64: {  	_ =	shalt  }
0x65: {  	_ =	shalt  }
0x66: {  	_ =	shalt  }
0x67: {  	_ =	shalt  }
0x68: {  	_ =	shalt  }
0x69: {  	_ =	shalt  }
0x6a: {  	_ =	shalt  }
0x6b: {  	_ =	shalt  }
0x6c: {  	_ =	shalt  }
0x6d: {  	_ =	shalt  }
0x6e: {  	_ =	shalt  }
0x6f: {  	_ =	shalt  }
0x70: {  	_ =	shalt  }
0x71: {  	_ =	shalt  }
0x72: {  	_ =	shalt  }
0x73: {  	_ =	shalt  }
0x74: {  	_ =	shalt  }
0x75: {  	_ =	shalt  }
0x76: {  	_ =	shalt  }
0x77: {  	_ =	shalt  }
0x78: {  	_ =	shalt  }
0x79: {  	_ =	shalt  }
0x7a: {  	_ =	shalt  }
0x7b: {  	_ =	shalt  }
0x7c: {  	_ =	shalt  }
0x7d: {  	_ =	shalt  }
0x7e: {  	_ =	shalt  }
0x7f: {  	_ =	shalt  }
0x80: {  	_ =	shalt  }
0x81: {  	_ =	shalt  }
0x82: {  	_ =	shalt  }
0x83: {  	_ =	shalt  }
0x84: {  	_ =	shalt  }
0x85: {  	_ =	shalt  }
0x86: {  	_ =	shalt  }
0x87: {  	_ =	shalt  }
.Lfunc_end0:
.L_simem_size_0:
called_computation.1_lowered:
.L_overlay_start_0:
0x88: {  	s2 =	sld [smem:$0x3FD9]  }
0x89: {  	s3 =	sld [smem:$0x3FFE];
	_ =	sdelay $0x1  }
0x8a: {  	s1 =	srdreg.scid  }
0x8b: {  	s0 =	sand.u32 $0x1, s1  }
0x8c: {  	s17 =	sshll.u32 s0, $0xA;
	s2 =	sadd.s32 s3, s2  }
0x8d: {  	s2 =	sadd.s32 s2, s17  }
0x8e: {  	[smem:$0x3FC1] =	sst s2  }
0x8f: {  	_ = 	snop  }
0x90: {  	s2 =	sld [smem:$0x3FC8]  }
0x91: {  	s18 =	sld [smem:$0x3FC4];
	(tm) =	ssettm $0x1  }
0x92: {  	s4 =	sld [smem:$0x3FFB];
	_ =	sdelay $0x3  }
0x93: {  	_ =	strace s4  }
0x94: {  	s4 =	sld [smem:$0x3FFC];
	_ =	sdelay $0x3  }
0x95: {  	_ =	strace s4  }
0x96: {  	s4 =	sld [smem:$0x3FFD];
	_ =	sdelay $0x3  }
0x97: {  	_ =	strace s4  }
0x98: {  	_ =	strace $0x8FFFFFFF  }
0x99: {  	s19 =	sld [smem:$0x3FDB];
	_ =	sdelay $0x1  }
0x9a: {  	s5 =	simm.s32 $_scs_section_size  }
0x9b: {  	s6 =	simm.s32 $_size__tile_overlayer_lowered;
	s7 =	simm.s32 $_tile_overlayer_lowered  }
0x9c: {  	s22 =	simm.s32 $0x1BFF;
	s21 =	sshll.u32 s7, $0x1;
	s4 =	sadd.s32 s5, s19  }
0x9d: {  	s8 =	simm.s32 $0x0;
	s20 =	sshll.u32 s6, $0x1;
	s6 =	sadd.s32 s21, s4  }
0x9e: {  	[timem:s8], [sflag:s22] =	dma.local [hbm:s6], s20  }
0x9f: {  	_ =	swait.ge [sflag:s22], s20  }
0xa0: {  	s5 =	ssub.s32 $0x0, s20;
	[sflag:s22] =	ssyncset.done $0x0  }
0xa1: {  	[sflag:s22] =	ssyncadd.s32 s5;
	_ =	sdelay $0x1  }
0xa2: {  	s23 =	simm.s32 $0x1B8B  }
0xa3: {  	_ =	swait.ge [sflag:s23], $0x1  }
0xa4: {  	[sflag:s23] =	ssyncset.done $0x0  }
0xa5: {  	s25 =	simm.s32 $0x1B8E;
	s24 =	sld [smem:$0x3FFE];
	[sflag:s23] =	ssyncadd.s32 $0xFFFFFFFF  }
0xa6: {  	s26 =	simm.s32 $execute0_lowered;
	[smem:$0x3FD2] =	sst s25  }
0xa7: {  	s6 =	sshll.u32 s26, $0x1;
	_ =	strace $0x80000049;
	[dreg:$0x1] =	wrdreg $0xFFFFFFFF  }
0xa8: {  	s28 =	simm.s32 $_size_execute0_lowered;
	s4 =	sadd.s32 s4, s6;
	[dreg:$0x0] =	wrdreg $0x0  }
0xa9: {  	s6 =	sshll.u32 s28, $0x1;
	[dreg:$0x2] =	wrdreg s4  }
0xaa: {  	[dreg:$0x3] =	wrdreg s6  }
0xab: {  	[dreg:$0x4] =	wrdreg $0xC0  }
0xac: {  	_ =	task [dreg:s8], $0x5FFFF  }
0xad: {  	[dreg:$0x1] =	wrdreg $0xFFFFFFFF  }
0xae: {  	[dreg:$0x0] =	wrdreg $0x60  }
0xaf: {  	[dreg:$0x2] =	wrdreg s18  }
0xb0: {  	[dreg:$0x3] =	wrdreg s2  }
0xb1: {  	[dreg:$0x4] =	wrdreg s24  }
0xb2: {  	[dreg:$0x5] =	wrdreg $0x0  }
0xb3: {  	[dreg:$0x6] =	wrdreg $0x9  }
0xb4: {  	_ =	task.clear_ibuf [dreg:s8], $0x7FFFF;
	_ =	strace $0x90000049  }
0xb5: {  	s29 =	simm.s32 $0x9;
	_ =	strace $0x8000004B  }
0xb6: {  	_ =	swait.ge [sflag:s29], $0x1  }
0xb7: {  	[sflag:s29] =	ssyncadd.s32 $0xFFFFFFFF  }
0xb8: {  	_ =	strace $0x9000004B  }
0xb9: {  	_ =	sfence  }
0xba: {  	s30 =	sld [smem:$0x0];
	_ =	sdelay $0x2  }
0xbb: {  	s31 =	sshll.u32 s1, $0xD;
	s1 =	sshrl.u32 s1, $0x2  }
0xbc: {  	s3 =	sand.u32 $0x4000, s31;
	s1 =	sadd.s32 s1, s30  }
0xbd: {  	s0 =	sor.u32 s3, s0;
	s1 =	sshll.u32 s1, $0x11  }
0xbe: {  	s0 =	sor.u32 s1, s0  }
0xbf: {  	s0 =	sadd.s32 $0x8F2B, s0  }
0xc0: {  	[sflag:s0] =	ssyncadd.remote.s32 $0x1  }
0xc1: {  	_ =	sfence.sel $0xFFFF  }
0xc2: {  	[dreg:$0x0] =	wrdreg $0xFFFFFFFF;
	(pc) =	sbr.abs _section_cstart, $3  }
0xc3: {  	[dreg:$0x1] =	wrdreg $0xFFFFFFFF  }
0xc4: {  	_ =	task.clear_ibuf [dreg:s8], $0x2FFFF;
	_ =	strace $0x9FFFFFFF  }
0xc5: {  	(tm) =	ssettm $0x7FFFFFFF  }
tec
execute0_lowered:
.L_overlay_start_1:
0x0: {  	(tag) =	ssettag $0x1  }
0x1: {  	s1 =	rddreg [dreg:$0x0]  }
0x2: {  	s2 =	rddreg [dreg:$0x1]  }
0x3: {  	s0 =	rddreg [dreg:$0x2]  }
0x4: {  	s4 =	rddreg [dreg:$0x3];
	s3 =	srdreg.scid  }
0x5: {  	s13 =	stileid.u32;
	s5 =	simm.s32 $0x0;
	s28 =	simm.s32 $0x1B880  }
0x6: {  	s31 =	simm.s32 $0x1E7B0;
	s14 =	simm.s32 $0x0;
	s3 =	sand.u32 $0x1, s3  }
0x7: {  	s8 =	smul.u32 $0x1880, s13;
	[smem:$0x7FF] =	sst s5;
	s6 =	sadd.s32 $0x63000, s0  }
0x8: {  	s7 =	sadd.s32 $0x1400, s0;
	s10 =	sadd.s32 $0xD7200, s0;
	s21 =	smul.u32 $0x186A0, s13  }
0x9: {  	s9 =	smul.u32 $0x18800, s3;
	_ =	strace $0x8000004A;
	[dreg:$0x5] =	wrdreg s10  }
0xa: {  	s11 =	sshll.u32 s3, $0x4;
	s16 =	ssub.s32 $0x2, s3;
	s3 =	smul.u32 $0x186A00, s3  }
0xb: {  	s11 =	sor.u32 s13, s11;
	s12 =	sshrl.u32 s16, $0x1;
	s13 =	simm.s32 $0x1E800  }
0xc: {  	s15 =	sadd.s32 s8, s9;
	s9 =	sadd.s32 $0xE0800, s0;
	s11 =	smul.u32 $0x186A0, s11  }
0xd: {  	s17 =	ssub.s32 s16, s12;
	s3 =	sadd.s32 s21, s3;
	s12 =	simm.s32 $0x50  }
0xe: {  	s10 =	sshrl.u32 s15, $0x3;
	s15 =	sadd.s32 s8, s4;
	s8 =	smax.u32 s17, $0x1  }
0xf: {  	s26 =	sadd.s32 $0x7D0, s3;
	s30 =	sadd.s32 $0xFA0, s3;
	[dreg:$0xf] =	wrdreg s8  }
0x10: {  	s29 =	sshrl.u32 s3, $0x3;
	s17 =	simm.s32 $0x3;
	[dreg:$0x11] =	wrdreg s30  }
0x11: {  	s3 =	simm.s32 $0x1D480;
	s18 =	sadd.s32 $0x7D0, s15;
	[dreg:$0x6] =	wrdreg s15  }
0x12: {  	s0 =	sadd.s32 s10, s0;
	s19 =	sadd.s32 $0xFA0, s15;
	[dreg:$0x7] =	wrdreg s18  }
0x13: {  	s20 =	sshrl.u32 s11, $0x3;
	s22 =	sadd.s32 $0x1770, s15;
	[dreg:$0x8] =	wrdreg s19  }
0x14: {  	s25 =	sadd.s32 $0xFA0, s11;
	s8 =	simm.s32 $0x1;
	[dreg:$0x9] =	wrdreg s22  }
0x15: {  	s23 =	sadd.s32 s6, s20;
	s24 =	sadd.s32 s1, s20;
	[dreg:$0xd] =	wrdreg s25  }
0x16: {  	s10 =	sadd.s32 s2, s20;
	s18 =	sadd.s32 $0x7D0, s11;
	[dreg:$0xa] =	wrdreg s23  }
0x17: {  	s0 =	sadd.s32 $0xC4C00, s0;
	s22 =	sadd.s32 s29, s7;
	[dreg:$0xb] =	wrdreg s24  }
0x18: {  	s25 =	simm.s32 $0x1880;
	[dreg:$0xe] =	wrdreg s0;
	s0 =	sshrl.u32 s26, $0x3  }
0x19: {  	s20 =	simm.s32 $0x2;
	[dreg:$0xc] =	wrdreg s10;
	s0 =	sadd.s32 s0, s7  }
0x1a: {  	v0 =	vimm.f32 $0.0e+00;
	s26 =	simm.s32 $0x4;
	[dreg:$0x10] =	wrdreg s0;
	s0 =	simm.s32 $0x1E080  }
.LBB2_1:
0x1b: {  	[dreg:$0x12] =	wrdreg s14  }
0x1c: {  	s10 =	rddreg [dreg:$0x5]  }
0x1d: {  	[tilespmem:s25], [sflag:$0x4] =	stream.linear.gather [hbm4b:s10+s5], $0x18800, $0x38;
	[tilespmem:$0x1F080] =	vst v63  }
0x1e: {  	_ =	swait.ge [sflag:s26], $0x18800  }
0x1f: {  	[sflag:s26] =	ssyncset.done $0x0  }
0x20: {  	s14 =	simm.s32 $0x0;
	s10 =	simm.s32 $0x40;
	[sflag:s26] =	ssyncadd.s32 $0xFFFE7800  }
.LBB2_2:
0x21: {  	p0 =	sne.s32 s10, $0x1F00;
	[tilespmem:s14+$0x1B880] =	vst v0;
	s14 =	smov.u32 s10;
	s10 =	sadd.s32 $0x40, s10  }
.Ltmp0:
0x22: {  	(pc) =	sbr.rel @p0 .LBB2_2-.Ltmp0, $2  }
0x23: {  	_ =	sdelay $0x2  }
0x24: {  	s14 =	sshra.s32 s14, $0x2  }
0x25: {  	[tilespmem:s14+$0x1B880] =	vst v0  }
0x26: {  	[spmem:s15] =	stream.linear.scatter [tilespmem:s28], [sflag:$0x4], $0x7D0, $0x38;
	[tilespmem:$0x1F080] =	vst v63  }
0x27: {  	_ =	swait.ge [sflag:s26], $0x7D0  }
0x28: {  	[sflag:s26] =	ssyncset.done $0x0  }
0x29: {  	s10 =	rddreg [dreg:$0x7];
	[sflag:s26] =	ssyncadd.s32 $0xFFFFF830  }
0x2a: {  	[spmem:s10] =	stream.linear.scatter [tilespmem:s28], [sflag:$0x4], $0x7D0, $0x38;
	[tilespmem:$0x1F080] =	vst v63  }
0x2b: {  	_ =	swait.ge [sflag:s26], $0x7D0  }
0x2c: {  	[sflag:s26] =	ssyncset.done $0x0  }
0x2d: {  	s29 =	rddreg [dreg:$0x8];
	[sflag:s26] =	ssyncadd.s32 $0xFFFFF830  }
0x2e: {  	[spmem:s29] =	stream.linear.scatter [tilespmem:s28], [sflag:$0x4], $0x7D0, $0x38;
	[tilespmem:$0x1F080] =	vst v63  }
0x2f: {  	_ =	swait.ge [sflag:s26], $0x7D0  }
0x30: {  	[sflag:s26] =	ssyncset.done $0x0  }
0x31: {  	s30 =	rddreg [dreg:$0x9];
	[sflag:s26] =	ssyncadd.s32 $0xFFFFF830  }
0x32: {  	[spmem:s30] =	stream.linear.scatter [tilespmem:s28], [sflag:$0x4], $0x110, $0x38;
	[tilespmem:$0x1F080] =	vst v63  }
0x33: {  	_ =	swait.ge [sflag:s26], $0x110  }
0x34: {  	[sflag:s26] =	ssyncset.done $0x0  }
0x35: {  	s14 =	simm.s32 $0xA;
	s16 =	sadd.s32 $0x0, s22;
	[sflag:s26] =	ssyncadd.s32 $0xFFFFFEF0  }
0x36: {  	s15 =	simm.s32 $0x1A100;
	s10 =	simm.s32 $0x1A080;
	[bflag:$0x0] =	sbarrier.arrive $0xFFFF  }
.LBB2_4:
0x37: {  	[tilespmem:s10], [sflag:$0x1] =	stream.linear.gather [hbm4b:s16+s5], $0x50, $0x38;
	[tilespmem:$0x1F080] =	vst v63  }
0x38: {  	s16 =	smov.u32 s14;
	s10 =	smov.u32 s15;
	p0 =	sne.s32 s14, $0xF0  }
.Ltmp1:
0x39: {  	s14 =	sadd.s32 $0xA, s14;
	(pc) =	sbr.rel @p0 .LBB2_4-.Ltmp1, $2  }
0x3a: {  	_ =	sdelay $0x2  }
0x3b: {  	s15 =	sadd.s32 $0x80, s15;
	s16 =	sadd.s32 s16, s22  }
0x3c: {  	[tilespmem:s10], [sflag:$0x1] =	stream.linear.gather [hbm4b:s16+s5], $0x50, $0x38;
	[tilespmem:$0x1F080] =	vst v63  }
0x3d: {  	s23 =	rddreg [dreg:$0xa]  }
0x3e: {  	s24 =	rddreg [dreg:$0xb]  }
0x3f: {  	s14 =	simm.s32 $0x0;
	s15 =	simm.s32 $0x1B080;
	s29 =	rddreg [dreg:$0xc]  }
0x40: {  	[tilespmem:s15], [sflag:$0x1] =	stream.linear.gather [hbm4b:s23+s14], $0x7D0, $0x38;
	[tilespmem:$0x1F080] =	vst v63  }
0x41: {  	s16 =	rddreg [dreg:$0x10]  }
0x42: {  	[tilespmem:s28], [sflag:$0x1] =	stream.linear.gather [hbm4b:s24+s14], $0x7D0, $0x38;
	[tilespmem:$0x1F080] =	vst v63  }
0x43: {  	s30 =	simm.s32 $0x1C080;
	s15 =	rddreg [dreg:$0x11]  }
0x44: {  	[tilespmem:s30], [sflag:$0x1] =	stream.linear.gather [hbm4b:s29+s14], $0x7D0, $0x38;
	[tilespmem:$0x1F080] =	vst v63  }
.LBB2_6:
0x45: {  	s24 =	smul.u32 $0xFA0, s14;
	s10 =	sshrl.u32 s15, $0x3  }
0x46: {  	s21 =	simm.s32 $0x1C880;
	s29 =	simm.s32 $0xA;
	s19 =	sadd.s32 $0x0, s16  }
0x47: {  	s30 =	simm.s32 $0x1C900;
	s23 =	sadd.s32 s10, s7;
	s10 =	sadd.s32 s24, s18  }
.LBB2_7:
0x48: {  	[tilespmem:s21], [sflag:$0x2] =	stream.linear.gather [hbm4b:s19+s5], $0x50, $0x38;
	[tilespmem:$0x1F080] =	vst v63  }
0x49: {  	s19 =	smov.u32 s29;
	s21 =	smov.u32 s30;
	p0 =	sne.s32 s29, $0xF0  }
.Ltmp2:
0x4a: {  	s29 =	sadd.s32 $0xA, s29;
	(pc) =	sbr.rel @p0 .LBB2_7-.Ltmp2, $2  }
0x4b: {  	_ =	sdelay $0x2  }
0x4c: {  	s30 =	sadd.s32 $0x80, s30;
	s19 =	sadd.s32 s19, s16  }
0x4d: {  	[tilespmem:s21], [sflag:$0x2] =	stream.linear.gather [hbm4b:s19+s5], $0x50, $0x38;
	[tilespmem:$0x1F080] =	vst v63  }
0x4e: {  	s21 =	sshrl.u32 s10, $0x3  }
0x4f: {  	s19 =	simm.s32 $0x0;
	s29 =	simm.s32 $0x1D880;
	s10 =	sadd.s32 s6, s21  }
0x50: {  	[tilespmem:s29], [sflag:$0x2] =	stream.linear.gather [hbm4b:s10+s19], $0x7D0, $0x38;
	[tilespmem:$0x1F080] =	vst v63  }
0x51: {  	s30 =	sadd.s32 s1, s21  }
0x52: {  	[tilespmem:s0], [sflag:$0x2] =	stream.linear.gather [hbm4b:s30+s19], $0x7D0, $0x38;
	[tilespmem:$0x1F080] =	vst v63  }
0x53: {  	s29 =	simm.s32 $0x1E880;
	s30 =	sadd.s32 s2, s21  }
0x54: {  	[tilespmem:s29], [sflag:$0x2] =	stream.linear.gather [hbm4b:s30+s19], $0x7D0, $0x38;
	[tilespmem:$0x1F080] =	vst v63  }
0x55: {  	_ =	swait.ge [sflag:s8], $0x50  }
0x56: {  	[sflag:s8] =	ssyncset.done $0x0  }
0x57: {  	[sflag:s8] =	ssyncadd.s32 $0xFFFFFFB0  }
0x58: {  	_ =	swait.ge [sflag:s8], $0x50  }
0x59: {  	[sflag:s8] =	ssyncset.done $0x0  }
0x5a: {  	[sflag:s8] =	ssyncadd.s32 $0xFFFFFFB0  }
0x5b: {  	_ =	swait.ge [sflag:s8], $0x50  }
0x5c: {  	[sflag:s8] =	ssyncset.done $0x0  }
0x5d: {  	[sflag:s8] =	ssyncadd.s32 $0xFFFFFFB0  }
0x5e: {  	_ =	swait.ge [sflag:s8], $0x50  }
0x5f: {  	[sflag:s8] =	ssyncset.done $0x0  }
0x60: {  	[sflag:s8] =	ssyncadd.s32 $0xFFFFFFB0  }
0x61: {  	_ =	swait.ge [sflag:s8], $0x50  }
0x62: {  	[sflag:s8] =	ssyncset.done $0x0  }
0x63: {  	[sflag:s8] =	ssyncadd.s32 $0xFFFFFFB0  }
0x64: {  	_ =	swait.ge [sflag:s8], $0x50  }
0x65: {  	[sflag:s8] =	ssyncset.done $0x0  }
0x66: {  	[sflag:s8] =	ssyncadd.s32 $0xFFFFFFB0  }
0x67: {  	_ =	swait.ge [sflag:s8], $0x50  }
0x68: {  	[sflag:s8] =	ssyncset.done $0x0  }
0x69: {  	[sflag:s8] =	ssyncadd.s32 $0xFFFFFFB0  }
0x6a: {  	_ =	swait.ge [sflag:s8], $0x50  }
0x6b: {  	[sflag:s8] =	ssyncset.done $0x0  }
0x6c: {  	[sflag:s8] =	ssyncadd.s32 $0xFFFFFFB0  }
0x6d: {  	_ =	swait.ge [sflag:s8], $0x50  }
0x6e: {  	[sflag:s8] =	ssyncset.done $0x0  }
0x6f: {  	[sflag:s8] =	ssyncadd.s32 $0xFFFFFFB0  }
0x70: {  	_ =	swait.ge [sflag:s8], $0x50  }
0x71: {  	[sflag:s8] =	ssyncset.done $0x0  }
0x72: {  	[sflag:s8] =	ssyncadd.s32 $0xFFFFFFB0  }
0x73: {  	_ =	swait.ge [sflag:s8], $0x50  }
0x74: {  	[sflag:s8] =	ssyncset.done $0x0  }
0x75: {  	[sflag:s8] =	ssyncadd.s32 $0xFFFFFFB0  }
0x76: {  	_ =	swait.ge [sflag:s8], $0x50  }
0x77: {  	[sflag:s8] =	ssyncset.done $0x0  }
0x78: {  	[sflag:s8] =	ssyncadd.s32 $0xFFFFFFB0  }
0x79: {  	_ =	swait.ge [sflag:s8], $0x50  }
0x7a: {  	[sflag:s8] =	ssyncset.done $0x0  }
0x7b: {  	[sflag:s8] =	ssyncadd.s32 $0xFFFFFFB0  }
0x7c: {  	_ =	swait.ge [sflag:s8], $0x50  }
0x7d: {  	[sflag:s8] =	ssyncset.done $0x0  }
0x7e: {  	[sflag:s8] =	ssyncadd.s32 $0xFFFFFFB0  }
0x7f: {  	_ =	swait.ge [sflag:s8], $0x50  }
0x80: {  	[sflag:s8] =	ssyncset.done $0x0  }
0x81: {  	[sflag:s8] =	ssyncadd.s32 $0xFFFFFFB0  }
0x82: {  	_ =	swait.ge [sflag:s8], $0x50  }
0x83: {  	[sflag:s8] =	ssyncset.done $0x0  }
0x84: {  	[sflag:s8] =	ssyncadd.s32 $0xFFFFFFB0  }
0x85: {  	_ =	swait.ge [sflag:s8], $0x50  }
0x86: {  	[sflag:s8] =	ssyncset.done $0x0  }
0x87: {  	[sflag:s8] =	ssyncadd.s32 $0xFFFFFFB0  }
0x88: {  	_ =	swait.ge [sflag:s8], $0x50  }
0x89: {  	[sflag:s8] =	ssyncset.done $0x0  }
0x8a: {  	[sflag:s8] =	ssyncadd.s32 $0xFFFFFFB0  }
0x8b: {  	_ =	swait.ge [sflag:s8], $0x50  }
0x8c: {  	[sflag:s8] =	ssyncset.done $0x0  }
0x8d: {  	[sflag:s8] =	ssyncadd.s32 $0xFFFFFFB0  }
0x8e: {  	_ =	swait.ge [sflag:s8], $0x50  }
0x8f: {  	[sflag:s8] =	ssyncset.done $0x0  }
0x90: {  	[sflag:s8] =	ssyncadd.s32 $0xFFFFFFB0  }
0x91: {  	_ =	swait.ge [sflag:s8], $0x50  }
0x92: {  	[sflag:s8] =	ssyncset.done $0x0  }
0x93: {  	[sflag:s8] =	ssyncadd.s32 $0xFFFFFFB0  }
0x94: {  	_ =	swait.ge [sflag:s8], $0x50  }
0x95: {  	[sflag:s8] =	ssyncset.done $0x0  }
0x96: {  	[sflag:s8] =	ssyncadd.s32 $0xFFFFFFB0  }
0x97: {  	_ =	swait.ge [sflag:s8], $0x50  }
0x98: {  	[sflag:s8] =	ssyncset.done $0x0  }
0x99: {  	[sflag:s8] =	ssyncadd.s32 $0xFFFFFFB0  }
0x9a: {  	_ =	swait.ge [sflag:s8], $0x50  }
0x9b: {  	[sflag:s8] =	ssyncset.done $0x0  }
0x9c: {  	[sflag:s8] =	ssyncadd.s32 $0xFFFFFFB0  }
0x9d: {  	_ =	swait.ge [sflag:s8], $0x50  }
0x9e: {  	[sflag:s8] =	ssyncset.done $0x0  }
0x9f: {  	[sflag:s8] =	ssyncadd.s32 $0xFFFFFFB0  }
0xa0: {  	_ =	swait.ge [sflag:s8], $0x7D0  }
0xa1: {  	[sflag:s8] =	ssyncset.done $0x0  }
0xa2: {  	[sflag:s8] =	ssyncadd.s32 $0xFFFFF830  }
0xa3: {  	_ =	swait.ge [sflag:s8], $0x7D0  }
0xa4: {  	[sflag:s8] =	ssyncset.done $0x0  }
0xa5: {  	[sflag:s8] =	ssyncadd.s32 $0xFFFFF830  }
0xa6: {  	_ =	swait.ge [sflag:s8], $0x7D0  }
0xa7: {  	[sflag:s8] =	ssyncset.done $0x0  }
0xa8: {  	s10 =	simm.s32 $0x0;
	s29 =	simm.s32 $0x40;
	[sflag:s8] =	ssyncadd.s32 $0xFFFFF830  }
.LBB2_9:
0xa9: {  	p0 =	sne.s32 s29, $0x1F00;
	v1 =	vld [tilespmem:s10+$0x1B880];
	_ =	sdelay $0x2  }
0xaa: {  	v2 =	vld [tilespmem:s10+$0x1B080];
	_ =	sdelay $0x1  }
0xab: {  	v1 =	vmul.f32 $1.442695020e+00, v1;
	_ =	sdelay $0x1  }
0xac: {  	(erf) = vpow2.f32 v1;
	_ =	sdelay $0x3  }
0xad: {  	v1 =	vld.idx.msk [tilespmem:v2+s25+$0x0], $0xffff;
	_ =	sdelay $0x2  }
0xae: {  	v2 =	vld [tilespmem:s10+$0x1C080];
	_ =	sdelay $0x1  }
0xaf: {  	v3 =	vpop (erf)  }
.Ltmp3:
0xb0: {  	v1 =	vmul.f32 v3, v1;
	(pc) =	sbr.rel @p0 .LBB2_9-.Ltmp3, $3  }
0xb1: {  	_ = 	snop  }
0xb2: {  	v1 =	vmul.f32 v1, v2;
	_ =	sdelay $0x1  }
0xb3: {  	[tilespmem:s10+$0x1B880] =	vst v1;
	s10 =	sshra.s32 s29, $0x2;
	s29 =	sadd.s32 $0x40, s29  }
0xb4: {  	v1 =	vld [tilespmem:s10+$0x1B880];
	_ =	sdelay $0x3  }
0xb5: {  	v2 =	vld [tilespmem:s10+$0x1B080]  }
0xb6: {  	v1 =	vmul.f32 $1.442695020e+00, v1;
	_ =	sdelay $0x1  }
0xb7: {  	(erf) = vpow2.f32 v1;
	_ =	sdelay $0x4  }
0xb8: {  	v1 =	vld.idx.msk [tilespmem:v2+s25+$0x0], $0xffff;
	_ =	sdelay $0x1  }
0xb9: {  	v2 =	vld [tilespmem:s10+$0x1C080];
	_ =	sdelay $0x1  }
0xba: {  	v3 =	vpop (erf)  }
0xbb: {  	v1 =	vmul.f32 v3, v1;
	_ =	sdelay $0x1  }
0xbc: {  	v1 =	vmul.f32 v1, v2;
	_ =	sdelay $0x1  }
0xbd: {  	s29 =	simm.s32 $0x1A080;
	[tilespmem:s10+$0x1B880] =	vst v1  }
0xbe: {  	[spmem:s4] =	stream.indirect.scatter.add.f32 [tilespmem:s28], [sflag:$0x3], $0x1, s29, s12, $0xb8;
	[tilespmem:$0x1F080] =	vst v63  }
0xbf: {  	s30 =	simm.s32 $0x1A100;
	s19 =	simm.s32 $0x1B8D0  }
0xc0: {  	[spmem:s4] =	stream.indirect.scatter.add.f32 [tilespmem:s19], [sflag:$0x3], $0x1, s30, s12, $0xb8;
	[tilespmem:$0x1F080] =	vst v63  }
0xc1: {  	s29 =	simm.s32 $0x1A180;
	s30 =	simm.s32 $0x1B920  }
0xc2: {  	[spmem:s4] =	stream.indirect.scatter.add.f32 [tilespmem:s30], [sflag:$0x3], $0x1, s29, s12, $0xb8;
	[tilespmem:$0x1F080] =	vst v63  }
0xc3: {  	s29 =	simm.s32 $0x1A200;
	s30 =	simm.s32 $0x1B970  }
0xc4: {  	[spmem:s4] =	stream.indirect.scatter.add.f32 [tilespmem:s30], [sflag:$0x3], $0x1, s29, s12, $0xb8;
	[tilespmem:$0x1F080] =	vst v63  }
0xc5: {  	s29 =	simm.s32 $0x1A280;
	s30 =	simm.s32 $0x1B9C0  }
0xc6: {  	[spmem:s4] =	stream.indirect.scatter.add.f32 [tilespmem:s30], [sflag:$0x3], $0x1, s29, s12, $0xb8;
	[tilespmem:$0x1F080] =	vst v63  }
0xc7: {  	s29 =	simm.s32 $0x1A300;
	s30 =	simm.s32 $0x1BA10  }
0xc8: {  	[spmem:s4] =	stream.indirect.scatter.add.f32 [tilespmem:s30], [sflag:$0x3], $0x1, s29, s12, $0xb8;
	[tilespmem:$0x1F080] =	vst v63  }
0xc9: {  	s29 =	simm.s32 $0x1A380;
	s30 =	simm.s32 $0x1BA60  }
0xca: {  	[spmem:s4] =	stream.indirect.scatter.add.f32 [tilespmem:s30], [sflag:$0x3], $0x1, s29, s12, $0xb8;
	[tilespmem:$0x1F080] =	vst v63  }
0xcb: {  	s29 =	simm.s32 $0x1A400;
	s30 =	simm.s32 $0x1BAB0  }
0xcc: {  	[spmem:s4] =	stream.indirect.scatter.add.f32 [tilespmem:s30], [sflag:$0x3], $0x1, s29, s12, $0xb8;
	[tilespmem:$0x1F080] =	vst v63  }
0xcd: {  	s29 =	simm.s32 $0x1A480;
	s30 =	simm.s32 $0x1BB00  }
0xce: {  	[spmem:s4] =	stream.indirect.scatter.add.f32 [tilespmem:s30], [sflag:$0x3], $0x1, s29, s12, $0xb8;
	[tilespmem:$0x1F080] =	vst v63  }
0xcf: {  	s29 =	simm.s32 $0x1A500;
	s30 =	simm.s32 $0x1BB50  }
0xd0: {  	[spmem:s4] =	stream.indirect.scatter.add.f32 [tilespmem:s30], [sflag:$0x3], $0x1, s29, s12, $0xb8;
	[tilespmem:$0x1F080] =	vst v63  }
0xd1: {  	s29 =	simm.s32 $0x1A580;
	s30 =	simm.s32 $0x1BBA0  }
0xd2: {  	[spmem:s4] =	stream.indirect.scatter.add.f32 [tilespmem:s30], [sflag:$0x3], $0x1, s29, s12, $0xb8;
	[tilespmem:$0x1F080] =	vst v63  }
0xd3: {  	s29 =	simm.s32 $0x1A600;
	s30 =	simm.s32 $0x1BBF0  }
0xd4: {  	[spmem:s4] =	stream.indirect.scatter.add.f32 [tilespmem:s30], [sflag:$0x3], $0x1, s29, s12, $0xb8;
	[tilespmem:$0x1F080] =	vst v63  }
0xd5: {  	s29 =	simm.s32 $0x1A680;
	s30 =	simm.s32 $0x1BC40  }
0xd6: {  	[spmem:s4] =	stream.indirect.scatter.add.f32 [tilespmem:s30], [sflag:$0x3], $0x1, s29, s12, $0xb8;
	[tilespmem:$0x1F080] =	vst v63  }
0xd7: {  	s29 =	simm.s32 $0x1A700;
	s30 =	simm.s32 $0x1BC90  }
0xd8: {  	[spmem:s4] =	stream.indirect.scatter.add.f32 [tilespmem:s30], [sflag:$0x3], $0x1, s29, s12, $0xb8;
	[tilespmem:$0x1F080] =	vst v63  }
0xd9: {  	s29 =	simm.s32 $0x1A780;
	s30 =	simm.s32 $0x1BCE0  }
0xda: {  	[spmem:s4] =	stream.indirect.scatter.add.f32 [tilespmem:s30], [sflag:$0x3], $0x1, s29, s12, $0xb8;
	[tilespmem:$0x1F080] =	vst v63  }
0xdb: {  	s29 =	simm.s32 $0x1A800;
	s30 =	simm.s32 $0x1BD30  }
0xdc: {  	[spmem:s4] =	stream.indirect.scatter.add.f32 [tilespmem:s30], [sflag:$0x3], $0x1, s29, s12, $0xb8;
	[tilespmem:$0x1F080] =	vst v63  }
0xdd: {  	s29 =	simm.s32 $0x1A880;
	s30 =	simm.s32 $0x1BD80  }
0xde: {  	[spmem:s4] =	stream.indirect.scatter.add.f32 [tilespmem:s30], [sflag:$0x3], $0x1, s29, s12, $0xb8;
	[tilespmem:$0x1F080] =	vst v63  }
0xdf: {  	s29 =	simm.s32 $0x1A900;
	s30 =	simm.s32 $0x1BDD0  }
0xe0: {  	[spmem:s4] =	stream.indirect.scatter.add.f32 [tilespmem:s30], [sflag:$0x3], $0x1, s29, s12, $0xb8;
	[tilespmem:$0x1F080] =	vst v63  }
0xe1: {  	s29 =	simm.s32 $0x1A980;
	s30 =	simm.s32 $0x1BE20  }
0xe2: {  	[spmem:s4] =	stream.indirect.scatter.add.f32 [tilespmem:s30], [sflag:$0x3], $0x1, s29, s12, $0xb8;
	[tilespmem:$0x1F080] =	vst v63  }
0xe3: {  	s29 =	simm.s32 $0x1AA00;
	s30 =	simm.s32 $0x1BE70  }
0xe4: {  	[spmem:s4] =	stream.indirect.scatter.add.f32 [tilespmem:s30], [sflag:$0x3], $0x1, s29, s12, $0xb8;
	[tilespmem:$0x1F080] =	vst v63  }
0xe5: {  	s29 =	simm.s32 $0x1AA80;
	s30 =	simm.s32 $0x1BEC0  }
0xe6: {  	[spmem:s4] =	stream.indirect.scatter.add.f32 [tilespmem:s30], [sflag:$0x3], $0x1, s29, s12, $0xb8;
	[tilespmem:$0x1F080] =	vst v63  }
0xe7: {  	s29 =	simm.s32 $0x1AB00;
	s30 =	simm.s32 $0x1BF10  }
0xe8: {  	[spmem:s4] =	stream.indirect.scatter.add.f32 [tilespmem:s30], [sflag:$0x3], $0x1, s29, s12, $0xb8;
	[tilespmem:$0x1F080] =	vst v63  }
0xe9: {  	s29 =	simm.s32 $0x1AB80;
	s30 =	simm.s32 $0x1BF60  }
0xea: {  	[spmem:s4] =	stream.indirect.scatter.add.f32 [tilespmem:s30], [sflag:$0x3], $0x1, s29, s12, $0xb8;
	[tilespmem:$0x1F080] =	vst v63  }
0xeb: {  	s29 =	simm.s32 $0x1AC00;
	s30 =	simm.s32 $0x1BFB0  }
0xec: {  	[spmem:s4] =	stream.indirect.scatter.add.f32 [tilespmem:s30], [sflag:$0x3], $0x1, s29, s12, $0xb8;
	[tilespmem:$0x1F080] =	vst v63  }
0xed: {  	s19 =	simm.s32 $0x1AC80;
	s29 =	simm.s32 $0x1C000  }
0xee: {  	[spmem:s4] =	stream.indirect.scatter.add.f32 [tilespmem:s29], [sflag:$0x3], $0x1, s19, s12, $0xb8;
	[tilespmem:$0x1F080] =	vst v63  }
0xef: {  	_ =	swait.ge [sflag:s17], $0x50  }
0xf0: {  	[sflag:s17] =	ssyncset.done $0x0  }
0xf1: {  	[sflag:s17] =	ssyncadd.s32 $0xFFFFFFB0  }
0xf2: {  	_ =	swait.ge [sflag:s17], $0x50  }
0xf3: {  	[sflag:s17] =	ssyncset.done $0x0  }
0xf4: {  	[sflag:s17] =	ssyncadd.s32 $0xFFFFFFB0  }
0xf5: {  	_ =	swait.ge [sflag:s17], $0x50  }
0xf6: {  	[sflag:s17] =	ssyncset.done $0x0  }
0xf7: {  	[sflag:s17] =	ssyncadd.s32 $0xFFFFFFB0  }
0xf8: {  	_ =	swait.ge [sflag:s17], $0x50  }
0xf9: {  	[sflag:s17] =	ssyncset.done $0x0  }
0xfa: {  	[sflag:s17] =	ssyncadd.s32 $0xFFFFFFB0  }
0xfb: {  	_ =	swait.ge [sflag:s17], $0x50  }
0xfc: {  	[sflag:s17] =	ssyncset.done $0x0  }
0xfd: {  	[sflag:s17] =	ssyncadd.s32 $0xFFFFFFB0  }
0xfe: {  	_ =	swait.ge [sflag:s17], $0x50  }
0xff: {  	[sflag:s17] =	ssyncset.done $0x0  }
0x100: {  	[sflag:s17] =	ssyncadd.s32 $0xFFFFFFB0  }
0x101: {  	_ =	swait.ge [sflag:s17], $0x50  }
0x102: {  	[sflag:s17] =	ssyncset.done $0x0  }
0x103: {  	[sflag:s17] =	ssyncadd.s32 $0xFFFFFFB0  }
0x104: {  	_ =	swait.ge [sflag:s17], $0x50  }
0x105: {  	[sflag:s17] =	ssyncset.done $0x0  }
0x106: {  	[sflag:s17] =	ssyncadd.s32 $0xFFFFFFB0  }
0x107: {  	_ =	swait.ge [sflag:s17], $0x50  }
0x108: {  	[sflag:s17] =	ssyncset.done $0x0  }
0x109: {  	[sflag:s17] =	ssyncadd.s32 $0xFFFFFFB0  }
0x10a: {  	_ =	swait.ge [sflag:s17], $0x50  }
0x10b: {  	[sflag:s17] =	ssyncset.done $0x0  }
0x10c: {  	[sflag:s17] =	ssyncadd.s32 $0xFFFFFFB0  }
0x10d: {  	_ =	swait.ge [sflag:s17], $0x50  }
0x10e: {  	[sflag:s17] =	ssyncset.done $0x0  }
0x10f: {  	[sflag:s17] =	ssyncadd.s32 $0xFFFFFFB0  }
0x110: {  	_ =	swait.ge [sflag:s17], $0x50  }
0x111: {  	[sflag:s17] =	ssyncset.done $0x0  }
0x112: {  	[sflag:s17] =	ssyncadd.s32 $0xFFFFFFB0  }
0x113: {  	_ =	swait.ge [sflag:s17], $0x50  }
0x114: {  	[sflag:s17] =	ssyncset.done $0x0  }
0x115: {  	[sflag:s17] =	ssyncadd.s32 $0xFFFFFFB0  }
0x116: {  	_ =	swait.ge [sflag:s17], $0x50  }
0x117: {  	[sflag:s17] =	ssyncset.done $0x0  }
0x118: {  	[sflag:s17] =	ssyncadd.s32 $0xFFFFFFB0  }
0x119: {  	_ =	swait.ge [sflag:s17], $0x50  }
0x11a: {  	[sflag:s17] =	ssyncset.done $0x0  }
0x11b: {  	[sflag:s17] =	ssyncadd.s32 $0xFFFFFFB0  }
0x11c: {  	_ =	swait.ge [sflag:s17], $0x50  }
0x11d: {  	[sflag:s17] =	ssyncset.done $0x0  }
0x11e: {  	[sflag:s17] =	ssyncadd.s32 $0xFFFFFFB0  }
0x11f: {  	_ =	swait.ge [sflag:s17], $0x50  }
0x120: {  	[sflag:s17] =	ssyncset.done $0x0  }
0x121: {  	[sflag:s17] =	ssyncadd.s32 $0xFFFFFFB0  }
0x122: {  	_ =	swait.ge [sflag:s17], $0x50  }
0x123: {  	[sflag:s17] =	ssyncset.done $0x0  }
0x124: {  	[sflag:s17] =	ssyncadd.s32 $0xFFFFFFB0  }
0x125: {  	_ =	swait.ge [sflag:s17], $0x50  }
0x126: {  	[sflag:s17] =	ssyncset.done $0x0  }
0x127: {  	[sflag:s17] =	ssyncadd.s32 $0xFFFFFFB0  }
0x128: {  	_ =	swait.ge [sflag:s17], $0x50  }
0x129: {  	[sflag:s17] =	ssyncset.done $0x0  }
0x12a: {  	[sflag:s17] =	ssyncadd.s32 $0xFFFFFFB0  }
0x12b: {  	_ =	swait.ge [sflag:s17], $0x50  }
0x12c: {  	[sflag:s17] =	ssyncset.done $0x0  }
0x12d: {  	[sflag:s17] =	ssyncadd.s32 $0xFFFFFFB0  }
0x12e: {  	_ =	swait.ge [sflag:s17], $0x50  }
0x12f: {  	[sflag:s17] =	ssyncset.done $0x0  }
0x130: {  	[sflag:s17] =	ssyncadd.s32 $0xFFFFFFB0  }
0x131: {  	_ =	swait.ge [sflag:s17], $0x50  }
0x132: {  	[sflag:s17] =	ssyncset.done $0x0  }
0x133: {  	[sflag:s17] =	ssyncadd.s32 $0xFFFFFFB0  }
0x134: {  	_ =	swait.ge [sflag:s17], $0x50  }
0x135: {  	[sflag:s17] =	ssyncset.done $0x0  }
0x136: {  	[sflag:s17] =	ssyncadd.s32 $0xFFFFFFB0  }
0x137: {  	s30 =	sadd.s32 s11, s24;
	_ =	swait.ge [sflag:s17], $0x50  }
0x138: {  	p0 =	seq.s32 s14, $0x18;
	s10 =	sshrl.u32 s30, $0x3;
	[sflag:s17] =	ssyncset.done $0x0  }
.Ltmp4:
0x139: {  	s10 =	sadd.s32 s9, s10;
	[sflag:s17] =	ssyncadd.s32 $0xFFFFFFB0;
	(pc) =	sbr.rel @p0 .LBB2_14-.Ltmp4, $4  }
0x13a: {  	[hbm4b:s10+s5] =	stream.linear.scatter [tilespmem:s28], [sflag:$0x4], $0x7D0, $0x38;
	[tilespmem:$0x1F080] =	vst v63  }
0x13b: {  	_ =	swait.ge [sflag:s26], $0x7D0  }
0x13c: {  	[sflag:s26] =	ssyncset.done $0x0  }
0x13d: {  	[sflag:s26] =	ssyncadd.s32 $0xFFFFF830  }
0x13e: {  	s10 =	rddreg [dreg:$0xd];
	s29 =	simm.s32 $0xA;
	s19 =	sadd.s32 $0x0, s23  }
0x13f: {  	s30 =	simm.s32 $0x1A100;
	s10 =	sadd.s32 s24, s10;
	s24 =	simm.s32 $0x1A080  }
.LBB2_12:
0x140: {  	[tilespmem:s24], [sflag:$0x1] =	stream.linear.gather [hbm4b:s19+s5], $0x50, $0x38;
	[tilespmem:$0x1F080] =	vst v63  }
0x141: {  	s19 =	smov.u32 s29;
	s24 =	smov.u32 s30;
	p0 =	sne.s32 s29, $0xF0  }
.Ltmp5:
0x142: {  	s29 =	sadd.s32 $0xA, s29;
	(pc) =	sbr.rel @p0 .LBB2_12-.Ltmp5, $2  }
0x143: {  	_ =	sdelay $0x2  }
0x144: {  	s30 =	sadd.s32 $0x80, s30;
	s19 =	sadd.s32 s19, s23  }
0x145: {  	[tilespmem:s24], [sflag:$0x1] =	stream.linear.gather [hbm4b:s19+s5], $0x50, $0x38;
	[tilespmem:$0x1F080] =	vst v63  }
0x146: {  	s10 =	sshrl.u32 s10, $0x3  }
0x147: {  	s23 =	simm.s32 $0x1B080;
	s24 =	sadd.s32 s6, s10  }
0x148: {  	[tilespmem:s23], [sflag:$0x1] =	stream.linear.gather [hbm4b:s24+s5], $0x7D0, $0x38;
	[tilespmem:$0x1F080] =	vst v63  }
0x149: {  	s29 =	sadd.s32 s1, s10  }
0x14a: {  	[tilespmem:s28], [sflag:$0x1] =	stream.linear.gather [hbm4b:s29+s5], $0x7D0, $0x38;
	[tilespmem:$0x1F080] =	vst v63  }
0x14b: {  	s30 =	simm.s32 $0x1C080;
	s10 =	sadd.s32 s2, s10  }
0x14c: {  	[tilespmem:s30], [sflag:$0x1] =	stream.linear.gather [hbm4b:s10+s5], $0x7D0, $0x38;
	[tilespmem:$0x1F080] =	vst v63  }
.LBB2_14:
0x14d: {  	_ =	swait.ge [sflag:s20], $0x50  }
0x14e: {  	[sflag:s20] =	ssyncset.done $0x0  }
0x14f: {  	[sflag:s20] =	ssyncadd.s32 $0xFFFFFFB0  }
0x150: {  	_ =	swait.ge [sflag:s20], $0x50  }
0x151: {  	[sflag:s20] =	ssyncset.done $0x0  }
0x152: {  	[sflag:s20] =	ssyncadd.s32 $0xFFFFFFB0  }
0x153: {  	_ =	swait.ge [sflag:s20], $0x50  }
0x154: {  	[sflag:s20] =	ssyncset.done $0x0  }
0x155: {  	[sflag:s20] =	ssyncadd.s32 $0xFFFFFFB0  }
0x156: {  	_ =	swait.ge [sflag:s20], $0x50  }
0x157: {  	[sflag:s20] =	ssyncset.done $0x0  }
0x158: {  	[sflag:s20] =	ssyncadd.s32 $0xFFFFFFB0  }
0x159: {  	_ =	swait.ge [sflag:s20], $0x50  }
0x15a: {  	[sflag:s20] =	ssyncset.done $0x0  }
0x15b: {  	[sflag:s20] =	ssyncadd.s32 $0xFFFFFFB0  }
0x15c: {  	_ =	swait.ge [sflag:s20], $0x50  }
0x15d: {  	[sflag:s20] =	ssyncset.done $0x0  }
0x15e: {  	[sflag:s20] =	ssyncadd.s32 $0xFFFFFFB0  }
0x15f: {  	_ =	swait.ge [sflag:s20], $0x50  }
0x160: {  	[sflag:s20] =	ssyncset.done $0x0  }
0x161: {  	[sflag:s20] =	ssyncadd.s32 $0xFFFFFFB0  }
0x162: {  	_ =	swait.ge [sflag:s20], $0x50  }
0x163: {  	[sflag:s20] =	ssyncset.done $0x0  }
0x164: {  	[sflag:s20] =	ssyncadd.s32 $0xFFFFFFB0  }
0x165: {  	_ =	swait.ge [sflag:s20], $0x50  }
0x166: {  	[sflag:s20] =	ssyncset.done $0x0  }
0x167: {  	[sflag:s20] =	ssyncadd.s32 $0xFFFFFFB0  }
0x168: {  	_ =	swait.ge [sflag:s20], $0x50  }
0x169: {  	[sflag:s20] =	ssyncset.done $0x0  }
0x16a: {  	[sflag:s20] =	ssyncadd.s32 $0xFFFFFFB0  }
0x16b: {  	_ =	swait.ge [sflag:s20], $0x50  }
0x16c: {  	[sflag:s20] =	ssyncset.done $0x0  }
0x16d: {  	[sflag:s20] =	ssyncadd.s32 $0xFFFFFFB0  }
0x16e: {  	_ =	swait.ge [sflag:s20], $0x50  }
0x16f: {  	[sflag:s20] =	ssyncset.done $0x0  }
0x170: {  	[sflag:s20] =	ssyncadd.s32 $0xFFFFFFB0  }
0x171: {  	_ =	swait.ge [sflag:s20], $0x50  }
0x172: {  	[sflag:s20] =	ssyncset.done $0x0  }
0x173: {  	[sflag:s20] =	ssyncadd.s32 $0xFFFFFFB0  }
0x174: {  	_ =	swait.ge [sflag:s20], $0x50  }
0x175: {  	[sflag:s20] =	ssyncset.done $0x0  }
0x176: {  	[sflag:s20] =	ssyncadd.s32 $0xFFFFFFB0  }
0x177: {  	_ =	swait.ge [sflag:s20], $0x50  }
0x178: {  	[sflag:s20] =	ssyncset.done $0x0  }
0x179: {  	[sflag:s20] =	ssyncadd.s32 $0xFFFFFFB0  }
0x17a: {  	_ =	swait.ge [sflag:s20], $0x50  }
0x17b: {  	[sflag:s20] =	ssyncset.done $0x0  }
0x17c: {  	[sflag:s20] =	ssyncadd.s32 $0xFFFFFFB0  }
0x17d: {  	_ =	swait.ge [sflag:s20], $0x50  }
0x17e: {  	[sflag:s20] =	ssyncset.done $0x0  }
0x17f: {  	[sflag:s20] =	ssyncadd.s32 $0xFFFFFFB0  }
0x180: {  	_ =	swait.ge [sflag:s20], $0x50  }
0x181: {  	[sflag:s20] =	ssyncset.done $0x0  }
0x182: {  	[sflag:s20] =	ssyncadd.s32 $0xFFFFFFB0  }
0x183: {  	_ =	swait.ge [sflag:s20], $0x50  }
0x184: {  	[sflag:s20] =	ssyncset.done $0x0  }
0x185: {  	[sflag:s20] =	ssyncadd.s32 $0xFFFFFFB0  }
0x186: {  	_ =	swait.ge [sflag:s20], $0x50  }
0x187: {  	[sflag:s20] =	ssyncset.done $0x0  }
0x188: {  	[sflag:s20] =	ssyncadd.s32 $0xFFFFFFB0  }
0x189: {  	_ =	swait.ge [sflag:s20], $0x50  }
0x18a: {  	[sflag:s20] =	ssyncset.done $0x0  }
0x18b: {  	[sflag:s20] =	ssyncadd.s32 $0xFFFFFFB0  }
0x18c: {  	_ =	swait.ge [sflag:s20], $0x50  }
0x18d: {  	[sflag:s20] =	ssyncset.done $0x0  }
0x18e: {  	[sflag:s20] =	ssyncadd.s32 $0xFFFFFFB0  }
0x18f: {  	_ =	swait.ge [sflag:s20], $0x50  }
0x190: {  	[sflag:s20] =	ssyncset.done $0x0  }
0x191: {  	[sflag:s20] =	ssyncadd.s32 $0xFFFFFFB0  }
0x192: {  	_ =	swait.ge [sflag:s20], $0x50  }
0x193: {  	[sflag:s20] =	ssyncset.done $0x0  }
0x194: {  	[sflag:s20] =	ssyncadd.s32 $0xFFFFFFB0  }
0x195: {  	_ =	swait.ge [sflag:s20], $0x50  }
0x196: {  	[sflag:s20] =	ssyncset.done $0x0  }
0x197: {  	[sflag:s20] =	ssyncadd.s32 $0xFFFFFFB0  }
0x198: {  	_ =	swait.ge [sflag:s20], $0x7D0  }
0x199: {  	[sflag:s20] =	ssyncset.done $0x0  }
0x19a: {  	[sflag:s20] =	ssyncadd.s32 $0xFFFFF830  }
0x19b: {  	_ =	swait.ge [sflag:s20], $0x7D0  }
0x19c: {  	[sflag:s20] =	ssyncset.done $0x0  }
0x19d: {  	[sflag:s20] =	ssyncadd.s32 $0xFFFFF830  }
0x19e: {  	_ =	swait.ge [sflag:s20], $0x7D0  }
0x19f: {  	[sflag:s20] =	ssyncset.done $0x0  }
0x1a0: {  	s10 =	simm.s32 $0x0;
	s23 =	simm.s32 $0x40;
	[sflag:s20] =	ssyncadd.s32 $0xFFFFF830  }
.LBB2_15:
0x1a1: {  	p0 =	sne.s32 s23, $0x1F00;
	v1 =	vld [tilespmem:s10+$0x1E080];
	_ =	sdelay $0x2  }
0x1a2: {  	v2 =	vld [tilespmem:s10+$0x1D880];
	_ =	sdelay $0x1  }
0x1a3: {  	v1 =	vmul.f32 $1.442695020e+00, v1;
	_ =	sdelay $0x1  }
0x1a4: {  	(erf) = vpow2.f32 v1;
	_ =	sdelay $0x3  }
0x1a5: {  	v1 =	vld.idx.msk [tilespmem:v2+s25+$0x0], $0xffff;
	_ =	sdelay $0x2  }
0x1a6: {  	v2 =	vld [tilespmem:s10+$0x1E880];
	_ =	sdelay $0x1  }
0x1a7: {  	v3 =	vpop (erf)  }
.Ltmp6:
0x1a8: {  	v1 =	vmul.f32 v3, v1;
	(pc) =	sbr.rel @p0 .LBB2_15-.Ltmp6, $3  }
0x1a9: {  	_ = 	snop  }
0x1aa: {  	v1 =	vmul.f32 v1, v2;
	_ =	sdelay $0x1  }
0x1ab: {  	[tilespmem:s10+$0x1E080] =	vst v1;
	s10 =	sshra.s32 s23, $0x2;
	s23 =	sadd.s32 $0x40, s23  }
0x1ac: {  	v1 =	vld [tilespmem:s10+$0x1E080];
	_ =	sdelay $0x3  }
0x1ad: {  	v2 =	vld [tilespmem:s10+$0x1D880]  }
0x1ae: {  	v1 =	vmul.f32 $1.442695020e+00, v1;
	_ =	sdelay $0x1  }
0x1af: {  	(erf) = vpow2.f32 v1;
	_ =	sdelay $0x4  }
0x1b0: {  	v1 =	vld.idx.msk [tilespmem:v2+s25+$0x0], $0xffff;
	_ =	sdelay $0x1  }
0x1b1: {  	v2 =	vld [tilespmem:s10+$0x1E880];
	_ =	sdelay $0x1  }
0x1b2: {  	v3 =	vpop (erf)  }
0x1b3: {  	v1 =	vmul.f32 v3, v1;
	_ =	sdelay $0x1  }
0x1b4: {  	v1 =	vmul.f32 v1, v2;
	_ =	sdelay $0x1  }
0x1b5: {  	s29 =	simm.s32 $0x1C880;
	[tilespmem:s10+$0x1E080] =	vst v1  }
0x1b6: {  	[spmem:s4] =	stream.indirect.scatter.add.f32 [tilespmem:s0], [sflag:$0x3], $0x1, s29, s12, $0xb8;
	[tilespmem:$0x1F080] =	vst v63  }
0x1b7: {  	s30 =	simm.s32 $0x1C900;
	s19 =	simm.s32 $0x1E0D0  }
0x1b8: {  	[spmem:s4] =	stream.indirect.scatter.add.f32 [tilespmem:s19], [sflag:$0x3], $0x1, s30, s12, $0xb8;
	[tilespmem:$0x1F080] =	vst v63  }
0x1b9: {  	s23 =	simm.s32 $0x1C980;
	s24 =	simm.s32 $0x1E120  }
0x1ba: {  	[spmem:s4] =	stream.indirect.scatter.add.f32 [tilespmem:s24], [sflag:$0x3], $0x1, s23, s12, $0xb8;
	[tilespmem:$0x1F080] =	vst v63  }
0x1bb: {  	s29 =	simm.s32 $0x1CA00;
	s30 =	simm.s32 $0x1E170  }
0x1bc: {  	[spmem:s4] =	stream.indirect.scatter.add.f32 [tilespmem:s30], [sflag:$0x3], $0x1, s29, s12, $0xb8;
	[tilespmem:$0x1F080] =	vst v63  }
0x1bd: {  	s23 =	simm.s32 $0x1CA80;
	s24 =	simm.s32 $0x1E1C0  }
0x1be: {  	[spmem:s4] =	stream.indirect.scatter.add.f32 [tilespmem:s24], [sflag:$0x3], $0x1, s23, s12, $0xb8;
	[tilespmem:$0x1F080] =	vst v63  }
0x1bf: {  	s29 =	simm.s32 $0x1CB00;
	s30 =	simm.s32 $0x1E210  }
0x1c0: {  	[spmem:s4] =	stream.indirect.scatter.add.f32 [tilespmem:s30], [sflag:$0x3], $0x1, s29, s12, $0xb8;
	[tilespmem:$0x1F080] =	vst v63  }
0x1c1: {  	s23 =	simm.s32 $0x1CB80;
	s24 =	simm.s32 $0x1E260  }
0x1c2: {  	[spmem:s4] =	stream.indirect.scatter.add.f32 [tilespmem:s24], [sflag:$0x3], $0x1, s23, s12, $0xb8;
	[tilespmem:$0x1F080] =	vst v63  }
0x1c3: {  	s29 =	simm.s32 $0x1CC00;
	s30 =	simm.s32 $0x1E2B0  }
0x1c4: {  	[spmem:s4] =	stream.indirect.scatter.add.f32 [tilespmem:s30], [sflag:$0x3], $0x1, s29, s12, $0xb8;
	[tilespmem:$0x1F080] =	vst v63  }
0x1c5: {  	s23 =	simm.s32 $0x1CC80;
	s24 =	simm.s32 $0x1E300  }
0x1c6: {  	[spmem:s4] =	stream.indirect.scatter.add.f32 [tilespmem:s24], [sflag:$0x3], $0x1, s23, s12, $0xb8;
	[tilespmem:$0x1F080] =	vst v63  }
0x1c7: {  	s29 =	simm.s32 $0x1CD00;
	s30 =	simm.s32 $0x1E350  }
0x1c8: {  	[spmem:s4] =	stream.indirect.scatter.add.f32 [tilespmem:s30], [sflag:$0x3], $0x1, s29, s12, $0xb8;
	[tilespmem:$0x1F080] =	vst v63  }
0x1c9: {  	s23 =	simm.s32 $0x1CD80;
	s24 =	simm.s32 $0x1E3A0  }
0x1ca: {  	[spmem:s4] =	stream.indirect.scatter.add.f32 [tilespmem:s24], [sflag:$0x3], $0x1, s23, s12, $0xb8;
	[tilespmem:$0x1F080] =	vst v63  }
0x1cb: {  	s29 =	simm.s32 $0x1CE00;
	s30 =	simm.s32 $0x1E3F0  }
0x1cc: {  	[spmem:s4] =	stream.indirect.scatter.add.f32 [tilespmem:s30], [sflag:$0x3], $0x1, s29, s12, $0xb8;
	[tilespmem:$0x1F080] =	vst v63  }
0x1cd: {  	s23 =	simm.s32 $0x1CE80;
	s24 =	simm.s32 $0x1E440  }
0x1ce: {  	[spmem:s4] =	stream.indirect.scatter.add.f32 [tilespmem:s24], [sflag:$0x3], $0x1, s23, s12, $0xb8;
	[tilespmem:$0x1F080] =	vst v63  }
0x1cf: {  	s29 =	simm.s32 $0x1CF00;
	s30 =	simm.s32 $0x1E490  }
0x1d0: {  	[spmem:s4] =	stream.indirect.scatter.add.f32 [tilespmem:s30], [sflag:$0x3], $0x1, s29, s12, $0xb8;
	[tilespmem:$0x1F080] =	vst v63  }
0x1d1: {  	s23 =	simm.s32 $0x1CF80;
	s24 =	simm.s32 $0x1E4E0  }
0x1d2: {  	[spmem:s4] =	stream.indirect.scatter.add.f32 [tilespmem:s24], [sflag:$0x3], $0x1, s23, s12, $0xb8;
	[tilespmem:$0x1F080] =	vst v63  }
0x1d3: {  	s29 =	simm.s32 $0x1D000;
	s30 =	simm.s32 $0x1E530  }
0x1d4: {  	[spmem:s4] =	stream.indirect.scatter.add.f32 [tilespmem:s30], [sflag:$0x3], $0x1, s29, s12, $0xb8;
	[tilespmem:$0x1F080] =	vst v63  }
0x1d5: {  	s23 =	simm.s32 $0x1D080;
	s24 =	simm.s32 $0x1E580  }
0x1d6: {  	[spmem:s4] =	stream.indirect.scatter.add.f32 [tilespmem:s24], [sflag:$0x3], $0x1, s23, s12, $0xb8;
	[tilespmem:$0x1F080] =	vst v63  }
0x1d7: {  	s29 =	simm.s32 $0x1D100;
	s30 =	simm.s32 $0x1E5D0  }
0x1d8: {  	[spmem:s4] =	stream.indirect.scatter.add.f32 [tilespmem:s30], [sflag:$0x3], $0x1, s29, s12, $0xb8;
	[tilespmem:$0x1F080] =	vst v63  }
0x1d9: {  	s23 =	simm.s32 $0x1D180;
	s24 =	simm.s32 $0x1E620  }
0x1da: {  	[spmem:s4] =	stream.indirect.scatter.add.f32 [tilespmem:s24], [sflag:$0x3], $0x1, s23, s12, $0xb8;
	[tilespmem:$0x1F080] =	vst v63  }
0x1db: {  	s29 =	simm.s32 $0x1D200;
	s30 =	simm.s32 $0x1E670  }
0x1dc: {  	[spmem:s4] =	stream.indirect.scatter.add.f32 [tilespmem:s30], [sflag:$0x3], $0x1, s29, s12, $0xb8;
	[tilespmem:$0x1F080] =	vst v63  }
0x1dd: {  	s23 =	simm.s32 $0x1D280;
	s24 =	simm.s32 $0x1E6C0  }
0x1de: {  	[spmem:s4] =	stream.indirect.scatter.add.f32 [tilespmem:s24], [sflag:$0x3], $0x1, s23, s12, $0xb8;
	[tilespmem:$0x1F080] =	vst v63  }
0x1df: {  	s29 =	simm.s32 $0x1D300;
	s30 =	simm.s32 $0x1E710  }
0x1e0: {  	[spmem:s4] =	stream.indirect.scatter.add.f32 [tilespmem:s30], [sflag:$0x3], $0x1, s29, s12, $0xb8;
	[tilespmem:$0x1F080] =	vst v63  }
0x1e1: {  	s23 =	simm.s32 $0x1D380;
	s24 =	simm.s32 $0x1E760  }
0x1e2: {  	[spmem:s4] =	stream.indirect.scatter.add.f32 [tilespmem:s24], [sflag:$0x3], $0x1, s23, s12, $0xb8;
	[tilespmem:$0x1F080] =	vst v63  }
0x1e3: {  	s29 =	simm.s32 $0x1D400  }
0x1e4: {  	[spmem:s4] =	stream.indirect.scatter.add.f32 [tilespmem:s31], [sflag:$0x3], $0x1, s29, s12, $0xb8;
	[tilespmem:$0x1F080] =	vst v63  }
0x1e5: {  	_ = 	snop  }
0x1e6: {  	[spmem:s4] =	stream.indirect.scatter.add.f32 [tilespmem:s13], [sflag:$0x3], $0x1, s3, s12, $0xb8;
	[tilespmem:$0x1F080] =	vst v63  }
0x1e7: {  	_ =	swait.ge [sflag:s17], $0x50  }
0x1e8: {  	[sflag:s17] =	ssyncset.done $0x0  }
0x1e9: {  	[sflag:s17] =	ssyncadd.s32 $0xFFFFFFB0  }
0x1ea: {  	_ =	swait.ge [sflag:s17], $0x50  }
0x1eb: {  	[sflag:s17] =	ssyncset.done $0x0  }
0x1ec: {  	[sflag:s17] =	ssyncadd.s32 $0xFFFFFFB0  }
0x1ed: {  	_ =	swait.ge [sflag:s17], $0x50  }
0x1ee: {  	[sflag:s17] =	ssyncset.done $0x0  }
0x1ef: {  	[sflag:s17] =	ssyncadd.s32 $0xFFFFFFB0  }
0x1f0: {  	_ =	swait.ge [sflag:s17], $0x50  }
0x1f1: {  	[sflag:s17] =	ssyncset.done $0x0  }
0x1f2: {  	[sflag:s17] =	ssyncadd.s32 $0xFFFFFFB0  }
0x1f3: {  	_ =	swait.ge [sflag:s17], $0x50  }
0x1f4: {  	[sflag:s17] =	ssyncset.done $0x0  }
0x1f5: {  	[sflag:s17] =	ssyncadd.s32 $0xFFFFFFB0  }
0x1f6: {  	_ =	swait.ge [sflag:s17], $0x50  }
0x1f7: {  	[sflag:s17] =	ssyncset.done $0x0  }
0x1f8: {  	[sflag:s17] =	ssyncadd.s32 $0xFFFFFFB0  }
0x1f9: {  	_ =	swait.ge [sflag:s17], $0x50  }
0x1fa: {  	[sflag:s17] =	ssyncset.done $0x0  }
0x1fb: {  	[sflag:s17] =	ssyncadd.s32 $0xFFFFFFB0  }
0x1fc: {  	_ =	swait.ge [sflag:s17], $0x50  }
0x1fd: {  	[sflag:s17] =	ssyncset.done $0x0  }
0x1fe: {  	[sflag:s17] =	ssyncadd.s32 $0xFFFFFFB0  }
0x1ff: {  	_ =	swait.ge [sflag:s17], $0x50  }
0x200: {  	[sflag:s17] =	ssyncset.done $0x0  }
0x201: {  	[sflag:s17] =	ssyncadd.s32 $0xFFFFFFB0  }
0x202: {  	_ =	swait.ge [sflag:s17], $0x50  }
0x203: {  	[sflag:s17] =	ssyncset.done $0x0  }
0x204: {  	[sflag:s17] =	ssyncadd.s32 $0xFFFFFFB0  }
0x205: {  	_ =	swait.ge [sflag:s17], $0x50  }
0x206: {  	[sflag:s17] =	ssyncset.done $0x0  }
0x207: {  	[sflag:s17] =	ssyncadd.s32 $0xFFFFFFB0  }
0x208: {  	_ =	swait.ge [sflag:s17], $0x50  }
0x209: {  	[sflag:s17] =	ssyncset.done $0x0  }
0x20a: {  	[sflag:s17] =	ssyncadd.s32 $0xFFFFFFB0  }
0x20b: {  	_ =	swait.ge [sflag:s17], $0x50  }
0x20c: {  	[sflag:s17] =	ssyncset.done $0x0  }
0x20d: {  	[sflag:s17] =	ssyncadd.s32 $0xFFFFFFB0  }
0x20e: {  	_ =	swait.ge [sflag:s17], $0x50  }
0x20f: {  	[sflag:s17] =	ssyncset.done $0x0  }
0x210: {  	[sflag:s17] =	ssyncadd.s32 $0xFFFFFFB0  }
0x211: {  	_ =	swait.ge [sflag:s17], $0x50  }
0x212: {  	[sflag:s17] =	ssyncset.done $0x0  }
0x213: {  	[sflag:s17] =	ssyncadd.s32 $0xFFFFFFB0  }
0x214: {  	_ =	swait.ge [sflag:s17], $0x50  }
0x215: {  	[sflag:s17] =	ssyncset.done $0x0  }
0x216: {  	[sflag:s17] =	ssyncadd.s32 $0xFFFFFFB0  }
0x217: {  	_ =	swait.ge [sflag:s17], $0x50  }
0x218: {  	[sflag:s17] =	ssyncset.done $0x0  }
0x219: {  	[sflag:s17] =	ssyncadd.s32 $0xFFFFFFB0  }
0x21a: {  	_ =	swait.ge [sflag:s17], $0x50  }
0x21b: {  	[sflag:s17] =	ssyncset.done $0x0  }
0x21c: {  	[sflag:s17] =	ssyncadd.s32 $0xFFFFFFB0  }
0x21d: {  	_ =	swait.ge [sflag:s17], $0x50  }
0x21e: {  	[sflag:s17] =	ssyncset.done $0x0  }
0x21f: {  	[sflag:s17] =	ssyncadd.s32 $0xFFFFFFB0  }
0x220: {  	_ =	swait.ge [sflag:s17], $0x50  }
0x221: {  	[sflag:s17] =	ssyncset.done $0x0  }
0x222: {  	[sflag:s17] =	ssyncadd.s32 $0xFFFFFFB0  }
0x223: {  	_ =	swait.ge [sflag:s17], $0x50  }
0x224: {  	[sflag:s17] =	ssyncset.done $0x0  }
0x225: {  	[sflag:s17] =	ssyncadd.s32 $0xFFFFFFB0  }
0x226: {  	_ =	swait.ge [sflag:s17], $0x50  }
0x227: {  	[sflag:s17] =	ssyncset.done $0x0  }
0x228: {  	[sflag:s17] =	ssyncadd.s32 $0xFFFFFFB0  }
0x229: {  	_ =	swait.ge [sflag:s17], $0x50  }
0x22a: {  	[sflag:s17] =	ssyncset.done $0x0  }
0x22b: {  	[sflag:s17] =	ssyncadd.s32 $0xFFFFFFB0  }
0x22c: {  	_ =	swait.ge [sflag:s17], $0x50  }
0x22d: {  	[sflag:s17] =	ssyncset.done $0x0  }
0x22e: {  	[sflag:s17] =	ssyncadd.s32 $0xFFFFFFB0  }
0x22f: {  	s14 =	sadd.s32 $0x1, s14;
	_ =	swait.ge [sflag:s17], $0x50  }
0x230: {  	p0 =	sne.s32 s14, $0x19;
	[sflag:s17] =	ssyncset.done $0x0  }
.Ltmp7:
0x231: {  	s30 =	sadd.s32 s9, s21;
	[sflag:s17] =	ssyncadd.s32 $0xFFFFFFB0;
	(pc) =	sbr.rel @p0 .LBB2_6-.Ltmp7, $4  }
0x232: {  	[hbm4b:s30+s5] =	stream.linear.scatter [tilespmem:s0], [sflag:$0x4], $0x7D0, $0x38;
	[tilespmem:$0x1F080] =	vst v63  }
0x233: {  	_ =	swait.ge [sflag:s26], $0x7D0  }
0x234: {  	[sflag:s26] =	ssyncset.done $0x0  }
0x235: {  	s16 =	sadd.s32 $0x1F4, s16;
	s15 =	sadd.s32 $0xFA0, s15;
	[sflag:s26] =	ssyncadd.s32 $0xFFFFF830  }
0x236: {  	s10 =	stileid.u32;
	[bflag:$0x0] =	sbarrier.arrive $0xFFFF  }
0x237: {  	s10 =	sshll.u32 s10, $0x6;
	s15 =	rddreg [dreg:$0x6]  }
0x238: {  	s16 =	rddreg [dreg:$0xe];
	s10 =	sor.u32 $0x1C04, s10;
	s14 =	sshrl.u32 s15, $0x3  }
0x239: {  	[hbm:s16], [sflag:s10] =	dma.local [spmem:s14], $0x310  }
0x23a: {  	_ =	swait.ge [sflag:s26], $0x310  }
0x23b: {  	s29 =	rddreg [dreg:$0x12]  }
0x23c: {  	s30 =	rddreg [dreg:$0xf];
	s14 =	sadd.s32 $0x1, s29  }
0x23d: {  	p0 =	sne.s32 s14, s30  }
.Ltmp8:
0x23e: {  	_ = 	snop;
	(pc) =	sbr.rel @p0 .LBB2_1-.Ltmp8, $3  }
0x23f: {  	_ =	sdelay $0x1  }
0x240: {  	[sflag:s26] =	ssyncset.done $0x0  }
0x241: {  	[sflag:s26] =	ssyncadd.s32 $0xFFFFFCF0  }
0x242: {  	_ =	sfence.sel $0x180000  }
0x243: {  	[bflag:$0x0] =	sbarrier.arrive $0xFFFF  }
0x244: {  	_ =	strace $0x9000004A  }
0x245: {  	s0 =	stileid.u32;
	[bflag:$0x2] =	sbarrier.arrive $0xFFFF  }
0x246: {  	p0 =	sne.s32 s0, $0x0;
	s0 =	rddreg [dreg:$0x4]  }
0x247: {  	s0 =	sadd.s32 @!p0 $0x100000, s0  }
0x248: {  	[sflag:s0] =	ssyncadd.tile.s32 @!p0 $0x1;
	_ =	shalt  }
.Lfunc_end2:
_tile_overlayer_lowered:
.L_overlay_start_2:
0x249: {  	(tag) =	ssettag $0x2  }
0x24a: {  	s0 =	rddreg [dreg:$0x0];
	s2 =	stileid.u32  }
0x24b: {  	s1 =	rddreg [dreg:$0x1];
	p0 =	sne.s32 s2, $0x0  }
0x24c: {  	s3 =	rddreg [dreg:$0x2];
	[bflag:$0x3] =	sbarrier.arrive $0xFFFF;
	s2 =	simm.s32 @!p0 $0x1C04  }
0x24d: {  	[timem:s3], [sflag:s2] =	dma.local @!p0 [hbm:s0], s1  }
0x24e: {  	s0 =	simm.s32 @!p0 $0x4  }
0x24f: {  	_ =	swait.ge @!p0 [sflag:s0], s1  }
0x250: {  	s1 =	ssub.s32 @!p0 $0x0, s1;
	[sflag:s0] =	ssyncset.done @!p0 $0x0  }
0x251: {  	[sflag:s0] =	ssyncadd.s32 @!p0 s1  }
0x252: {  	[bflag:$0x3] =	sbarrier.arrive $0xFFFF  }
0x253: {  	_ =	shalt  }

</sc_bundles>
